<compile_context>
chip_gen: v7x
topology: tpu7x:2x2x1
jax: 0.10.2.dev20260603
libtpu: 0.0.44.dev20260713+nightly
codegen_flags: <defaults>
</compile_context>

<pallas_src>
import functools

import jax
import jax.numpy as jnp
from jax import lax
from jax.experimental import pallas as pl
from jax.experimental.pallas import tpu as pltpu
from jax.experimental.pallas import tpu_sc as plsc

N_NODES = 10000
N_EDGES = 320000
D_FEAT = 128

NC = 2
NS = 16
NW = NC * NS
EPW = N_EDGES // NW
CHUNK = 125
CPW = EPW // CHUNK
NGRP = 8
CPG = CPW // NGRP
N_PAD = 10240
RPS = N_PAD // NS

_MESH = plsc.VectorSubcoreMesh(core_axis_name="c", subcore_axis_name="s")


@functools.partial(
    pl.kernel,
    out_type=jax.ShapeDtypeStruct((NC, N_PAD, D_FEAT), jnp.float32),
    mesh=_MESH,
    scratch_types=[
        pltpu.VMEM((2, CPG, CHUNK), jnp.int32),
        pltpu.VMEM((2, CPG, CHUNK), jnp.int32),
        pltpu.VMEM((2, CHUNK, D_FEAT), jnp.float32),
        pltpu.VMEM_SHARED((N_PAD, D_FEAT), jnp.float32),
        pltpu.SemaphoreType.DMA,
        pltpu.SemaphoreType.DMA,
        pltpu.SemaphoreType.DMA,
        pltpu.SemaphoreType.DMA,
    ],
)
def _scatter_gather(x_hbm, src_hbm, dst_hbm, z_hbm, out_hbm,
                    src_v, dst_v, rows_v, acc, gsem, s0, s1, isem):
    c = lax.axis_index("c")
    s = lax.axis_index("s")
    wid = c * NS + s

    pltpu.async_copy(z_hbm, acc.at[pl.ds(s * RPS, RPS)], s0)

    rows0 = rows_v.at[0]
    rows1 = rows_v.at[1]

    def wait_gather(buf):
        pltpu.make_async_copy(x_hbm.at[src_v.at[0].at[0]], buf, gsem).wait()

    def wait_scatter(buf, ssem):
        pltpu.make_async_copy(buf, acc.at[dst_v.at[0].at[0]], ssem).wait()

    def wait_stage(dst):
        pltpu.make_async_copy(src_hbm.at[wid, 0], dst, isem).wait()

    pltpu.sync_copy(src_hbm.at[wid, 0], src_v.at[0])
    pltpu.sync_copy(dst_hbm.at[wid, 0], dst_v.at[0])
    pltpu.async_copy(x_hbm.at[src_v.at[0].at[0]], rows0, gsem)
    pltpu.make_async_copy(z_hbm, acc.at[pl.ds(s * RPS, RPS)], s0).wait()
    plsc.subcore_barrier()

    for g in range(NGRP):
        p = g % 2
        sp = src_v.at[p]
        dp = dst_v.at[p]
        if g > 0:
            wait_scatter(rows1, s1)
        if g + 1 < NGRP:
            pltpu.async_copy(src_hbm.at[wid, g + 1], src_v.at[1 - p], isem)
            pltpu.async_copy(dst_hbm.at[wid, g + 1], dst_v.at[1 - p], isem)

        def step(i, carry, sp=sp, dp=dp):
            j0 = 2 * i
            j1 = j0 + 1
            wait_gather(rows0)

            @pl.when(i > 0)
            def _():
                wait_scatter(rows1, s1)

            pltpu.async_copy(x_hbm.at[sp.at[j1]], rows1, gsem)
            pltpu.async_copy(rows0, acc.at[dp.at[j0]], s0, add=True)
            wait_gather(rows1)

            @pl.when(i + 1 < CPG // 2)
            def _():
                wait_scatter(rows0, s0)
                pltpu.async_copy(x_hbm.at[sp.at[j0 + 2]], rows0, gsem)

            pltpu.async_copy(rows1, acc.at[dp.at[j1]], s1, add=True)
            return carry

        lax.fori_loop(0, CPG // 2, step, 0)

        if g + 1 < NGRP:
            wait_stage(src_v.at[1 - p])
            wait_stage(dst_v.at[1 - p])
            wait_scatter(rows0, s0)
            pltpu.async_copy(x_hbm.at[src_v.at[1 - p].at[0]], rows0, gsem)
        else:
            wait_scatter(rows0, s0)
            wait_scatter(rows1, s1)

    plsc.subcore_barrier()
    pltpu.sync_copy(acc.at[pl.ds(s * RPS, RPS)],
                    out_hbm.at[c, pl.ds(s * RPS, RPS)])


def _combine_body(p_ref, o_ref):
    o_ref[...] = p_ref[0] + p_ref[1]


def _combine(partials):
    rows = N_NODES // 2
    return pl.pallas_call(
        _combine_body,
        grid=(2,),
        in_specs=[pl.BlockSpec((NC, rows, D_FEAT), lambda i: (0, i, 0))],
        out_specs=pl.BlockSpec((rows, D_FEAT), lambda i: (i, 0)),
        out_shape=jax.ShapeDtypeStruct((N_NODES, D_FEAT), jnp.float32),
    )(partials)


def kernel(x, edge_index):
    src = edge_index[0].reshape(NW, NGRP, CPG, CHUNK)
    dst = edge_index[1].reshape(NW, NGRP, CPG, CHUNK)
    zeros = jnp.zeros((RPS, D_FEAT), jnp.float32)
    partials = _scatter_gather(x, src, dst, zeros)
    return _combine(partials)

# --- scband reference (transcript-rebuilt; emitter-appended) ---
"""Pipeline reference for scband-message-passing-85572928405766 (READ-ONLY COPY).

The authoritative reference and input builder live on the scoring server;
editing this copy changes nothing except your own understanding.
"""

import jax, jax.numpy as jnp
import numpy as np

N_NODES = 10000
N_EDGES = 320000
D_FEAT = 128


def setup_inputs(seed: int = 0) -> dict:
    key = jax.random.key(seed)
    k1, k2 = jax.random.split(key)
    x = jax.random.normal(k1, (N_NODES, D_FEAT), dtype=jnp.float32)
    edge_index = jax.random.randint(k2, (2, N_EDGES), 0, N_NODES, dtype=jnp.int32)
    return {"x": x, "edge_index": edge_index}


def reference(x, edge_index):
    # MessagePassing base with default message/aggregate/update and
    # flow='source_to_target', aggr='add', node_dim=0:
    #   j = edge_index[0] (source), i = edge_index[1] (target)
    #   message(x_j) = x_j  (gather along node_dim)
    #   aggregate = scatter-add of messages into target nodes (dim_size = N)
    #   update = identity
    src = edge_index[0]
    dst = edge_index[1]
    x_j = jnp.take(x, src, axis=0)            # gather: [E, D]
    out = jax.ops.segment_sum(x_j, dst, num_segments=x.shape[0])  # scatter-add: [N, D]
    return out

if __name__ == "__main__":
    import jax
    _d = setup_inputs()
    print(jax.jit(kernel)(*tuple(_d.values())))

</pallas_src>

<mosaic_0001>
#map = affine_map<(d0, d1) -> (0, 0)>
#map1 = affine_map<(d0, d1) -> (0, 0, 0, 0)>
#map2 = affine_map<(d0, d1) -> (0, 0, 0)>
module attributes {stable_mosaic.version = 14 : i64} {
  func.func @_scatter_gather(%arg0: i32, %arg1: i32, %arg2: memref<10000x128xf32, #tpu.memory_space<hbm>>, %arg3: memref<32x8x10x125xi32, #tpu.memory_space<hbm>>, %arg4: memref<32x8x10x125xi32, #tpu.memory_space<hbm>>, %arg5: memref<640x128xf32, #tpu.memory_space<hbm>>, %arg6: memref<2x10240x128xf32, #tpu.memory_space<hbm>>, %arg7: memref<2x10x125xi32, #tpu.memory_space<vmem>>, %arg8: memref<2x10x125xi32, #tpu.memory_space<vmem>>, %arg9: memref<2x125x128xf32, #tpu.memory_space<vmem>>, %arg10: memref<10240x128xf32, #tpu.memory_space<vmem_shared>>, %arg11: memref<!tpu.dma_semaphore, #tpu.memory_space<semaphore_mem>>, %arg12: memref<!tpu.dma_semaphore, #tpu.memory_space<semaphore_mem>>, %arg13: memref<!tpu.dma_semaphore, #tpu.memory_space<semaphore_mem>>, %arg14: memref<!tpu.dma_semaphore, #tpu.memory_space<semaphore_mem>>) attributes {dimension_semantics = [#tpu.dimension_semantics<core_parallel>, #tpu.dimension_semantics<subcore_parallel>], iteration_bounds = array<i64: 2, 16>, scalar_prefetch = 0 : i64, scratch_operands = 8 : i64, tpu.core_type = #tpu.core_type<sc_vector_subcore>, window_params = [{transform_indices = #map}, {transform_indices = #map1}, {transform_indices = #map1}, {transform_indices = #map}, {transform_indices = #map2}]} {
    %mul3A = arith.constant 16 : i32
    %mul3A_0 = arith.muli %arg0, %mul3A : i32
    %add3A = arith.addi %mul3A_0, %arg1 : i32
    %mul3A_1 = arith.constant 640 : i32
    %mul3A_2 = arith.muli %arg1, %mul3A_1 : i32
    %dma_start3A = arith.constant 0 : i32
    %dma_start3A_3 = tpu.memref_slice %arg10[%mul3A_2, %dma_start3A] : memref<10240x128xf32, #tpu.memory_space<vmem_shared>> -> memref<640x128xf32, #tpu.memory_space<vmem_shared>>
    tpu.enqueue_dma source(%arg5 : memref<640x128xf32, #tpu.memory_space<hbm>>) target(%dma_start3A_3 : memref<640x128xf32, #tpu.memory_space<vmem_shared>>) target_semaphore(%arg12 : memref<!tpu.dma_semaphore, #tpu.memory_space<semaphore_mem>>)
    %run_scoped3A = arith.constant 0 : i32
    %run_scoped3A_4 = arith.constant 0 : i32
    "tpu.region"() ({
      %run_scoped3A_1006 = tpu.sem_alloc : memref<!tpu.dma_semaphore, #tpu.memory_space<semaphore_mem>>
      %dma_start3A_1007 = arith.constant 0 : i32
      %dma_start3A_1008 = arith.constant 0 : i32
      %dma_start3A_1009 = tpu.memref_slice %arg7[%run_scoped3A_4, %dma_start3A_1007, %dma_start3A_1008] : memref<2x10x125xi32, #tpu.memory_space<vmem>> -> memref<1x10x125xi32, #tpu.memory_space<vmem>>
      %dma_start3A_1010 = tpu.memref_squeeze %dma_start3A_1009 : memref<1x10x125xi32, #tpu.memory_space<vmem>> -> memref<10x125xi32, #tpu.memory_space<vmem>>
      %dma_start3A_1011 = arith.constant 0 : i32
      %dma_start3A_1012 = arith.constant 0 : i32
      %dma_start3A_1013 = tpu.memref_slice %arg3[%add3A, %run_scoped3A, %dma_start3A_1011, %dma_start3A_1012] : memref<32x8x10x125xi32, #tpu.memory_space<hbm>> -> memref<1x1x10x125xi32, #tpu.memory_space<hbm>>
      %dma_start3A_1014 = tpu.memref_squeeze %dma_start3A_1013 : memref<1x1x10x125xi32, #tpu.memory_space<hbm>> -> memref<10x125xi32, #tpu.memory_space<hbm>>
      %dma_start3A_1015 = arith.constant 0 : i32
      %dma_start3A_1016 = arith.constant 0 : i32
      %dma_start3A_1017 = tpu.memref_slice %arg7[%run_scoped3A_4, %dma_start3A_1015, %dma_start3A_1016] : memref<2x10x125xi32, #tpu.memory_space<vmem>> -> memref<1x10x125xi32, #tpu.memory_space<vmem>>
      %dma_start3A_1018 = tpu.memref_squeeze %dma_start3A_1017 : memref<1x10x125xi32, #tpu.memory_space<vmem>> -> memref<10x125xi32, #tpu.memory_space<vmem>>
      %dma_start3A_1019 = arith.constant 0 : i32
      %dma_start3A_1020 = arith.constant 0 : i32
      %dma_start3A_1021 = tpu.memref_slice %arg3[%add3A, %run_scoped3A, %dma_start3A_1019, %dma_start3A_1020] : memref<32x8x10x125xi32, #tpu.memory_space<hbm>> -> memref<1x1x10x125xi32, #tpu.memory_space<hbm>>
      %dma_start3A_1022 = tpu.memref_squeeze %dma_start3A_1021 : memref<1x1x10x125xi32, #tpu.memory_space<hbm>> -> memref<10x125xi32, #tpu.memory_space<hbm>>
      tpu.enqueue_dma source(%dma_start3A_1022 : memref<10x125xi32, #tpu.memory_space<hbm>>) target(%dma_start3A_1018 : memref<10x125xi32, #tpu.memory_space<vmem>>) target_semaphore(%run_scoped3A_1006 : memref<!tpu.dma_semaphore, #tpu.memory_space<semaphore_mem>>)
      %dma_wait3A_1023 = arith.constant 0 : i32
      %dma_wait3A_1024 = arith.constant 0 : i32
      %dma_wait3A_1025 = tpu.memref_slice %arg7[%run_scoped3A_4, %dma_wait3A_1023, %dma_wait3A_1024] : memref<2x10x125xi32, #tpu.memory_space<vmem>> -> memref<1x10x125xi32, #tpu.memory_space<vmem>>
      %dma_wait3A_1026 = tpu.memref_squeeze %dma_wait3A_1025 : memref<1x10x125xi32, #tpu.memory_space<vmem>> -> memref<10x125xi32, #tpu.memory_space<vmem>>
      %dma_wait3A_1027 = arith.constant 0 : i32
      %dma_wait3A_1028 = arith.constant 0 : i32
      %dma_wait3A_1029 = tpu.memref_slice %arg3[%add3A, %run_scoped3A, %dma_wait3A_1027, %dma_wait3A_1028] : memref<32x8x10x125xi32, #tpu.memory_space<hbm>> -> memref<1x1x10x125xi32, #tpu.memory_space<hbm>>
      %dma_wait3A_1030 = tpu.memref_squeeze %dma_wait3A_1029 : memref<1x1x10x125xi32, #tpu.memory_space<hbm>> -> memref<10x125xi32, #tpu.memory_space<hbm>>
      %dma_wait3A_1031 = arith.constant 0 : i32
      %dma_wait3A_1032 = arith.constant 0 : i32
      %dma_wait3A_1033 = tpu.memref_slice %arg7[%run_scoped3A_4, %dma_wait3A_1031, %dma_wait3A_1032] : memref<2x10x125xi32, #tpu.memory_space<vmem>> -> memref<1x10x125xi32, #tpu.memory_space<vmem>>
      %dma_wait3A_1034 = tpu.memref_squeeze %dma_wait3A_1033 : memref<1x10x125xi32, #tpu.memory_space<vmem>> -> memref<10x125xi32, #tpu.memory_space<vmem>>
      %dma_wait3A_1035 = arith.constant 0 : i32
      %dma_wait3A_1036 = arith.constant 0 : i32
      %dma_wait3A_1037 = tpu.memref_slice %arg3[%add3A, %run_scoped3A, %dma_wait3A_1035, %dma_wait3A_1036] : memref<32x8x10x125xi32, #tpu.memory_space<hbm>> -> memref<1x1x10x125xi32, #tpu.memory_space<hbm>>
      %dma_wait3A_1038 = tpu.memref_squeeze %dma_wait3A_1037 : memref<1x1x10x125xi32, #tpu.memory_space<hbm>> -> memref<10x125xi32, #tpu.memory_space<hbm>>
      tpu.wait_dma2 semaphore(%run_scoped3A_1006 : memref<!tpu.dma_semaphore, #tpu.memory_space<semaphore_mem>>) src(%dma_wait3A_1038 : memref<10x125xi32, #tpu.memory_space<hbm>>) dst(%dma_wait3A_1034 : memref<10x125xi32, #tpu.memory_space<vmem>>)
      tpu.yield
    }) : () -> ()
    %run_scoped3A_5 = arith.constant 0 : i32
    %run_scoped3A_6 = arith.constant 0 : i32
    "tpu.region"() ({
      %run_scoped3A_1006 = tpu.sem_alloc : memref<!tpu.dma_semaphore, #tpu.memory_space<semaphore_mem>>
      %dma_start3A_1007 = arith.constant 0 : i32
      %dma_start3A_1008 = arith.constant 0 : i32
      %dma_start3A_1009 = tpu.memref_slice %arg8[%run_scoped3A_6, %dma_start3A_1007, %dma_start3A_1008] : memref<2x10x125xi32, #tpu.memory_space<vmem>> -> memref<1x10x125xi32, #tpu.memory_space<vmem>>
      %dma_start3A_1010 = tpu.memref_squeeze %dma_start3A_1009 : memref<1x10x125xi32, #tpu.memory_space<vmem>> -> memref<10x125xi32, #tpu.memory_space<vmem>>
      %dma_start3A_1011 = arith.constant 0 : i32
      %dma_start3A_1012 = arith.constant 0 : i32
      %dma_start3A_1013 = tpu.memref_slice %arg4[%add3A, %run_scoped3A_5, %dma_start3A_1011, %dma_start3A_1012] : memref<32x8x10x125xi32, #tpu.memory_space<hbm>> -> memref<1x1x10x125xi32, #tpu.memory_space<hbm>>
      %dma_start3A_1014 = tpu.memref_squeeze %dma_start3A_1013 : memref<1x1x10x125xi32, #tpu.memory_space<hbm>> -> memref<10x125xi32, #tpu.memory_space<hbm>>
      %dma_start3A_1015 = arith.constant 0 : i32
      %dma_start3A_1016 = arith.constant 0 : i32
      %dma_start3A_1017 = tpu.memref_slice %arg8[%run_scoped3A_6, %dma_start3A_1015, %dma_start3A_1016] : memref<2x10x125xi32, #tpu.memory_space<vmem>> -> memref<1x10x125xi32, #tpu.memory_space<vmem>>
      %dma_start3A_1018 = tpu.memref_squeeze %dma_start3A_1017 : memref<1x10x125xi32, #tpu.memory_space<vmem>> -> memref<10x125xi32, #tpu.memory_space<vmem>>
      %dma_start3A_1019 = arith.constant 0 : i32
      %dma_start3A_1020 = arith.constant 0 : i32
      %dma_start3A_1021 = tpu.memref_slice %arg4[%add3A, %run_scoped3A_5, %dma_start3A_1019, %dma_start3A_1020] : memref<32x8x10x125xi32, #tpu.memory_space<hbm>> -> memref<1x1x10x125xi32, #tpu.memory_space<hbm>>
      %dma_start3A_1022 = tpu.memref_squeeze %dma_start3A_1021 : memref<1x1x10x125xi32, #tpu.memory_space<hbm>> -> memref<10x125xi32, #tpu.memory_space<hbm>>
      tpu.enqueue_dma source(%dma_start3A_1022 : memref<10x125xi32, #tpu.memory_space<hbm>>) target(%dma_start3A_1018 : memref<10x125xi32, #tpu.memory_space<vmem>>) target_semaphore(%run_scoped3A_1006 : memref<!tpu.dma_semaphore, #tpu.memory_space<semaphore_mem>>)
      %dma_wait3A_1023 = arith.constant 0 : i32
      %dma_wait3A_1024 = arith.constant 0 : i32
      %dma_wait3A_1025 = tpu.memref_slice %arg8[%run_scoped3A_6, %dma_wait3A_1023, %dma_wait3A_1024] : memref<2x10x125xi32, #tpu.memory_space<vmem>> -> memref<1x10x125xi32, #tpu.memory_space<vmem>>
      %dma_wait3A_1026 = tpu.memref_squeeze %dma_wait3A_1025 : memref<1x10x125xi32, #tpu.memory_space<vmem>> -> memref<10x125xi32, #tpu.memory_space<vmem>>
      %dma_wait3A_1027 = arith.constant 0 : i32
      %dma_wait3A_1028 = arith.constant 0 : i32
      %dma_wait3A_1029 = tpu.memref_slice %arg4[%add3A, %run_scoped3A_5, %dma_wait3A_1027, %dma_wait3A_1028] : memref<32x8x10x125xi32, #tpu.memory_space<hbm>> -> memref<1x1x10x125xi32, #tpu.memory_space<hbm>>
      %dma_wait3A_1030 = tpu.memref_squeeze %dma_wait3A_1029 : memref<1x1x10x125xi32, #tpu.memory_space<hbm>> -> memref<10x125xi32, #tpu.memory_space<hbm>>
      %dma_wait3A_1031 = arith.constant 0 : i32
      %dma_wait3A_1032 = arith.constant 0 : i32
      %dma_wait3A_1033 = tpu.memref_slice %arg8[%run_scoped3A_6, %dma_wait3A_1031, %dma_wait3A_1032] : memref<2x10x125xi32, #tpu.memory_space<vmem>> -> memref<1x10x125xi32, #tpu.memory_space<vmem>>
      %dma_wait3A_1034 = tpu.memref_squeeze %dma_wait3A_1033 : memref<1x10x125xi32, #tpu.memory_space<vmem>> -> memref<10x125xi32, #tpu.memory_space<vmem>>
      %dma_wait3A_1035 = arith.constant 0 : i32
      %dma_wait3A_1036 = arith.constant 0 : i32
      %dma_wait3A_1037 = tpu.memref_slice %arg4[%add3A, %run_scoped3A_5, %dma_wait3A_1035, %dma_wait3A_1036] : memref<32x8x10x125xi32, #tpu.memory_space<hbm>> -> memref<1x1x10x125xi32, #tpu.memory_space<hbm>>
      %dma_wait3A_1038 = tpu.memref_squeeze %dma_wait3A_1037 : memref<1x1x10x125xi32, #tpu.memory_space<hbm>> -> memref<10x125xi32, #tpu.memory_space<hbm>>
      tpu.wait_dma2 semaphore(%run_scoped3A_1006 : memref<!tpu.dma_semaphore, #tpu.memory_space<semaphore_mem>>) src(%dma_wait3A_1038 : memref<10x125xi32, #tpu.memory_space<hbm>>) dst(%dma_wait3A_1034 : memref<10x125xi32, #tpu.memory_space<vmem>>)
      tpu.yield
    }) : () -> ()
    %dma_start3A_7 = arith.constant 0 : i32
    %dma_start3A_8 = arith.constant 0 : i32
    %dma_start3A_9 = arith.constant 0 : i32
    %dma_start3A_10 = arith.constant 0 : i32
    %dma_start3A_11 = arith.constant 0 : i32
    %dma_start3A_12 = tpu.memref_slice %arg9[%dma_start3A_9, %dma_start3A_10, %dma_start3A_11] : memref<2x125x128xf32, #tpu.memory_space<vmem>> -> memref<1x125x128xf32, #tpu.memory_space<vmem>>
    %dma_start3A_13 = tpu.memref_squeeze %dma_start3A_12 : memref<1x125x128xf32, #tpu.memory_space<vmem>> -> memref<125x128xf32, #tpu.memory_space<vmem>>
    %dma_start3A_14 = arith.constant 0 : i32
    %dma_start3A_15 = arith.constant 0 : i32
    %dma_start3A_16 = tpu.memref_slice %arg7[%dma_start3A_7, %dma_start3A_14, %dma_start3A_15] : memref<2x10x125xi32, #tpu.memory_space<vmem>> -> memref<1x10x125xi32, #tpu.memory_space<vmem>>
    %dma_start3A_17 = tpu.memref_squeeze %dma_start3A_16 : memref<1x10x125xi32, #tpu.memory_space<vmem>> -> memref<10x125xi32, #tpu.memory_space<vmem>>
    %dma_start3A_18 = arith.constant 0 : i32
    %dma_start3A_19 = tpu.memref_slice %dma_start3A_17[%dma_start3A_8, %dma_start3A_18] : memref<10x125xi32, #tpu.memory_space<vmem>> -> memref<1x125xi32, #tpu.memory_space<vmem>>
    %dma_start3A_20 = tpu.memref_squeeze %dma_start3A_19 : memref<1x125xi32, #tpu.memory_space<vmem>> -> memref<125xi32, #tpu.memory_space<vmem>>
    %dma_start3A_21 = arith.constant 0 : i32
    %dma_start3A_22 = arith.constant 0 : i32
    %dma_start3A_23 = tpu.memref_slice %arg2[%dma_start3A_21, %dma_start3A_22] : memref<10000x128xf32, #tpu.memory_space<hbm>> -> memref<10000x128xf32, #tpu.memory_space<hbm>>
    tpu.enqueue_indirect_dma source(%dma_start3A_23 : memref<10000x128xf32, #tpu.memory_space<hbm>>) target(%dma_start3A_13 : memref<125x128xf32, #tpu.memory_space<vmem>>) offsets(%dma_start3A_20 : memref<125xi32, #tpu.memory_space<vmem>>) semaphore(%arg11 : memref<!tpu.dma_semaphore, #tpu.memory_space<semaphore_mem>>)
    %mul3A_24 = arith.constant 640 : i32
    %mul3A_25 = arith.muli %arg1, %mul3A_24 : i32
    %dma_wait3A = arith.constant 0 : i32
    %dma_wait3A_26 = tpu.memref_slice %arg10[%mul3A_25, %dma_wait3A] : memref<10240x128xf32, #tpu.memory_space<vmem_shared>> -> memref<640x128xf32, #tpu.memory_space<vmem_shared>>
    tpu.wait_dma2 semaphore(%arg12 : memref<!tpu.dma_semaphore, #tpu.memory_space<semaphore_mem>>) src(%arg5 : memref<640x128xf32, #tpu.memory_space<hbm>>) dst(%dma_wait3A_26 : memref<640x128xf32, #tpu.memory_space<vmem_shared>>)
    %barrier3A = arith.constant 0 : index
    tpu.barrier barrier_id(%barrier3A)
    %dma_start3A_27 = arith.constant 1 : i32
    %dma_start3A_28 = arith.constant 1 : i32
    %dma_start3A_29 = arith.constant 0 : i32
    %dma_start3A_30 = arith.constant 0 : i32
    %dma_start3A_31 = tpu.memref_slice %arg7[%dma_start3A_28, %dma_start3A_29, %dma_start3A_30] : memref<2x10x125xi32, #tpu.memory_space<vmem>> -> memref<1x10x125xi32, #tpu.memory_space<vmem>>
    %dma_start3A_32 = tpu.memref_squeeze %dma_start3A_31 : memref<1x10x125xi32, #tpu.memory_space<vmem>> -> memref<10x125xi32, #tpu.memory_space<vmem>>
    %dma_start3A_33 = arith.constant 0 : i32
    %dma_start3A_34 = arith.constant 0 : i32
    %dma_start3A_35 = tpu.memref_slice %arg3[%add3A, %dma_start3A_27, %dma_start3A_33, %dma_start3A_34] : memref<32x8x10x125xi32, #tpu.memory_space<hbm>> -> memref<1x1x10x125xi32, #tpu.memory_space<hbm>>
    %dma_start3A_36 = tpu.memref_squeeze %dma_start3A_35 : memref<1x1x10x125xi32, #tpu.memory_space<hbm>> -> memref<10x125xi32, #tpu.memory_space<hbm>>
    %dma_start3A_37 = arith.constant 0 : i32
    %dma_start3A_38 = arith.constant 0 : i32
    %dma_start3A_39 = tpu.memref_slice %arg7[%dma_start3A_28, %dma_start3A_37, %dma_start3A_38] : memref<2x10x125xi32, #tpu.memory_space<vmem>> -> memref<1x10x125xi32, #tpu.memory_space<vmem>>
    %dma_start3A_40 = tpu.memref_squeeze %dma_start3A_39 : memref<1x10x125xi32, #tpu.memory_space<vmem>> -> memref<10x125xi32, #tpu.memory_space<vmem>>
    %dma_start3A_41 = arith.constant 0 : i32
    %dma_start3A_42 = arith.constant 0 : i32
    %dma_start3A_43 = tpu.memref_slice %arg3[%add3A, %dma_start3A_27, %dma_start3A_41, %dma_start3A_42] : memref<32x8x10x125xi32, #tpu.memory_space<hbm>> -> memref<1x1x10x125xi32, #tpu.memory_space<hbm>>
    %dma_start3A_44 = tpu.memref_squeeze %dma_start3A_43 : memref<1x1x10x125xi32, #tpu.memory_space<hbm>> -> memref<10x125xi32, #tpu.memory_space<hbm>>
    tpu.enqueue_dma source(%dma_start3A_44 : memref<10x125xi32, #tpu.memory_space<hbm>>) target(%dma_start3A_40 : memref<10x125xi32, #tpu.memory_space<vmem>>) target_semaphore(%arg14 : memref<!tpu.dma_semaphore, #tpu.memory_space<semaphore_mem>>)
    %dma_start3A_45 = arith.constant 1 : i32
    %dma_start3A_46 = arith.constant 1 : i32
    %dma_start3A_47 = arith.constant 0 : i32
    %dma_start3A_48 = arith.constant 0 : i32
    %dma_start3A_49 = tpu.memref_slice %arg8[%dma_start3A_46, %dma_start3A_47, %dma_start3A_48] : memref<2x10x125xi32, #tpu.memory_space<vmem>> -> memref<1x10x125xi32, #tpu.memory_space<vmem>>
    %dma_start3A_50 = tpu.memref_squeeze %dma_start3A_49 : memref<1x10x125xi32, #tpu.memory_space<vmem>> -> memref<10x125xi32, #tpu.memory_space<vmem>>
    %dma_start3A_51 = arith.constant 0 : i32
    %dma_start3A_52 = arith.constant 0 : i32
    %dma_start3A_53 = tpu.memref_slice %arg4[%add3A, %dma_start3A_45, %dma_start3A_51, %dma_start3A_52] : memref<32x8x10x125xi32, #tpu.memory_space<hbm>> -> memref<1x1x10x125xi32, #tpu.memory_space<hbm>>
    %dma_start3A_54 = tpu.memref_squeeze %dma_start3A_53 : memref<1x1x10x125xi32, #tpu.memory_space<hbm>> -> memref<10x125xi32, #tpu.memory_space<hbm>>
    %dma_start3A_55 = arith.constant 0 : i32
    %dma_start3A_56 = arith.constant 0 : i32
    %dma_start3A_57 = tpu.memref_slice %arg8[%dma_start3A_46, %dma_start3A_55, %dma_start3A_56] : memref<2x10x125xi32, #tpu.memory_space<vmem>> -> memref<1x10x125xi32, #tpu.memory_space<vmem>>
    %dma_start3A_58 = tpu.memref_squeeze %dma_start3A_57 : memref<1x10x125xi32, #tpu.memory_space<vmem>> -> memref<10x125xi32, #tpu.memory_space<vmem>>
    %dma_start3A_59 = arith.constant 0 : i32
    %dma_start3A_60 = arith.constant 0 : i32
    %dma_start3A_61 = tpu.memref_slice %arg4[%add3A, %dma_start3A_45, %dma_start3A_59, %dma_start3A_60] : memref<32x8x10x125xi32, #tpu.memory_space<hbm>> -> memref<1x1x10x125xi32, #tpu.memory_space<hbm>>
    %dma_start3A_62 = tpu.memref_squeeze %dma_start3A_61 : memref<1x1x10x125xi32, #tpu.memory_space<hbm>> -> memref<10x125xi32, #tpu.memory_space<hbm>>
    tpu.enqueue_dma source(%dma_start3A_62 : memref<10x125xi32, #tpu.memory_space<hbm>>) target(%dma_start3A_58 : memref<10x125xi32, #tpu.memory_space<vmem>>) target_semaphore(%arg14 : memref<!tpu.dma_semaphore, #tpu.memory_space<semaphore_mem>>)
    %scan3A = arith.constant 0 : i32
    %scan3A_63 = arith.constant 0 : i32
    %scan3A_64 = arith.constant 1 : i32
    %scan3A_65 = arith.constant 0 : i32
    %scan3A_66 = arith.constant 0 : i32
    %scan3A_67 = arith.constant 0 : i32
    %scan3A_68 = arith.constant 5 : i32
    %scan3A_69 = arith.addi %scan3A_67, %scan3A_68 : i32
    %scan3A_70 = arith.constant 1 : i32
    scf.for %scan3A_1006 = %scan3A_67 to %scan3A_69 step %scan3A_70  : i32 {
      %mul3A_1007 = arith.constant 2 : i32
      %mul3A_1008 = arith.muli %mul3A_1007, %scan3A_1006 : i32
      %add3A_1009 = arith.constant 1 : i32
      %add3A_1010 = arith.addi %mul3A_1008, %add3A_1009 : i32
      %dma_wait3A_1011 = arith.constant 0 : i32
      %dma_wait3A_1012 = arith.constant 0 : i32
      %dma_wait3A_1013 = arith.constant 0 : i32
      %dma_wait3A_1014 = arith.constant 0 : i32
      %dma_wait3A_1015 = tpu.memref_slice %arg9[%scan3A_63, %dma_wait3A_1013, %dma_wait3A_1014] : memref<2x125x128xf32, #tpu.memory_space<vmem>> -> memref<1x125x128xf32, #tpu.memory_space<vmem>>
      %dma_wait3A_1016 = tpu.memref_squeeze %dma_wait3A_1015 : memref<1x125x128xf32, #tpu.memory_space<vmem>> -> memref<125x128xf32, #tpu.memory_space<vmem>>
      %dma_wait3A_1017 = arith.constant 0 : i32
      %dma_wait3A_1018 = arith.constant 0 : i32
      %dma_wait3A_1019 = tpu.memref_slice %arg7[%dma_wait3A_1011, %dma_wait3A_1017, %dma_wait3A_1018] : memref<2x10x125xi32, #tpu.memory_space<vmem>> -> memref<1x10x125xi32, #tpu.memory_space<vmem>>
      %dma_wait3A_1020 = tpu.memref_squeeze %dma_wait3A_1019 : memref<1x10x125xi32, #tpu.memory_space<vmem>> -> memref<10x125xi32, #tpu.memory_space<vmem>>
      %dma_wait3A_1021 = arith.constant 0 : i32
      %dma_wait3A_1022 = tpu.memref_slice %dma_wait3A_1020[%dma_wait3A_1012, %dma_wait3A_1021] : memref<10x125xi32, #tpu.memory_space<vmem>> -> memref<1x125xi32, #tpu.memory_space<vmem>>
      %dma_wait3A_1023 = tpu.memref_squeeze %dma_wait3A_1022 : memref<1x125xi32, #tpu.memory_space<vmem>> -> memref<125xi32, #tpu.memory_space<vmem>>
      %dma_wait3A_1024 = arith.constant 0 : i32
      %dma_wait3A_1025 = arith.constant 0 : i32
      %dma_wait3A_1026 = tpu.memref_slice %arg2[%dma_wait3A_1024, %dma_wait3A_1025] : memref<10000x128xf32, #tpu.memory_space<hbm>> -> memref<10000x128xf32, #tpu.memory_space<hbm>>
      tpu.wait_indirect_dma semaphore(%arg11 : memref<!tpu.dma_semaphore, #tpu.memory_space<semaphore_mem>>) src(%dma_wait3A_1026 : memref<10000x128xf32, #tpu.memory_space<hbm>>) dst(%dma_wait3A_1016 : memref<125x128xf32, #tpu.memory_space<vmem>>)
      %gt3A = arith.constant 0 : i32
      %gt3A_1027 = arith.cmpi sgt, %scan3A_1006, %gt3A : i32
      %convert_element_type3A = arith.extui %gt3A_1027 : i1 to i32
      %cond3A = arith.constant 0 : i32
      %cond3A_1028 = arith.cmpi ne, %convert_element_type3A, %cond3A : i32
      scf.if %cond3A_1028 {
        %dma_wait3A_1093 = arith.constant 0 : i32
        %dma_wait3A_1094 = arith.constant 0 : i32
        %dma_wait3A_1095 = arith.constant 0 : i32
        %dma_wait3A_1096 = arith.constant 0 : i32
        %dma_wait3A_1097 = tpu.memref_slice %arg9[%scan3A_64, %dma_wait3A_1095, %dma_wait3A_1096] : memref<2x125x128xf32, #tpu.memory_space<vmem>> -> memref<1x125x128xf32, #tpu.memory_space<vmem>>
        %dma_wait3A_1098 = tpu.memref_squeeze %dma_wait3A_1097 : memref<1x125x128xf32, #tpu.memory_space<vmem>> -> memref<125x128xf32, #tpu.memory_space<vmem>>
        %dma_wait3A_1099 = arith.constant 0 : i32
        %dma_wait3A_1100 = arith.constant 0 : i32
        %dma_wait3A_1101 = tpu.memref_slice %arg8[%dma_wait3A_1093, %dma_wait3A_1099, %dma_wait3A_1100] : memref<2x10x125xi32, #tpu.memory_space<vmem>> -> memref<1x10x125xi32, #tpu.memory_space<vmem>>
        %dma_wait3A_1102 = tpu.memref_squeeze %dma_wait3A_1101 : memref<1x10x125xi32, #tpu.memory_space<vmem>> -> memref<10x125xi32, #tpu.memory_space<vmem>>
        %dma_wait3A_1103 = arith.constant 0 : i32
        %dma_wait3A_1104 = tpu.memref_slice %dma_wait3A_1102[%dma_wait3A_1094, %dma_wait3A_1103] : memref<10x125xi32, #tpu.memory_space<vmem>> -> memref<1x125xi32, #tpu.memory_space<vmem>>
        %dma_wait3A_1105 = tpu.memref_squeeze %dma_wait3A_1104 : memref<1x125xi32, #tpu.memory_space<vmem>> -> memref<125xi32, #tpu.memory_space<vmem>>
        %dma_wait3A_1106 = arith.constant 0 : i32
        %dma_wait3A_1107 = arith.constant 0 : i32
        %dma_wait3A_1108 = tpu.memref_slice %arg10[%dma_wait3A_1106, %dma_wait3A_1107] : memref<10240x128xf32, #tpu.memory_space<vmem_shared>> -> memref<10240x128xf32, #tpu.memory_space<vmem_shared>>
        tpu.wait_indirect_dma semaphore(%arg13 : memref<!tpu.dma_semaphore, #tpu.memory_space<semaphore_mem>>) src(%dma_wait3A_1098 : memref<125x128xf32, #tpu.memory_space<vmem>>) dst(%dma_wait3A_1108 : memref<10240x128xf32, #tpu.memory_space<vmem_shared>>)
      } else {
      }
      %dma_start3A_1029 = arith.constant 0 : i32
      %dma_start3A_1030 = arith.constant 0 : i32
      %dma_start3A_1031 = tpu.memref_slice %arg9[%scan3A_64, %dma_start3A_1029, %dma_start3A_1030] : memref<2x125x128xf32, #tpu.memory_space<vmem>> -> memref<1x125x128xf32, #tpu.memory_space<vmem>>
      %dma_start3A_1032 = tpu.memref_squeeze %dma_start3A_1031 : memref<1x125x128xf32, #tpu.memory_space<vmem>> -> memref<125x128xf32, #tpu.memory_space<vmem>>
      %dma_start3A_1033 = arith.constant 0 : i32
      %dma_start3A_1034 = arith.constant 0 : i32
      %dma_start3A_1035 = tpu.memref_slice %arg7[%scan3A_65, %dma_start3A_1033, %dma_start3A_1034] : memref<2x10x125xi32, #tpu.memory_space<vmem>> -> memref<1x10x125xi32, #tpu.memory_space<vmem>>
      %dma_start3A_1036 = tpu.memref_squeeze %dma_start3A_1035 : memref<1x10x125xi32, #tpu.memory_space<vmem>> -> memref<10x125xi32, #tpu.memory_space<vmem>>
      %dma_start3A_1037 = arith.constant 0 : i32
      %dma_start3A_1038 = tpu.memref_slice %dma_start3A_1036[%add3A_1010, %dma_start3A_1037] : memref<10x125xi32, #tpu.memory_space<vmem>> -> memref<1x125xi32, #tpu.memory_space<vmem>>
      %dma_start3A_1039 = tpu.memref_squeeze %dma_start3A_1038 : memref<1x125xi32, #tpu.memory_space<vmem>> -> memref<125xi32, #tpu.memory_space<vmem>>
      %dma_start3A_1040 = arith.constant 0 : i32
      %dma_start3A_1041 = arith.constant 0 : i32
      %dma_start3A_1042 = tpu.memref_slice %arg2[%dma_start3A_1040, %dma_start3A_1041] : memref<10000x128xf32, #tpu.memory_space<hbm>> -> memref<10000x128xf32, #tpu.memory_space<hbm>>
      tpu.enqueue_indirect_dma source(%dma_start3A_1042 : memref<10000x128xf32, #tpu.memory_space<hbm>>) target(%dma_start3A_1032 : memref<125x128xf32, #tpu.memory_space<vmem>>) offsets(%dma_start3A_1039 : memref<125xi32, #tpu.memory_space<vmem>>) semaphore(%arg11 : memref<!tpu.dma_semaphore, #tpu.memory_space<semaphore_mem>>)
      %dma_start3A_1043 = arith.constant 0 : i32
      %dma_start3A_1044 = arith.constant 0 : i32
      %dma_start3A_1045 = tpu.memref_slice %arg9[%scan3A_63, %dma_start3A_1043, %dma_start3A_1044] : memref<2x125x128xf32, #tpu.memory_space<vmem>> -> memref<1x125x128xf32, #tpu.memory_space<vmem>>
      %dma_start3A_1046 = tpu.memref_squeeze %dma_start3A_1045 : memref<1x125x128xf32, #tpu.memory_space<vmem>> -> memref<125x128xf32, #tpu.memory_space<vmem>>
      %dma_start3A_1047 = arith.constant 0 : i32
      %dma_start3A_1048 = arith.constant 0 : i32
      %dma_start3A_1049 = tpu.memref_slice %arg8[%scan3A_66, %dma_start3A_1047, %dma_start3A_1048] : memref<2x10x125xi32, #tpu.memory_space<vmem>> -> memref<1x10x125xi32, #tpu.memory_space<vmem>>
      %dma_start3A_1050 = tpu.memref_squeeze %dma_start3A_1049 : memref<1x10x125xi32, #tpu.memory_space<vmem>> -> memref<10x125xi32, #tpu.memory_space<vmem>>
      %dma_start3A_1051 = arith.constant 0 : i32
      %dma_start3A_1052 = tpu.memref_slice %dma_start3A_1050[%mul3A_1008, %dma_start3A_1051] : memref<10x125xi32, #tpu.memory_space<vmem>> -> memref<1x125xi32, #tpu.memory_space<vmem>>
      %dma_start3A_1053 = tpu.memref_squeeze %dma_start3A_1052 : memref<1x125xi32, #tpu.memory_space<vmem>> -> memref<125xi32, #tpu.memory_space<vmem>>
      %dma_start3A_1054 = arith.constant 0 : i32
      %dma_start3A_1055 = arith.constant 0 : i32
      %dma_start3A_1056 = tpu.memref_slice %arg10[%dma_start3A_1054, %dma_start3A_1055] : memref<10240x128xf32, #tpu.memory_space<vmem_shared>> -> memref<10240x128xf32, #tpu.memory_space<vmem_shared>>
      tpu.enqueue_indirect_dma source(%dma_start3A_1046 : memref<125x128xf32, #tpu.memory_space<vmem>>) target(%dma_start3A_1056 : memref<10240x128xf32, #tpu.memory_space<vmem_shared>>) offsets(%dma_start3A_1053 : memref<125xi32, #tpu.memory_space<vmem>>) semaphore(%arg12 : memref<!tpu.dma_semaphore, #tpu.memory_space<semaphore_mem>>) {add = true}
      %dma_wait3A_1057 = arith.constant 0 : i32
      %dma_wait3A_1058 = arith.constant 0 : i32
      %dma_wait3A_1059 = arith.constant 0 : i32
      %dma_wait3A_1060 = arith.constant 0 : i32
      %dma_wait3A_1061 = tpu.memref_slice %arg9[%scan3A_64, %dma_wait3A_1059, %dma_wait3A_1060] : memref<2x125x128xf32, #tpu.memory_space<vmem>> -> memref<1x125x128xf32, #tpu.memory_space<vmem>>
      %dma_wait3A_1062 = tpu.memref_squeeze %dma_wait3A_1061 : memref<1x125x128xf32, #tpu.memory_space<vmem>> -> memref<125x128xf32, #tpu.memory_space<vmem>>
      %dma_wait3A_1063 = arith.constant 0 : i32
      %dma_wait3A_1064 = arith.constant 0 : i32
      %dma_wait3A_1065 = tpu.memref_slice %arg7[%dma_wait3A_1057, %dma_wait3A_1063, %dma_wait3A_1064] : memref<2x10x125xi32, #tpu.memory_space<vmem>> -> memref<1x10x125xi32, #tpu.memory_space<vmem>>
      %dma_wait3A_1066 = tpu.memref_squeeze %dma_wait3A_1065 : memref<1x10x125xi32, #tpu.memory_space<vmem>> -> memref<10x125xi32, #tpu.memory_space<vmem>>
      %dma_wait3A_1067 = arith.constant 0 : i32
      %dma_wait3A_1068 = tpu.memref_slice %dma_wait3A_1066[%dma_wait3A_1058, %dma_wait3A_1067] : memref<10x125xi32, #tpu.memory_space<vmem>> -> memref<1x125xi32, #tpu.memory_space<vmem>>
      %dma_wait3A_1069 = tpu.memref_squeeze %dma_wait3A_1068 : memref<1x125xi32, #tpu.memory_space<vmem>> -> memref<125xi32, #tpu.memory_space<vmem>>
      %dma_wait3A_1070 = arith.constant 0 : i32
      %dma_wait3A_1071 = arith.constant 0 : i32
      %dma_wait3A_1072 = tpu.memref_slice %arg2[%dma_wait3A_1070, %dma_wait3A_1071] : memref<10000x128xf32, #tpu.memory_space<hbm>> -> memref<10000x128xf32, #tpu.memory_space<hbm>>
      tpu.wait_indirect_dma semaphore(%arg11 : memref<!tpu.dma_semaphore, #tpu.memory_space<semaphore_mem>>) src(%dma_wait3A_1072 : memref<10000x128xf32, #tpu.memory_space<hbm>>) dst(%dma_wait3A_1062 : memref<125x128xf32, #tpu.memory_space<vmem>>)
      %add3A_1073 = arith.constant 1 : i32
      %add3A_1074 = arith.addi %scan3A_1006, %add3A_1073 : i32
      %lt3A = arith.constant 5 : i32
      %lt3A_1075 = arith.cmpi slt, %add3A_1074, %lt3A : i32
      %convert_element_type3A_1076 = arith.extui %lt3A_1075 : i1 to i32
      %cond3A_1077 = arith.constant 0 : i32
      %cond3A_1078 = arith.cmpi ne, %convert_element_type3A_1076, %cond3A_1077 : i32
      scf.if %cond3A_1078 {
        %dma_wait3A_1093 = arith.constant 0 : i32
        %dma_wait3A_1094 = arith.constant 0 : i32
        %dma_wait3A_1095 = arith.constant 0 : i32
        %dma_wait3A_1096 = arith.constant 0 : i32
        %dma_wait3A_1097 = tpu.memref_slice %arg9[%scan3A_63, %dma_wait3A_1095, %dma_wait3A_1096] : memref<2x125x128xf32, #tpu.memory_space<vmem>> -> memref<1x125x128xf32, #tpu.memory_space<vmem>>
        %dma_wait3A_1098 = tpu.memref_squeeze %dma_wait3A_1097 : memref<1x125x128xf32, #tpu.memory_space<vmem>> -> memref<125x128xf32, #tpu.memory_space<vmem>>
        %dma_wait3A_1099 = arith.constant 0 : i32
        %dma_wait3A_1100 = arith.constant 0 : i32
        %dma_wait3A_1101 = tpu.memref_slice %arg8[%dma_wait3A_1093, %dma_wait3A_1099, %dma_wait3A_1100] : memref<2x10x125xi32, #tpu.memory_space<vmem>> -> memref<1x10x125xi32, #tpu.memory_space<vmem>>
        %dma_wait3A_1102 = tpu.memref_squeeze %dma_wait3A_1101 : memref<1x10x125xi32, #tpu.memory_space<vmem>> -> memref<10x125xi32, #tpu.memory_space<vmem>>
        %dma_wait3A_1103 = arith.constant 0 : i32
        %dma_wait3A_1104 = tpu.memref_slice %dma_wait3A_1102[%dma_wait3A_1094, %dma_wait3A_1103] : memref<10x125xi32, #tpu.memory_space<vmem>> -> memref<1x125xi32, #tpu.memory_space<vmem>>
        %dma_wait3A_1105 = tpu.memref_squeeze %dma_wait3A_1104 : memref<1x125xi32, #tpu.memory_space<vmem>> -> memref<125xi32, #tpu.memory_space<vmem>>
        %dma_wait3A_1106 = arith.constant 0 : i32
        %dma_wait3A_1107 = arith.constant 0 : i32
        %dma_wait3A_1108 = tpu.memref_slice %arg10[%dma_wait3A_1106, %dma_wait3A_1107] : memref<10240x128xf32, #tpu.memory_space<vmem_shared>> -> memref<10240x128xf32, #tpu.memory_space<vmem_shared>>
        tpu.wait_indirect_dma semaphore(%arg12 : memref<!tpu.dma_semaphore, #tpu.memory_space<semaphore_mem>>) src(%dma_wait3A_1098 : memref<125x128xf32, #tpu.memory_space<vmem>>) dst(%dma_wait3A_1108 : memref<10240x128xf32, #tpu.memory_space<vmem_shared>>)
        %add3A_1109 = arith.constant 2 : i32
        %add3A_1110 = arith.addi %mul3A_1008, %add3A_1109 : i32
        %dma_start3A_1111 = arith.constant 0 : i32
        %dma_start3A_1112 = arith.constant 0 : i32
        %dma_start3A_1113 = tpu.memref_slice %arg9[%scan3A_63, %dma_start3A_1111, %dma_start3A_1112] : memref<2x125x128xf32, #tpu.memory_space<vmem>> -> memref<1x125x128xf32, #tpu.memory_space<vmem>>
        %dma_start3A_1114 = tpu.memref_squeeze %dma_start3A_1113 : memref<1x125x128xf32, #tpu.memory_space<vmem>> -> memref<125x128xf32, #tpu.memory_space<vmem>>
        %dma_start3A_1115 = arith.constant 0 : i32
        %dma_start3A_1116 = arith.constant 0 : i32
        %dma_start3A_1117 = tpu.memref_slice %arg7[%scan3A_65, %dma_start3A_1115, %dma_start3A_1116] : memref<2x10x125xi32, #tpu.memory_space<vmem>> -> memref<1x10x125xi32, #tpu.memory_space<vmem>>
        %dma_start3A_1118 = tpu.memref_squeeze %dma_start3A_1117 : memref<1x10x125xi32, #tpu.memory_space<vmem>> -> memref<10x125xi32, #tpu.memory_space<vmem>>
        %dma_start3A_1119 = arith.constant 0 : i32
        %dma_start3A_1120 = tpu.memref_slice %dma_start3A_1118[%add3A_1110, %dma_start3A_1119] : memref<10x125xi32, #tpu.memory_space<vmem>> -> memref<1x125xi32, #tpu.memory_space<vmem>>
        %dma_start3A_1121 = tpu.memref_squeeze %dma_start3A_1120 : memref<1x125xi32, #tpu.memory_space<vmem>> -> memref<125xi32, #tpu.memory_space<vmem>>
        %dma_start3A_1122 = arith.constant 0 : i32
        %dma_start3A_1123 = arith.constant 0 : i32
        %dma_start3A_1124 = tpu.memref_slice %arg2[%dma_start3A_1122, %dma_start3A_1123] : memref<10000x128xf32, #tpu.memory_space<hbm>> -> memref<10000x128xf32, #tpu.memory_space<hbm>>
        tpu.enqueue_indirect_dma source(%dma_start3A_1124 : memref<10000x128xf32, #tpu.memory_space<hbm>>) target(%dma_start3A_1114 : memref<125x128xf32, #tpu.memory_space<vmem>>) offsets(%dma_start3A_1121 : memref<125xi32, #tpu.memory_space<vmem>>) semaphore(%arg11 : memref<!tpu.dma_semaphore, #tpu.memory_space<semaphore_mem>>)
      } else {
      }
      %dma_start3A_1079 = arith.constant 0 : i32
      %dma_start3A_1080 = arith.constant 0 : i32
      %dma_start3A_1081 = tpu.memref_slice %arg9[%scan3A_64, %dma_start3A_1079, %dma_start3A_1080] : memref<2x125x128xf32, #tpu.memory_space<vmem>> -> memref<1x125x128xf32, #tpu.memory_space<vmem>>
      %dma_start3A_1082 = tpu.memref_squeeze %dma_start3A_1081 : memref<1x125x128xf32, #tpu.memory_space<vmem>> -> memref<125x128xf32, #tpu.memory_space<vmem>>
      %dma_start3A_1083 = arith.constant 0 : i32
      %dma_start3A_1084 = arith.constant 0 : i32
      %dma_start3A_1085 = tpu.memref_slice %arg8[%scan3A_66, %dma_start3A_1083, %dma_start3A_1084] : memref<2x10x125xi32, #tpu.memory_space<vmem>> -> memref<1x10x125xi32, #tpu.memory_space<vmem>>
      %dma_start3A_1086 = tpu.memref_squeeze %dma_start3A_1085 : memref<1x10x125xi32, #tpu.memory_space<vmem>> -> memref<10x125xi32, #tpu.memory_space<vmem>>
      %dma_start3A_1087 = arith.constant 0 : i32
      %dma_start3A_1088 = tpu.memref_slice %dma_start3A_1086[%add3A_1010, %dma_start3A_1087] : memref<10x125xi32, #tpu.memory_space<vmem>> -> memref<1x125xi32, #tpu.memory_space<vmem>>
      %dma_start3A_1089 = tpu.memref_squeeze %dma_start3A_1088 : memref<1x125xi32, #tpu.memory_space<vmem>> -> memref<125xi32, #tpu.memory_space<vmem>>
      %dma_start3A_1090 = arith.constant 0 : i32
      %dma_start3A_1091 = arith.constant 0 : i32
      %dma_start3A_1092 = tpu.memref_slice %arg10[%dma_start3A_1090, %dma_start3A_1091] : memref<10240x128xf32, #tpu.memory_space<vmem_shared>> -> memref<10240x128xf32, #tpu.memory_space<vmem_shared>>
      tpu.enqueue_indirect_dma source(%dma_start3A_1082 : memref<125x128xf32, #tpu.memory_space<vmem>>) target(%dma_start3A_1092 : memref<10240x128xf32, #tpu.memory_space<vmem_shared>>) offsets(%dma_start3A_1089 : memref<125xi32, #tpu.memory_space<vmem>>) semaphore(%arg13 : memref<!tpu.dma_semaphore, #tpu.memory_space<semaphore_mem>>) {add = true}
    }
    %scan3A_71 = arith.constant 5 : i32
    %dma_wait3A_72 = arith.constant 0 : i32
    %dma_wait3A_73 = arith.constant 1 : i32
    %dma_wait3A_74 = arith.constant 0 : i32
    %dma_wait3A_75 = arith.constant 0 : i32
    %dma_wait3A_76 = tpu.memref_slice %arg7[%dma_wait3A_73, %dma_wait3A_74, %dma_wait3A_75] : memref<2x10x125xi32, #tpu.memory_space<vmem>> -> memref<1x10x125xi32, #tpu.memory_space<vmem>>
    %dma_wait3A_77 = tpu.memref_squeeze %dma_wait3A_76 : memref<1x10x125xi32, #tpu.memory_space<vmem>> -> memref<10x125xi32, #tpu.memory_space<vmem>>
    %dma_wait3A_78 = arith.constant 0 : i32
    %dma_wait3A_79 = arith.constant 0 : i32
    %dma_wait3A_80 = tpu.memref_slice %arg3[%add3A, %dma_wait3A_72, %dma_wait3A_78, %dma_wait3A_79] : memref<32x8x10x125xi32, #tpu.memory_space<hbm>> -> memref<1x1x10x125xi32, #tpu.memory_space<hbm>>
    %dma_wait3A_81 = tpu.memref_squeeze %dma_wait3A_80 : memref<1x1x10x125xi32, #tpu.memory_space<hbm>> -> memref<10x125xi32, #tpu.memory_space<hbm>>
    %dma_wait3A_82 = arith.constant 0 : i32
    %dma_wait3A_83 = arith.constant 0 : i32
    %dma_wait3A_84 = tpu.memref_slice %arg7[%dma_wait3A_73, %dma_wait3A_82, %dma_wait3A_83] : memref<2x10x125xi32, #tpu.memory_space<vmem>> -> memref<1x10x125xi32, #tpu.memory_space<vmem>>
    %dma_wait3A_85 = tpu.memref_squeeze %dma_wait3A_84 : memref<1x10x125xi32, #tpu.memory_space<vmem>> -> memref<10x125xi32, #tpu.memory_space<vmem>>
    %dma_wait3A_86 = arith.constant 0 : i32
    %dma_wait3A_87 = arith.constant 0 : i32
    %dma_wait3A_88 = tpu.memref_slice %arg3[%add3A, %dma_wait3A_72, %dma_wait3A_86, %dma_wait3A_87] : memref<32x8x10x125xi32, #tpu.memory_space<hbm>> -> memref<1x1x10x125xi32, #tpu.memory_space<hbm>>
    %dma_wait3A_89 = tpu.memref_squeeze %dma_wait3A_88 : memref<1x1x10x125xi32, #tpu.memory_space<hbm>> -> memref<10x125xi32, #tpu.memory_space<hbm>>
    tpu.wait_dma2 semaphore(%arg14 : memref<!tpu.dma_semaphore, #tpu.memory_space<semaphore_mem>>) src(%dma_wait3A_89 : memref<10x125xi32, #tpu.memory_space<hbm>>) dst(%dma_wait3A_85 : memref<10x125xi32, #tpu.memory_space<vmem>>)
    %dma_wait3A_90 = arith.constant 0 : i32
    %dma_wait3A_91 = arith.constant 1 : i32
    %dma_wait3A_92 = arith.constant 0 : i32
    %dma_wait3A_93 = arith.constant 0 : i32
    %dma_wait3A_94 = tpu.memref_slice %arg8[%dma_wait3A_91, %dma_wait3A_92, %dma_wait3A_93] : memref<2x10x125xi32, #tpu.memory_space<vmem>> -> memref<1x10x125xi32, #tpu.memory_space<vmem>>
    %dma_wait3A_95 = tpu.memref_squeeze %dma_wait3A_94 : memref<1x10x125xi32, #tpu.memory_space<vmem>> -> memref<10x125xi32, #tpu.memory_space<vmem>>
    %dma_wait3A_96 = arith.constant 0 : i32
    %dma_wait3A_97 = arith.constant 0 : i32
    %dma_wait3A_98 = tpu.memref_slice %arg3[%add3A, %dma_wait3A_90, %dma_wait3A_96, %dma_wait3A_97] : memref<32x8x10x125xi32, #tpu.memory_space<hbm>> -> memref<1x1x10x125xi32, #tpu.memory_space<hbm>>
    %dma_wait3A_99 = tpu.memref_squeeze %dma_wait3A_98 : memref<1x1x10x125xi32, #tpu.memory_space<hbm>> -> memref<10x125xi32, #tpu.memory_space<hbm>>
    %dma_wait3A_100 = arith.constant 0 : i32
    %dma_wait3A_101 = arith.constant 0 : i32
    %dma_wait3A_102 = tpu.memref_slice %arg8[%dma_wait3A_91, %dma_wait3A_100, %dma_wait3A_101] : memref<2x10x125xi32, #tpu.memory_space<vmem>> -> memref<1x10x125xi32, #tpu.memory_space<vmem>>
    %dma_wait3A_103 = tpu.memref_squeeze %dma_wait3A_102 : memref<1x10x125xi32, #tpu.memory_space<vmem>> -> memref<10x125xi32, #tpu.memory_space<vmem>>
    %dma_wait3A_104 = arith.constant 0 : i32
    %dma_wait3A_105 = arith.constant 0 : i32
    %dma_wait3A_106 = tpu.memref_slice %arg3[%add3A, %dma_wait3A_90, %dma_wait3A_104, %dma_wait3A_105] : memref<32x8x10x125xi32, #tpu.memory_space<hbm>> -> memref<1x1x10x125xi32, #tpu.memory_space<hbm>>
    %dma_wait3A_107 = tpu.memref_squeeze %dma_wait3A_106 : memref<1x1x10x125xi32, #tpu.memory_space<hbm>> -> memref<10x125xi32, #tpu.memory_space<hbm>>
    tpu.wait_dma2 semaphore(%arg14 : memref<!tpu.dma_semaphore, #tpu.memory_space<semaphore_mem>>) src(%dma_wait3A_107 : memref<10x125xi32, #tpu.memory_space<hbm>>) dst(%dma_wait3A_103 : memref<10x125xi32, #tpu.memory_space<vmem>>)
    %dma_wait3A_108 = arith.constant 0 : i32
    %dma_wait3A_109 = arith.constant 0 : i32
    %dma_wait3A_110 = arith.constant 0 : i32
    %dma_wait3A_111 = arith.constant 0 : i32
    %dma_wait3A_112 = arith.constant 0 : i32
    %dma_wait3A_113 = tpu.memref_slice %arg9[%dma_wait3A_108, %dma_wait3A_111, %dma_wait3A_112] : memref<2x125x128xf32, #tpu.memory_space<vmem>> -> memref<1x125x128xf32, #tpu.memory_space<vmem>>
    %dma_wait3A_114 = tpu.memref_squeeze %dma_wait3A_113 : memref<1x125x128xf32, #tpu.memory_space<vmem>> -> memref<125x128xf32, #tpu.memory_space<vmem>>
    %dma_wait3A_115 = arith.constant 0 : i32
    %dma_wait3A_116 = arith.constant 0 : i32
    %dma_wait3A_117 = tpu.memref_slice %arg8[%dma_wait3A_109, %dma_wait3A_115, %dma_wait3A_116] : memref<2x10x125xi32, #tpu.memory_space<vmem>> -> memref<1x10x125xi32, #tpu.memory_space<vmem>>
    %dma_wait3A_118 = tpu.memref_squeeze %dma_wait3A_117 : memref<1x10x125xi32, #tpu.memory_space<vmem>> -> memref<10x125xi32, #tpu.memory_space<vmem>>
    %dma_wait3A_119 = arith.constant 0 : i32
    %dma_wait3A_120 = tpu.memref_slice %dma_wait3A_118[%dma_wait3A_110, %dma_wait3A_119] : memref<10x125xi32, #tpu.memory_space<vmem>> -> memref<1x125xi32, #tpu.memory_space<vmem>>
    %dma_wait3A_121 = tpu.memref_squeeze %dma_wait3A_120 : memref<1x125xi32, #tpu.memory_space<vmem>> -> memref<125xi32, #tpu.memory_space<vmem>>
    %dma_wait3A_122 = arith.constant 0 : i32
    %dma_wait3A_123 = arith.constant 0 : i32
    %dma_wait3A_124 = tpu.memref_slice %arg10[%dma_wait3A_122, %dma_wait3A_123] : memref<10240x128xf32, #tpu.memory_space<vmem_shared>> -> memref<10240x128xf32, #tpu.memory_space<vmem_shared>>
    tpu.wait_indirect_dma semaphore(%arg12 : memref<!tpu.dma_semaphore, #tpu.memory_space<semaphore_mem>>) src(%dma_wait3A_114 : memref<125x128xf32, #tpu.memory_space<vmem>>) dst(%dma_wait3A_124 : memref<10240x128xf32, #tpu.memory_space<vmem_shared>>)
    %dma_start3A_125 = arith.constant 1 : i32
    %dma_start3A_126 = arith.constant 0 : i32
    %dma_start3A_127 = arith.constant 0 : i32
    %dma_start3A_128 = arith.constant 0 : i32
    %dma_start3A_129 = arith.constant 0 : i32
    %dma_start3A_130 = tpu.memref_slice %arg9[%dma_start3A_127, %dma_start3A_128, %dma_start3A_129] : memref<2x125x128xf32, #tpu.memory_space<vmem>> -> memref<1x125x128xf32, #tpu.memory_space<vmem>>
    %dma_start3A_131 = tpu.memref_squeeze %dma_start3A_130 : memref<1x125x128xf32, #tpu.memory_space<vmem>> -> memref<125x128xf32, #tpu.memory_space<vmem>>
    %dma_start3A_132 = arith.constant 0 : i32
    %dma_start3A_133 = arith.constant 0 : i32
    %dma_start3A_134 = tpu.memref_slice %arg7[%dma_start3A_125, %dma_start3A_132, %dma_start3A_133] : memref<2x10x125xi32, #tpu.memory_space<vmem>> -> memref<1x10x125xi32, #tpu.memory_space<vmem>>
    %dma_start3A_135 = tpu.memref_squeeze %dma_start3A_134 : memref<1x10x125xi32, #tpu.memory_space<vmem>> -> memref<10x125xi32, #tpu.memory_space<vmem>>
    %dma_start3A_136 = arith.constant 0 : i32
    %dma_start3A_137 = tpu.memref_slice %dma_start3A_135[%dma_start3A_126, %dma_start3A_136] : memref<10x125xi32, #tpu.memory_space<vmem>> -> memref<1x125xi32, #tpu.memory_space<vmem>>
    %dma_start3A_138 = tpu.memref_squeeze %dma_start3A_137 : memref<1x125xi32, #tpu.memory_space<vmem>> -> memref<125xi32, #tpu.memory_space<vmem>>
    %dma_start3A_139 = arith.constant 0 : i32
    %dma_start3A_140 = arith.constant 0 : i32
    %dma_start3A_141 = tpu.memref_slice %arg2[%dma_start3A_139, %dma_start3A_140] : memref<10000x128xf32, #tpu.memory_space<hbm>> -> memref<10000x128xf32, #tpu.memory_space<hbm>>
    tpu.enqueue_indirect_dma source(%dma_start3A_141 : memref<10000x128xf32, #tpu.memory_space<hbm>>) target(%dma_start3A_131 : memref<125x128xf32, #tpu.memory_space<vmem>>) offsets(%dma_start3A_138 : memref<125xi32, #tpu.memory_space<vmem>>) semaphore(%arg11 : memref<!tpu.dma_semaphore, #tpu.memory_space<semaphore_mem>>)
    %dma_wait3A_142 = arith.constant 1 : i32
    %dma_wait3A_143 = arith.constant 0 : i32
    %dma_wait3A_144 = arith.constant 0 : i32
    %dma_wait3A_145 = arith.constant 0 : i32
    %dma_wait3A_146 = arith.constant 0 : i32
    %dma_wait3A_147 = tpu.memref_slice %arg9[%dma_wait3A_142, %dma_wait3A_145, %dma_wait3A_146] : memref<2x125x128xf32, #tpu.memory_space<vmem>> -> memref<1x125x128xf32, #tpu.memory_space<vmem>>
    %dma_wait3A_148 = tpu.memref_squeeze %dma_wait3A_147 : memref<1x125x128xf32, #tpu.memory_space<vmem>> -> memref<125x128xf32, #tpu.memory_space<vmem>>
    %dma_wait3A_149 = arith.constant 0 : i32
    %dma_wait3A_150 = arith.constant 0 : i32
    %dma_wait3A_151 = tpu.memref_slice %arg8[%dma_wait3A_143, %dma_wait3A_149, %dma_wait3A_150] : memref<2x10x125xi32, #tpu.memory_space<vmem>> -> memref<1x10x125xi32, #tpu.memory_space<vmem>>
    %dma_wait3A_152 = tpu.memref_squeeze %dma_wait3A_151 : memref<1x10x125xi32, #tpu.memory_space<vmem>> -> memref<10x125xi32, #tpu.memory_space<vmem>>
    %dma_wait3A_153 = arith.constant 0 : i32
    %dma_wait3A_154 = tpu.memref_slice %dma_wait3A_152[%dma_wait3A_144, %dma_wait3A_153] : memref<10x125xi32, #tpu.memory_space<vmem>> -> memref<1x125xi32, #tpu.memory_space<vmem>>
    %dma_wait3A_155 = tpu.memref_squeeze %dma_wait3A_154 : memref<1x125xi32, #tpu.memory_space<vmem>> -> memref<125xi32, #tpu.memory_space<vmem>>
    %dma_wait3A_156 = arith.constant 0 : i32
    %dma_wait3A_157 = arith.constant 0 : i32
    %dma_wait3A_158 = tpu.memref_slice %arg10[%dma_wait3A_156, %dma_wait3A_157] : memref<10240x128xf32, #tpu.memory_space<vmem_shared>> -> memref<10240x128xf32, #tpu.memory_space<vmem_shared>>
    tpu.wait_indirect_dma semaphore(%arg13 : memref<!tpu.dma_semaphore, #tpu.memory_space<semaphore_mem>>) src(%dma_wait3A_148 : memref<125x128xf32, #tpu.memory_space<vmem>>) dst(%dma_wait3A_158 : memref<10240x128xf32, #tpu.memory_space<vmem_shared>>)
    %dma_start3A_159 = arith.constant 2 : i32
    %dma_start3A_160 = arith.constant 0 : i32
    %dma_start3A_161 = arith.constant 0 : i32
    %dma_start3A_162 = arith.constant 0 : i32
    %dma_start3A_163 = tpu.memref_slice %arg7[%dma_start3A_160, %dma_start3A_161, %dma_start3A_162] : memref<2x10x125xi32, #tpu.memory_space<vmem>> -> memref<1x10x125xi32, #tpu.memory_space<vmem>>
    %dma_start3A_164 = tpu.memref_squeeze %dma_start3A_163 : memref<1x10x125xi32, #tpu.memory_space<vmem>> -> memref<10x125xi32, #tpu.memory_space<vmem>>
    %dma_start3A_165 = arith.constant 0 : i32
    %dma_start3A_166 = arith.constant 0 : i32
    %dma_start3A_167 = tpu.memref_slice %arg3[%add3A, %dma_start3A_159, %dma_start3A_165, %dma_start3A_166] : memref<32x8x10x125xi32, #tpu.memory_space<hbm>> -> memref<1x1x10x125xi32, #tpu.memory_space<hbm>>
    %dma_start3A_168 = tpu.memref_squeeze %dma_start3A_167 : memref<1x1x10x125xi32, #tpu.memory_space<hbm>> -> memref<10x125xi32, #tpu.memory_space<hbm>>
    %dma_start3A_169 = arith.constant 0 : i32
    %dma_start3A_170 = arith.constant 0 : i32
    %dma_start3A_171 = tpu.memref_slice %arg7[%dma_start3A_160, %dma_start3A_169, %dma_start3A_170] : memref<2x10x125xi32, #tpu.memory_space<vmem>> -> memref<1x10x125xi32, #tpu.memory_space<vmem>>
    %dma_start3A_172 = tpu.memref_squeeze %dma_start3A_171 : memref<1x10x125xi32, #tpu.memory_space<vmem>> -> memref<10x125xi32, #tpu.memory_space<vmem>>
    %dma_start3A_173 = arith.constant 0 : i32
    %dma_start3A_174 = arith.constant 0 : i32
    %dma_start3A_175 = tpu.memref_slice %arg3[%add3A, %dma_start3A_159, %dma_start3A_173, %dma_start3A_174] : memref<32x8x10x125xi32, #tpu.memory_space<hbm>> -> memref<1x1x10x125xi32, #tpu.memory_space<hbm>>
    %dma_start3A_176 = tpu.memref_squeeze %dma_start3A_175 : memref<1x1x10x125xi32, #tpu.memory_space<hbm>> -> memref<10x125xi32, #tpu.memory_space<hbm>>
    tpu.enqueue_dma source(%dma_start3A_176 : memref<10x125xi32, #tpu.memory_space<hbm>>) target(%dma_start3A_172 : memref<10x125xi32, #tpu.memory_space<vmem>>) target_semaphore(%arg14 : memref<!tpu.dma_semaphore, #tpu.memory_space<semaphore_mem>>)
    %dma_start3A_177 = arith.constant 2 : i32
    %dma_start3A_178 = arith.constant 0 : i32
    %dma_start3A_179 = arith.constant 0 : i32
    %dma_start3A_180 = arith.constant 0 : i32
    %dma_start3A_181 = tpu.memref_slice %arg8[%dma_start3A_178, %dma_start3A_179, %dma_start3A_180] : memref<2x10x125xi32, #tpu.memory_space<vmem>> -> memref<1x10x125xi32, #tpu.memory_space<vmem>>
    %dma_start3A_182 = tpu.memref_squeeze %dma_start3A_181 : memref<1x10x125xi32, #tpu.memory_space<vmem>> -> memref<10x125xi32, #tpu.memory_space<vmem>>
    %dma_start3A_183 = arith.constant 0 : i32
    %dma_start3A_184 = arith.constant 0 : i32
    %dma_start3A_185 = tpu.memref_slice %arg4[%add3A, %dma_start3A_177, %dma_start3A_183, %dma_start3A_184] : memref<32x8x10x125xi32, #tpu.memory_space<hbm>> -> memref<1x1x10x125xi32, #tpu.memory_space<hbm>>
    %dma_start3A_186 = tpu.memref_squeeze %dma_start3A_185 : memref<1x1x10x125xi32, #tpu.memory_space<hbm>> -> memref<10x125xi32, #tpu.memory_space<hbm>>
    %dma_start3A_187 = arith.constant 0 : i32
    %dma_start3A_188 = arith.constant 0 : i32
    %dma_start3A_189 = tpu.memref_slice %arg8[%dma_start3A_178, %dma_start3A_187, %dma_start3A_188] : memref<2x10x125xi32, #tpu.memory_space<vmem>> -> memref<1x10x125xi32, #tpu.memory_space<vmem>>
    %dma_start3A_190 = tpu.memref_squeeze %dma_start3A_189 : memref<1x10x125xi32, #tpu.memory_space<vmem>> -> memref<10x125xi32, #tpu.memory_space<vmem>>
    %dma_start3A_191 = arith.constant 0 : i32
    %dma_start3A_192 = arith.constant 0 : i32
    %dma_start3A_193 = tpu.memref_slice %arg4[%add3A, %dma_start3A_177, %dma_start3A_191, %dma_start3A_192] : memref<32x8x10x125xi32, #tpu.memory_space<hbm>> -> memref<1x1x10x125xi32, #tpu.memory_space<hbm>>
    %dma_start3A_194 = tpu.memref_squeeze %dma_start3A_193 : memref<1x1x10x125xi32, #tpu.memory_space<hbm>> -> memref<10x125xi32, #tpu.memory_space<hbm>>
    tpu.enqueue_dma source(%dma_start3A_194 : memref<10x125xi32, #tpu.memory_space<hbm>>) target(%dma_start3A_190 : memref<10x125xi32, #tpu.memory_space<vmem>>) target_semaphore(%arg14 : memref<!tpu.dma_semaphore, #tpu.memory_space<semaphore_mem>>)
    %scan3A_195 = arith.constant 0 : i32
    %scan3A_196 = arith.constant 0 : i32
    %scan3A_197 = arith.constant 1 : i32
    %scan3A_198 = arith.constant 1 : i32
    %scan3A_199 = arith.constant 1 : i32
    %scan3A_200 = arith.constant 0 : i32
    %scan3A_201 = arith.constant 5 : i32
    %scan3A_202 = arith.addi %scan3A_200, %scan3A_201 : i32
    %scan3A_203 = arith.constant 1 : i32
    scf.for %scan3A_1006 = %scan3A_200 to %scan3A_202 step %scan3A_203  : i32 {
      %mul3A_1007 = arith.constant 2 : i32
      %mul3A_1008 = arith.muli %mul3A_1007, %scan3A_1006 : i32
      %add3A_1009 = arith.constant 1 : i32
      %add3A_1010 = arith.addi %mul3A_1008, %add3A_1009 : i32
      %dma_wait3A_1011 = arith.constant 0 : i32
      %dma_wait3A_1012 = arith.constant 0 : i32
      %dma_wait3A_1013 = arith.constant 0 : i32
      %dma_wait3A_1014 = arith.constant 0 : i32
      %dma_wait3A_1015 = tpu.memref_slice %arg9[%scan3A_196, %dma_wait3A_1013, %dma_wait3A_1014] : memref<2x125x128xf32, #tpu.memory_space<vmem>> -> memref<1x125x128xf32, #tpu.memory_space<vmem>>
      %dma_wait3A_1016 = tpu.memref_squeeze %dma_wait3A_1015 : memref<1x125x128xf32, #tpu.memory_space<vmem>> -> memref<125x128xf32, #tpu.memory_space<vmem>>
      %dma_wait3A_1017 = arith.constant 0 : i32
      %dma_wait3A_1018 = arith.constant 0 : i32
      %dma_wait3A_1019 = tpu.memref_slice %arg7[%dma_wait3A_1011, %dma_wait3A_1017, %dma_wait3A_1018] : memref<2x10x125xi32, #tpu.memory_space<vmem>> -> memref<1x10x125xi32, #tpu.memory_space<vmem>>
      %dma_wait3A_1020 = tpu.memref_squeeze %dma_wait3A_1019 : memref<1x10x125xi32, #tpu.memory_space<vmem>> -> memref<10x125xi32, #tpu.memory_space<vmem>>
      %dma_wait3A_1021 = arith.constant 0 : i32
      %dma_wait3A_1022 = tpu.memref_slice %dma_wait3A_1020[%dma_wait3A_1012, %dma_wait3A_1021] : memref<10x125xi32, #tpu.memory_space<vmem>> -> memref<1x125xi32, #tpu.memory_space<vmem>>
      %dma_wait3A_1023 = tpu.memref_squeeze %dma_wait3A_1022 : memref<1x125xi32, #tpu.memory_space<vmem>> -> memref<125xi32, #tpu.memory_space<vmem>>
      %dma_wait3A_1024 = arith.constant 0 : i32
      %dma_wait3A_1025 = arith.constant 0 : i32
      %dma_wait3A_1026 = tpu.memref_slice %arg2[%dma_wait3A_1024, %dma_wait3A_1025] : memref<10000x128xf32, #tpu.memory_space<hbm>> -> memref<10000x128xf32, #tpu.memory_space<hbm>>
      tpu.wait_indirect_dma semaphore(%arg11 : memref<!tpu.dma_semaphore, #tpu.memory_space<semaphore_mem>>) src(%dma_wait3A_1026 : memref<10000x128xf32, #tpu.memory_space<hbm>>) dst(%dma_wait3A_1016 : memref<125x128xf32, #tpu.memory_space<vmem>>)
      %gt3A = arith.constant 0 : i32
      %gt3A_1027 = arith.cmpi sgt, %scan3A_1006, %gt3A : i32
      %convert_element_type3A = arith.extui %gt3A_1027 : i1 to i32
      %cond3A = arith.constant 0 : i32
      %cond3A_1028 = arith.cmpi ne, %convert_element_type3A, %cond3A : i32
      scf.if %cond3A_1028 {
        %dma_wait3A_1093 = arith.constant 0 : i32
        %dma_wait3A_1094 = arith.constant 0 : i32
        %dma_wait3A_1095 = arith.constant 0 : i32
        %dma_wait3A_1096 = arith.constant 0 : i32
        %dma_wait3A_1097 = tpu.memref_slice %arg9[%scan3A_197, %dma_wait3A_1095, %dma_wait3A_1096] : memref<2x125x128xf32, #tpu.memory_space<vmem>> -> memref<1x125x128xf32, #tpu.memory_space<vmem>>
        %dma_wait3A_1098 = tpu.memref_squeeze %dma_wait3A_1097 : memref<1x125x128xf32, #tpu.memory_space<vmem>> -> memref<125x128xf32, #tpu.memory_space<vmem>>
        %dma_wait3A_1099 = arith.constant 0 : i32
        %dma_wait3A_1100 = arith.constant 0 : i32
        %dma_wait3A_1101 = tpu.memref_slice %arg8[%dma_wait3A_1093, %dma_wait3A_1099, %dma_wait3A_1100] : memref<2x10x125xi32, #tpu.memory_space<vmem>> -> memref<1x10x125xi32, #tpu.memory_space<vmem>>
        %dma_wait3A_1102 = tpu.memref_squeeze %dma_wait3A_1101 : memref<1x10x125xi32, #tpu.memory_space<vmem>> -> memref<10x125xi32, #tpu.memory_space<vmem>>
        %dma_wait3A_1103 = arith.constant 0 : i32
        %dma_wait3A_1104 = tpu.memref_slice %dma_wait3A_1102[%dma_wait3A_1094, %dma_wait3A_1103] : memref<10x125xi32, #tpu.memory_space<vmem>> -> memref<1x125xi32, #tpu.memory_space<vmem>>
        %dma_wait3A_1105 = tpu.memref_squeeze %dma_wait3A_1104 : memref<1x125xi32, #tpu.memory_space<vmem>> -> memref<125xi32, #tpu.memory_space<vmem>>
        %dma_wait3A_1106 = arith.constant 0 : i32
        %dma_wait3A_1107 = arith.constant 0 : i32
        %dma_wait3A_1108 = tpu.memref_slice %arg10[%dma_wait3A_1106, %dma_wait3A_1107] : memref<10240x128xf32, #tpu.memory_space<vmem_shared>> -> memref<10240x128xf32, #tpu.memory_space<vmem_shared>>
        tpu.wait_indirect_dma semaphore(%arg13 : memref<!tpu.dma_semaphore, #tpu.memory_space<semaphore_mem>>) src(%dma_wait3A_1098 : memref<125x128xf32, #tpu.memory_space<vmem>>) dst(%dma_wait3A_1108 : memref<10240x128xf32, #tpu.memory_space<vmem_shared>>)
      } else {
      }
      %dma_start3A_1029 = arith.constant 0 : i32
      %dma_start3A_1030 = arith.constant 0 : i32
      %dma_start3A_1031 = tpu.memref_slice %arg9[%scan3A_197, %dma_start3A_1029, %dma_start3A_1030] : memref<2x125x128xf32, #tpu.memory_space<vmem>> -> memref<1x125x128xf32, #tpu.memory_space<vmem>>
      %dma_start3A_1032 = tpu.memref_squeeze %dma_start3A_1031 : memref<1x125x128xf32, #tpu.memory_space<vmem>> -> memref<125x128xf32, #tpu.memory_space<vmem>>
      %dma_start3A_1033 = arith.constant 0 : i32
      %dma_start3A_1034 = arith.constant 0 : i32
      %dma_start3A_1035 = tpu.memref_slice %arg7[%scan3A_198, %dma_start3A_1033, %dma_start3A_1034] : memref<2x10x125xi32, #tpu.memory_space<vmem>> -> memref<1x10x125xi32, #tpu.memory_space<vmem>>
      %dma_start3A_1036 = tpu.memref_squeeze %dma_start3A_1035 : memref<1x10x125xi32, #tpu.memory_space<vmem>> -> memref<10x125xi32, #tpu.memory_space<vmem>>
      %dma_start3A_1037 = arith.constant 0 : i32
      %dma_start3A_1038 = tpu.memref_slice %dma_start3A_1036[%add3A_1010, %dma_start3A_1037] : memref<10x125xi32, #tpu.memory_space<vmem>> -> memref<1x125xi32, #tpu.memory_space<vmem>>
      %dma_start3A_1039 = tpu.memref_squeeze %dma_start3A_1038 : memref<1x125xi32, #tpu.memory_space<vmem>> -> memref<125xi32, #tpu.memory_space<vmem>>
      %dma_start3A_1040 = arith.constant 0 : i32
      %dma_start3A_1041 = arith.constant 0 : i32
      %dma_start3A_1042 = tpu.memref_slice %arg2[%dma_start3A_1040, %dma_start3A_1041] : memref<10000x128xf32, #tpu.memory_space<hbm>> -> memref<10000x128xf32, #tpu.memory_space<hbm>>
      tpu.enqueue_indirect_dma source(%dma_start3A_1042 : memref<10000x128xf32, #tpu.memory_space<hbm>>) target(%dma_start3A_1032 : memref<125x128xf32, #tpu.memory_space<vmem>>) offsets(%dma_start3A_1039 : memref<125xi32, #tpu.memory_space<vmem>>) semaphore(%arg11 : memref<!tpu.dma_semaphore, #tpu.memory_space<semaphore_mem>>)
      %dma_start3A_1043 = arith.constant 0 : i32
      %dma_start3A_1044 = arith.constant 0 : i32
      %dma_start3A_1045 = tpu.memref_slice %arg9[%scan3A_196, %dma_start3A_1043, %dma_start3A_1044] : memref<2x125x128xf32, #tpu.memory_space<vmem>> -> memref<1x125x128xf32, #tpu.memory_space<vmem>>
      %dma_start3A_1046 = tpu.memref_squeeze %dma_start3A_1045 : memref<1x125x128xf32, #tpu.memory_space<vmem>> -> memref<125x128xf32, #tpu.memory_space<vmem>>
      %dma_start3A_1047 = arith.constant 0 : i32
      %dma_start3A_1048 = arith.constant 0 : i32
      %dma_start3A_1049 = tpu.memref_slice %arg8[%scan3A_199, %dma_start3A_1047, %dma_start3A_1048] : memref<2x10x125xi32, #tpu.memory_space<vmem>> -> memref<1x10x125xi32, #tpu.memory_space<vmem>>
      %dma_start3A_1050 = tpu.memref_squeeze %dma_start3A_1049 : memref<1x10x125xi32, #tpu.memory_space<vmem>> -> memref<10x125xi32, #tpu.memory_space<vmem>>
      %dma_start3A_1051 = arith.constant 0 : i32
      %dma_start3A_1052 = tpu.memref_slice %dma_start3A_1050[%mul3A_1008, %dma_start3A_1051] : memref<10x125xi32, #tpu.memory_space<vmem>> -> memref<1x125xi32, #tpu.memory_space<vmem>>
      %dma_start3A_1053 = tpu.memref_squeeze %dma_start3A_1052 : memref<1x125xi32, #tpu.memory_space<vmem>> -> memref<125xi32, #tpu.memory_space<vmem>>
      %dma_start3A_1054 = arith.constant 0 : i32
      %dma_start3A_1055 = arith.constant 0 : i32
      %dma_start3A_1056 = tpu.memref_slice %arg10[%dma_start3A_1054, %dma_start3A_1055] : memref<10240x128xf32, #tpu.memory_space<vmem_shared>> -> memref<10240x128xf32, #tpu.memory_space<vmem_shared>>
      tpu.enqueue_indirect_dma source(%dma_start3A_1046 : memref<125x128xf32, #tpu.memory_space<vmem>>) target(%dma_start3A_1056 : memref<10240x128xf32, #tpu.memory_space<vmem_shared>>) offsets(%dma_start3A_1053 : memref<125xi32, #tpu.memory_space<vmem>>) semaphore(%arg12 : memref<!tpu.dma_semaphore, #tpu.memory_space<semaphore_mem>>) {add = true}
      %dma_wait3A_1057 = arith.constant 0 : i32
      %dma_wait3A_1058 = arith.constant 0 : i32
      %dma_wait3A_1059 = arith.constant 0 : i32
      %dma_wait3A_1060 = arith.constant 0 : i32
      %dma_wait3A_1061 = tpu.memref_slice %arg9[%scan3A_197, %dma_wait3A_1059, %dma_wait3A_1060] : memref<2x125x128xf32, #tpu.memory_space<vmem>> -> memref<1x125x128xf32, #tpu.memory_space<vmem>>
      %dma_wait3A_1062 = tpu.memref_squeeze %dma_wait3A_1061 : memref<1x125x128xf32, #tpu.memory_space<vmem>> -> memref<125x128xf32, #tpu.memory_space<vmem>>
      %dma_wait3A_1063 = arith.constant 0 : i32
      %dma_wait3A_1064 = arith.constant 0 : i32
      %dma_wait3A_1065 = tpu.memref_slice %arg7[%dma_wait3A_1057, %dma_wait3A_1063, %dma_wait3A_1064] : memref<2x10x125xi32, #tpu.memory_space<vmem>> -> memref<1x10x125xi32, #tpu.memory_space<vmem>>
      %dma_wait3A_1066 = tpu.memref_squeeze %dma_wait3A_1065 : memref<1x10x125xi32, #tpu.memory_space<vmem>> -> memref<10x125xi32, #tpu.memory_space<vmem>>
      %dma_wait3A_1067 = arith.constant 0 : i32
      %dma_wait3A_1068 = tpu.memref_slice %dma_wait3A_1066[%dma_wait3A_1058, %dma_wait3A_1067] : memref<10x125xi32, #tpu.memory_space<vmem>> -> memref<1x125xi32, #tpu.memory_space<vmem>>
      %dma_wait3A_1069 = tpu.memref_squeeze %dma_wait3A_1068 : memref<1x125xi32, #tpu.memory_space<vmem>> -> memref<125xi32, #tpu.memory_space<vmem>>
      %dma_wait3A_1070 = arith.constant 0 : i32
      %dma_wait3A_1071 = arith.constant 0 : i32
      %dma_wait3A_1072 = tpu.memref_slice %arg2[%dma_wait3A_1070, %dma_wait3A_1071] : memref<10000x128xf32, #tpu.memory_space<hbm>> -> memref<10000x128xf32, #tpu.memory_space<hbm>>
      tpu.wait_indirect_dma semaphore(%arg11 : memref<!tpu.dma_semaphore, #tpu.memory_space<semaphore_mem>>) src(%dma_wait3A_1072 : memref<10000x128xf32, #tpu.memory_space<hbm>>) dst(%dma_wait3A_1062 : memref<125x128xf32, #tpu.memory_space<vmem>>)
      %add3A_1073 = arith.constant 1 : i32
      %add3A_1074 = arith.addi %scan3A_1006, %add3A_1073 : i32
      %lt3A = arith.constant 5 : i32
      %lt3A_1075 = arith.cmpi slt, %add3A_1074, %lt3A : i32
      %convert_element_type3A_1076 = arith.extui %lt3A_1075 : i1 to i32
      %cond3A_1077 = arith.constant 0 : i32
      %cond3A_1078 = arith.cmpi ne, %convert_element_type3A_1076, %cond3A_1077 : i32
      scf.if %cond3A_1078 {
        %dma_wait3A_1093 = arith.constant 0 : i32
        %dma_wait3A_1094 = arith.constant 0 : i32
        %dma_wait3A_1095 = arith.constant 0 : i32
        %dma_wait3A_1096 = arith.constant 0 : i32
        %dma_wait3A_1097 = tpu.memref_slice %arg9[%scan3A_196, %dma_wait3A_1095, %dma_wait3A_1096] : memref<2x125x128xf32, #tpu.memory_space<vmem>> -> memref<1x125x128xf32, #tpu.memory_space<vmem>>
        %dma_wait3A_1098 = tpu.memref_squeeze %dma_wait3A_1097 : memref<1x125x128xf32, #tpu.memory_space<vmem>> -> memref<125x128xf32, #tpu.memory_space<vmem>>
        %dma_wait3A_1099 = arith.constant 0 : i32
        %dma_wait3A_1100 = arith.constant 0 : i32
        %dma_wait3A_1101 = tpu.memref_slice %arg8[%dma_wait3A_1093, %dma_wait3A_1099, %dma_wait3A_1100] : memref<2x10x125xi32, #tpu.memory_space<vmem>> -> memref<1x10x125xi32, #tpu.memory_space<vmem>>
        %dma_wait3A_1102 = tpu.memref_squeeze %dma_wait3A_1101 : memref<1x10x125xi32, #tpu.memory_space<vmem>> -> memref<10x125xi32, #tpu.memory_space<vmem>>
        %dma_wait3A_1103 = arith.constant 0 : i32
        %dma_wait3A_1104 = tpu.memref_slice %dma_wait3A_1102[%dma_wait3A_1094, %dma_wait3A_1103] : memref<10x125xi32, #tpu.memory_space<vmem>> -> memref<1x125xi32, #tpu.memory_space<vmem>>
        %dma_wait3A_1105 = tpu.memref_squeeze %dma_wait3A_1104 : memref<1x125xi32, #tpu.memory_space<vmem>> -> memref<125xi32, #tpu.memory_space<vmem>>
        %dma_wait3A_1106 = arith.constant 0 : i32
        %dma_wait3A_1107 = arith.constant 0 : i32
        %dma_wait3A_1108 = tpu.memref_slice %arg10[%dma_wait3A_1106, %dma_wait3A_1107] : memref<10240x128xf32, #tpu.memory_space<vmem_shared>> -> memref<10240x128xf32, #tpu.memory_space<vmem_shared>>
        tpu.wait_indirect_dma semaphore(%arg12 : memref<!tpu.dma_semaphore, #tpu.memory_space<semaphore_mem>>) src(%dma_wait3A_1098 : memref<125x128xf32, #tpu.memory_space<vmem>>) dst(%dma_wait3A_1108 : memref<10240x128xf32, #tpu.memory_space<vmem_shared>>)
        %add3A_1109 = arith.constant 2 : i32
        %add3A_1110 = arith.addi %mul3A_1008, %add3A_1109 : i32
        %dma_start3A_1111 = arith.constant 0 : i32
        %dma_start3A_1112 = arith.constant 0 : i32
        %dma_start3A_1113 = tpu.memref_slice %arg9[%scan3A_196, %dma_start3A_1111, %dma_start3A_1112] : memref<2x125x128xf32, #tpu.memory_space<vmem>> -> memref<1x125x128xf32, #tpu.memory_space<vmem>>
        %dma_start3A_1114 = tpu.memref_squeeze %dma_start3A_1113 : memref<1x125x128xf32, #tpu.memory_space<vmem>> -> memref<125x128xf32, #tpu.memory_space<vmem>>
        %dma_start3A_1115 = arith.constant 0 : i32
        %dma_start3A_1116 = arith.constant 0 : i32
        %dma_start3A_1117 = tpu.memref_slice %arg7[%scan3A_198, %dma_start3A_1115, %dma_start3A_1116] : memref<2x10x125xi32, #tpu.memory_space<vmem>> -> memref<1x10x125xi32, #tpu.memory_space<vmem>>
        %dma_start3A_1118 = tpu.memref_squeeze %dma_start3A_1117 : memref<1x10x125xi32, #tpu.memory_space<vmem>> -> memref<10x125xi32, #tpu.memory_space<vmem>>
        %dma_start3A_1119 = arith.constant 0 : i32
        %dma_start3A_1120 = tpu.memref_slice %dma_start3A_1118[%add3A_1110, %dma_start3A_1119] : memref<10x125xi32, #tpu.memory_space<vmem>> -> memref<1x125xi32, #tpu.memory_space<vmem>>
        %dma_start3A_1121 = tpu.memref_squeeze %dma_start3A_1120 : memref<1x125xi32, #tpu.memory_space<vmem>> -> memref<125xi32, #tpu.memory_space<vmem>>
        %dma_start3A_1122 = arith.constant 0 : i32
        %dma_start3A_1123 = arith.constant 0 : i32
        %dma_start3A_1124 = tpu.memref_slice %arg2[%dma_start3A_1122, %dma_start3A_1123] : memref<10000x128xf32, #tpu.memory_space<hbm>> -> memref<10000x128xf32, #tpu.memory_space<hbm>>
        tpu.enqueue_indirect_dma source(%dma_start3A_1124 : memref<10000x128xf32, #tpu.memory_space<hbm>>) target(%dma_start3A_1114 : memref<125x128xf32, #tpu.memory_space<vmem>>) offsets(%dma_start3A_1121 : memref<125xi32, #tpu.memory_space<vmem>>) semaphore(%arg11 : memref<!tpu.dma_semaphore, #tpu.memory_space<semaphore_mem>>)
      } else {
      }
      %dma_start3A_1079 = arith.constant 0 : i32
      %dma_start3A_1080 = arith.constant 0 : i32
      %dma_start3A_1081 = tpu.memref_slice %arg9[%scan3A_197, %dma_start3A_1079, %dma_start3A_1080] : memref<2x125x128xf32, #tpu.memory_space<vmem>> -> memref<1x125x128xf32, #tpu.memory_space<vmem>>
      %dma_start3A_1082 = tpu.memref_squeeze %dma_start3A_1081 : memref<1x125x128xf32, #tpu.memory_space<vmem>> -> memref<125x128xf32, #tpu.memory_space<vmem>>
      %dma_start3A_1083 = arith.constant 0 : i32
      %dma_start3A_1084 = arith.constant 0 : i32
      %dma_start3A_1085 = tpu.memref_slice %arg8[%scan3A_199, %dma_start3A_1083, %dma_start3A_1084] : memref<2x10x125xi32, #tpu.memory_space<vmem>> -> memref<1x10x125xi32, #tpu.memory_space<vmem>>
      %dma_start3A_1086 = tpu.memref_squeeze %dma_start3A_1085 : memref<1x10x125xi32, #tpu.memory_space<vmem>> -> memref<10x125xi32, #tpu.memory_space<vmem>>
      %dma_start3A_1087 = arith.constant 0 : i32
      %dma_start3A_1088 = tpu.memref_slice %dma_start3A_1086[%add3A_1010, %dma_start3A_1087] : memref<10x125xi32, #tpu.memory_space<vmem>> -> memref<1x125xi32, #tpu.memory_space<vmem>>
      %dma_start3A_1089 = tpu.memref_squeeze %dma_start3A_1088 : memref<1x125xi32, #tpu.memory_space<vmem>> -> memref<125xi32, #tpu.memory_space<vmem>>
      %dma_start3A_1090 = arith.constant 0 : i32
      %dma_start3A_1091 = arith.constant 0 : i32
      %dma_start3A_1092 = tpu.memref_slice %arg10[%dma_start3A_1090, %dma_start3A_1091] : memref<10240x128xf32, #tpu.memory_space<vmem_shared>> -> memref<10240x128xf32, #tpu.memory_space<vmem_shared>>
      tpu.enqueue_indirect_dma source(%dma_start3A_1082 : memref<125x128xf32, #tpu.memory_space<vmem>>) target(%dma_start3A_1092 : memref<10240x128xf32, #tpu.memory_space<vmem_shared>>) offsets(%dma_start3A_1089 : memref<125xi32, #tpu.memory_space<vmem>>) semaphore(%arg13 : memref<!tpu.dma_semaphore, #tpu.memory_space<semaphore_mem>>) {add = true}
    }
    %scan3A_204 = arith.constant 5 : i32
    %dma_wait3A_205 = arith.constant 0 : i32
    %dma_wait3A_206 = arith.constant 0 : i32
    %dma_wait3A_207 = arith.constant 0 : i32
    %dma_wait3A_208 = arith.constant 0 : i32
    %dma_wait3A_209 = tpu.memref_slice %arg7[%dma_wait3A_206, %dma_wait3A_207, %dma_wait3A_208] : memref<2x10x125xi32, #tpu.memory_space<vmem>> -> memref<1x10x125xi32, #tpu.memory_space<vmem>>
    %dma_wait3A_210 = tpu.memref_squeeze %dma_wait3A_209 : memref<1x10x125xi32, #tpu.memory_space<vmem>> -> memref<10x125xi32, #tpu.memory_space<vmem>>
    %dma_wait3A_211 = arith.constant 0 : i32
    %dma_wait3A_212 = arith.constant 0 : i32
    %dma_wait3A_213 = tpu.memref_slice %arg3[%add3A, %dma_wait3A_205, %dma_wait3A_211, %dma_wait3A_212] : memref<32x8x10x125xi32, #tpu.memory_space<hbm>> -> memref<1x1x10x125xi32, #tpu.memory_space<hbm>>
    %dma_wait3A_214 = tpu.memref_squeeze %dma_wait3A_213 : memref<1x1x10x125xi32, #tpu.memory_space<hbm>> -> memref<10x125xi32, #tpu.memory_space<hbm>>
    %dma_wait3A_215 = arith.constant 0 : i32
    %dma_wait3A_216 = arith.constant 0 : i32
    %dma_wait3A_217 = tpu.memref_slice %arg7[%dma_wait3A_206, %dma_wait3A_215, %dma_wait3A_216] : memref<2x10x125xi32, #tpu.memory_space<vmem>> -> memref<1x10x125xi32, #tpu.memory_space<vmem>>
    %dma_wait3A_218 = tpu.memref_squeeze %dma_wait3A_217 : memref<1x10x125xi32, #tpu.memory_space<vmem>> -> memref<10x125xi32, #tpu.memory_space<vmem>>
    %dma_wait3A_219 = arith.constant 0 : i32
    %dma_wait3A_220 = arith.constant 0 : i32
    %dma_wait3A_221 = tpu.memref_slice %arg3[%add3A, %dma_wait3A_205, %dma_wait3A_219, %dma_wait3A_220] : memref<32x8x10x125xi32, #tpu.memory_space<hbm>> -> memref<1x1x10x125xi32, #tpu.memory_space<hbm>>
    %dma_wait3A_222 = tpu.memref_squeeze %dma_wait3A_221 : memref<1x1x10x125xi32, #tpu.memory_space<hbm>> -> memref<10x125xi32, #tpu.memory_space<hbm>>
    tpu.wait_dma2 semaphore(%arg14 : memref<!tpu.dma_semaphore, #tpu.memory_space<semaphore_mem>>) src(%dma_wait3A_222 : memref<10x125xi32, #tpu.memory_space<hbm>>) dst(%dma_wait3A_218 : memref<10x125xi32, #tpu.memory_space<vmem>>)
    %dma_wait3A_223 = arith.constant 0 : i32
    %dma_wait3A_224 = arith.constant 0 : i32
    %dma_wait3A_225 = arith.constant 0 : i32
    %dma_wait3A_226 = arith.constant 0 : i32
    %dma_wait3A_227 = tpu.memref_slice %arg8[%dma_wait3A_224, %dma_wait3A_225, %dma_wait3A_226] : memref<2x10x125xi32, #tpu.memory_space<vmem>> -> memref<1x10x125xi32, #tpu.memory_space<vmem>>
    %dma_wait3A_228 = tpu.memref_squeeze %dma_wait3A_227 : memref<1x10x125xi32, #tpu.memory_space<vmem>> -> memref<10x125xi32, #tpu.memory_space<vmem>>
    %dma_wait3A_229 = arith.constant 0 : i32
    %dma_wait3A_230 = arith.constant 0 : i32
    %dma_wait3A_231 = tpu.memref_slice %arg3[%add3A, %dma_wait3A_223, %dma_wait3A_229, %dma_wait3A_230] : memref<32x8x10x125xi32, #tpu.memory_space<hbm>> -> memref<1x1x10x125xi32, #tpu.memory_space<hbm>>
    %dma_wait3A_232 = tpu.memref_squeeze %dma_wait3A_231 : memref<1x1x10x125xi32, #tpu.memory_space<hbm>> -> memref<10x125xi32, #tpu.memory_space<hbm>>
    %dma_wait3A_233 = arith.constant 0 : i32
    %dma_wait3A_234 = arith.constant 0 : i32
    %dma_wait3A_235 = tpu.memref_slice %arg8[%dma_wait3A_224, %dma_wait3A_233, %dma_wait3A_234] : memref<2x10x125xi32, #tpu.memory_space<vmem>> -> memref<1x10x125xi32, #tpu.memory_space<vmem>>
    %dma_wait3A_236 = tpu.memref_squeeze %dma_wait3A_235 : memref<1x10x125xi32, #tpu.memory_space<vmem>> -> memref<10x125xi32, #tpu.memory_space<vmem>>
    %dma_wait3A_237 = arith.constant 0 : i32
    %dma_wait3A_238 = arith.constant 0 : i32
    %dma_wait3A_239 = tpu.memref_slice %arg3[%add3A, %dma_wait3A_223, %dma_wait3A_237, %dma_wait3A_238] : memref<32x8x10x125xi32, #tpu.memory_space<hbm>> -> memref<1x1x10x125xi32, #tpu.memory_space<hbm>>
    %dma_wait3A_240 = tpu.memref_squeeze %dma_wait3A_239 : memref<1x1x10x125xi32, #tpu.memory_space<hbm>> -> memref<10x125xi32, #tpu.memory_space<hbm>>
    tpu.wait_dma2 semaphore(%arg14 : memref<!tpu.dma_semaphore, #tpu.memory_space<semaphore_mem>>) src(%dma_wait3A_240 : memref<10x125xi32, #tpu.memory_space<hbm>>) dst(%dma_wait3A_236 : memref<10x125xi32, #tpu.memory_space<vmem>>)
    %dma_wait3A_241 = arith.constant 0 : i32
    %dma_wait3A_242 = arith.constant 0 : i32
    %dma_wait3A_243 = arith.constant 0 : i32
    %dma_wait3A_244 = arith.constant 0 : i32
    %dma_wait3A_245 = arith.constant 0 : i32
    %dma_wait3A_246 = tpu.memref_slice %arg9[%dma_wait3A_241, %dma_wait3A_244, %dma_wait3A_245] : memref<2x125x128xf32, #tpu.memory_space<vmem>> -> memref<1x125x128xf32, #tpu.memory_space<vmem>>
    %dma_wait3A_247 = tpu.memref_squeeze %dma_wait3A_246 : memref<1x125x128xf32, #tpu.memory_space<vmem>> -> memref<125x128xf32, #tpu.memory_space<vmem>>
    %dma_wait3A_248 = arith.constant 0 : i32
    %dma_wait3A_249 = arith.constant 0 : i32
    %dma_wait3A_250 = tpu.memref_slice %arg8[%dma_wait3A_242, %dma_wait3A_248, %dma_wait3A_249] : memref<2x10x125xi32, #tpu.memory_space<vmem>> -> memref<1x10x125xi32, #tpu.memory_space<vmem>>
    %dma_wait3A_251 = tpu.memref_squeeze %dma_wait3A_250 : memref<1x10x125xi32, #tpu.memory_space<vmem>> -> memref<10x125xi32, #tpu.memory_space<vmem>>
    %dma_wait3A_252 = arith.constant 0 : i32
    %dma_wait3A_253 = tpu.memref_slice %dma_wait3A_251[%dma_wait3A_243, %dma_wait3A_252] : memref<10x125xi32, #tpu.memory_space<vmem>> -> memref<1x125xi32, #tpu.memory_space<vmem>>
    %dma_wait3A_254 = tpu.memref_squeeze %dma_wait3A_253 : memref<1x125xi32, #tpu.memory_space<vmem>> -> memref<125xi32, #tpu.memory_space<vmem>>
    %dma_wait3A_255 = arith.constant 0 : i32
    %dma_wait3A_256 = arith.constant 0 : i32
    %dma_wait3A_257 = tpu.memref_slice %arg10[%dma_wait3A_255, %dma_wait3A_256] : memref<10240x128xf32, #tpu.memory_space<vmem_shared>> -> memref<10240x128xf32, #tpu.memory_space<vmem_shared>>
    tpu.wait_indirect_dma semaphore(%arg12 : memref<!tpu.dma_semaphore, #tpu.memory_space<semaphore_mem>>) src(%dma_wait3A_247 : memref<125x128xf32, #tpu.memory_space<vmem>>) dst(%dma_wait3A_257 : memref<10240x128xf32, #tpu.memory_space<vmem_shared>>)
    %dma_start3A_258 = arith.constant 0 : i32
    %dma_start3A_259 = arith.constant 0 : i32
    %dma_start3A_260 = arith.constant 0 : i32
    %dma_start3A_261 = arith.constant 0 : i32
    %dma_start3A_262 = arith.constant 0 : i32
    %dma_start3A_263 = tpu.memref_slice %arg9[%dma_start3A_260, %dma_start3A_261, %dma_start3A_262] : memref<2x125x128xf32, #tpu.memory_space<vmem>> -> memref<1x125x128xf32, #tpu.memory_space<vmem>>
    %dma_start3A_264 = tpu.memref_squeeze %dma_start3A_263 : memref<1x125x128xf32, #tpu.memory_space<vmem>> -> memref<125x128xf32, #tpu.memory_space<vmem>>
    %dma_start3A_265 = arith.constant 0 : i32
    %dma_start3A_266 = arith.constant 0 : i32
    %dma_start3A_267 = tpu.memref_slice %arg7[%dma_start3A_258, %dma_start3A_265, %dma_start3A_266] : memref<2x10x125xi32, #tpu.memory_space<vmem>> -> memref<1x10x125xi32, #tpu.memory_space<vmem>>
    %dma_start3A_268 = tpu.memref_squeeze %dma_start3A_267 : memref<1x10x125xi32, #tpu.memory_space<vmem>> -> memref<10x125xi32, #tpu.memory_space<vmem>>
    %dma_start3A_269 = arith.constant 0 : i32
    %dma_start3A_270 = tpu.memref_slice %dma_start3A_268[%dma_start3A_259, %dma_start3A_269] : memref<10x125xi32, #tpu.memory_space<vmem>> -> memref<1x125xi32, #tpu.memory_space<vmem>>
    %dma_start3A_271 = tpu.memref_squeeze %dma_start3A_270 : memref<1x125xi32, #tpu.memory_space<vmem>> -> memref<125xi32, #tpu.memory_space<vmem>>
    %dma_start3A_272 = arith.constant 0 : i32
    %dma_start3A_273 = arith.constant 0 : i32
    %dma_start3A_274 = tpu.memref_slice %arg2[%dma_start3A_272, %dma_start3A_273] : memref<10000x128xf32, #tpu.memory_space<hbm>> -> memref<10000x128xf32, #tpu.memory_space<hbm>>
    tpu.enqueue_indirect_dma source(%dma_start3A_274 : memref<10000x128xf32, #tpu.memory_space<hbm>>) target(%dma_start3A_264 : memref<125x128xf32, #tpu.memory_space<vmem>>) offsets(%dma_start3A_271 : memref<125xi32, #tpu.memory_space<vmem>>) semaphore(%arg11 : memref<!tpu.dma_semaphore, #tpu.memory_space<semaphore_mem>>)
    %dma_wait3A_275 = arith.constant 1 : i32
    %dma_wait3A_276 = arith.constant 0 : i32
    %dma_wait3A_277 = arith.constant 0 : i32
    %dma_wait3A_278 = arith.constant 0 : i32
    %dma_wait3A_279 = arith.constant 0 : i32
    %dma_wait3A_280 = tpu.memref_slice %arg9[%dma_wait3A_275, %dma_wait3A_278, %dma_wait3A_279] : memref<2x125x128xf32, #tpu.memory_space<vmem>> -> memref<1x125x128xf32, #tpu.memory_space<vmem>>
    %dma_wait3A_281 = tpu.memref_squeeze %dma_wait3A_280 : memref<1x125x128xf32, #tpu.memory_space<vmem>> -> memref<125x128xf32, #tpu.memory_space<vmem>>
    %dma_wait3A_282 = arith.constant 0 : i32
    %dma_wait3A_283 = arith.constant 0 : i32
    %dma_wait3A_284 = tpu.memref_slice %arg8[%dma_wait3A_276, %dma_wait3A_282, %dma_wait3A_283] : memref<2x10x125xi32, #tpu.memory_space<vmem>> -> memref<1x10x125xi32, #tpu.memory_space<vmem>>
    %dma_wait3A_285 = tpu.memref_squeeze %dma_wait3A_284 : memref<1x10x125xi32, #tpu.memory_space<vmem>> -> memref<10x125xi32, #tpu.memory_space<vmem>>
    %dma_wait3A_286 = arith.constant 0 : i32
    %dma_wait3A_287 = tpu.memref_slice %dma_wait3A_285[%dma_wait3A_277, %dma_wait3A_286] : memref<10x125xi32, #tpu.memory_space<vmem>> -> memref<1x125xi32, #tpu.memory_space<vmem>>
    %dma_wait3A_288 = tpu.memref_squeeze %dma_wait3A_287 : memref<1x125xi32, #tpu.memory_space<vmem>> -> memref<125xi32, #tpu.memory_space<vmem>>
    %dma_wait3A_289 = arith.constant 0 : i32
    %dma_wait3A_290 = arith.constant 0 : i32
    %dma_wait3A_291 = tpu.memref_slice %arg10[%dma_wait3A_289, %dma_wait3A_290] : memref<10240x128xf32, #tpu.memory_space<vmem_shared>> -> memref<10240x128xf32, #tpu.memory_space<vmem_shared>>
    tpu.wait_indirect_dma semaphore(%arg13 : memref<!tpu.dma_semaphore, #tpu.memory_space<semaphore_mem>>) src(%dma_wait3A_281 : memref<125x128xf32, #tpu.memory_space<vmem>>) dst(%dma_wait3A_291 : memref<10240x128xf32, #tpu.memory_space<vmem_shared>>)
    %dma_start3A_292 = arith.constant 3 : i32
    %dma_start3A_293 = arith.constant 1 : i32
    %dma_start3A_294 = arith.constant 0 : i32
    %dma_start3A_295 = arith.constant 0 : i32
    %dma_start3A_296 = tpu.memref_slice %arg7[%dma_start3A_293, %dma_start3A_294, %dma_start3A_295] : memref<2x10x125xi32, #tpu.memory_space<vmem>> -> memref<1x10x125xi32, #tpu.memory_space<vmem>>
    %dma_start3A_297 = tpu.memref_squeeze %dma_start3A_296 : memref<1x10x125xi32, #tpu.memory_space<vmem>> -> memref<10x125xi32, #tpu.memory_space<vmem>>
    %dma_start3A_298 = arith.constant 0 : i32
    %dma_start3A_299 = arith.constant 0 : i32
    %dma_start3A_300 = tpu.memref_slice %arg3[%add3A, %dma_start3A_292, %dma_start3A_298, %dma_start3A_299] : memref<32x8x10x125xi32, #tpu.memory_space<hbm>> -> memref<1x1x10x125xi32, #tpu.memory_space<hbm>>
    %dma_start3A_301 = tpu.memref_squeeze %dma_start3A_300 : memref<1x1x10x125xi32, #tpu.memory_space<hbm>> -> memref<10x125xi32, #tpu.memory_space<hbm>>
    %dma_start3A_302 = arith.constant 0 : i32
    %dma_start3A_303 = arith.constant 0 : i32
    %dma_start3A_304 = tpu.memref_slice %arg7[%dma_start3A_293, %dma_start3A_302, %dma_start3A_303] : memref<2x10x125xi32, #tpu.memory_space<vmem>> -> memref<1x10x125xi32, #tpu.memory_space<vmem>>
    %dma_start3A_305 = tpu.memref_squeeze %dma_start3A_304 : memref<1x10x125xi32, #tpu.memory_space<vmem>> -> memref<10x125xi32, #tpu.memory_space<vmem>>
    %dma_start3A_306 = arith.constant 0 : i32
    %dma_start3A_307 = arith.constant 0 : i32
    %dma_start3A_308 = tpu.memref_slice %arg3[%add3A, %dma_start3A_292, %dma_start3A_306, %dma_start3A_307] : memref<32x8x10x125xi32, #tpu.memory_space<hbm>> -> memref<1x1x10x125xi32, #tpu.memory_space<hbm>>
    %dma_start3A_309 = tpu.memref_squeeze %dma_start3A_308 : memref<1x1x10x125xi32, #tpu.memory_space<hbm>> -> memref<10x125xi32, #tpu.memory_space<hbm>>
    tpu.enqueue_dma source(%dma_start3A_309 : memref<10x125xi32, #tpu.memory_space<hbm>>) target(%dma_start3A_305 : memref<10x125xi32, #tpu.memory_space<vmem>>) target_semaphore(%arg14 : memref<!tpu.dma_semaphore, #tpu.memory_space<semaphore_mem>>)
    %dma_start3A_310 = arith.constant 3 : i32
    %dma_start3A_311 = arith.constant 1 : i32
    %dma_start3A_312 = arith.constant 0 : i32
    %dma_start3A_313 = arith.constant 0 : i32
    %dma_start3A_314 = tpu.memref_slice %arg8[%dma_start3A_311, %dma_start3A_312, %dma_start3A_313] : memref<2x10x125xi32, #tpu.memory_space<vmem>> -> memref<1x10x125xi32, #tpu.memory_space<vmem>>
    %dma_start3A_315 = tpu.memref_squeeze %dma_start3A_314 : memref<1x10x125xi32, #tpu.memory_space<vmem>> -> memref<10x125xi32, #tpu.memory_space<vmem>>
    %dma_start3A_316 = arith.constant 0 : i32
    %dma_start3A_317 = arith.constant 0 : i32
    %dma_start3A_318 = tpu.memref_slice %arg4[%add3A, %dma_start3A_310, %dma_start3A_316, %dma_start3A_317] : memref<32x8x10x125xi32, #tpu.memory_space<hbm>> -> memref<1x1x10x125xi32, #tpu.memory_space<hbm>>
    %dma_start3A_319 = tpu.memref_squeeze %dma_start3A_318 : memref<1x1x10x125xi32, #tpu.memory_space<hbm>> -> memref<10x125xi32, #tpu.memory_space<hbm>>
    %dma_start3A_320 = arith.constant 0 : i32
    %dma_start3A_321 = arith.constant 0 : i32
    %dma_start3A_322 = tpu.memref_slice %arg8[%dma_start3A_311, %dma_start3A_320, %dma_start3A_321] : memref<2x10x125xi32, #tpu.memory_space<vmem>> -> memref<1x10x125xi32, #tpu.memory_space<vmem>>
    %dma_start3A_323 = tpu.memref_squeeze %dma_start3A_322 : memref<1x10x125xi32, #tpu.memory_space<vmem>> -> memref<10x125xi32, #tpu.memory_space<vmem>>
    %dma_start3A_324 = arith.constant 0 : i32
    %dma_start3A_325 = arith.constant 0 : i32
    %dma_start3A_326 = tpu.memref_slice %arg4[%add3A, %dma_start3A_310, %dma_start3A_324, %dma_start3A_325] : memref<32x8x10x125xi32, #tpu.memory_space<hbm>> -> memref<1x1x10x125xi32, #tpu.memory_space<hbm>>
    %dma_start3A_327 = tpu.memref_squeeze %dma_start3A_326 : memref<1x1x10x125xi32, #tpu.memory_space<hbm>> -> memref<10x125xi32, #tpu.memory_space<hbm>>
    tpu.enqueue_dma source(%dma_start3A_327 : memref<10x125xi32, #tpu.memory_space<hbm>>) target(%dma_start3A_323 : memref<10x125xi32, #tpu.memory_space<vmem>>) target_semaphore(%arg14 : memref<!tpu.dma_semaphore, #tpu.memory_space<semaphore_mem>>)
    %scan3A_328 = arith.constant 0 : i32
    %scan3A_329 = arith.constant 0 : i32
    %scan3A_330 = arith.constant 1 : i32
    %scan3A_331 = arith.constant 0 : i32
    %scan3A_332 = arith.constant 0 : i32
    %scan3A_333 = arith.constant 0 : i32
    %scan3A_334 = arith.constant 5 : i32
    %scan3A_335 = arith.addi %scan3A_333, %scan3A_334 : i32
    %scan3A_336 = arith.constant 1 : i32
    scf.for %scan3A_1006 = %scan3A_333 to %scan3A_335 step %scan3A_336  : i32 {
      %mul3A_1007 = arith.constant 2 : i32
      %mul3A_1008 = arith.muli %mul3A_1007, %scan3A_1006 : i32
      %add3A_1009 = arith.constant 1 : i32
      %add3A_1010 = arith.addi %mul3A_1008, %add3A_1009 : i32
      %dma_wait3A_1011 = arith.constant 0 : i32
      %dma_wait3A_1012 = arith.constant 0 : i32
      %dma_wait3A_1013 = arith.constant 0 : i32
      %dma_wait3A_1014 = arith.constant 0 : i32
      %dma_wait3A_1015 = tpu.memref_slice %arg9[%scan3A_329, %dma_wait3A_1013, %dma_wait3A_1014] : memref<2x125x128xf32, #tpu.memory_space<vmem>> -> memref<1x125x128xf32, #tpu.memory_space<vmem>>
      %dma_wait3A_1016 = tpu.memref_squeeze %dma_wait3A_1015 : memref<1x125x128xf32, #tpu.memory_space<vmem>> -> memref<125x128xf32, #tpu.memory_space<vmem>>
      %dma_wait3A_1017 = arith.constant 0 : i32
      %dma_wait3A_1018 = arith.constant 0 : i32
      %dma_wait3A_1019 = tpu.memref_slice %arg7[%dma_wait3A_1011, %dma_wait3A_1017, %dma_wait3A_1018] : memref<2x10x125xi32, #tpu.memory_space<vmem>> -> memref<1x10x125xi32, #tpu.memory_space<vmem>>
      %dma_wait3A_1020 = tpu.memref_squeeze %dma_wait3A_1019 : memref<1x10x125xi32, #tpu.memory_space<vmem>> -> memref<10x125xi32, #tpu.memory_space<vmem>>
      %dma_wait3A_1021 = arith.constant 0 : i32
      %dma_wait3A_1022 = tpu.memref_slice %dma_wait3A_1020[%dma_wait3A_1012, %dma_wait3A_1021] : memref<10x125xi32, #tpu.memory_space<vmem>> -> memref<1x125xi32, #tpu.memory_space<vmem>>
      %dma_wait3A_1023 = tpu.memref_squeeze %dma_wait3A_1022 : memref<1x125xi32, #tpu.memory_space<vmem>> -> memref<125xi32, #tpu.memory_space<vmem>>
      %dma_wait3A_1024 = arith.constant 0 : i32
      %dma_wait3A_1025 = arith.constant 0 : i32
      %dma_wait3A_1026 = tpu.memref_slice %arg2[%dma_wait3A_1024, %dma_wait3A_1025] : memref<10000x128xf32, #tpu.memory_space<hbm>> -> memref<10000x128xf32, #tpu.memory_space<hbm>>
      tpu.wait_indirect_dma semaphore(%arg11 : memref<!tpu.dma_semaphore, #tpu.memory_space<semaphore_mem>>) src(%dma_wait3A_1026 : memref<10000x128xf32, #tpu.memory_space<hbm>>) dst(%dma_wait3A_1016 : memref<125x128xf32, #tpu.memory_space<vmem>>)
      %gt3A = arith.constant 0 : i32
      %gt3A_1027 = arith.cmpi sgt, %scan3A_1006, %gt3A : i32
      %convert_element_type3A = arith.extui %gt3A_1027 : i1 to i32
      %cond3A = arith.constant 0 : i32
      %cond3A_1028 = arith.cmpi ne, %convert_element_type3A, %cond3A : i32
      scf.if %cond3A_1028 {
        %dma_wait3A_1093 = arith.constant 0 : i32
        %dma_wait3A_1094 = arith.constant 0 : i32
        %dma_wait3A_1095 = arith.constant 0 : i32
        %dma_wait3A_1096 = arith.constant 0 : i32
        %dma_wait3A_1097 = tpu.memref_slice %arg9[%scan3A_330, %dma_wait3A_1095, %dma_wait3A_1096] : memref<2x125x128xf32, #tpu.memory_space<vmem>> -> memref<1x125x128xf32, #tpu.memory_space<vmem>>
        %dma_wait3A_1098 = tpu.memref_squeeze %dma_wait3A_1097 : memref<1x125x128xf32, #tpu.memory_space<vmem>> -> memref<125x128xf32, #tpu.memory_space<vmem>>
        %dma_wait3A_1099 = arith.constant 0 : i32
        %dma_wait3A_1100 = arith.constant 0 : i32
        %dma_wait3A_1101 = tpu.memref_slice %arg8[%dma_wait3A_1093, %dma_wait3A_1099, %dma_wait3A_1100] : memref<2x10x125xi32, #tpu.memory_space<vmem>> -> memref<1x10x125xi32, #tpu.memory_space<vmem>>
        %dma_wait3A_1102 = tpu.memref_squeeze %dma_wait3A_1101 : memref<1x10x125xi32, #tpu.memory_space<vmem>> -> memref<10x125xi32, #tpu.memory_space<vmem>>
        %dma_wait3A_1103 = arith.constant 0 : i32
        %dma_wait3A_1104 = tpu.memref_slice %dma_wait3A_1102[%dma_wait3A_1094, %dma_wait3A_1103] : memref<10x125xi32, #tpu.memory_space<vmem>> -> memref<1x125xi32, #tpu.memory_space<vmem>>
        %dma_wait3A_1105 = tpu.memref_squeeze %dma_wait3A_1104 : memref<1x125xi32, #tpu.memory_space<vmem>> -> memref<125xi32, #tpu.memory_space<vmem>>
        %dma_wait3A_1106 = arith.constant 0 : i32
        %dma_wait3A_1107 = arith.constant 0 : i32
        %dma_wait3A_1108 = tpu.memref_slice %arg10[%dma_wait3A_1106, %dma_wait3A_1107] : memref<10240x128xf32, #tpu.memory_space<vmem_shared>> -> memref<10240x128xf32, #tpu.memory_space<vmem_shared>>
        tpu.wait_indirect_dma semaphore(%arg13 : memref<!tpu.dma_semaphore, #tpu.memory_space<semaphore_mem>>) src(%dma_wait3A_1098 : memref<125x128xf32, #tpu.memory_space<vmem>>) dst(%dma_wait3A_1108 : memref<10240x128xf32, #tpu.memory_space<vmem_shared>>)
      } else {
      }
      %dma_start3A_1029 = arith.constant 0 : i32
      %dma_start3A_1030 = arith.constant 0 : i32
      %dma_start3A_1031 = tpu.memref_slice %arg9[%scan3A_330, %dma_start3A_1029, %dma_start3A_1030] : memref<2x125x128xf32, #tpu.memory_space<vmem>> -> memref<1x125x128xf32, #tpu.memory_space<vmem>>
      %dma_start3A_1032 = tpu.memref_squeeze %dma_start3A_1031 : memref<1x125x128xf32, #tpu.memory_space<vmem>> -> memref<125x128xf32, #tpu.memory_space<vmem>>
      %dma_start3A_1033 = arith.constant 0 : i32
      %dma_start3A_1034 = arith.constant 0 : i32
      %dma_start3A_1035 = tpu.memref_slice %arg7[%scan3A_331, %dma_start3A_1033, %dma_start3A_1034] : memref<2x10x125xi32, #tpu.memory_space<vmem>> -> memref<1x10x125xi32, #tpu.memory_space<vmem>>
      %dma_start3A_1036 = tpu.memref_squeeze %dma_start3A_1035 : memref<1x10x125xi32, #tpu.memory_space<vmem>> -> memref<10x125xi32, #tpu.memory_space<vmem>>
      %dma_start3A_1037 = arith.constant 0 : i32
      %dma_start3A_1038 = tpu.memref_slice %dma_start3A_1036[%add3A_1010, %dma_start3A_1037] : memref<10x125xi32, #tpu.memory_space<vmem>> -> memref<1x125xi32, #tpu.memory_space<vmem>>
      %dma_start3A_1039 = tpu.memref_squeeze %dma_start3A_1038 : memref<1x125xi32, #tpu.memory_space<vmem>> -> memref<125xi32, #tpu.memory_space<vmem>>
      %dma_start3A_1040 = arith.constant 0 : i32
      %dma_start3A_1041 = arith.constant 0 : i32
      %dma_start3A_1042 = tpu.memref_slice %arg2[%dma_start3A_1040, %dma_start3A_1041] : memref<10000x128xf32, #tpu.memory_space<hbm>> -> memref<10000x128xf32, #tpu.memory_space<hbm>>
      tpu.enqueue_indirect_dma source(%dma_start3A_1042 : memref<10000x128xf32, #tpu.memory_space<hbm>>) target(%dma_start3A_1032 : memref<125x128xf32, #tpu.memory_space<vmem>>) offsets(%dma_start3A_1039 : memref<125xi32, #tpu.memory_space<vmem>>) semaphore(%arg11 : memref<!tpu.dma_semaphore, #tpu.memory_space<semaphore_mem>>)
      %dma_start3A_1043 = arith.constant 0 : i32
      %dma_start3A_1044 = arith.constant 0 : i32
      %dma_start3A_1045 = tpu.memref_slice %arg9[%scan3A_329, %dma_start3A_1043, %dma_start3A_1044] : memref<2x125x128xf32, #tpu.memory_space<vmem>> -> memref<1x125x128xf32, #tpu.memory_space<vmem>>
      %dma_start3A_1046 = tpu.memref_squeeze %dma_start3A_1045 : memref<1x125x128xf32, #tpu.memory_space<vmem>> -> memref<125x128xf32, #tpu.memory_space<vmem>>
      %dma_start3A_1047 = arith.constant 0 : i32
      %dma_start3A_1048 = arith.constant 0 : i32
      %dma_start3A_1049 = tpu.memref_slice %arg8[%scan3A_332, %dma_start3A_1047, %dma_start3A_1048] : memref<2x10x125xi32, #tpu.memory_space<vmem>> -> memref<1x10x125xi32, #tpu.memory_space<vmem>>
      %dma_start3A_1050 = tpu.memref_squeeze %dma_start3A_1049 : memref<1x10x125xi32, #tpu.memory_space<vmem>> -> memref<10x125xi32, #tpu.memory_space<vmem>>
      %dma_start3A_1051 = arith.constant 0 : i32
      %dma_start3A_1052 = tpu.memref_slice %dma_start3A_1050[%mul3A_1008, %dma_start3A_1051] : memref<10x125xi32, #tpu.memory_space<vmem>> -> memref<1x125xi32, #tpu.memory_space<vmem>>
      %dma_start3A_1053 = tpu.memref_squeeze %dma_start3A_1052 : memref<1x125xi32, #tpu.memory_space<vmem>> -> memref<125xi32, #tpu.memory_space<vmem>>
      %dma_start3A_1054 = arith.constant 0 : i32
      %dma_start3A_1055 = arith.constant 0 : i32
      %dma_start3A_1056 = tpu.memref_slice %arg10[%dma_start3A_1054, %dma_start3A_1055] : memref<10240x128xf32, #tpu.memory_space<vmem_shared>> -> memref<10240x128xf32, #tpu.memory_space<vmem_shared>>
      tpu.enqueue_indirect_dma source(%dma_start3A_1046 : memref<125x128xf32, #tpu.memory_space<vmem>>) target(%dma_start3A_1056 : memref<10240x128xf32, #tpu.memory_space<vmem_shared>>) offsets(%dma_start3A_1053 : memref<125xi32, #tpu.memory_space<vmem>>) semaphore(%arg12 : memref<!tpu.dma_semaphore, #tpu.memory_space<semaphore_mem>>) {add = true}
      %dma_wait3A_1057 = arith.constant 0 : i32
      %dma_wait3A_1058 = arith.constant 0 : i32
      %dma_wait3A_1059 = arith.constant 0 : i32
      %dma_wait3A_1060 = arith.constant 0 : i32
      %dma_wait3A_1061 = tpu.memref_slice %arg9[%scan3A_330, %dma_wait3A_1059, %dma_wait3A_1060] : memref<2x125x128xf32, #tpu.memory_space<vmem>> -> memref<1x125x128xf32, #tpu.memory_space<vmem>>
      %dma_wait3A_1062 = tpu.memref_squeeze %dma_wait3A_1061 : memref<1x125x128xf32, #tpu.memory_space<vmem>> -> memref<125x128xf32, #tpu.memory_space<vmem>>
      %dma_wait3A_1063 = arith.constant 0 : i32
      %dma_wait3A_1064 = arith.constant 0 : i32
      %dma_wait3A_1065 = tpu.memref_slice %arg7[%dma_wait3A_1057, %dma_wait3A_1063, %dma_wait3A_1064] : memref<2x10x125xi32, #tpu.memory_space<vmem>> -> memref<1x10x125xi32, #tpu.memory_space<vmem>>
      %dma_wait3A_1066 = tpu.memref_squeeze %dma_wait3A_1065 : memref<1x10x125xi32, #tpu.memory_space<vmem>> -> memref<10x125xi32, #tpu.memory_space<vmem>>
      %dma_wait3A_1067 = arith.constant 0 : i32
      %dma_wait3A_1068 = tpu.memref_slice %dma_wait3A_1066[%dma_wait3A_1058, %dma_wait3A_1067] : memref<10x125xi32, #tpu.memory_space<vmem>> -> memref<1x125xi32, #tpu.memory_space<vmem>>
      %dma_wait3A_1069 = tpu.memref_squeeze %dma_wait3A_1068 : memref<1x125xi32, #tpu.memory_space<vmem>> -> memref<125xi32, #tpu.memory_space<vmem>>
      %dma_wait3A_1070 = arith.constant 0 : i32
      %dma_wait3A_1071 = arith.constant 0 : i32
      %dma_wait3A_1072 = tpu.memref_slice %arg2[%dma_wait3A_1070, %dma_wait3A_1071] : memref<10000x128xf32, #tpu.memory_space<hbm>> -> memref<10000x128xf32, #tpu.memory_space<hbm>>
      tpu.wait_indirect_dma semaphore(%arg11 : memref<!tpu.dma_semaphore, #tpu.memory_space<semaphore_mem>>) src(%dma_wait3A_1072 : memref<10000x128xf32, #tpu.memory_space<hbm>>) dst(%dma_wait3A_1062 : memref<125x128xf32, #tpu.memory_space<vmem>>)
      %add3A_1073 = arith.constant 1 : i32
      %add3A_1074 = arith.addi %scan3A_1006, %add3A_1073 : i32
      %lt3A = arith.constant 5 : i32
      %lt3A_1075 = arith.cmpi slt, %add3A_1074, %lt3A : i32
      %convert_element_type3A_1076 = arith.extui %lt3A_1075 : i1 to i32
      %cond3A_1077 = arith.constant 0 : i32
      %cond3A_1078 = arith.cmpi ne, %convert_element_type3A_1076, %cond3A_1077 : i32
      scf.if %cond3A_1078 {
        %dma_wait3A_1093 = arith.constant 0 : i32
        %dma_wait3A_1094 = arith.constant 0 : i32
        %dma_wait3A_1095 = arith.constant 0 : i32
        %dma_wait3A_1096 = arith.constant 0 : i32
        %dma_wait3A_1097 = tpu.memref_slice %arg9[%scan3A_329, %dma_wait3A_1095, %dma_wait3A_1096] : memref<2x125x128xf32, #tpu.memory_space<vmem>> -> memref<1x125x128xf32, #tpu.memory_space<vmem>>
        %dma_wait3A_1098 = tpu.memref_squeeze %dma_wait3A_1097 : memref<1x125x128xf32, #tpu.memory_space<vmem>> -> memref<125x128xf32, #tpu.memory_space<vmem>>
        %dma_wait3A_1099 = arith.constant 0 : i32
        %dma_wait3A_1100 = arith.constant 0 : i32
        %dma_wait3A_1101 = tpu.memref_slice %arg8[%dma_wait3A_1093, %dma_wait3A_1099, %dma_wait3A_1100] : memref<2x10x125xi32, #tpu.memory_space<vmem>> -> memref<1x10x125xi32, #tpu.memory_space<vmem>>
        %dma_wait3A_1102 = tpu.memref_squeeze %dma_wait3A_1101 : memref<1x10x125xi32, #tpu.memory_space<vmem>> -> memref<10x125xi32, #tpu.memory_space<vmem>>
        %dma_wait3A_1103 = arith.constant 0 : i32
        %dma_wait3A_1104 = tpu.memref_slice %dma_wait3A_1102[%dma_wait3A_1094, %dma_wait3A_1103] : memref<10x125xi32, #tpu.memory_space<vmem>> -> memref<1x125xi32, #tpu.memory_space<vmem>>
        %dma_wait3A_1105 = tpu.memref_squeeze %dma_wait3A_1104 : memref<1x125xi32, #tpu.memory_space<vmem>> -> memref<125xi32, #tpu.memory_space<vmem>>
        %dma_wait3A_1106 = arith.constant 0 : i32
        %dma_wait3A_1107 = arith.constant 0 : i32
        %dma_wait3A_1108 = tpu.memref_slice %arg10[%dma_wait3A_1106, %dma_wait3A_1107] : memref<10240x128xf32, #tpu.memory_space<vmem_shared>> -> memref<10240x128xf32, #tpu.memory_space<vmem_shared>>
        tpu.wait_indirect_dma semaphore(%arg12 : memref<!tpu.dma_semaphore, #tpu.memory_space<semaphore_mem>>) src(%dma_wait3A_1098 : memref<125x128xf32, #tpu.memory_space<vmem>>) dst(%dma_wait3A_1108 : memref<10240x128xf32, #tpu.memory_space<vmem_shared>>)
        %add3A_1109 = arith.constant 2 : i32
        %add3A_1110 = arith.addi %mul3A_1008, %add3A_1109 : i32
        %dma_start3A_1111 = arith.constant 0 : i32
        %dma_start3A_1112 = arith.constant 0 : i32
        %dma_start3A_1113 = tpu.memref_slice %arg9[%scan3A_329, %dma_start3A_1111, %dma_start3A_1112] : memref<2x125x128xf32, #tpu.memory_space<vmem>> -> memref<1x125x128xf32, #tpu.memory_space<vmem>>
        %dma_start3A_1114 = tpu.memref_squeeze %dma_start3A_1113 : memref<1x125x128xf32, #tpu.memory_space<vmem>> -> memref<125x128xf32, #tpu.memory_space<vmem>>
        %dma_start3A_1115 = arith.constant 0 : i32
        %dma_start3A_1116 = arith.constant 0 : i32
        %dma_start3A_1117 = tpu.memref_slice %arg7[%scan3A_331, %dma_start3A_1115, %dma_start3A_1116] : memref<2x10x125xi32, #tpu.memory_space<vmem>> -> memref<1x10x125xi32, #tpu.memory_space<vmem>>
        %dma_start3A_1118 = tpu.memref_squeeze %dma_start3A_1117 : memref<1x10x125xi32, #tpu.memory_space<vmem>> -> memref<10x125xi32, #tpu.memory_space<vmem>>
        %dma_start3A_1119 = arith.constant 0 : i32
        %dma_start3A_1120 = tpu.memref_slice %dma_start3A_1118[%add3A_1110, %dma_start3A_1119] : memref<10x125xi32, #tpu.memory_space<vmem>> -> memref<1x125xi32, #tpu.memory_space<vmem>>
        %dma_start3A_1121 = tpu.memref_squeeze %dma_start3A_1120 : memref<1x125xi32, #tpu.memory_space<vmem>> -> memref<125xi32, #tpu.memory_space<vmem>>
        %dma_start3A_1122 = arith.constant 0 : i32
        %dma_start3A_1123 = arith.constant 0 : i32
        %dma_start3A_1124 = tpu.memref_slice %arg2[%dma_start3A_1122, %dma_start3A_1123] : memref<10000x128xf32, #tpu.memory_space<hbm>> -> memref<10000x128xf32, #tpu.memory_space<hbm>>
        tpu.enqueue_indirect_dma source(%dma_start3A_1124 : memref<10000x128xf32, #tpu.memory_space<hbm>>) target(%dma_start3A_1114 : memref<125x128xf32, #tpu.memory_space<vmem>>) offsets(%dma_start3A_1121 : memref<125xi32, #tpu.memory_space<vmem>>) semaphore(%arg11 : memref<!tpu.dma_semaphore, #tpu.memory_space<semaphore_mem>>)
      } else {
      }
      %dma_start3A_1079 = arith.constant 0 : i32
      %dma_start3A_1080 = arith.constant 0 : i32
      %dma_start3A_1081 = tpu.memref_slice %arg9[%scan3A_330, %dma_start3A_1079, %dma_start3A_1080] : memref<2x125x128xf32, #tpu.memory_space<vmem>> -> memref<1x125x128xf32, #tpu.memory_space<vmem>>
      %dma_start3A_1082 = tpu.memref_squeeze %dma_start3A_1081 : memref<1x125x128xf32, #tpu.memory_space<vmem>> -> memref<125x128xf32, #tpu.memory_space<vmem>>
      %dma_start3A_1083 = arith.constant 0 : i32
      %dma_start3A_1084 = arith.constant 0 : i32
      %dma_start3A_1085 = tpu.memref_slice %arg8[%scan3A_332, %dma_start3A_1083, %dma_start3A_1084] : memref<2x10x125xi32, #tpu.memory_space<vmem>> -> memref<1x10x125xi32, #tpu.memory_space<vmem>>
      %dma_start3A_1086 = tpu.memref_squeeze %dma_start3A_1085 : memref<1x10x125xi32, #tpu.memory_space<vmem>> -> memref<10x125xi32, #tpu.memory_space<vmem>>
      %dma_start3A_1087 = arith.constant 0 : i32
      %dma_start3A_1088 = tpu.memref_slice %dma_start3A_1086[%add3A_1010, %dma_start3A_1087] : memref<10x125xi32, #tpu.memory_space<vmem>> -> memref<1x125xi32, #tpu.memory_space<vmem>>
      %dma_start3A_1089 = tpu.memref_squeeze %dma_start3A_1088 : memref<1x125xi32, #tpu.memory_space<vmem>> -> memref<125xi32, #tpu.memory_space<vmem>>
      %dma_start3A_1090 = arith.constant 0 : i32
      %dma_start3A_1091 = arith.constant 0 : i32
      %dma_start3A_1092 = tpu.memref_slice %arg10[%dma_start3A_1090, %dma_start3A_1091] : memref<10240x128xf32, #tpu.memory_space<vmem_shared>> -> memref<10240x128xf32, #tpu.memory_space<vmem_shared>>
      tpu.enqueue_indirect_dma source(%dma_start3A_1082 : memref<125x128xf32, #tpu.memory_space<vmem>>) target(%dma_start3A_1092 : memref<10240x128xf32, #tpu.memory_space<vmem_shared>>) offsets(%dma_start3A_1089 : memref<125xi32, #tpu.memory_space<vmem>>) semaphore(%arg13 : memref<!tpu.dma_semaphore, #tpu.memory_space<semaphore_mem>>) {add = true}
    }
    %scan3A_337 = arith.constant 5 : i32
    %dma_wait3A_338 = arith.constant 0 : i32
    %dma_wait3A_339 = arith.constant 1 : i32
    %dma_wait3A_340 = arith.constant 0 : i32
    %dma_wait3A_341 = arith.constant 0 : i32
    %dma_wait3A_342 = tpu.memref_slice %arg7[%dma_wait3A_339, %dma_wait3A_340, %dma_wait3A_341] : memref<2x10x125xi32, #tpu.memory_space<vmem>> -> memref<1x10x125xi32, #tpu.memory_space<vmem>>
    %dma_wait3A_343 = tpu.memref_squeeze %dma_wait3A_342 : memref<1x10x125xi32, #tpu.memory_space<vmem>> -> memref<10x125xi32, #tpu.memory_space<vmem>>
    %dma_wait3A_344 = arith.constant 0 : i32
    %dma_wait3A_345 = arith.constant 0 : i32
    %dma_wait3A_346 = tpu.memref_slice %arg3[%add3A, %dma_wait3A_338, %dma_wait3A_344, %dma_wait3A_345] : memref<32x8x10x125xi32, #tpu.memory_space<hbm>> -> memref<1x1x10x125xi32, #tpu.memory_space<hbm>>
    %dma_wait3A_347 = tpu.memref_squeeze %dma_wait3A_346 : memref<1x1x10x125xi32, #tpu.memory_space<hbm>> -> memref<10x125xi32, #tpu.memory_space<hbm>>
    %dma_wait3A_348 = arith.constant 0 : i32
    %dma_wait3A_349 = arith.constant 0 : i32
    %dma_wait3A_350 = tpu.memref_slice %arg7[%dma_wait3A_339, %dma_wait3A_348, %dma_wait3A_349] : memref<2x10x125xi32, #tpu.memory_space<vmem>> -> memref<1x10x125xi32, #tpu.memory_space<vmem>>
    %dma_wait3A_351 = tpu.memref_squeeze %dma_wait3A_350 : memref<1x10x125xi32, #tpu.memory_space<vmem>> -> memref<10x125xi32, #tpu.memory_space<vmem>>
    %dma_wait3A_352 = arith.constant 0 : i32
    %dma_wait3A_353 = arith.constant 0 : i32
    %dma_wait3A_354 = tpu.memref_slice %arg3[%add3A, %dma_wait3A_338, %dma_wait3A_352, %dma_wait3A_353] : memref<32x8x10x125xi32, #tpu.memory_space<hbm>> -> memref<1x1x10x125xi32, #tpu.memory_space<hbm>>
    %dma_wait3A_355 = tpu.memref_squeeze %dma_wait3A_354 : memref<1x1x10x125xi32, #tpu.memory_space<hbm>> -> memref<10x125xi32, #tpu.memory_space<hbm>>
    tpu.wait_dma2 semaphore(%arg14 : memref<!tpu.dma_semaphore, #tpu.memory_space<semaphore_mem>>) src(%dma_wait3A_355 : memref<10x125xi32, #tpu.memory_space<hbm>>) dst(%dma_wait3A_351 : memref<10x125xi32, #tpu.memory_space<vmem>>)
    %dma_wait3A_356 = arith.constant 0 : i32
    %dma_wait3A_357 = arith.constant 1 : i32
    %dma_wait3A_358 = arith.constant 0 : i32
    %dma_wait3A_359 = arith.constant 0 : i32
    %dma_wait3A_360 = tpu.memref_slice %arg8[%dma_wait3A_357, %dma_wait3A_358, %dma_wait3A_359] : memref<2x10x125xi32, #tpu.memory_space<vmem>> -> memref<1x10x125xi32, #tpu.memory_space<vmem>>
    %dma_wait3A_361 = tpu.memref_squeeze %dma_wait3A_360 : memref<1x10x125xi32, #tpu.memory_space<vmem>> -> memref<10x125xi32, #tpu.memory_space<vmem>>
    %dma_wait3A_362 = arith.constant 0 : i32
    %dma_wait3A_363 = arith.constant 0 : i32
    %dma_wait3A_364 = tpu.memref_slice %arg3[%add3A, %dma_wait3A_356, %dma_wait3A_362, %dma_wait3A_363] : memref<32x8x10x125xi32, #tpu.memory_space<hbm>> -> memref<1x1x10x125xi32, #tpu.memory_space<hbm>>
    %dma_wait3A_365 = tpu.memref_squeeze %dma_wait3A_364 : memref<1x1x10x125xi32, #tpu.memory_space<hbm>> -> memref<10x125xi32, #tpu.memory_space<hbm>>
    %dma_wait3A_366 = arith.constant 0 : i32
    %dma_wait3A_367 = arith.constant 0 : i32
    %dma_wait3A_368 = tpu.memref_slice %arg8[%dma_wait3A_357, %dma_wait3A_366, %dma_wait3A_367] : memref<2x10x125xi32, #tpu.memory_space<vmem>> -> memref<1x10x125xi32, #tpu.memory_space<vmem>>
    %dma_wait3A_369 = tpu.memref_squeeze %dma_wait3A_368 : memref<1x10x125xi32, #tpu.memory_space<vmem>> -> memref<10x125xi32, #tpu.memory_space<vmem>>
    %dma_wait3A_370 = arith.constant 0 : i32
    %dma_wait3A_371 = arith.constant 0 : i32
    %dma_wait3A_372 = tpu.memref_slice %arg3[%add3A, %dma_wait3A_356, %dma_wait3A_370, %dma_wait3A_371] : memref<32x8x10x125xi32, #tpu.memory_space<hbm>> -> memref<1x1x10x125xi32, #tpu.memory_space<hbm>>
    %dma_wait3A_373 = tpu.memref_squeeze %dma_wait3A_372 : memref<1x1x10x125xi32, #tpu.memory_space<hbm>> -> memref<10x125xi32, #tpu.memory_space<hbm>>
    tpu.wait_dma2 semaphore(%arg14 : memref<!tpu.dma_semaphore, #tpu.memory_space<semaphore_mem>>) src(%dma_wait3A_373 : memref<10x125xi32, #tpu.memory_space<hbm>>) dst(%dma_wait3A_369 : memref<10x125xi32, #tpu.memory_space<vmem>>)
    %dma_wait3A_374 = arith.constant 0 : i32
    %dma_wait3A_375 = arith.constant 0 : i32
    %dma_wait3A_376 = arith.constant 0 : i32
    %dma_wait3A_377 = arith.constant 0 : i32
    %dma_wait3A_378 = arith.constant 0 : i32
    %dma_wait3A_379 = tpu.memref_slice %arg9[%dma_wait3A_374, %dma_wait3A_377, %dma_wait3A_378] : memref<2x125x128xf32, #tpu.memory_space<vmem>> -> memref<1x125x128xf32, #tpu.memory_space<vmem>>
    %dma_wait3A_380 = tpu.memref_squeeze %dma_wait3A_379 : memref<1x125x128xf32, #tpu.memory_space<vmem>> -> memref<125x128xf32, #tpu.memory_space<vmem>>
    %dma_wait3A_381 = arith.constant 0 : i32
    %dma_wait3A_382 = arith.constant 0 : i32
    %dma_wait3A_383 = tpu.memref_slice %arg8[%dma_wait3A_375, %dma_wait3A_381, %dma_wait3A_382] : memref<2x10x125xi32, #tpu.memory_space<vmem>> -> memref<1x10x125xi32, #tpu.memory_space<vmem>>
    %dma_wait3A_384 = tpu.memref_squeeze %dma_wait3A_383 : memref<1x10x125xi32, #tpu.memory_space<vmem>> -> memref<10x125xi32, #tpu.memory_space<vmem>>
    %dma_wait3A_385 = arith.constant 0 : i32
    %dma_wait3A_386 = tpu.memref_slice %dma_wait3A_384[%dma_wait3A_376, %dma_wait3A_385] : memref<10x125xi32, #tpu.memory_space<vmem>> -> memref<1x125xi32, #tpu.memory_space<vmem>>
    %dma_wait3A_387 = tpu.memref_squeeze %dma_wait3A_386 : memref<1x125xi32, #tpu.memory_space<vmem>> -> memref<125xi32, #tpu.memory_space<vmem>>
    %dma_wait3A_388 = arith.constant 0 : i32
    %dma_wait3A_389 = arith.constant 0 : i32
    %dma_wait3A_390 = tpu.memref_slice %arg10[%dma_wait3A_388, %dma_wait3A_389] : memref<10240x128xf32, #tpu.memory_space<vmem_shared>> -> memref<10240x128xf32, #tpu.memory_space<vmem_shared>>
    tpu.wait_indirect_dma semaphore(%arg12 : memref<!tpu.dma_semaphore, #tpu.memory_space<semaphore_mem>>) src(%dma_wait3A_380 : memref<125x128xf32, #tpu.memory_space<vmem>>) dst(%dma_wait3A_390 : memref<10240x128xf32, #tpu.memory_space<vmem_shared>>)
    %dma_start3A_391 = arith.constant 1 : i32
    %dma_start3A_392 = arith.constant 0 : i32
    %dma_start3A_393 = arith.constant 0 : i32
    %dma_start3A_394 = arith.constant 0 : i32
    %dma_start3A_395 = arith.constant 0 : i32
    %dma_start3A_396 = tpu.memref_slice %arg9[%dma_start3A_393, %dma_start3A_394, %dma_start3A_395] : memref<2x125x128xf32, #tpu.memory_space<vmem>> -> memref<1x125x128xf32, #tpu.memory_space<vmem>>
    %dma_start3A_397 = tpu.memref_squeeze %dma_start3A_396 : memref<1x125x128xf32, #tpu.memory_space<vmem>> -> memref<125x128xf32, #tpu.memory_space<vmem>>
    %dma_start3A_398 = arith.constant 0 : i32
    %dma_start3A_399 = arith.constant 0 : i32
    %dma_start3A_400 = tpu.memref_slice %arg7[%dma_start3A_391, %dma_start3A_398, %dma_start3A_399] : memref<2x10x125xi32, #tpu.memory_space<vmem>> -> memref<1x10x125xi32, #tpu.memory_space<vmem>>
    %dma_start3A_401 = tpu.memref_squeeze %dma_start3A_400 : memref<1x10x125xi32, #tpu.memory_space<vmem>> -> memref<10x125xi32, #tpu.memory_space<vmem>>
    %dma_start3A_402 = arith.constant 0 : i32
    %dma_start3A_403 = tpu.memref_slice %dma_start3A_401[%dma_start3A_392, %dma_start3A_402] : memref<10x125xi32, #tpu.memory_space<vmem>> -> memref<1x125xi32, #tpu.memory_space<vmem>>
    %dma_start3A_404 = tpu.memref_squeeze %dma_start3A_403 : memref<1x125xi32, #tpu.memory_space<vmem>> -> memref<125xi32, #tpu.memory_space<vmem>>
    %dma_start3A_405 = arith.constant 0 : i32
    %dma_start3A_406 = arith.constant 0 : i32
    %dma_start3A_407 = tpu.memref_slice %arg2[%dma_start3A_405, %dma_start3A_406] : memref<10000x128xf32, #tpu.memory_space<hbm>> -> memref<10000x128xf32, #tpu.memory_space<hbm>>
    tpu.enqueue_indirect_dma source(%dma_start3A_407 : memref<10000x128xf32, #tpu.memory_space<hbm>>) target(%dma_start3A_397 : memref<125x128xf32, #tpu.memory_space<vmem>>) offsets(%dma_start3A_404 : memref<125xi32, #tpu.memory_space<vmem>>) semaphore(%arg11 : memref<!tpu.dma_semaphore, #tpu.memory_space<semaphore_mem>>)
    %dma_wait3A_408 = arith.constant 1 : i32
    %dma_wait3A_409 = arith.constant 0 : i32
    %dma_wait3A_410 = arith.constant 0 : i32
    %dma_wait3A_411 = arith.constant 0 : i32
    %dma_wait3A_412 = arith.constant 0 : i32
    %dma_wait3A_413 = tpu.memref_slice %arg9[%dma_wait3A_408, %dma_wait3A_411, %dma_wait3A_412] : memref<2x125x128xf32, #tpu.memory_space<vmem>> -> memref<1x125x128xf32, #tpu.memory_space<vmem>>
    %dma_wait3A_414 = tpu.memref_squeeze %dma_wait3A_413 : memref<1x125x128xf32, #tpu.memory_space<vmem>> -> memref<125x128xf32, #tpu.memory_space<vmem>>
    %dma_wait3A_415 = arith.constant 0 : i32
    %dma_wait3A_416 = arith.constant 0 : i32
    %dma_wait3A_417 = tpu.memref_slice %arg8[%dma_wait3A_409, %dma_wait3A_415, %dma_wait3A_416] : memref<2x10x125xi32, #tpu.memory_space<vmem>> -> memref<1x10x125xi32, #tpu.memory_space<vmem>>
    %dma_wait3A_418 = tpu.memref_squeeze %dma_wait3A_417 : memref<1x10x125xi32, #tpu.memory_space<vmem>> -> memref<10x125xi32, #tpu.memory_space<vmem>>
    %dma_wait3A_419 = arith.constant 0 : i32
    %dma_wait3A_420 = tpu.memref_slice %dma_wait3A_418[%dma_wait3A_410, %dma_wait3A_419] : memref<10x125xi32, #tpu.memory_space<vmem>> -> memref<1x125xi32, #tpu.memory_space<vmem>>
    %dma_wait3A_421 = tpu.memref_squeeze %dma_wait3A_420 : memref<1x125xi32, #tpu.memory_space<vmem>> -> memref<125xi32, #tpu.memory_space<vmem>>
    %dma_wait3A_422 = arith.constant 0 : i32
    %dma_wait3A_423 = arith.constant 0 : i32
    %dma_wait3A_424 = tpu.memref_slice %arg10[%dma_wait3A_422, %dma_wait3A_423] : memref<10240x128xf32, #tpu.memory_space<vmem_shared>> -> memref<10240x128xf32, #tpu.memory_space<vmem_shared>>
    tpu.wait_indirect_dma semaphore(%arg13 : memref<!tpu.dma_semaphore, #tpu.memory_space<semaphore_mem>>) src(%dma_wait3A_414 : memref<125x128xf32, #tpu.memory_space<vmem>>) dst(%dma_wait3A_424 : memref<10240x128xf32, #tpu.memory_space<vmem_shared>>)
    %dma_start3A_425 = arith.constant 4 : i32
    %dma_start3A_426 = arith.constant 0 : i32
    %dma_start3A_427 = arith.constant 0 : i32
    %dma_start3A_428 = arith.constant 0 : i32
    %dma_start3A_429 = tpu.memref_slice %arg7[%dma_start3A_426, %dma_start3A_427, %dma_start3A_428] : memref<2x10x125xi32, #tpu.memory_space<vmem>> -> memref<1x10x125xi32, #tpu.memory_space<vmem>>
    %dma_start3A_430 = tpu.memref_squeeze %dma_start3A_429 : memref<1x10x125xi32, #tpu.memory_space<vmem>> -> memref<10x125xi32, #tpu.memory_space<vmem>>
    %dma_start3A_431 = arith.constant 0 : i32
    %dma_start3A_432 = arith.constant 0 : i32
    %dma_start3A_433 = tpu.memref_slice %arg3[%add3A, %dma_start3A_425, %dma_start3A_431, %dma_start3A_432] : memref<32x8x10x125xi32, #tpu.memory_space<hbm>> -> memref<1x1x10x125xi32, #tpu.memory_space<hbm>>
    %dma_start3A_434 = tpu.memref_squeeze %dma_start3A_433 : memref<1x1x10x125xi32, #tpu.memory_space<hbm>> -> memref<10x125xi32, #tpu.memory_space<hbm>>
    %dma_start3A_435 = arith.constant 0 : i32
    %dma_start3A_436 = arith.constant 0 : i32
    %dma_start3A_437 = tpu.memref_slice %arg7[%dma_start3A_426, %dma_start3A_435, %dma_start3A_436] : memref<2x10x125xi32, #tpu.memory_space<vmem>> -> memref<1x10x125xi32, #tpu.memory_space<vmem>>
    %dma_start3A_438 = tpu.memref_squeeze %dma_start3A_437 : memref<1x10x125xi32, #tpu.memory_space<vmem>> -> memref<10x125xi32, #tpu.memory_space<vmem>>
    %dma_start3A_439 = arith.constant 0 : i32
    %dma_start3A_440 = arith.constant 0 : i32
    %dma_start3A_441 = tpu.memref_slice %arg3[%add3A, %dma_start3A_425, %dma_start3A_439, %dma_start3A_440] : memref<32x8x10x125xi32, #tpu.memory_space<hbm>> -> memref<1x1x10x125xi32, #tpu.memory_space<hbm>>
    %dma_start3A_442 = tpu.memref_squeeze %dma_start3A_441 : memref<1x1x10x125xi32, #tpu.memory_space<hbm>> -> memref<10x125xi32, #tpu.memory_space<hbm>>
    tpu.enqueue_dma source(%dma_start3A_442 : memref<10x125xi32, #tpu.memory_space<hbm>>) target(%dma_start3A_438 : memref<10x125xi32, #tpu.memory_space<vmem>>) target_semaphore(%arg14 : memref<!tpu.dma_semaphore, #tpu.memory_space<semaphore_mem>>)
    %dma_start3A_443 = arith.constant 4 : i32
    %dma_start3A_444 = arith.constant 0 : i32
    %dma_start3A_445 = arith.constant 0 : i32
    %dma_start3A_446 = arith.constant 0 : i32
    %dma_start3A_447 = tpu.memref_slice %arg8[%dma_start3A_444, %dma_start3A_445, %dma_start3A_446] : memref<2x10x125xi32, #tpu.memory_space<vmem>> -> memref<1x10x125xi32, #tpu.memory_space<vmem>>
    %dma_start3A_448 = tpu.memref_squeeze %dma_start3A_447 : memref<1x10x125xi32, #tpu.memory_space<vmem>> -> memref<10x125xi32, #tpu.memory_space<vmem>>
    %dma_start3A_449 = arith.constant 0 : i32
    %dma_start3A_450 = arith.constant 0 : i32
    %dma_start3A_451 = tpu.memref_slice %arg4[%add3A, %dma_start3A_443, %dma_start3A_449, %dma_start3A_450] : memref<32x8x10x125xi32, #tpu.memory_space<hbm>> -> memref<1x1x10x125xi32, #tpu.memory_space<hbm>>
    %dma_start3A_452 = tpu.memref_squeeze %dma_start3A_451 : memref<1x1x10x125xi32, #tpu.memory_space<hbm>> -> memref<10x125xi32, #tpu.memory_space<hbm>>
    %dma_start3A_453 = arith.constant 0 : i32
    %dma_start3A_454 = arith.constant 0 : i32
    %dma_start3A_455 = tpu.memref_slice %arg8[%dma_start3A_444, %dma_start3A_453, %dma_start3A_454] : memref<2x10x125xi32, #tpu.memory_space<vmem>> -> memref<1x10x125xi32, #tpu.memory_space<vmem>>
    %dma_start3A_456 = tpu.memref_squeeze %dma_start3A_455 : memref<1x10x125xi32, #tpu.memory_space<vmem>> -> memref<10x125xi32, #tpu.memory_space<vmem>>
    %dma_start3A_457 = arith.constant 0 : i32
    %dma_start3A_458 = arith.constant 0 : i32
    %dma_start3A_459 = tpu.memref_slice %arg4[%add3A, %dma_start3A_443, %dma_start3A_457, %dma_start3A_458] : memref<32x8x10x125xi32, #tpu.memory_space<hbm>> -> memref<1x1x10x125xi32, #tpu.memory_space<hbm>>
    %dma_start3A_460 = tpu.memref_squeeze %dma_start3A_459 : memref<1x1x10x125xi32, #tpu.memory_space<hbm>> -> memref<10x125xi32, #tpu.memory_space<hbm>>
    tpu.enqueue_dma source(%dma_start3A_460 : memref<10x125xi32, #tpu.memory_space<hbm>>) target(%dma_start3A_456 : memref<10x125xi32, #tpu.memory_space<vmem>>) target_semaphore(%arg14 : memref<!tpu.dma_semaphore, #tpu.memory_space<semaphore_mem>>)
    %scan3A_461 = arith.constant 0 : i32
    %scan3A_462 = arith.constant 0 : i32
    %scan3A_463 = arith.constant 1 : i32
    %scan3A_464 = arith.constant 1 : i32
    %scan3A_465 = arith.constant 1 : i32
    %scan3A_466 = arith.constant 0 : i32
    %scan3A_467 = arith.constant 5 : i32
    %scan3A_468 = arith.addi %scan3A_466, %scan3A_467 : i32
    %scan3A_469 = arith.constant 1 : i32
    scf.for %scan3A_1006 = %scan3A_466 to %scan3A_468 step %scan3A_469  : i32 {
      %mul3A_1007 = arith.constant 2 : i32
      %mul3A_1008 = arith.muli %mul3A_1007, %scan3A_1006 : i32
      %add3A_1009 = arith.constant 1 : i32
      %add3A_1010 = arith.addi %mul3A_1008, %add3A_1009 : i32
      %dma_wait3A_1011 = arith.constant 0 : i32
      %dma_wait3A_1012 = arith.constant 0 : i32
      %dma_wait3A_1013 = arith.constant 0 : i32
      %dma_wait3A_1014 = arith.constant 0 : i32
      %dma_wait3A_1015 = tpu.memref_slice %arg9[%scan3A_462, %dma_wait3A_1013, %dma_wait3A_1014] : memref<2x125x128xf32, #tpu.memory_space<vmem>> -> memref<1x125x128xf32, #tpu.memory_space<vmem>>
      %dma_wait3A_1016 = tpu.memref_squeeze %dma_wait3A_1015 : memref<1x125x128xf32, #tpu.memory_space<vmem>> -> memref<125x128xf32, #tpu.memory_space<vmem>>
      %dma_wait3A_1017 = arith.constant 0 : i32
      %dma_wait3A_1018 = arith.constant 0 : i32
      %dma_wait3A_1019 = tpu.memref_slice %arg7[%dma_wait3A_1011, %dma_wait3A_1017, %dma_wait3A_1018] : memref<2x10x125xi32, #tpu.memory_space<vmem>> -> memref<1x10x125xi32, #tpu.memory_space<vmem>>
      %dma_wait3A_1020 = tpu.memref_squeeze %dma_wait3A_1019 : memref<1x10x125xi32, #tpu.memory_space<vmem>> -> memref<10x125xi32, #tpu.memory_space<vmem>>
      %dma_wait3A_1021 = arith.constant 0 : i32
      %dma_wait3A_1022 = tpu.memref_slice %dma_wait3A_1020[%dma_wait3A_1012, %dma_wait3A_1021] : memref<10x125xi32, #tpu.memory_space<vmem>> -> memref<1x125xi32, #tpu.memory_space<vmem>>
      %dma_wait3A_1023 = tpu.memref_squeeze %dma_wait3A_1022 : memref<1x125xi32, #tpu.memory_space<vmem>> -> memref<125xi32, #tpu.memory_space<vmem>>
      %dma_wait3A_1024 = arith.constant 0 : i32
      %dma_wait3A_1025 = arith.constant 0 : i32
      %dma_wait3A_1026 = tpu.memref_slice %arg2[%dma_wait3A_1024, %dma_wait3A_1025] : memref<10000x128xf32, #tpu.memory_space<hbm>> -> memref<10000x128xf32, #tpu.memory_space<hbm>>
      tpu.wait_indirect_dma semaphore(%arg11 : memref<!tpu.dma_semaphore, #tpu.memory_space<semaphore_mem>>) src(%dma_wait3A_1026 : memref<10000x128xf32, #tpu.memory_space<hbm>>) dst(%dma_wait3A_1016 : memref<125x128xf32, #tpu.memory_space<vmem>>)
      %gt3A = arith.constant 0 : i32
      %gt3A_1027 = arith.cmpi sgt, %scan3A_1006, %gt3A : i32
      %convert_element_type3A = arith.extui %gt3A_1027 : i1 to i32
      %cond3A = arith.constant 0 : i32
      %cond3A_1028 = arith.cmpi ne, %convert_element_type3A, %cond3A : i32
      scf.if %cond3A_1028 {
        %dma_wait3A_1093 = arith.constant 0 : i32
        %dma_wait3A_1094 = arith.constant 0 : i32
        %dma_wait3A_1095 = arith.constant 0 : i32
        %dma_wait3A_1096 = arith.constant 0 : i32
        %dma_wait3A_1097 = tpu.memref_slice %arg9[%scan3A_463, %dma_wait3A_1095, %dma_wait3A_1096] : memref<2x125x128xf32, #tpu.memory_space<vmem>> -> memref<1x125x128xf32, #tpu.memory_space<vmem>>
        %dma_wait3A_1098 = tpu.memref_squeeze %dma_wait3A_1097 : memref<1x125x128xf32, #tpu.memory_space<vmem>> -> memref<125x128xf32, #tpu.memory_space<vmem>>
        %dma_wait3A_1099 = arith.constant 0 : i32
        %dma_wait3A_1100 = arith.constant 0 : i32
        %dma_wait3A_1101 = tpu.memref_slice %arg8[%dma_wait3A_1093, %dma_wait3A_1099, %dma_wait3A_1100] : memref<2x10x125xi32, #tpu.memory_space<vmem>> -> memref<1x10x125xi32, #tpu.memory_space<vmem>>
        %dma_wait3A_1102 = tpu.memref_squeeze %dma_wait3A_1101 : memref<1x10x125xi32, #tpu.memory_space<vmem>> -> memref<10x125xi32, #tpu.memory_space<vmem>>
        %dma_wait3A_1103 = arith.constant 0 : i32
        %dma_wait3A_1104 = tpu.memref_slice %dma_wait3A_1102[%dma_wait3A_1094, %dma_wait3A_1103] : memref<10x125xi32, #tpu.memory_space<vmem>> -> memref<1x125xi32, #tpu.memory_space<vmem>>
        %dma_wait3A_1105 = tpu.memref_squeeze %dma_wait3A_1104 : memref<1x125xi32, #tpu.memory_space<vmem>> -> memref<125xi32, #tpu.memory_space<vmem>>
        %dma_wait3A_1106 = arith.constant 0 : i32
        %dma_wait3A_1107 = arith.constant 0 : i32
        %dma_wait3A_1108 = tpu.memref_slice %arg10[%dma_wait3A_1106, %dma_wait3A_1107] : memref<10240x128xf32, #tpu.memory_space<vmem_shared>> -> memref<10240x128xf32, #tpu.memory_space<vmem_shared>>
        tpu.wait_indirect_dma semaphore(%arg13 : memref<!tpu.dma_semaphore, #tpu.memory_space<semaphore_mem>>) src(%dma_wait3A_1098 : memref<125x128xf32, #tpu.memory_space<vmem>>) dst(%dma_wait3A_1108 : memref<10240x128xf32, #tpu.memory_space<vmem_shared>>)
      } else {
      }
      %dma_start3A_1029 = arith.constant 0 : i32
      %dma_start3A_1030 = arith.constant 0 : i32
      %dma_start3A_1031 = tpu.memref_slice %arg9[%scan3A_463, %dma_start3A_1029, %dma_start3A_1030] : memref<2x125x128xf32, #tpu.memory_space<vmem>> -> memref<1x125x128xf32, #tpu.memory_space<vmem>>
      %dma_start3A_1032 = tpu.memref_squeeze %dma_start3A_1031 : memref<1x125x128xf32, #tpu.memory_space<vmem>> -> memref<125x128xf32, #tpu.memory_space<vmem>>
      %dma_start3A_1033 = arith.constant 0 : i32
      %dma_start3A_1034 = arith.constant 0 : i32
      %dma_start3A_1035 = tpu.memref_slice %arg7[%scan3A_464, %dma_start3A_1033, %dma_start3A_1034] : memref<2x10x125xi32, #tpu.memory_space<vmem>> -> memref<1x10x125xi32, #tpu.memory_space<vmem>>
      %dma_start3A_1036 = tpu.memref_squeeze %dma_start3A_1035 : memref<1x10x125xi32, #tpu.memory_space<vmem>> -> memref<10x125xi32, #tpu.memory_space<vmem>>
      %dma_start3A_1037 = arith.constant 0 : i32
      %dma_start3A_1038 = tpu.memref_slice %dma_start3A_1036[%add3A_1010, %dma_start3A_1037] : memref<10x125xi32, #tpu.memory_space<vmem>> -> memref<1x125xi32, #tpu.memory_space<vmem>>
      %dma_start3A_1039 = tpu.memref_squeeze %dma_start3A_1038 : memref<1x125xi32, #tpu.memory_space<vmem>> -> memref<125xi32, #tpu.memory_space<vmem>>
      %dma_start3A_1040 = arith.constant 0 : i32
      %dma_start3A_1041 = arith.constant 0 : i32
      %dma_start3A_1042 = tpu.memref_slice %arg2[%dma_start3A_1040, %dma_start3A_1041] : memref<10000x128xf32, #tpu.memory_space<hbm>> -> memref<10000x128xf32, #tpu.memory_space<hbm>>
      tpu.enqueue_indirect_dma source(%dma_start3A_1042 : memref<10000x128xf32, #tpu.memory_space<hbm>>) target(%dma_start3A_1032 : memref<125x128xf32, #tpu.memory_space<vmem>>) offsets(%dma_start3A_1039 : memref<125xi32, #tpu.memory_space<vmem>>) semaphore(%arg11 : memref<!tpu.dma_semaphore, #tpu.memory_space<semaphore_mem>>)
      %dma_start3A_1043 = arith.constant 0 : i32
      %dma_start3A_1044 = arith.constant 0 : i32
      %dma_start3A_1045 = tpu.memref_slice %arg9[%scan3A_462, %dma_start3A_1043, %dma_start3A_1044] : memref<2x125x128xf32, #tpu.memory_space<vmem>> -> memref<1x125x128xf32, #tpu.memory_space<vmem>>
      %dma_start3A_1046 = tpu.memref_squeeze %dma_start3A_1045 : memref<1x125x128xf32, #tpu.memory_space<vmem>> -> memref<125x128xf32, #tpu.memory_space<vmem>>
      %dma_start3A_1047 = arith.constant 0 : i32
      %dma_start3A_1048 = arith.constant 0 : i32
      %dma_start3A_1049 = tpu.memref_slice %arg8[%scan3A_465, %dma_start3A_1047, %dma_start3A_1048] : memref<2x10x125xi32, #tpu.memory_space<vmem>> -> memref<1x10x125xi32, #tpu.memory_space<vmem>>
      %dma_start3A_1050 = tpu.memref_squeeze %dma_start3A_1049 : memref<1x10x125xi32, #tpu.memory_space<vmem>> -> memref<10x125xi32, #tpu.memory_space<vmem>>
      %dma_start3A_1051 = arith.constant 0 : i32
      %dma_start3A_1052 = tpu.memref_slice %dma_start3A_1050[%mul3A_1008, %dma_start3A_1051] : memref<10x125xi32, #tpu.memory_space<vmem>> -> memref<1x125xi32, #tpu.memory_space<vmem>>
      %dma_start3A_1053 = tpu.memref_squeeze %dma_start3A_1052 : memref<1x125xi32, #tpu.memory_space<vmem>> -> memref<125xi32, #tpu.memory_space<vmem>>
      %dma_start3A_1054 = arith.constant 0 : i32
      %dma_start3A_1055 = arith.constant 0 : i32
      %dma_start3A_1056 = tpu.memref_slice %arg10[%dma_start3A_1054, %dma_start3A_1055] : memref<10240x128xf32, #tpu.memory_space<vmem_shared>> -> memref<10240x128xf32, #tpu.memory_space<vmem_shared>>
      tpu.enqueue_indirect_dma source(%dma_start3A_1046 : memref<125x128xf32, #tpu.memory_space<vmem>>) target(%dma_start3A_1056 : memref<10240x128xf32, #tpu.memory_space<vmem_shared>>) offsets(%dma_start3A_1053 : memref<125xi32, #tpu.memory_space<vmem>>) semaphore(%arg12 : memref<!tpu.dma_semaphore, #tpu.memory_space<semaphore_mem>>) {add = true}
      %dma_wait3A_1057 = arith.constant 0 : i32
      %dma_wait3A_1058 = arith.constant 0 : i32
      %dma_wait3A_1059 = arith.constant 0 : i32
      %dma_wait3A_1060 = arith.constant 0 : i32
      %dma_wait3A_1061 = tpu.memref_slice %arg9[%scan3A_463, %dma_wait3A_1059, %dma_wait3A_1060] : memref<2x125x128xf32, #tpu.memory_space<vmem>> -> memref<1x125x128xf32, #tpu.memory_space<vmem>>
      %dma_wait3A_1062 = tpu.memref_squeeze %dma_wait3A_1061 : memref<1x125x128xf32, #tpu.memory_space<vmem>> -> memref<125x128xf32, #tpu.memory_space<vmem>>
      %dma_wait3A_1063 = arith.constant 0 : i32
      %dma_wait3A_1064 = arith.constant 0 : i32
      %dma_wait3A_1065 = tpu.memref_slice %arg7[%dma_wait3A_1057, %dma_wait3A_1063, %dma_wait3A_1064] : memref<2x10x125xi32, #tpu.memory_space<vmem>> -> memref<1x10x125xi32, #tpu.memory_space<vmem>>
      %dma_wait3A_1066 = tpu.memref_squeeze %dma_wait3A_1065 : memref<1x10x125xi32, #tpu.memory_space<vmem>> -> memref<10x125xi32, #tpu.memory_space<vmem>>
      %dma_wait3A_1067 = arith.constant 0 : i32
      %dma_wait3A_1068 = tpu.memref_slice %dma_wait3A_1066[%dma_wait3A_1058, %dma_wait3A_1067] : memref<10x125xi32, #tpu.memory_space<vmem>> -> memref<1x125xi32, #tpu.memory_space<vmem>>
      %dma_wait3A_1069 = tpu.memref_squeeze %dma_wait3A_1068 : memref<1x125xi32, #tpu.memory_space<vmem>> -> memref<125xi32, #tpu.memory_space<vmem>>
      %dma_wait3A_1070 = arith.constant 0 : i32
      %dma_wait3A_1071 = arith.constant 0 : i32
      %dma_wait3A_1072 = tpu.memref_slice %arg2[%dma_wait3A_1070, %dma_wait3A_1071] : memref<10000x128xf32, #tpu.memory_space<hbm>> -> memref<10000x128xf32, #tpu.memory_space<hbm>>
      tpu.wait_indirect_dma semaphore(%arg11 : memref<!tpu.dma_semaphore, #tpu.memory_space<semaphore_mem>>) src(%dma_wait3A_1072 : memref<10000x128xf32, #tpu.memory_space<hbm>>) dst(%dma_wait3A_1062 : memref<125x128xf32, #tpu.memory_space<vmem>>)
      %add3A_1073 = arith.constant 1 : i32
      %add3A_1074 = arith.addi %scan3A_1006, %add3A_1073 : i32
      %lt3A = arith.constant 5 : i32
      %lt3A_1075 = arith.cmpi slt, %add3A_1074, %lt3A : i32
      %convert_element_type3A_1076 = arith.extui %lt3A_1075 : i1 to i32
      %cond3A_1077 = arith.constant 0 : i32
      %cond3A_1078 = arith.cmpi ne, %convert_element_type3A_1076, %cond3A_1077 : i32
      scf.if %cond3A_1078 {
        %dma_wait3A_1093 = arith.constant 0 : i32
        %dma_wait3A_1094 = arith.constant 0 : i32
        %dma_wait3A_1095 = arith.constant 0 : i32
        %dma_wait3A_1096 = arith.constant 0 : i32
        %dma_wait3A_1097 = tpu.memref_slice %arg9[%scan3A_462, %dma_wait3A_1095, %dma_wait3A_1096] : memref<2x125x128xf32, #tpu.memory_space<vmem>> -> memref<1x125x128xf32, #tpu.memory_space<vmem>>
        %dma_wait3A_1098 = tpu.memref_squeeze %dma_wait3A_1097 : memref<1x125x128xf32, #tpu.memory_space<vmem>> -> memref<125x128xf32, #tpu.memory_space<vmem>>
        %dma_wait3A_1099 = arith.constant 0 : i32
        %dma_wait3A_1100 = arith.constant 0 : i32
        %dma_wait3A_1101 = tpu.memref_slice %arg8[%dma_wait3A_1093, %dma_wait3A_1099, %dma_wait3A_1100] : memref<2x10x125xi32, #tpu.memory_space<vmem>> -> memref<1x10x125xi32, #tpu.memory_space<vmem>>
        %dma_wait3A_1102 = tpu.memref_squeeze %dma_wait3A_1101 : memref<1x10x125xi32, #tpu.memory_space<vmem>> -> memref<10x125xi32, #tpu.memory_space<vmem>>
        %dma_wait3A_1103 = arith.constant 0 : i32
        %dma_wait3A_1104 = tpu.memref_slice %dma_wait3A_1102[%dma_wait3A_1094, %dma_wait3A_1103] : memref<10x125xi32, #tpu.memory_space<vmem>> -> memref<1x125xi32, #tpu.memory_space<vmem>>
        %dma_wait3A_1105 = tpu.memref_squeeze %dma_wait3A_1104 : memref<1x125xi32, #tpu.memory_space<vmem>> -> memref<125xi32, #tpu.memory_space<vmem>>
        %dma_wait3A_1106 = arith.constant 0 : i32
        %dma_wait3A_1107 = arith.constant 0 : i32
        %dma_wait3A_1108 = tpu.memref_slice %arg10[%dma_wait3A_1106, %dma_wait3A_1107] : memref<10240x128xf32, #tpu.memory_space<vmem_shared>> -> memref<10240x128xf32, #tpu.memory_space<vmem_shared>>
        tpu.wait_indirect_dma semaphore(%arg12 : memref<!tpu.dma_semaphore, #tpu.memory_space<semaphore_mem>>) src(%dma_wait3A_1098 : memref<125x128xf32, #tpu.memory_space<vmem>>) dst(%dma_wait3A_1108 : memref<10240x128xf32, #tpu.memory_space<vmem_shared>>)
        %add3A_1109 = arith.constant 2 : i32
        %add3A_1110 = arith.addi %mul3A_1008, %add3A_1109 : i32
        %dma_start3A_1111 = arith.constant 0 : i32
        %dma_start3A_1112 = arith.constant 0 : i32
        %dma_start3A_1113 = tpu.memref_slice %arg9[%scan3A_462, %dma_start3A_1111, %dma_start3A_1112] : memref<2x125x128xf32, #tpu.memory_space<vmem>> -> memref<1x125x128xf32, #tpu.memory_space<vmem>>
        %dma_start3A_1114 = tpu.memref_squeeze %dma_start3A_1113 : memref<1x125x128xf32, #tpu.memory_space<vmem>> -> memref<125x128xf32, #tpu.memory_space<vmem>>
        %dma_start3A_1115 = arith.constant 0 : i32
        %dma_start3A_1116 = arith.constant 0 : i32
        %dma_start3A_1117 = tpu.memref_slice %arg7[%scan3A_464, %dma_start3A_1115, %dma_start3A_1116] : memref<2x10x125xi32, #tpu.memory_space<vmem>> -> memref<1x10x125xi32, #tpu.memory_space<vmem>>
        %dma_start3A_1118 = tpu.memref_squeeze %dma_start3A_1117 : memref<1x10x125xi32, #tpu.memory_space<vmem>> -> memref<10x125xi32, #tpu.memory_space<vmem>>
        %dma_start3A_1119 = arith.constant 0 : i32
        %dma_start3A_1120 = tpu.memref_slice %dma_start3A_1118[%add3A_1110, %dma_start3A_1119] : memref<10x125xi32, #tpu.memory_space<vmem>> -> memref<1x125xi32, #tpu.memory_space<vmem>>
        %dma_start3A_1121 = tpu.memref_squeeze %dma_start3A_1120 : memref<1x125xi32, #tpu.memory_space<vmem>> -> memref<125xi32, #tpu.memory_space<vmem>>
        %dma_start3A_1122 = arith.constant 0 : i32
        %dma_start3A_1123 = arith.constant 0 : i32
        %dma_start3A_1124 = tpu.memref_slice %arg2[%dma_start3A_1122, %dma_start3A_1123] : memref<10000x128xf32, #tpu.memory_space<hbm>> -> memref<10000x128xf32, #tpu.memory_space<hbm>>
        tpu.enqueue_indirect_dma source(%dma_start3A_1124 : memref<10000x128xf32, #tpu.memory_space<hbm>>) target(%dma_start3A_1114 : memref<125x128xf32, #tpu.memory_space<vmem>>) offsets(%dma_start3A_1121 : memref<125xi32, #tpu.memory_space<vmem>>) semaphore(%arg11 : memref<!tpu.dma_semaphore, #tpu.memory_space<semaphore_mem>>)
      } else {
      }
      %dma_start3A_1079 = arith.constant 0 : i32
      %dma_start3A_1080 = arith.constant 0 : i32
      %dma_start3A_1081 = tpu.memref_slice %arg9[%scan3A_463, %dma_start3A_1079, %dma_start3A_1080] : memref<2x125x128xf32, #tpu.memory_space<vmem>> -> memref<1x125x128xf32, #tpu.memory_space<vmem>>
      %dma_start3A_1082 = tpu.memref_squeeze %dma_start3A_1081 : memref<1x125x128xf32, #tpu.memory_space<vmem>> -> memref<125x128xf32, #tpu.memory_space<vmem>>
      %dma_start3A_1083 = arith.constant 0 : i32
      %dma_start3A_1084 = arith.constant 0 : i32
      %dma_start3A_1085 = tpu.memref_slice %arg8[%scan3A_465, %dma_start3A_1083, %dma_start3A_1084] : memref<2x10x125xi32, #tpu.memory_space<vmem>> -> memref<1x10x125xi32, #tpu.memory_space<vmem>>
      %dma_start3A_1086 = tpu.memref_squeeze %dma_start3A_1085 : memref<1x10x125xi32, #tpu.memory_space<vmem>> -> memref<10x125xi32, #tpu.memory_space<vmem>>
      %dma_start3A_1087 = arith.constant 0 : i32
      %dma_start3A_1088 = tpu.memref_slice %dma_start3A_1086[%add3A_1010, %dma_start3A_1087] : memref<10x125xi32, #tpu.memory_space<vmem>> -> memref<1x125xi32, #tpu.memory_space<vmem>>
      %dma_start3A_1089 = tpu.memref_squeeze %dma_start3A_1088 : memref<1x125xi32, #tpu.memory_space<vmem>> -> memref<125xi32, #tpu.memory_space<vmem>>
      %dma_start3A_1090 = arith.constant 0 : i32
      %dma_start3A_1091 = arith.constant 0 : i32
      %dma_start3A_1092 = tpu.memref_slice %arg10[%dma_start3A_1090, %dma_start3A_1091] : memref<10240x128xf32, #tpu.memory_space<vmem_shared>> -> memref<10240x128xf32, #tpu.memory_space<vmem_shared>>
      tpu.enqueue_indirect_dma source(%dma_start3A_1082 : memref<125x128xf32, #tpu.memory_space<vmem>>) target(%dma_start3A_1092 : memref<10240x128xf32, #tpu.memory_space<vmem_shared>>) offsets(%dma_start3A_1089 : memref<125xi32, #tpu.memory_space<vmem>>) semaphore(%arg13 : memref<!tpu.dma_semaphore, #tpu.memory_space<semaphore_mem>>) {add = true}
    }
    %scan3A_470 = arith.constant 5 : i32
    %dma_wait3A_471 = arith.constant 0 : i32
    %dma_wait3A_472 = arith.constant 0 : i32
    %dma_wait3A_473 = arith.constant 0 : i32
    %dma_wait3A_474 = arith.constant 0 : i32
    %dma_wait3A_475 = tpu.memref_slice %arg7[%dma_wait3A_472, %dma_wait3A_473, %dma_wait3A_474] : memref<2x10x125xi32, #tpu.memory_space<vmem>> -> memref<1x10x125xi32, #tpu.memory_space<vmem>>
    %dma_wait3A_476 = tpu.memref_squeeze %dma_wait3A_475 : memref<1x10x125xi32, #tpu.memory_space<vmem>> -> memref<10x125xi32, #tpu.memory_space<vmem>>
    %dma_wait3A_477 = arith.constant 0 : i32
    %dma_wait3A_478 = arith.constant 0 : i32
    %dma_wait3A_479 = tpu.memref_slice %arg3[%add3A, %dma_wait3A_471, %dma_wait3A_477, %dma_wait3A_478] : memref<32x8x10x125xi32, #tpu.memory_space<hbm>> -> memref<1x1x10x125xi32, #tpu.memory_space<hbm>>
    %dma_wait3A_480 = tpu.memref_squeeze %dma_wait3A_479 : memref<1x1x10x125xi32, #tpu.memory_space<hbm>> -> memref<10x125xi32, #tpu.memory_space<hbm>>
    %dma_wait3A_481 = arith.constant 0 : i32
    %dma_wait3A_482 = arith.constant 0 : i32
    %dma_wait3A_483 = tpu.memref_slice %arg7[%dma_wait3A_472, %dma_wait3A_481, %dma_wait3A_482] : memref<2x10x125xi32, #tpu.memory_space<vmem>> -> memref<1x10x125xi32, #tpu.memory_space<vmem>>
    %dma_wait3A_484 = tpu.memref_squeeze %dma_wait3A_483 : memref<1x10x125xi32, #tpu.memory_space<vmem>> -> memref<10x125xi32, #tpu.memory_space<vmem>>
    %dma_wait3A_485 = arith.constant 0 : i32
    %dma_wait3A_486 = arith.constant 0 : i32
    %dma_wait3A_487 = tpu.memref_slice %arg3[%add3A, %dma_wait3A_471, %dma_wait3A_485, %dma_wait3A_486] : memref<32x8x10x125xi32, #tpu.memory_space<hbm>> -> memref<1x1x10x125xi32, #tpu.memory_space<hbm>>
    %dma_wait3A_488 = tpu.memref_squeeze %dma_wait3A_487 : memref<1x1x10x125xi32, #tpu.memory_space<hbm>> -> memref<10x125xi32, #tpu.memory_space<hbm>>
    tpu.wait_dma2 semaphore(%arg14 : memref<!tpu.dma_semaphore, #tpu.memory_space<semaphore_mem>>) src(%dma_wait3A_488 : memref<10x125xi32, #tpu.memory_space<hbm>>) dst(%dma_wait3A_484 : memref<10x125xi32, #tpu.memory_space<vmem>>)
    %dma_wait3A_489 = arith.constant 0 : i32
    %dma_wait3A_490 = arith.constant 0 : i32
    %dma_wait3A_491 = arith.constant 0 : i32
    %dma_wait3A_492 = arith.constant 0 : i32
    %dma_wait3A_493 = tpu.memref_slice %arg8[%dma_wait3A_490, %dma_wait3A_491, %dma_wait3A_492] : memref<2x10x125xi32, #tpu.memory_space<vmem>> -> memref<1x10x125xi32, #tpu.memory_space<vmem>>
    %dma_wait3A_494 = tpu.memref_squeeze %dma_wait3A_493 : memref<1x10x125xi32, #tpu.memory_space<vmem>> -> memref<10x125xi32, #tpu.memory_space<vmem>>
    %dma_wait3A_495 = arith.constant 0 : i32
    %dma_wait3A_496 = arith.constant 0 : i32
    %dma_wait3A_497 = tpu.memref_slice %arg3[%add3A, %dma_wait3A_489, %dma_wait3A_495, %dma_wait3A_496] : memref<32x8x10x125xi32, #tpu.memory_space<hbm>> -> memref<1x1x10x125xi32, #tpu.memory_space<hbm>>
    %dma_wait3A_498 = tpu.memref_squeeze %dma_wait3A_497 : memref<1x1x10x125xi32, #tpu.memory_space<hbm>> -> memref<10x125xi32, #tpu.memory_space<hbm>>
    %dma_wait3A_499 = arith.constant 0 : i32
    %dma_wait3A_500 = arith.constant 0 : i32
    %dma_wait3A_501 = tpu.memref_slice %arg8[%dma_wait3A_490, %dma_wait3A_499, %dma_wait3A_500] : memref<2x10x125xi32, #tpu.memory_space<vmem>> -> memref<1x10x125xi32, #tpu.memory_space<vmem>>
    %dma_wait3A_502 = tpu.memref_squeeze %dma_wait3A_501 : memref<1x10x125xi32, #tpu.memory_space<vmem>> -> memref<10x125xi32, #tpu.memory_space<vmem>>
    %dma_wait3A_503 = arith.constant 0 : i32
    %dma_wait3A_504 = arith.constant 0 : i32
    %dma_wait3A_505 = tpu.memref_slice %arg3[%add3A, %dma_wait3A_489, %dma_wait3A_503, %dma_wait3A_504] : memref<32x8x10x125xi32, #tpu.memory_space<hbm>> -> memref<1x1x10x125xi32, #tpu.memory_space<hbm>>
    %dma_wait3A_506 = tpu.memref_squeeze %dma_wait3A_505 : memref<1x1x10x125xi32, #tpu.memory_space<hbm>> -> memref<10x125xi32, #tpu.memory_space<hbm>>
    tpu.wait_dma2 semaphore(%arg14 : memref<!tpu.dma_semaphore, #tpu.memory_space<semaphore_mem>>) src(%dma_wait3A_506 : memref<10x125xi32, #tpu.memory_space<hbm>>) dst(%dma_wait3A_502 : memref<10x125xi32, #tpu.memory_space<vmem>>)
    %dma_wait3A_507 = arith.constant 0 : i32
    %dma_wait3A_508 = arith.constant 0 : i32
    %dma_wait3A_509 = arith.constant 0 : i32
    %dma_wait3A_510 = arith.constant 0 : i32
    %dma_wait3A_511 = arith.constant 0 : i32
    %dma_wait3A_512 = tpu.memref_slice %arg9[%dma_wait3A_507, %dma_wait3A_510, %dma_wait3A_511] : memref<2x125x128xf32, #tpu.memory_space<vmem>> -> memref<1x125x128xf32, #tpu.memory_space<vmem>>
    %dma_wait3A_513 = tpu.memref_squeeze %dma_wait3A_512 : memref<1x125x128xf32, #tpu.memory_space<vmem>> -> memref<125x128xf32, #tpu.memory_space<vmem>>
    %dma_wait3A_514 = arith.constant 0 : i32
    %dma_wait3A_515 = arith.constant 0 : i32
    %dma_wait3A_516 = tpu.memref_slice %arg8[%dma_wait3A_508, %dma_wait3A_514, %dma_wait3A_515] : memref<2x10x125xi32, #tpu.memory_space<vmem>> -> memref<1x10x125xi32, #tpu.memory_space<vmem>>
    %dma_wait3A_517 = tpu.memref_squeeze %dma_wait3A_516 : memref<1x10x125xi32, #tpu.memory_space<vmem>> -> memref<10x125xi32, #tpu.memory_space<vmem>>
    %dma_wait3A_518 = arith.constant 0 : i32
    %dma_wait3A_519 = tpu.memref_slice %dma_wait3A_517[%dma_wait3A_509, %dma_wait3A_518] : memref<10x125xi32, #tpu.memory_space<vmem>> -> memref<1x125xi32, #tpu.memory_space<vmem>>
    %dma_wait3A_520 = tpu.memref_squeeze %dma_wait3A_519 : memref<1x125xi32, #tpu.memory_space<vmem>> -> memref<125xi32, #tpu.memory_space<vmem>>
    %dma_wait3A_521 = arith.constant 0 : i32
    %dma_wait3A_522 = arith.constant 0 : i32
    %dma_wait3A_523 = tpu.memref_slice %arg10[%dma_wait3A_521, %dma_wait3A_522] : memref<10240x128xf32, #tpu.memory_space<vmem_shared>> -> memref<10240x128xf32, #tpu.memory_space<vmem_shared>>
    tpu.wait_indirect_dma semaphore(%arg12 : memref<!tpu.dma_semaphore, #tpu.memory_space<semaphore_mem>>) src(%dma_wait3A_513 : memref<125x128xf32, #tpu.memory_space<vmem>>) dst(%dma_wait3A_523 : memref<10240x128xf32, #tpu.memory_space<vmem_shared>>)
    %dma_start3A_524 = arith.constant 0 : i32
    %dma_start3A_525 = arith.constant 0 : i32
    %dma_start3A_526 = arith.constant 0 : i32
    %dma_start3A_527 = arith.constant 0 : i32
    %dma_start3A_528 = arith.constant 0 : i32
    %dma_start3A_529 = tpu.memref_slice %arg9[%dma_start3A_526, %dma_start3A_527, %dma_start3A_528] : memref<2x125x128xf32, #tpu.memory_space<vmem>> -> memref<1x125x128xf32, #tpu.memory_space<vmem>>
    %dma_start3A_530 = tpu.memref_squeeze %dma_start3A_529 : memref<1x125x128xf32, #tpu.memory_space<vmem>> -> memref<125x128xf32, #tpu.memory_space<vmem>>
    %dma_start3A_531 = arith.constant 0 : i32
    %dma_start3A_532 = arith.constant 0 : i32
    %dma_start3A_533 = tpu.memref_slice %arg7[%dma_start3A_524, %dma_start3A_531, %dma_start3A_532] : memref<2x10x125xi32, #tpu.memory_space<vmem>> -> memref<1x10x125xi32, #tpu.memory_space<vmem>>
    %dma_start3A_534 = tpu.memref_squeeze %dma_start3A_533 : memref<1x10x125xi32, #tpu.memory_space<vmem>> -> memref<10x125xi32, #tpu.memory_space<vmem>>
    %dma_start3A_535 = arith.constant 0 : i32
    %dma_start3A_536 = tpu.memref_slice %dma_start3A_534[%dma_start3A_525, %dma_start3A_535] : memref<10x125xi32, #tpu.memory_space<vmem>> -> memref<1x125xi32, #tpu.memory_space<vmem>>
    %dma_start3A_537 = tpu.memref_squeeze %dma_start3A_536 : memref<1x125xi32, #tpu.memory_space<vmem>> -> memref<125xi32, #tpu.memory_space<vmem>>
    %dma_start3A_538 = arith.constant 0 : i32
    %dma_start3A_539 = arith.constant 0 : i32
    %dma_start3A_540 = tpu.memref_slice %arg2[%dma_start3A_538, %dma_start3A_539] : memref<10000x128xf32, #tpu.memory_space<hbm>> -> memref<10000x128xf32, #tpu.memory_space<hbm>>
    tpu.enqueue_indirect_dma source(%dma_start3A_540 : memref<10000x128xf32, #tpu.memory_space<hbm>>) target(%dma_start3A_530 : memref<125x128xf32, #tpu.memory_space<vmem>>) offsets(%dma_start3A_537 : memref<125xi32, #tpu.memory_space<vmem>>) semaphore(%arg11 : memref<!tpu.dma_semaphore, #tpu.memory_space<semaphore_mem>>)
    %dma_wait3A_541 = arith.constant 1 : i32
    %dma_wait3A_542 = arith.constant 0 : i32
    %dma_wait3A_543 = arith.constant 0 : i32
    %dma_wait3A_544 = arith.constant 0 : i32
    %dma_wait3A_545 = arith.constant 0 : i32
    %dma_wait3A_546 = tpu.memref_slice %arg9[%dma_wait3A_541, %dma_wait3A_544, %dma_wait3A_545] : memref<2x125x128xf32, #tpu.memory_space<vmem>> -> memref<1x125x128xf32, #tpu.memory_space<vmem>>
    %dma_wait3A_547 = tpu.memref_squeeze %dma_wait3A_546 : memref<1x125x128xf32, #tpu.memory_space<vmem>> -> memref<125x128xf32, #tpu.memory_space<vmem>>
    %dma_wait3A_548 = arith.constant 0 : i32
    %dma_wait3A_549 = arith.constant 0 : i32
    %dma_wait3A_550 = tpu.memref_slice %arg8[%dma_wait3A_542, %dma_wait3A_548, %dma_wait3A_549] : memref<2x10x125xi32, #tpu.memory_space<vmem>> -> memref<1x10x125xi32, #tpu.memory_space<vmem>>
    %dma_wait3A_551 = tpu.memref_squeeze %dma_wait3A_550 : memref<1x10x125xi32, #tpu.memory_space<vmem>> -> memref<10x125xi32, #tpu.memory_space<vmem>>
    %dma_wait3A_552 = arith.constant 0 : i32
    %dma_wait3A_553 = tpu.memref_slice %dma_wait3A_551[%dma_wait3A_543, %dma_wait3A_552] : memref<10x125xi32, #tpu.memory_space<vmem>> -> memref<1x125xi32, #tpu.memory_space<vmem>>
    %dma_wait3A_554 = tpu.memref_squeeze %dma_wait3A_553 : memref<1x125xi32, #tpu.memory_space<vmem>> -> memref<125xi32, #tpu.memory_space<vmem>>
    %dma_wait3A_555 = arith.constant 0 : i32
    %dma_wait3A_556 = arith.constant 0 : i32
    %dma_wait3A_557 = tpu.memref_slice %arg10[%dma_wait3A_555, %dma_wait3A_556] : memref<10240x128xf32, #tpu.memory_space<vmem_shared>> -> memref<10240x128xf32, #tpu.memory_space<vmem_shared>>
    tpu.wait_indirect_dma semaphore(%arg13 : memref<!tpu.dma_semaphore, #tpu.memory_space<semaphore_mem>>) src(%dma_wait3A_547 : memref<125x128xf32, #tpu.memory_space<vmem>>) dst(%dma_wait3A_557 : memref<10240x128xf32, #tpu.memory_space<vmem_shared>>)
    %dma_start3A_558 = arith.constant 5 : i32
    %dma_start3A_559 = arith.constant 1 : i32
    %dma_start3A_560 = arith.constant 0 : i32
    %dma_start3A_561 = arith.constant 0 : i32
    %dma_start3A_562 = tpu.memref_slice %arg7[%dma_start3A_559, %dma_start3A_560, %dma_start3A_561] : memref<2x10x125xi32, #tpu.memory_space<vmem>> -> memref<1x10x125xi32, #tpu.memory_space<vmem>>
    %dma_start3A_563 = tpu.memref_squeeze %dma_start3A_562 : memref<1x10x125xi32, #tpu.memory_space<vmem>> -> memref<10x125xi32, #tpu.memory_space<vmem>>
    %dma_start3A_564 = arith.constant 0 : i32
    %dma_start3A_565 = arith.constant 0 : i32
    %dma_start3A_566 = tpu.memref_slice %arg3[%add3A, %dma_start3A_558, %dma_start3A_564, %dma_start3A_565] : memref<32x8x10x125xi32, #tpu.memory_space<hbm>> -> memref<1x1x10x125xi32, #tpu.memory_space<hbm>>
    %dma_start3A_567 = tpu.memref_squeeze %dma_start3A_566 : memref<1x1x10x125xi32, #tpu.memory_space<hbm>> -> memref<10x125xi32, #tpu.memory_space<hbm>>
    %dma_start3A_568 = arith.constant 0 : i32
    %dma_start3A_569 = arith.constant 0 : i32
    %dma_start3A_570 = tpu.memref_slice %arg7[%dma_start3A_559, %dma_start3A_568, %dma_start3A_569] : memref<2x10x125xi32, #tpu.memory_space<vmem>> -> memref<1x10x125xi32, #tpu.memory_space<vmem>>
    %dma_start3A_571 = tpu.memref_squeeze %dma_start3A_570 : memref<1x10x125xi32, #tpu.memory_space<vmem>> -> memref<10x125xi32, #tpu.memory_space<vmem>>
    %dma_start3A_572 = arith.constant 0 : i32
    %dma_start3A_573 = arith.constant 0 : i32
    %dma_start3A_574 = tpu.memref_slice %arg3[%add3A, %dma_start3A_558, %dma_start3A_572, %dma_start3A_573] : memref<32x8x10x125xi32, #tpu.memory_space<hbm>> -> memref<1x1x10x125xi32, #tpu.memory_space<hbm>>
    %dma_start3A_575 = tpu.memref_squeeze %dma_start3A_574 : memref<1x1x10x125xi32, #tpu.memory_space<hbm>> -> memref<10x125xi32, #tpu.memory_space<hbm>>
    tpu.enqueue_dma source(%dma_start3A_575 : memref<10x125xi32, #tpu.memory_space<hbm>>) target(%dma_start3A_571 : memref<10x125xi32, #tpu.memory_space<vmem>>) target_semaphore(%arg14 : memref<!tpu.dma_semaphore, #tpu.memory_space<semaphore_mem>>)
    %dma_start3A_576 = arith.constant 5 : i32
    %dma_start3A_577 = arith.constant 1 : i32
    %dma_start3A_578 = arith.constant 0 : i32
    %dma_start3A_579 = arith.constant 0 : i32
    %dma_start3A_580 = tpu.memref_slice %arg8[%dma_start3A_577, %dma_start3A_578, %dma_start3A_579] : memref<2x10x125xi32, #tpu.memory_space<vmem>> -> memref<1x10x125xi32, #tpu.memory_space<vmem>>
    %dma_start3A_581 = tpu.memref_squeeze %dma_start3A_580 : memref<1x10x125xi32, #tpu.memory_space<vmem>> -> memref<10x125xi32, #tpu.memory_space<vmem>>
    %dma_start3A_582 = arith.constant 0 : i32
    %dma_start3A_583 = arith.constant 0 : i32
    %dma_start3A_584 = tpu.memref_slice %arg4[%add3A, %dma_start3A_576, %dma_start3A_582, %dma_start3A_583] : memref<32x8x10x125xi32, #tpu.memory_space<hbm>> -> memref<1x1x10x125xi32, #tpu.memory_space<hbm>>
    %dma_start3A_585 = tpu.memref_squeeze %dma_start3A_584 : memref<1x1x10x125xi32, #tpu.memory_space<hbm>> -> memref<10x125xi32, #tpu.memory_space<hbm>>
    %dma_start3A_586 = arith.constant 0 : i32
    %dma_start3A_587 = arith.constant 0 : i32
    %dma_start3A_588 = tpu.memref_slice %arg8[%dma_start3A_577, %dma_start3A_586, %dma_start3A_587] : memref<2x10x125xi32, #tpu.memory_space<vmem>> -> memref<1x10x125xi32, #tpu.memory_space<vmem>>
    %dma_start3A_589 = tpu.memref_squeeze %dma_start3A_588 : memref<1x10x125xi32, #tpu.memory_space<vmem>> -> memref<10x125xi32, #tpu.memory_space<vmem>>
    %dma_start3A_590 = arith.constant 0 : i32
    %dma_start3A_591 = arith.constant 0 : i32
    %dma_start3A_592 = tpu.memref_slice %arg4[%add3A, %dma_start3A_576, %dma_start3A_590, %dma_start3A_591] : memref<32x8x10x125xi32, #tpu.memory_space<hbm>> -> memref<1x1x10x125xi32, #tpu.memory_space<hbm>>
    %dma_start3A_593 = tpu.memref_squeeze %dma_start3A_592 : memref<1x1x10x125xi32, #tpu.memory_space<hbm>> -> memref<10x125xi32, #tpu.memory_space<hbm>>
    tpu.enqueue_dma source(%dma_start3A_593 : memref<10x125xi32, #tpu.memory_space<hbm>>) target(%dma_start3A_589 : memref<10x125xi32, #tpu.memory_space<vmem>>) target_semaphore(%arg14 : memref<!tpu.dma_semaphore, #tpu.memory_space<semaphore_mem>>)
    %scan3A_594 = arith.constant 0 : i32
    %scan3A_595 = arith.constant 0 : i32
    %scan3A_596 = arith.constant 1 : i32
    %scan3A_597 = arith.constant 0 : i32
    %scan3A_598 = arith.constant 0 : i32
    %scan3A_599 = arith.constant 0 : i32
    %scan3A_600 = arith.constant 5 : i32
    %scan3A_601 = arith.addi %scan3A_599, %scan3A_600 : i32
    %scan3A_602 = arith.constant 1 : i32
    scf.for %scan3A_1006 = %scan3A_599 to %scan3A_601 step %scan3A_602  : i32 {
      %mul3A_1007 = arith.constant 2 : i32
      %mul3A_1008 = arith.muli %mul3A_1007, %scan3A_1006 : i32
      %add3A_1009 = arith.constant 1 : i32
      %add3A_1010 = arith.addi %mul3A_1008, %add3A_1009 : i32
      %dma_wait3A_1011 = arith.constant 0 : i32
      %dma_wait3A_1012 = arith.constant 0 : i32
      %dma_wait3A_1013 = arith.constant 0 : i32
      %dma_wait3A_1014 = arith.constant 0 : i32
      %dma_wait3A_1015 = tpu.memref_slice %arg9[%scan3A_595, %dma_wait3A_1013, %dma_wait3A_1014] : memref<2x125x128xf32, #tpu.memory_space<vmem>> -> memref<1x125x128xf32, #tpu.memory_space<vmem>>
      %dma_wait3A_1016 = tpu.memref_squeeze %dma_wait3A_1015 : memref<1x125x128xf32, #tpu.memory_space<vmem>> -> memref<125x128xf32, #tpu.memory_space<vmem>>
      %dma_wait3A_1017 = arith.constant 0 : i32
      %dma_wait3A_1018 = arith.constant 0 : i32
      %dma_wait3A_1019 = tpu.memref_slice %arg7[%dma_wait3A_1011, %dma_wait3A_1017, %dma_wait3A_1018] : memref<2x10x125xi32, #tpu.memory_space<vmem>> -> memref<1x10x125xi32, #tpu.memory_space<vmem>>
      %dma_wait3A_1020 = tpu.memref_squeeze %dma_wait3A_1019 : memref<1x10x125xi32, #tpu.memory_space<vmem>> -> memref<10x125xi32, #tpu.memory_space<vmem>>
      %dma_wait3A_1021 = arith.constant 0 : i32
      %dma_wait3A_1022 = tpu.memref_slice %dma_wait3A_1020[%dma_wait3A_1012, %dma_wait3A_1021] : memref<10x125xi32, #tpu.memory_space<vmem>> -> memref<1x125xi32, #tpu.memory_space<vmem>>
      %dma_wait3A_1023 = tpu.memref_squeeze %dma_wait3A_1022 : memref<1x125xi32, #tpu.memory_space<vmem>> -> memref<125xi32, #tpu.memory_space<vmem>>
      %dma_wait3A_1024 = arith.constant 0 : i32
      %dma_wait3A_1025 = arith.constant 0 : i32
      %dma_wait3A_1026 = tpu.memref_slice %arg2[%dma_wait3A_1024, %dma_wait3A_1025] : memref<10000x128xf32, #tpu.memory_space<hbm>> -> memref<10000x128xf32, #tpu.memory_space<hbm>>
      tpu.wait_indirect_dma semaphore(%arg11 : memref<!tpu.dma_semaphore, #tpu.memory_space<semaphore_mem>>) src(%dma_wait3A_1026 : memref<10000x128xf32, #tpu.memory_space<hbm>>) dst(%dma_wait3A_1016 : memref<125x128xf32, #tpu.memory_space<vmem>>)
      %gt3A = arith.constant 0 : i32
      %gt3A_1027 = arith.cmpi sgt, %scan3A_1006, %gt3A : i32
      %convert_element_type3A = arith.extui %gt3A_1027 : i1 to i32
      %cond3A = arith.constant 0 : i32
      %cond3A_1028 = arith.cmpi ne, %convert_element_type3A, %cond3A : i32
      scf.if %cond3A_1028 {
        %dma_wait3A_1093 = arith.constant 0 : i32
        %dma_wait3A_1094 = arith.constant 0 : i32
        %dma_wait3A_1095 = arith.constant 0 : i32
        %dma_wait3A_1096 = arith.constant 0 : i32
        %dma_wait3A_1097 = tpu.memref_slice %arg9[%scan3A_596, %dma_wait3A_1095, %dma_wait3A_1096] : memref<2x125x128xf32, #tpu.memory_space<vmem>> -> memref<1x125x128xf32, #tpu.memory_space<vmem>>
        %dma_wait3A_1098 = tpu.memref_squeeze %dma_wait3A_1097 : memref<1x125x128xf32, #tpu.memory_space<vmem>> -> memref<125x128xf32, #tpu.memory_space<vmem>>
        %dma_wait3A_1099 = arith.constant 0 : i32
        %dma_wait3A_1100 = arith.constant 0 : i32
        %dma_wait3A_1101 = tpu.memref_slice %arg8[%dma_wait3A_1093, %dma_wait3A_1099, %dma_wait3A_1100] : memref<2x10x125xi32, #tpu.memory_space<vmem>> -> memref<1x10x125xi32, #tpu.memory_space<vmem>>
        %dma_wait3A_1102 = tpu.memref_squeeze %dma_wait3A_1101 : memref<1x10x125xi32, #tpu.memory_space<vmem>> -> memref<10x125xi32, #tpu.memory_space<vmem>>
        %dma_wait3A_1103 = arith.constant 0 : i32
        %dma_wait3A_1104 = tpu.memref_slice %dma_wait3A_1102[%dma_wait3A_1094, %dma_wait3A_1103] : memref<10x125xi32, #tpu.memory_space<vmem>> -> memref<1x125xi32, #tpu.memory_space<vmem>>
        %dma_wait3A_1105 = tpu.memref_squeeze %dma_wait3A_1104 : memref<1x125xi32, #tpu.memory_space<vmem>> -> memref<125xi32, #tpu.memory_space<vmem>>
        %dma_wait3A_1106 = arith.constant 0 : i32
        %dma_wait3A_1107 = arith.constant 0 : i32
        %dma_wait3A_1108 = tpu.memref_slice %arg10[%dma_wait3A_1106, %dma_wait3A_1107] : memref<10240x128xf32, #tpu.memory_space<vmem_shared>> -> memref<10240x128xf32, #tpu.memory_space<vmem_shared>>
        tpu.wait_indirect_dma semaphore(%arg13 : memref<!tpu.dma_semaphore, #tpu.memory_space<semaphore_mem>>) src(%dma_wait3A_1098 : memref<125x128xf32, #tpu.memory_space<vmem>>) dst(%dma_wait3A_1108 : memref<10240x128xf32, #tpu.memory_space<vmem_shared>>)
      } else {
      }
      %dma_start3A_1029 = arith.constant 0 : i32
      %dma_start3A_1030 = arith.constant 0 : i32
      %dma_start3A_1031 = tpu.memref_slice %arg9[%scan3A_596, %dma_start3A_1029, %dma_start3A_1030] : memref<2x125x128xf32, #tpu.memory_space<vmem>> -> memref<1x125x128xf32, #tpu.memory_space<vmem>>
      %dma_start3A_1032 = tpu.memref_squeeze %dma_start3A_1031 : memref<1x125x128xf32, #tpu.memory_space<vmem>> -> memref<125x128xf32, #tpu.memory_space<vmem>>
      %dma_start3A_1033 = arith.constant 0 : i32
      %dma_start3A_1034 = arith.constant 0 : i32
      %dma_start3A_1035 = tpu.memref_slice %arg7[%scan3A_597, %dma_start3A_1033, %dma_start3A_1034] : memref<2x10x125xi32, #tpu.memory_space<vmem>> -> memref<1x10x125xi32, #tpu.memory_space<vmem>>
      %dma_start3A_1036 = tpu.memref_squeeze %dma_start3A_1035 : memref<1x10x125xi32, #tpu.memory_space<vmem>> -> memref<10x125xi32, #tpu.memory_space<vmem>>
      %dma_start3A_1037 = arith.constant 0 : i32
      %dma_start3A_1038 = tpu.memref_slice %dma_start3A_1036[%add3A_1010, %dma_start3A_1037] : memref<10x125xi32, #tpu.memory_space<vmem>> -> memref<1x125xi32, #tpu.memory_space<vmem>>
      %dma_start3A_1039 = tpu.memref_squeeze %dma_start3A_1038 : memref<1x125xi32, #tpu.memory_space<vmem>> -> memref<125xi32, #tpu.memory_space<vmem>>
      %dma_start3A_1040 = arith.constant 0 : i32
      %dma_start3A_1041 = arith.constant 0 : i32
      %dma_start3A_1042 = tpu.memref_slice %arg2[%dma_start3A_1040, %dma_start3A_1041] : memref<10000x128xf32, #tpu.memory_space<hbm>> -> memref<10000x128xf32, #tpu.memory_space<hbm>>
      tpu.enqueue_indirect_dma source(%dma_start3A_1042 : memref<10000x128xf32, #tpu.memory_space<hbm>>) target(%dma_start3A_1032 : memref<125x128xf32, #tpu.memory_space<vmem>>) offsets(%dma_start3A_1039 : memref<125xi32, #tpu.memory_space<vmem>>) semaphore(%arg11 : memref<!tpu.dma_semaphore, #tpu.memory_space<semaphore_mem>>)
      %dma_start3A_1043 = arith.constant 0 : i32
      %dma_start3A_1044 = arith.constant 0 : i32
      %dma_start3A_1045 = tpu.memref_slice %arg9[%scan3A_595, %dma_start3A_1043, %dma_start3A_1044] : memref<2x125x128xf32, #tpu.memory_space<vmem>> -> memref<1x125x128xf32, #tpu.memory_space<vmem>>
      %dma_start3A_1046 = tpu.memref_squeeze %dma_start3A_1045 : memref<1x125x128xf32, #tpu.memory_space<vmem>> -> memref<125x128xf32, #tpu.memory_space<vmem>>
      %dma_start3A_1047 = arith.constant 0 : i32
      %dma_start3A_1048 = arith.constant 0 : i32
      %dma_start3A_1049 = tpu.memref_slice %arg8[%scan3A_598, %dma_start3A_1047, %dma_start3A_1048] : memref<2x10x125xi32, #tpu.memory_space<vmem>> -> memref<1x10x125xi32, #tpu.memory_space<vmem>>
      %dma_start3A_1050 = tpu.memref_squeeze %dma_start3A_1049 : memref<1x10x125xi32, #tpu.memory_space<vmem>> -> memref<10x125xi32, #tpu.memory_space<vmem>>
      %dma_start3A_1051 = arith.constant 0 : i32
      %dma_start3A_1052 = tpu.memref_slice %dma_start3A_1050[%mul3A_1008, %dma_start3A_1051] : memref<10x125xi32, #tpu.memory_space<vmem>> -> memref<1x125xi32, #tpu.memory_space<vmem>>
      %dma_start3A_1053 = tpu.memref_squeeze %dma_start3A_1052 : memref<1x125xi32, #tpu.memory_space<vmem>> -> memref<125xi32, #tpu.memory_space<vmem>>
      %dma_start3A_1054 = arith.constant 0 : i32
      %dma_start3A_1055 = arith.constant 0 : i32
      %dma_start3A_1056 = tpu.memref_slice %arg10[%dma_start3A_1054, %dma_start3A_1055] : memref<10240x128xf32, #tpu.memory_space<vmem_shared>> -> memref<10240x128xf32, #tpu.memory_space<vmem_shared>>
      tpu.enqueue_indirect_dma source(%dma_start3A_1046 : memref<125x128xf32, #tpu.memory_space<vmem>>) target(%dma_start3A_1056 : memref<10240x128xf32, #tpu.memory_space<vmem_shared>>) offsets(%dma_start3A_1053 : memref<125xi32, #tpu.memory_space<vmem>>) semaphore(%arg12 : memref<!tpu.dma_semaphore, #tpu.memory_space<semaphore_mem>>) {add = true}
      %dma_wait3A_1057 = arith.constant 0 : i32
      %dma_wait3A_1058 = arith.constant 0 : i32
      %dma_wait3A_1059 = arith.constant 0 : i32
      %dma_wait3A_1060 = arith.constant 0 : i32
      %dma_wait3A_1061 = tpu.memref_slice %arg9[%scan3A_596, %dma_wait3A_1059, %dma_wait3A_1060] : memref<2x125x128xf32, #tpu.memory_space<vmem>> -> memref<1x125x128xf32, #tpu.memory_space<vmem>>
      %dma_wait3A_1062 = tpu.memref_squeeze %dma_wait3A_1061 : memref<1x125x128xf32, #tpu.memory_space<vmem>> -> memref<125x128xf32, #tpu.memory_space<vmem>>
      %dma_wait3A_1063 = arith.constant 0 : i32
      %dma_wait3A_1064 = arith.constant 0 : i32
      %dma_wait3A_1065 = tpu.memref_slice %arg7[%dma_wait3A_1057, %dma_wait3A_1063, %dma_wait3A_1064] : memref<2x10x125xi32, #tpu.memory_space<vmem>> -> memref<1x10x125xi32, #tpu.memory_space<vmem>>
      %dma_wait3A_1066 = tpu.memref_squeeze %dma_wait3A_1065 : memref<1x10x125xi32, #tpu.memory_space<vmem>> -> memref<10x125xi32, #tpu.memory_space<vmem>>
      %dma_wait3A_1067 = arith.constant 0 : i32
      %dma_wait3A_1068 = tpu.memref_slice %dma_wait3A_1066[%dma_wait3A_1058, %dma_wait3A_1067] : memref<10x125xi32, #tpu.memory_space<vmem>> -> memref<1x125xi32, #tpu.memory_space<vmem>>
      %dma_wait3A_1069 = tpu.memref_squeeze %dma_wait3A_1068 : memref<1x125xi32, #tpu.memory_space<vmem>> -> memref<125xi32, #tpu.memory_space<vmem>>
      %dma_wait3A_1070 = arith.constant 0 : i32
      %dma_wait3A_1071 = arith.constant 0 : i32
      %dma_wait3A_1072 = tpu.memref_slice %arg2[%dma_wait3A_1070, %dma_wait3A_1071] : memref<10000x128xf32, #tpu.memory_space<hbm>> -> memref<10000x128xf32, #tpu.memory_space<hbm>>
      tpu.wait_indirect_dma semaphore(%arg11 : memref<!tpu.dma_semaphore, #tpu.memory_space<semaphore_mem>>) src(%dma_wait3A_1072 : memref<10000x128xf32, #tpu.memory_space<hbm>>) dst(%dma_wait3A_1062 : memref<125x128xf32, #tpu.memory_space<vmem>>)
      %add3A_1073 = arith.constant 1 : i32
      %add3A_1074 = arith.addi %scan3A_1006, %add3A_1073 : i32
      %lt3A = arith.constant 5 : i32
      %lt3A_1075 = arith.cmpi slt, %add3A_1074, %lt3A : i32
      %convert_element_type3A_1076 = arith.extui %lt3A_1075 : i1 to i32
      %cond3A_1077 = arith.constant 0 : i32
      %cond3A_1078 = arith.cmpi ne, %convert_element_type3A_1076, %cond3A_1077 : i32
      scf.if %cond3A_1078 {
        %dma_wait3A_1093 = arith.constant 0 : i32
        %dma_wait3A_1094 = arith.constant 0 : i32
        %dma_wait3A_1095 = arith.constant 0 : i32
        %dma_wait3A_1096 = arith.constant 0 : i32
        %dma_wait3A_1097 = tpu.memref_slice %arg9[%scan3A_595, %dma_wait3A_1095, %dma_wait3A_1096] : memref<2x125x128xf32, #tpu.memory_space<vmem>> -> memref<1x125x128xf32, #tpu.memory_space<vmem>>
        %dma_wait3A_1098 = tpu.memref_squeeze %dma_wait3A_1097 : memref<1x125x128xf32, #tpu.memory_space<vmem>> -> memref<125x128xf32, #tpu.memory_space<vmem>>
        %dma_wait3A_1099 = arith.constant 0 : i32
        %dma_wait3A_1100 = arith.constant 0 : i32
        %dma_wait3A_1101 = tpu.memref_slice %arg8[%dma_wait3A_1093, %dma_wait3A_1099, %dma_wait3A_1100] : memref<2x10x125xi32, #tpu.memory_space<vmem>> -> memref<1x10x125xi32, #tpu.memory_space<vmem>>
        %dma_wait3A_1102 = tpu.memref_squeeze %dma_wait3A_1101 : memref<1x10x125xi32, #tpu.memory_space<vmem>> -> memref<10x125xi32, #tpu.memory_space<vmem>>
        %dma_wait3A_1103 = arith.constant 0 : i32
        %dma_wait3A_1104 = tpu.memref_slice %dma_wait3A_1102[%dma_wait3A_1094, %dma_wait3A_1103] : memref<10x125xi32, #tpu.memory_space<vmem>> -> memref<1x125xi32, #tpu.memory_space<vmem>>
        %dma_wait3A_1105 = tpu.memref_squeeze %dma_wait3A_1104 : memref<1x125xi32, #tpu.memory_space<vmem>> -> memref<125xi32, #tpu.memory_space<vmem>>
        %dma_wait3A_1106 = arith.constant 0 : i32
        %dma_wait3A_1107 = arith.constant 0 : i32
        %dma_wait3A_1108 = tpu.memref_slice %arg10[%dma_wait3A_1106, %dma_wait3A_1107] : memref<10240x128xf32, #tpu.memory_space<vmem_shared>> -> memref<10240x128xf32, #tpu.memory_space<vmem_shared>>
        tpu.wait_indirect_dma semaphore(%arg12 : memref<!tpu.dma_semaphore, #tpu.memory_space<semaphore_mem>>) src(%dma_wait3A_1098 : memref<125x128xf32, #tpu.memory_space<vmem>>) dst(%dma_wait3A_1108 : memref<10240x128xf32, #tpu.memory_space<vmem_shared>>)
        %add3A_1109 = arith.constant 2 : i32
        %add3A_1110 = arith.addi %mul3A_1008, %add3A_1109 : i32
        %dma_start3A_1111 = arith.constant 0 : i32
        %dma_start3A_1112 = arith.constant 0 : i32
        %dma_start3A_1113 = tpu.memref_slice %arg9[%scan3A_595, %dma_start3A_1111, %dma_start3A_1112] : memref<2x125x128xf32, #tpu.memory_space<vmem>> -> memref<1x125x128xf32, #tpu.memory_space<vmem>>
        %dma_start3A_1114 = tpu.memref_squeeze %dma_start3A_1113 : memref<1x125x128xf32, #tpu.memory_space<vmem>> -> memref<125x128xf32, #tpu.memory_space<vmem>>
        %dma_start3A_1115 = arith.constant 0 : i32
        %dma_start3A_1116 = arith.constant 0 : i32
        %dma_start3A_1117 = tpu.memref_slice %arg7[%scan3A_597, %dma_start3A_1115, %dma_start3A_1116] : memref<2x10x125xi32, #tpu.memory_space<vmem>> -> memref<1x10x125xi32, #tpu.memory_space<vmem>>
        %dma_start3A_1118 = tpu.memref_squeeze %dma_start3A_1117 : memref<1x10x125xi32, #tpu.memory_space<vmem>> -> memref<10x125xi32, #tpu.memory_space<vmem>>
        %dma_start3A_1119 = arith.constant 0 : i32
        %dma_start3A_1120 = tpu.memref_slice %dma_start3A_1118[%add3A_1110, %dma_start3A_1119] : memref<10x125xi32, #tpu.memory_space<vmem>> -> memref<1x125xi32, #tpu.memory_space<vmem>>
        %dma_start3A_1121 = tpu.memref_squeeze %dma_start3A_1120 : memref<1x125xi32, #tpu.memory_space<vmem>> -> memref<125xi32, #tpu.memory_space<vmem>>
        %dma_start3A_1122 = arith.constant 0 : i32
        %dma_start3A_1123 = arith.constant 0 : i32
        %dma_start3A_1124 = tpu.memref_slice %arg2[%dma_start3A_1122, %dma_start3A_1123] : memref<10000x128xf32, #tpu.memory_space<hbm>> -> memref<10000x128xf32, #tpu.memory_space<hbm>>
        tpu.enqueue_indirect_dma source(%dma_start3A_1124 : memref<10000x128xf32, #tpu.memory_space<hbm>>) target(%dma_start3A_1114 : memref<125x128xf32, #tpu.memory_space<vmem>>) offsets(%dma_start3A_1121 : memref<125xi32, #tpu.memory_space<vmem>>) semaphore(%arg11 : memref<!tpu.dma_semaphore, #tpu.memory_space<semaphore_mem>>)
      } else {
      }
      %dma_start3A_1079 = arith.constant 0 : i32
      %dma_start3A_1080 = arith.constant 0 : i32
      %dma_start3A_1081 = tpu.memref_slice %arg9[%scan3A_596, %dma_start3A_1079, %dma_start3A_1080] : memref<2x125x128xf32, #tpu.memory_space<vmem>> -> memref<1x125x128xf32, #tpu.memory_space<vmem>>
      %dma_start3A_1082 = tpu.memref_squeeze %dma_start3A_1081 : memref<1x125x128xf32, #tpu.memory_space<vmem>> -> memref<125x128xf32, #tpu.memory_space<vmem>>
      %dma_start3A_1083 = arith.constant 0 : i32
      %dma_start3A_1084 = arith.constant 0 : i32
      %dma_start3A_1085 = tpu.memref_slice %arg8[%scan3A_598, %dma_start3A_1083, %dma_start3A_1084] : memref<2x10x125xi32, #tpu.memory_space<vmem>> -> memref<1x10x125xi32, #tpu.memory_space<vmem>>
      %dma_start3A_1086 = tpu.memref_squeeze %dma_start3A_1085 : memref<1x10x125xi32, #tpu.memory_space<vmem>> -> memref<10x125xi32, #tpu.memory_space<vmem>>
      %dma_start3A_1087 = arith.constant 0 : i32
      %dma_start3A_1088 = tpu.memref_slice %dma_start3A_1086[%add3A_1010, %dma_start3A_1087] : memref<10x125xi32, #tpu.memory_space<vmem>> -> memref<1x125xi32, #tpu.memory_space<vmem>>
      %dma_start3A_1089 = tpu.memref_squeeze %dma_start3A_1088 : memref<1x125xi32, #tpu.memory_space<vmem>> -> memref<125xi32, #tpu.memory_space<vmem>>
      %dma_start3A_1090 = arith.constant 0 : i32
      %dma_start3A_1091 = arith.constant 0 : i32
      %dma_start3A_1092 = tpu.memref_slice %arg10[%dma_start3A_1090, %dma_start3A_1091] : memref<10240x128xf32, #tpu.memory_space<vmem_shared>> -> memref<10240x128xf32, #tpu.memory_space<vmem_shared>>
      tpu.enqueue_indirect_dma source(%dma_start3A_1082 : memref<125x128xf32, #tpu.memory_space<vmem>>) target(%dma_start3A_1092 : memref<10240x128xf32, #tpu.memory_space<vmem_shared>>) offsets(%dma_start3A_1089 : memref<125xi32, #tpu.memory_space<vmem>>) semaphore(%arg13 : memref<!tpu.dma_semaphore, #tpu.memory_space<semaphore_mem>>) {add = true}
    }
    %scan3A_603 = arith.constant 5 : i32
    %dma_wait3A_604 = arith.constant 0 : i32
    %dma_wait3A_605 = arith.constant 1 : i32
    %dma_wait3A_606 = arith.constant 0 : i32
    %dma_wait3A_607 = arith.constant 0 : i32
    %dma_wait3A_608 = tpu.memref_slice %arg7[%dma_wait3A_605, %dma_wait3A_606, %dma_wait3A_607] : memref<2x10x125xi32, #tpu.memory_space<vmem>> -> memref<1x10x125xi32, #tpu.memory_space<vmem>>
    %dma_wait3A_609 = tpu.memref_squeeze %dma_wait3A_608 : memref<1x10x125xi32, #tpu.memory_space<vmem>> -> memref<10x125xi32, #tpu.memory_space<vmem>>
    %dma_wait3A_610 = arith.constant 0 : i32
    %dma_wait3A_611 = arith.constant 0 : i32
    %dma_wait3A_612 = tpu.memref_slice %arg3[%add3A, %dma_wait3A_604, %dma_wait3A_610, %dma_wait3A_611] : memref<32x8x10x125xi32, #tpu.memory_space<hbm>> -> memref<1x1x10x125xi32, #tpu.memory_space<hbm>>
    %dma_wait3A_613 = tpu.memref_squeeze %dma_wait3A_612 : memref<1x1x10x125xi32, #tpu.memory_space<hbm>> -> memref<10x125xi32, #tpu.memory_space<hbm>>
    %dma_wait3A_614 = arith.constant 0 : i32
    %dma_wait3A_615 = arith.constant 0 : i32
    %dma_wait3A_616 = tpu.memref_slice %arg7[%dma_wait3A_605, %dma_wait3A_614, %dma_wait3A_615] : memref<2x10x125xi32, #tpu.memory_space<vmem>> -> memref<1x10x125xi32, #tpu.memory_space<vmem>>
    %dma_wait3A_617 = tpu.memref_squeeze %dma_wait3A_616 : memref<1x10x125xi32, #tpu.memory_space<vmem>> -> memref<10x125xi32, #tpu.memory_space<vmem>>
    %dma_wait3A_618 = arith.constant 0 : i32
    %dma_wait3A_619 = arith.constant 0 : i32
    %dma_wait3A_620 = tpu.memref_slice %arg3[%add3A, %dma_wait3A_604, %dma_wait3A_618, %dma_wait3A_619] : memref<32x8x10x125xi32, #tpu.memory_space<hbm>> -> memref<1x1x10x125xi32, #tpu.memory_space<hbm>>
    %dma_wait3A_621 = tpu.memref_squeeze %dma_wait3A_620 : memref<1x1x10x125xi32, #tpu.memory_space<hbm>> -> memref<10x125xi32, #tpu.memory_space<hbm>>
    tpu.wait_dma2 semaphore(%arg14 : memref<!tpu.dma_semaphore, #tpu.memory_space<semaphore_mem>>) src(%dma_wait3A_621 : memref<10x125xi32, #tpu.memory_space<hbm>>) dst(%dma_wait3A_617 : memref<10x125xi32, #tpu.memory_space<vmem>>)
    %dma_wait3A_622 = arith.constant 0 : i32
    %dma_wait3A_623 = arith.constant 1 : i32
    %dma_wait3A_624 = arith.constant 0 : i32
    %dma_wait3A_625 = arith.constant 0 : i32
    %dma_wait3A_626 = tpu.memref_slice %arg8[%dma_wait3A_623, %dma_wait3A_624, %dma_wait3A_625] : memref<2x10x125xi32, #tpu.memory_space<vmem>> -> memref<1x10x125xi32, #tpu.memory_space<vmem>>
    %dma_wait3A_627 = tpu.memref_squeeze %dma_wait3A_626 : memref<1x10x125xi32, #tpu.memory_space<vmem>> -> memref<10x125xi32, #tpu.memory_space<vmem>>
    %dma_wait3A_628 = arith.constant 0 : i32
    %dma_wait3A_629 = arith.constant 0 : i32
    %dma_wait3A_630 = tpu.memref_slice %arg3[%add3A, %dma_wait3A_622, %dma_wait3A_628, %dma_wait3A_629] : memref<32x8x10x125xi32, #tpu.memory_space<hbm>> -> memref<1x1x10x125xi32, #tpu.memory_space<hbm>>
    %dma_wait3A_631 = tpu.memref_squeeze %dma_wait3A_630 : memref<1x1x10x125xi32, #tpu.memory_space<hbm>> -> memref<10x125xi32, #tpu.memory_space<hbm>>
    %dma_wait3A_632 = arith.constant 0 : i32
    %dma_wait3A_633 = arith.constant 0 : i32
    %dma_wait3A_634 = tpu.memref_slice %arg8[%dma_wait3A_623, %dma_wait3A_632, %dma_wait3A_633] : memref<2x10x125xi32, #tpu.memory_space<vmem>> -> memref<1x10x125xi32, #tpu.memory_space<vmem>>
    %dma_wait3A_635 = tpu.memref_squeeze %dma_wait3A_634 : memref<1x10x125xi32, #tpu.memory_space<vmem>> -> memref<10x125xi32, #tpu.memory_space<vmem>>
    %dma_wait3A_636 = arith.constant 0 : i32
    %dma_wait3A_637 = arith.constant 0 : i32
    %dma_wait3A_638 = tpu.memref_slice %arg3[%add3A, %dma_wait3A_622, %dma_wait3A_636, %dma_wait3A_637] : memref<32x8x10x125xi32, #tpu.memory_space<hbm>> -> memref<1x1x10x125xi32, #tpu.memory_space<hbm>>
    %dma_wait3A_639 = tpu.memref_squeeze %dma_wait3A_638 : memref<1x1x10x125xi32, #tpu.memory_space<hbm>> -> memref<10x125xi32, #tpu.memory_space<hbm>>
    tpu.wait_dma2 semaphore(%arg14 : memref<!tpu.dma_semaphore, #tpu.memory_space<semaphore_mem>>) src(%dma_wait3A_639 : memref<10x125xi32, #tpu.memory_space<hbm>>) dst(%dma_wait3A_635 : memref<10x125xi32, #tpu.memory_space<vmem>>)
    %dma_wait3A_640 = arith.constant 0 : i32
    %dma_wait3A_641 = arith.constant 0 : i32
    %dma_wait3A_642 = arith.constant 0 : i32
    %dma_wait3A_643 = arith.constant 0 : i32
    %dma_wait3A_644 = arith.constant 0 : i32
    %dma_wait3A_645 = tpu.memref_slice %arg9[%dma_wait3A_640, %dma_wait3A_643, %dma_wait3A_644] : memref<2x125x128xf32, #tpu.memory_space<vmem>> -> memref<1x125x128xf32, #tpu.memory_space<vmem>>
    %dma_wait3A_646 = tpu.memref_squeeze %dma_wait3A_645 : memref<1x125x128xf32, #tpu.memory_space<vmem>> -> memref<125x128xf32, #tpu.memory_space<vmem>>
    %dma_wait3A_647 = arith.constant 0 : i32
    %dma_wait3A_648 = arith.constant 0 : i32
    %dma_wait3A_649 = tpu.memref_slice %arg8[%dma_wait3A_641, %dma_wait3A_647, %dma_wait3A_648] : memref<2x10x125xi32, #tpu.memory_space<vmem>> -> memref<1x10x125xi32, #tpu.memory_space<vmem>>
    %dma_wait3A_650 = tpu.memref_squeeze %dma_wait3A_649 : memref<1x10x125xi32, #tpu.memory_space<vmem>> -> memref<10x125xi32, #tpu.memory_space<vmem>>
    %dma_wait3A_651 = arith.constant 0 : i32
    %dma_wait3A_652 = tpu.memref_slice %dma_wait3A_650[%dma_wait3A_642, %dma_wait3A_651] : memref<10x125xi32, #tpu.memory_space<vmem>> -> memref<1x125xi32, #tpu.memory_space<vmem>>
    %dma_wait3A_653 = tpu.memref_squeeze %dma_wait3A_652 : memref<1x125xi32, #tpu.memory_space<vmem>> -> memref<125xi32, #tpu.memory_space<vmem>>
    %dma_wait3A_654 = arith.constant 0 : i32
    %dma_wait3A_655 = arith.constant 0 : i32
    %dma_wait3A_656 = tpu.memref_slice %arg10[%dma_wait3A_654, %dma_wait3A_655] : memref<10240x128xf32, #tpu.memory_space<vmem_shared>> -> memref<10240x128xf32, #tpu.memory_space<vmem_shared>>
    tpu.wait_indirect_dma semaphore(%arg12 : memref<!tpu.dma_semaphore, #tpu.memory_space<semaphore_mem>>) src(%dma_wait3A_646 : memref<125x128xf32, #tpu.memory_space<vmem>>) dst(%dma_wait3A_656 : memref<10240x128xf32, #tpu.memory_space<vmem_shared>>)
    %dma_start3A_657 = arith.constant 1 : i32
    %dma_start3A_658 = arith.constant 0 : i32
    %dma_start3A_659 = arith.constant 0 : i32
    %dma_start3A_660 = arith.constant 0 : i32
    %dma_start3A_661 = arith.constant 0 : i32
    %dma_start3A_662 = tpu.memref_slice %arg9[%dma_start3A_659, %dma_start3A_660, %dma_start3A_661] : memref<2x125x128xf32, #tpu.memory_space<vmem>> -> memref<1x125x128xf32, #tpu.memory_space<vmem>>
    %dma_start3A_663 = tpu.memref_squeeze %dma_start3A_662 : memref<1x125x128xf32, #tpu.memory_space<vmem>> -> memref<125x128xf32, #tpu.memory_space<vmem>>
    %dma_start3A_664 = arith.constant 0 : i32
    %dma_start3A_665 = arith.constant 0 : i32
    %dma_start3A_666 = tpu.memref_slice %arg7[%dma_start3A_657, %dma_start3A_664, %dma_start3A_665] : memref<2x10x125xi32, #tpu.memory_space<vmem>> -> memref<1x10x125xi32, #tpu.memory_space<vmem>>
    %dma_start3A_667 = tpu.memref_squeeze %dma_start3A_666 : memref<1x10x125xi32, #tpu.memory_space<vmem>> -> memref<10x125xi32, #tpu.memory_space<vmem>>
    %dma_start3A_668 = arith.constant 0 : i32
    %dma_start3A_669 = tpu.memref_slice %dma_start3A_667[%dma_start3A_658, %dma_start3A_668] : memref<10x125xi32, #tpu.memory_space<vmem>> -> memref<1x125xi32, #tpu.memory_space<vmem>>
    %dma_start3A_670 = tpu.memref_squeeze %dma_start3A_669 : memref<1x125xi32, #tpu.memory_space<vmem>> -> memref<125xi32, #tpu.memory_space<vmem>>
    %dma_start3A_671 = arith.constant 0 : i32
    %dma_start3A_672 = arith.constant 0 : i32
    %dma_start3A_673 = tpu.memref_slice %arg2[%dma_start3A_671, %dma_start3A_672] : memref<10000x128xf32, #tpu.memory_space<hbm>> -> memref<10000x128xf32, #tpu.memory_space<hbm>>
    tpu.enqueue_indirect_dma source(%dma_start3A_673 : memref<10000x128xf32, #tpu.memory_space<hbm>>) target(%dma_start3A_663 : memref<125x128xf32, #tpu.memory_space<vmem>>) offsets(%dma_start3A_670 : memref<125xi32, #tpu.memory_space<vmem>>) semaphore(%arg11 : memref<!tpu.dma_semaphore, #tpu.memory_space<semaphore_mem>>)
    %dma_wait3A_674 = arith.constant 1 : i32
    %dma_wait3A_675 = arith.constant 0 : i32
    %dma_wait3A_676 = arith.constant 0 : i32
    %dma_wait3A_677 = arith.constant 0 : i32
    %dma_wait3A_678 = arith.constant 0 : i32
    %dma_wait3A_679 = tpu.memref_slice %arg9[%dma_wait3A_674, %dma_wait3A_677, %dma_wait3A_678] : memref<2x125x128xf32, #tpu.memory_space<vmem>> -> memref<1x125x128xf32, #tpu.memory_space<vmem>>
    %dma_wait3A_680 = tpu.memref_squeeze %dma_wait3A_679 : memref<1x125x128xf32, #tpu.memory_space<vmem>> -> memref<125x128xf32, #tpu.memory_space<vmem>>
    %dma_wait3A_681 = arith.constant 0 : i32
    %dma_wait3A_682 = arith.constant 0 : i32
    %dma_wait3A_683 = tpu.memref_slice %arg8[%dma_wait3A_675, %dma_wait3A_681, %dma_wait3A_682] : memref<2x10x125xi32, #tpu.memory_space<vmem>> -> memref<1x10x125xi32, #tpu.memory_space<vmem>>
    %dma_wait3A_684 = tpu.memref_squeeze %dma_wait3A_683 : memref<1x10x125xi32, #tpu.memory_space<vmem>> -> memref<10x125xi32, #tpu.memory_space<vmem>>
    %dma_wait3A_685 = arith.constant 0 : i32
    %dma_wait3A_686 = tpu.memref_slice %dma_wait3A_684[%dma_wait3A_676, %dma_wait3A_685] : memref<10x125xi32, #tpu.memory_space<vmem>> -> memref<1x125xi32, #tpu.memory_space<vmem>>
    %dma_wait3A_687 = tpu.memref_squeeze %dma_wait3A_686 : memref<1x125xi32, #tpu.memory_space<vmem>> -> memref<125xi32, #tpu.memory_space<vmem>>
    %dma_wait3A_688 = arith.constant 0 : i32
    %dma_wait3A_689 = arith.constant 0 : i32
    %dma_wait3A_690 = tpu.memref_slice %arg10[%dma_wait3A_688, %dma_wait3A_689] : memref<10240x128xf32, #tpu.memory_space<vmem_shared>> -> memref<10240x128xf32, #tpu.memory_space<vmem_shared>>
    tpu.wait_indirect_dma semaphore(%arg13 : memref<!tpu.dma_semaphore, #tpu.memory_space<semaphore_mem>>) src(%dma_wait3A_680 : memref<125x128xf32, #tpu.memory_space<vmem>>) dst(%dma_wait3A_690 : memref<10240x128xf32, #tpu.memory_space<vmem_shared>>)
    %dma_start3A_691 = arith.constant 6 : i32
    %dma_start3A_692 = arith.constant 0 : i32
    %dma_start3A_693 = arith.constant 0 : i32
    %dma_start3A_694 = arith.constant 0 : i32
    %dma_start3A_695 = tpu.memref_slice %arg7[%dma_start3A_692, %dma_start3A_693, %dma_start3A_694] : memref<2x10x125xi32, #tpu.memory_space<vmem>> -> memref<1x10x125xi32, #tpu.memory_space<vmem>>
    %dma_start3A_696 = tpu.memref_squeeze %dma_start3A_695 : memref<1x10x125xi32, #tpu.memory_space<vmem>> -> memref<10x125xi32, #tpu.memory_space<vmem>>
    %dma_start3A_697 = arith.constant 0 : i32
    %dma_start3A_698 = arith.constant 0 : i32
    %dma_start3A_699 = tpu.memref_slice %arg3[%add3A, %dma_start3A_691, %dma_start3A_697, %dma_start3A_698] : memref<32x8x10x125xi32, #tpu.memory_space<hbm>> -> memref<1x1x10x125xi32, #tpu.memory_space<hbm>>
    %dma_start3A_700 = tpu.memref_squeeze %dma_start3A_699 : memref<1x1x10x125xi32, #tpu.memory_space<hbm>> -> memref<10x125xi32, #tpu.memory_space<hbm>>
    %dma_start3A_701 = arith.constant 0 : i32
    %dma_start3A_702 = arith.constant 0 : i32
    %dma_start3A_703 = tpu.memref_slice %arg7[%dma_start3A_692, %dma_start3A_701, %dma_start3A_702] : memref<2x10x125xi32, #tpu.memory_space<vmem>> -> memref<1x10x125xi32, #tpu.memory_space<vmem>>
    %dma_start3A_704 = tpu.memref_squeeze %dma_start3A_703 : memref<1x10x125xi32, #tpu.memory_space<vmem>> -> memref<10x125xi32, #tpu.memory_space<vmem>>
    %dma_start3A_705 = arith.constant 0 : i32
    %dma_start3A_706 = arith.constant 0 : i32
    %dma_start3A_707 = tpu.memref_slice %arg3[%add3A, %dma_start3A_691, %dma_start3A_705, %dma_start3A_706] : memref<32x8x10x125xi32, #tpu.memory_space<hbm>> -> memref<1x1x10x125xi32, #tpu.memory_space<hbm>>
    %dma_start3A_708 = tpu.memref_squeeze %dma_start3A_707 : memref<1x1x10x125xi32, #tpu.memory_space<hbm>> -> memref<10x125xi32, #tpu.memory_space<hbm>>
    tpu.enqueue_dma source(%dma_start3A_708 : memref<10x125xi32, #tpu.memory_space<hbm>>) target(%dma_start3A_704 : memref<10x125xi32, #tpu.memory_space<vmem>>) target_semaphore(%arg14 : memref<!tpu.dma_semaphore, #tpu.memory_space<semaphore_mem>>)
    %dma_start3A_709 = arith.constant 6 : i32
    %dma_start3A_710 = arith.constant 0 : i32
    %dma_start3A_711 = arith.constant 0 : i32
    %dma_start3A_712 = arith.constant 0 : i32
    %dma_start3A_713 = tpu.memref_slice %arg8[%dma_start3A_710, %dma_start3A_711, %dma_start3A_712] : memref<2x10x125xi32, #tpu.memory_space<vmem>> -> memref<1x10x125xi32, #tpu.memory_space<vmem>>
    %dma_start3A_714 = tpu.memref_squeeze %dma_start3A_713 : memref<1x10x125xi32, #tpu.memory_space<vmem>> -> memref<10x125xi32, #tpu.memory_space<vmem>>
    %dma_start3A_715 = arith.constant 0 : i32
    %dma_start3A_716 = arith.constant 0 : i32
    %dma_start3A_717 = tpu.memref_slice %arg4[%add3A, %dma_start3A_709, %dma_start3A_715, %dma_start3A_716] : memref<32x8x10x125xi32, #tpu.memory_space<hbm>> -> memref<1x1x10x125xi32, #tpu.memory_space<hbm>>
    %dma_start3A_718 = tpu.memref_squeeze %dma_start3A_717 : memref<1x1x10x125xi32, #tpu.memory_space<hbm>> -> memref<10x125xi32, #tpu.memory_space<hbm>>
    %dma_start3A_719 = arith.constant 0 : i32
    %dma_start3A_720 = arith.constant 0 : i32
    %dma_start3A_721 = tpu.memref_slice %arg8[%dma_start3A_710, %dma_start3A_719, %dma_start3A_720] : memref<2x10x125xi32, #tpu.memory_space<vmem>> -> memref<1x10x125xi32, #tpu.memory_space<vmem>>
    %dma_start3A_722 = tpu.memref_squeeze %dma_start3A_721 : memref<1x10x125xi32, #tpu.memory_space<vmem>> -> memref<10x125xi32, #tpu.memory_space<vmem>>
    %dma_start3A_723 = arith.constant 0 : i32
    %dma_start3A_724 = arith.constant 0 : i32
    %dma_start3A_725 = tpu.memref_slice %arg4[%add3A, %dma_start3A_709, %dma_start3A_723, %dma_start3A_724] : memref<32x8x10x125xi32, #tpu.memory_space<hbm>> -> memref<1x1x10x125xi32, #tpu.memory_space<hbm>>
    %dma_start3A_726 = tpu.memref_squeeze %dma_start3A_725 : memref<1x1x10x125xi32, #tpu.memory_space<hbm>> -> memref<10x125xi32, #tpu.memory_space<hbm>>
    tpu.enqueue_dma source(%dma_start3A_726 : memref<10x125xi32, #tpu.memory_space<hbm>>) target(%dma_start3A_722 : memref<10x125xi32, #tpu.memory_space<vmem>>) target_semaphore(%arg14 : memref<!tpu.dma_semaphore, #tpu.memory_space<semaphore_mem>>)
    %scan3A_727 = arith.constant 0 : i32
    %scan3A_728 = arith.constant 0 : i32
    %scan3A_729 = arith.constant 1 : i32
    %scan3A_730 = arith.constant 1 : i32
    %scan3A_731 = arith.constant 1 : i32
    %scan3A_732 = arith.constant 0 : i32
    %scan3A_733 = arith.constant 5 : i32
    %scan3A_734 = arith.addi %scan3A_732, %scan3A_733 : i32
    %scan3A_735 = arith.constant 1 : i32
    scf.for %scan3A_1006 = %scan3A_732 to %scan3A_734 step %scan3A_735  : i32 {
      %mul3A_1007 = arith.constant 2 : i32
      %mul3A_1008 = arith.muli %mul3A_1007, %scan3A_1006 : i32
      %add3A_1009 = arith.constant 1 : i32
      %add3A_1010 = arith.addi %mul3A_1008, %add3A_1009 : i32
      %dma_wait3A_1011 = arith.constant 0 : i32
      %dma_wait3A_1012 = arith.constant 0 : i32
      %dma_wait3A_1013 = arith.constant 0 : i32
      %dma_wait3A_1014 = arith.constant 0 : i32
      %dma_wait3A_1015 = tpu.memref_slice %arg9[%scan3A_728, %dma_wait3A_1013, %dma_wait3A_1014] : memref<2x125x128xf32, #tpu.memory_space<vmem>> -> memref<1x125x128xf32, #tpu.memory_space<vmem>>
      %dma_wait3A_1016 = tpu.memref_squeeze %dma_wait3A_1015 : memref<1x125x128xf32, #tpu.memory_space<vmem>> -> memref<125x128xf32, #tpu.memory_space<vmem>>
      %dma_wait3A_1017 = arith.constant 0 : i32
      %dma_wait3A_1018 = arith.constant 0 : i32
      %dma_wait3A_1019 = tpu.memref_slice %arg7[%dma_wait3A_1011, %dma_wait3A_1017, %dma_wait3A_1018] : memref<2x10x125xi32, #tpu.memory_space<vmem>> -> memref<1x10x125xi32, #tpu.memory_space<vmem>>
      %dma_wait3A_1020 = tpu.memref_squeeze %dma_wait3A_1019 : memref<1x10x125xi32, #tpu.memory_space<vmem>> -> memref<10x125xi32, #tpu.memory_space<vmem>>
      %dma_wait3A_1021 = arith.constant 0 : i32
      %dma_wait3A_1022 = tpu.memref_slice %dma_wait3A_1020[%dma_wait3A_1012, %dma_wait3A_1021] : memref<10x125xi32, #tpu.memory_space<vmem>> -> memref<1x125xi32, #tpu.memory_space<vmem>>
      %dma_wait3A_1023 = tpu.memref_squeeze %dma_wait3A_1022 : memref<1x125xi32, #tpu.memory_space<vmem>> -> memref<125xi32, #tpu.memory_space<vmem>>
      %dma_wait3A_1024 = arith.constant 0 : i32
      %dma_wait3A_1025 = arith.constant 0 : i32
      %dma_wait3A_1026 = tpu.memref_slice %arg2[%dma_wait3A_1024, %dma_wait3A_1025] : memref<10000x128xf32, #tpu.memory_space<hbm>> -> memref<10000x128xf32, #tpu.memory_space<hbm>>
      tpu.wait_indirect_dma semaphore(%arg11 : memref<!tpu.dma_semaphore, #tpu.memory_space<semaphore_mem>>) src(%dma_wait3A_1026 : memref<10000x128xf32, #tpu.memory_space<hbm>>) dst(%dma_wait3A_1016 : memref<125x128xf32, #tpu.memory_space<vmem>>)
      %gt3A = arith.constant 0 : i32
      %gt3A_1027 = arith.cmpi sgt, %scan3A_1006, %gt3A : i32
      %convert_element_type3A = arith.extui %gt3A_1027 : i1 to i32
      %cond3A = arith.constant 0 : i32
      %cond3A_1028 = arith.cmpi ne, %convert_element_type3A, %cond3A : i32
      scf.if %cond3A_1028 {
        %dma_wait3A_1093 = arith.constant 0 : i32
        %dma_wait3A_1094 = arith.constant 0 : i32
        %dma_wait3A_1095 = arith.constant 0 : i32
        %dma_wait3A_1096 = arith.constant 0 : i32
        %dma_wait3A_1097 = tpu.memref_slice %arg9[%scan3A_729, %dma_wait3A_1095, %dma_wait3A_1096] : memref<2x125x128xf32, #tpu.memory_space<vmem>> -> memref<1x125x128xf32, #tpu.memory_space<vmem>>
        %dma_wait3A_1098 = tpu.memref_squeeze %dma_wait3A_1097 : memref<1x125x128xf32, #tpu.memory_space<vmem>> -> memref<125x128xf32, #tpu.memory_space<vmem>>
        %dma_wait3A_1099 = arith.constant 0 : i32
        %dma_wait3A_1100 = arith.constant 0 : i32
        %dma_wait3A_1101 = tpu.memref_slice %arg8[%dma_wait3A_1093, %dma_wait3A_1099, %dma_wait3A_1100] : memref<2x10x125xi32, #tpu.memory_space<vmem>> -> memref<1x10x125xi32, #tpu.memory_space<vmem>>
        %dma_wait3A_1102 = tpu.memref_squeeze %dma_wait3A_1101 : memref<1x10x125xi32, #tpu.memory_space<vmem>> -> memref<10x125xi32, #tpu.memory_space<vmem>>
        %dma_wait3A_1103 = arith.constant 0 : i32
        %dma_wait3A_1104 = tpu.memref_slice %dma_wait3A_1102[%dma_wait3A_1094, %dma_wait3A_1103] : memref<10x125xi32, #tpu.memory_space<vmem>> -> memref<1x125xi32, #tpu.memory_space<vmem>>
        %dma_wait3A_1105 = tpu.memref_squeeze %dma_wait3A_1104 : memref<1x125xi32, #tpu.memory_space<vmem>> -> memref<125xi32, #tpu.memory_space<vmem>>
        %dma_wait3A_1106 = arith.constant 0 : i32
        %dma_wait3A_1107 = arith.constant 0 : i32
        %dma_wait3A_1108 = tpu.memref_slice %arg10[%dma_wait3A_1106, %dma_wait3A_1107] : memref<10240x128xf32, #tpu.memory_space<vmem_shared>> -> memref<10240x128xf32, #tpu.memory_space<vmem_shared>>
        tpu.wait_indirect_dma semaphore(%arg13 : memref<!tpu.dma_semaphore, #tpu.memory_space<semaphore_mem>>) src(%dma_wait3A_1098 : memref<125x128xf32, #tpu.memory_space<vmem>>) dst(%dma_wait3A_1108 : memref<10240x128xf32, #tpu.memory_space<vmem_shared>>)
      } else {
      }
      %dma_start3A_1029 = arith.constant 0 : i32
      %dma_start3A_1030 = arith.constant 0 : i32
      %dma_start3A_1031 = tpu.memref_slice %arg9[%scan3A_729, %dma_start3A_1029, %dma_start3A_1030] : memref<2x125x128xf32, #tpu.memory_space<vmem>> -> memref<1x125x128xf32, #tpu.memory_space<vmem>>
      %dma_start3A_1032 = tpu.memref_squeeze %dma_start3A_1031 : memref<1x125x128xf32, #tpu.memory_space<vmem>> -> memref<125x128xf32, #tpu.memory_space<vmem>>
      %dma_start3A_1033 = arith.constant 0 : i32
      %dma_start3A_1034 = arith.constant 0 : i32
      %dma_start3A_1035 = tpu.memref_slice %arg7[%scan3A_730, %dma_start3A_1033, %dma_start3A_1034] : memref<2x10x125xi32, #tpu.memory_space<vmem>> -> memref<1x10x125xi32, #tpu.memory_space<vmem>>
      %dma_start3A_1036 = tpu.memref_squeeze %dma_start3A_1035 : memref<1x10x125xi32, #tpu.memory_space<vmem>> -> memref<10x125xi32, #tpu.memory_space<vmem>>
      %dma_start3A_1037 = arith.constant 0 : i32
      %dma_start3A_1038 = tpu.memref_slice %dma_start3A_1036[%add3A_1010, %dma_start3A_1037] : memref<10x125xi32, #tpu.memory_space<vmem>> -> memref<1x125xi32, #tpu.memory_space<vmem>>
      %dma_start3A_1039 = tpu.memref_squeeze %dma_start3A_1038 : memref<1x125xi32, #tpu.memory_space<vmem>> -> memref<125xi32, #tpu.memory_space<vmem>>
      %dma_start3A_1040 = arith.constant 0 : i32
      %dma_start3A_1041 = arith.constant 0 : i32
      %dma_start3A_1042 = tpu.memref_slice %arg2[%dma_start3A_1040, %dma_start3A_1041] : memref<10000x128xf32, #tpu.memory_space<hbm>> -> memref<10000x128xf32, #tpu.memory_space<hbm>>
      tpu.enqueue_indirect_dma source(%dma_start3A_1042 : memref<10000x128xf32, #tpu.memory_space<hbm>>) target(%dma_start3A_1032 : memref<125x128xf32, #tpu.memory_space<vmem>>) offsets(%dma_start3A_1039 : memref<125xi32, #tpu.memory_space<vmem>>) semaphore(%arg11 : memref<!tpu.dma_semaphore, #tpu.memory_space<semaphore_mem>>)
      %dma_start3A_1043 = arith.constant 0 : i32
      %dma_start3A_1044 = arith.constant 0 : i32
      %dma_start3A_1045 = tpu.memref_slice %arg9[%scan3A_728, %dma_start3A_1043, %dma_start3A_1044] : memref<2x125x128xf32, #tpu.memory_space<vmem>> -> memref<1x125x128xf32, #tpu.memory_space<vmem>>
      %dma_start3A_1046 = tpu.memref_squeeze %dma_start3A_1045 : memref<1x125x128xf32, #tpu.memory_space<vmem>> -> memref<125x128xf32, #tpu.memory_space<vmem>>
      %dma_start3A_1047 = arith.constant 0 : i32
      %dma_start3A_1048 = arith.constant 0 : i32
      %dma_start3A_1049 = tpu.memref_slice %arg8[%scan3A_731, %dma_start3A_1047, %dma_start3A_1048] : memref<2x10x125xi32, #tpu.memory_space<vmem>> -> memref<1x10x125xi32, #tpu.memory_space<vmem>>
      %dma_start3A_1050 = tpu.memref_squeeze %dma_start3A_1049 : memref<1x10x125xi32, #tpu.memory_space<vmem>> -> memref<10x125xi32, #tpu.memory_space<vmem>>
      %dma_start3A_1051 = arith.constant 0 : i32
      %dma_start3A_1052 = tpu.memref_slice %dma_start3A_1050[%mul3A_1008, %dma_start3A_1051] : memref<10x125xi32, #tpu.memory_space<vmem>> -> memref<1x125xi32, #tpu.memory_space<vmem>>
      %dma_start3A_1053 = tpu.memref_squeeze %dma_start3A_1052 : memref<1x125xi32, #tpu.memory_space<vmem>> -> memref<125xi32, #tpu.memory_space<vmem>>
      %dma_start3A_1054 = arith.constant 0 : i32
      %dma_start3A_1055 = arith.constant 0 : i32
      %dma_start3A_1056 = tpu.memref_slice %arg10[%dma_start3A_1054, %dma_start3A_1055] : memref<10240x128xf32, #tpu.memory_space<vmem_shared>> -> memref<10240x128xf32, #tpu.memory_space<vmem_shared>>
      tpu.enqueue_indirect_dma source(%dma_start3A_1046 : memref<125x128xf32, #tpu.memory_space<vmem>>) target(%dma_start3A_1056 : memref<10240x128xf32, #tpu.memory_space<vmem_shared>>) offsets(%dma_start3A_1053 : memref<125xi32, #tpu.memory_space<vmem>>) semaphore(%arg12 : memref<!tpu.dma_semaphore, #tpu.memory_space<semaphore_mem>>) {add = true}
      %dma_wait3A_1057 = arith.constant 0 : i32
      %dma_wait3A_1058 = arith.constant 0 : i32
      %dma_wait3A_1059 = arith.constant 0 : i32
      %dma_wait3A_1060 = arith.constant 0 : i32
      %dma_wait3A_1061 = tpu.memref_slice %arg9[%scan3A_729, %dma_wait3A_1059, %dma_wait3A_1060] : memref<2x125x128xf32, #tpu.memory_space<vmem>> -> memref<1x125x128xf32, #tpu.memory_space<vmem>>
      %dma_wait3A_1062 = tpu.memref_squeeze %dma_wait3A_1061 : memref<1x125x128xf32, #tpu.memory_space<vmem>> -> memref<125x128xf32, #tpu.memory_space<vmem>>
      %dma_wait3A_1063 = arith.constant 0 : i32
      %dma_wait3A_1064 = arith.constant 0 : i32
      %dma_wait3A_1065 = tpu.memref_slice %arg7[%dma_wait3A_1057, %dma_wait3A_1063, %dma_wait3A_1064] : memref<2x10x125xi32, #tpu.memory_space<vmem>> -> memref<1x10x125xi32, #tpu.memory_space<vmem>>
      %dma_wait3A_1066 = tpu.memref_squeeze %dma_wait3A_1065 : memref<1x10x125xi32, #tpu.memory_space<vmem>> -> memref<10x125xi32, #tpu.memory_space<vmem>>
      %dma_wait3A_1067 = arith.constant 0 : i32
      %dma_wait3A_1068 = tpu.memref_slice %dma_wait3A_1066[%dma_wait3A_1058, %dma_wait3A_1067] : memref<10x125xi32, #tpu.memory_space<vmem>> -> memref<1x125xi32, #tpu.memory_space<vmem>>
      %dma_wait3A_1069 = tpu.memref_squeeze %dma_wait3A_1068 : memref<1x125xi32, #tpu.memory_space<vmem>> -> memref<125xi32, #tpu.memory_space<vmem>>
      %dma_wait3A_1070 = arith.constant 0 : i32
      %dma_wait3A_1071 = arith.constant 0 : i32
      %dma_wait3A_1072 = tpu.memref_slice %arg2[%dma_wait3A_1070, %dma_wait3A_1071] : memref<10000x128xf32, #tpu.memory_space<hbm>> -> memref<10000x128xf32, #tpu.memory_space<hbm>>
      tpu.wait_indirect_dma semaphore(%arg11 : memref<!tpu.dma_semaphore, #tpu.memory_space<semaphore_mem>>) src(%dma_wait3A_1072 : memref<10000x128xf32, #tpu.memory_space<hbm>>) dst(%dma_wait3A_1062 : memref<125x128xf32, #tpu.memory_space<vmem>>)
      %add3A_1073 = arith.constant 1 : i32
      %add3A_1074 = arith.addi %scan3A_1006, %add3A_1073 : i32
      %lt3A = arith.constant 5 : i32
      %lt3A_1075 = arith.cmpi slt, %add3A_1074, %lt3A : i32
      %convert_element_type3A_1076 = arith.extui %lt3A_1075 : i1 to i32
      %cond3A_1077 = arith.constant 0 : i32
      %cond3A_1078 = arith.cmpi ne, %convert_element_type3A_1076, %cond3A_1077 : i32
      scf.if %cond3A_1078 {
        %dma_wait3A_1093 = arith.constant 0 : i32
        %dma_wait3A_1094 = arith.constant 0 : i32
        %dma_wait3A_1095 = arith.constant 0 : i32
        %dma_wait3A_1096 = arith.constant 0 : i32
        %dma_wait3A_1097 = tpu.memref_slice %arg9[%scan3A_728, %dma_wait3A_1095, %dma_wait3A_1096] : memref<2x125x128xf32, #tpu.memory_space<vmem>> -> memref<1x125x128xf32, #tpu.memory_space<vmem>>
        %dma_wait3A_1098 = tpu.memref_squeeze %dma_wait3A_1097 : memref<1x125x128xf32, #tpu.memory_space<vmem>> -> memref<125x128xf32, #tpu.memory_space<vmem>>
        %dma_wait3A_1099 = arith.constant 0 : i32
        %dma_wait3A_1100 = arith.constant 0 : i32
        %dma_wait3A_1101 = tpu.memref_slice %arg8[%dma_wait3A_1093, %dma_wait3A_1099, %dma_wait3A_1100] : memref<2x10x125xi32, #tpu.memory_space<vmem>> -> memref<1x10x125xi32, #tpu.memory_space<vmem>>
        %dma_wait3A_1102 = tpu.memref_squeeze %dma_wait3A_1101 : memref<1x10x125xi32, #tpu.memory_space<vmem>> -> memref<10x125xi32, #tpu.memory_space<vmem>>
        %dma_wait3A_1103 = arith.constant 0 : i32
        %dma_wait3A_1104 = tpu.memref_slice %dma_wait3A_1102[%dma_wait3A_1094, %dma_wait3A_1103] : memref<10x125xi32, #tpu.memory_space<vmem>> -> memref<1x125xi32, #tpu.memory_space<vmem>>
        %dma_wait3A_1105 = tpu.memref_squeeze %dma_wait3A_1104 : memref<1x125xi32, #tpu.memory_space<vmem>> -> memref<125xi32, #tpu.memory_space<vmem>>
        %dma_wait3A_1106 = arith.constant 0 : i32
        %dma_wait3A_1107 = arith.constant 0 : i32
        %dma_wait3A_1108 = tpu.memref_slice %arg10[%dma_wait3A_1106, %dma_wait3A_1107] : memref<10240x128xf32, #tpu.memory_space<vmem_shared>> -> memref<10240x128xf32, #tpu.memory_space<vmem_shared>>
        tpu.wait_indirect_dma semaphore(%arg12 : memref<!tpu.dma_semaphore, #tpu.memory_space<semaphore_mem>>) src(%dma_wait3A_1098 : memref<125x128xf32, #tpu.memory_space<vmem>>) dst(%dma_wait3A_1108 : memref<10240x128xf32, #tpu.memory_space<vmem_shared>>)
        %add3A_1109 = arith.constant 2 : i32
        %add3A_1110 = arith.addi %mul3A_1008, %add3A_1109 : i32
        %dma_start3A_1111 = arith.constant 0 : i32
        %dma_start3A_1112 = arith.constant 0 : i32
        %dma_start3A_1113 = tpu.memref_slice %arg9[%scan3A_728, %dma_start3A_1111, %dma_start3A_1112] : memref<2x125x128xf32, #tpu.memory_space<vmem>> -> memref<1x125x128xf32, #tpu.memory_space<vmem>>
        %dma_start3A_1114 = tpu.memref_squeeze %dma_start3A_1113 : memref<1x125x128xf32, #tpu.memory_space<vmem>> -> memref<125x128xf32, #tpu.memory_space<vmem>>
        %dma_start3A_1115 = arith.constant 0 : i32
        %dma_start3A_1116 = arith.constant 0 : i32
        %dma_start3A_1117 = tpu.memref_slice %arg7[%scan3A_730, %dma_start3A_1115, %dma_start3A_1116] : memref<2x10x125xi32, #tpu.memory_space<vmem>> -> memref<1x10x125xi32, #tpu.memory_space<vmem>>
        %dma_start3A_1118 = tpu.memref_squeeze %dma_start3A_1117 : memref<1x10x125xi32, #tpu.memory_space<vmem>> -> memref<10x125xi32, #tpu.memory_space<vmem>>
        %dma_start3A_1119 = arith.constant 0 : i32
        %dma_start3A_1120 = tpu.memref_slice %dma_start3A_1118[%add3A_1110, %dma_start3A_1119] : memref<10x125xi32, #tpu.memory_space<vmem>> -> memref<1x125xi32, #tpu.memory_space<vmem>>
        %dma_start3A_1121 = tpu.memref_squeeze %dma_start3A_1120 : memref<1x125xi32, #tpu.memory_space<vmem>> -> memref<125xi32, #tpu.memory_space<vmem>>
        %dma_start3A_1122 = arith.constant 0 : i32
        %dma_start3A_1123 = arith.constant 0 : i32
        %dma_start3A_1124 = tpu.memref_slice %arg2[%dma_start3A_1122, %dma_start3A_1123] : memref<10000x128xf32, #tpu.memory_space<hbm>> -> memref<10000x128xf32, #tpu.memory_space<hbm>>
        tpu.enqueue_indirect_dma source(%dma_start3A_1124 : memref<10000x128xf32, #tpu.memory_space<hbm>>) target(%dma_start3A_1114 : memref<125x128xf32, #tpu.memory_space<vmem>>) offsets(%dma_start3A_1121 : memref<125xi32, #tpu.memory_space<vmem>>) semaphore(%arg11 : memref<!tpu.dma_semaphore, #tpu.memory_space<semaphore_mem>>)
      } else {
      }
      %dma_start3A_1079 = arith.constant 0 : i32
      %dma_start3A_1080 = arith.constant 0 : i32
      %dma_start3A_1081 = tpu.memref_slice %arg9[%scan3A_729, %dma_start3A_1079, %dma_start3A_1080] : memref<2x125x128xf32, #tpu.memory_space<vmem>> -> memref<1x125x128xf32, #tpu.memory_space<vmem>>
      %dma_start3A_1082 = tpu.memref_squeeze %dma_start3A_1081 : memref<1x125x128xf32, #tpu.memory_space<vmem>> -> memref<125x128xf32, #tpu.memory_space<vmem>>
      %dma_start3A_1083 = arith.constant 0 : i32
      %dma_start3A_1084 = arith.constant 0 : i32
      %dma_start3A_1085 = tpu.memref_slice %arg8[%scan3A_731, %dma_start3A_1083, %dma_start3A_1084] : memref<2x10x125xi32, #tpu.memory_space<vmem>> -> memref<1x10x125xi32, #tpu.memory_space<vmem>>
      %dma_start3A_1086 = tpu.memref_squeeze %dma_start3A_1085 : memref<1x10x125xi32, #tpu.memory_space<vmem>> -> memref<10x125xi32, #tpu.memory_space<vmem>>
      %dma_start3A_1087 = arith.constant 0 : i32
      %dma_start3A_1088 = tpu.memref_slice %dma_start3A_1086[%add3A_1010, %dma_start3A_1087] : memref<10x125xi32, #tpu.memory_space<vmem>> -> memref<1x125xi32, #tpu.memory_space<vmem>>
      %dma_start3A_1089 = tpu.memref_squeeze %dma_start3A_1088 : memref<1x125xi32, #tpu.memory_space<vmem>> -> memref<125xi32, #tpu.memory_space<vmem>>
      %dma_start3A_1090 = arith.constant 0 : i32
      %dma_start3A_1091 = arith.constant 0 : i32
      %dma_start3A_1092 = tpu.memref_slice %arg10[%dma_start3A_1090, %dma_start3A_1091] : memref<10240x128xf32, #tpu.memory_space<vmem_shared>> -> memref<10240x128xf32, #tpu.memory_space<vmem_shared>>
      tpu.enqueue_indirect_dma source(%dma_start3A_1082 : memref<125x128xf32, #tpu.memory_space<vmem>>) target(%dma_start3A_1092 : memref<10240x128xf32, #tpu.memory_space<vmem_shared>>) offsets(%dma_start3A_1089 : memref<125xi32, #tpu.memory_space<vmem>>) semaphore(%arg13 : memref<!tpu.dma_semaphore, #tpu.memory_space<semaphore_mem>>) {add = true}
    }
    %scan3A_736 = arith.constant 5 : i32
    %dma_wait3A_737 = arith.constant 0 : i32
    %dma_wait3A_738 = arith.constant 0 : i32
    %dma_wait3A_739 = arith.constant 0 : i32
    %dma_wait3A_740 = arith.constant 0 : i32
    %dma_wait3A_741 = tpu.memref_slice %arg7[%dma_wait3A_738, %dma_wait3A_739, %dma_wait3A_740] : memref<2x10x125xi32, #tpu.memory_space<vmem>> -> memref<1x10x125xi32, #tpu.memory_space<vmem>>
    %dma_wait3A_742 = tpu.memref_squeeze %dma_wait3A_741 : memref<1x10x125xi32, #tpu.memory_space<vmem>> -> memref<10x125xi32, #tpu.memory_space<vmem>>
    %dma_wait3A_743 = arith.constant 0 : i32
    %dma_wait3A_744 = arith.constant 0 : i32
    %dma_wait3A_745 = tpu.memref_slice %arg3[%add3A, %dma_wait3A_737, %dma_wait3A_743, %dma_wait3A_744] : memref<32x8x10x125xi32, #tpu.memory_space<hbm>> -> memref<1x1x10x125xi32, #tpu.memory_space<hbm>>
    %dma_wait3A_746 = tpu.memref_squeeze %dma_wait3A_745 : memref<1x1x10x125xi32, #tpu.memory_space<hbm>> -> memref<10x125xi32, #tpu.memory_space<hbm>>
    %dma_wait3A_747 = arith.constant 0 : i32
    %dma_wait3A_748 = arith.constant 0 : i32
    %dma_wait3A_749 = tpu.memref_slice %arg7[%dma_wait3A_738, %dma_wait3A_747, %dma_wait3A_748] : memref<2x10x125xi32, #tpu.memory_space<vmem>> -> memref<1x10x125xi32, #tpu.memory_space<vmem>>
    %dma_wait3A_750 = tpu.memref_squeeze %dma_wait3A_749 : memref<1x10x125xi32, #tpu.memory_space<vmem>> -> memref<10x125xi32, #tpu.memory_space<vmem>>
    %dma_wait3A_751 = arith.constant 0 : i32
    %dma_wait3A_752 = arith.constant 0 : i32
    %dma_wait3A_753 = tpu.memref_slice %arg3[%add3A, %dma_wait3A_737, %dma_wait3A_751, %dma_wait3A_752] : memref<32x8x10x125xi32, #tpu.memory_space<hbm>> -> memref<1x1x10x125xi32, #tpu.memory_space<hbm>>
    %dma_wait3A_754 = tpu.memref_squeeze %dma_wait3A_753 : memref<1x1x10x125xi32, #tpu.memory_space<hbm>> -> memref<10x125xi32, #tpu.memory_space<hbm>>
    tpu.wait_dma2 semaphore(%arg14 : memref<!tpu.dma_semaphore, #tpu.memory_space<semaphore_mem>>) src(%dma_wait3A_754 : memref<10x125xi32, #tpu.memory_space<hbm>>) dst(%dma_wait3A_750 : memref<10x125xi32, #tpu.memory_space<vmem>>)
    %dma_wait3A_755 = arith.constant 0 : i32
    %dma_wait3A_756 = arith.constant 0 : i32
    %dma_wait3A_757 = arith.constant 0 : i32
    %dma_wait3A_758 = arith.constant 0 : i32
    %dma_wait3A_759 = tpu.memref_slice %arg8[%dma_wait3A_756, %dma_wait3A_757, %dma_wait3A_758] : memref<2x10x125xi32, #tpu.memory_space<vmem>> -> memref<1x10x125xi32, #tpu.memory_space<vmem>>
    %dma_wait3A_760 = tpu.memref_squeeze %dma_wait3A_759 : memref<1x10x125xi32, #tpu.memory_space<vmem>> -> memref<10x125xi32, #tpu.memory_space<vmem>>
    %dma_wait3A_761 = arith.constant 0 : i32
    %dma_wait3A_762 = arith.constant 0 : i32
    %dma_wait3A_763 = tpu.memref_slice %arg3[%add3A, %dma_wait3A_755, %dma_wait3A_761, %dma_wait3A_762] : memref<32x8x10x125xi32, #tpu.memory_space<hbm>> -> memref<1x1x10x125xi32, #tpu.memory_space<hbm>>
    %dma_wait3A_764 = tpu.memref_squeeze %dma_wait3A_763 : memref<1x1x10x125xi32, #tpu.memory_space<hbm>> -> memref<10x125xi32, #tpu.memory_space<hbm>>
    %dma_wait3A_765 = arith.constant 0 : i32
    %dma_wait3A_766 = arith.constant 0 : i32
    %dma_wait3A_767 = tpu.memref_slice %arg8[%dma_wait3A_756, %dma_wait3A_765, %dma_wait3A_766] : memref<2x10x125xi32, #tpu.memory_space<vmem>> -> memref<1x10x125xi32, #tpu.memory_space<vmem>>
    %dma_wait3A_768 = tpu.memref_squeeze %dma_wait3A_767 : memref<1x10x125xi32, #tpu.memory_space<vmem>> -> memref<10x125xi32, #tpu.memory_space<vmem>>
    %dma_wait3A_769 = arith.constant 0 : i32
    %dma_wait3A_770 = arith.constant 0 : i32
    %dma_wait3A_771 = tpu.memref_slice %arg3[%add3A, %dma_wait3A_755, %dma_wait3A_769, %dma_wait3A_770] : memref<32x8x10x125xi32, #tpu.memory_space<hbm>> -> memref<1x1x10x125xi32, #tpu.memory_space<hbm>>
    %dma_wait3A_772 = tpu.memref_squeeze %dma_wait3A_771 : memref<1x1x10x125xi32, #tpu.memory_space<hbm>> -> memref<10x125xi32, #tpu.memory_space<hbm>>
    tpu.wait_dma2 semaphore(%arg14 : memref<!tpu.dma_semaphore, #tpu.memory_space<semaphore_mem>>) src(%dma_wait3A_772 : memref<10x125xi32, #tpu.memory_space<hbm>>) dst(%dma_wait3A_768 : memref<10x125xi32, #tpu.memory_space<vmem>>)
    %dma_wait3A_773 = arith.constant 0 : i32
    %dma_wait3A_774 = arith.constant 0 : i32
    %dma_wait3A_775 = arith.constant 0 : i32
    %dma_wait3A_776 = arith.constant 0 : i32
    %dma_wait3A_777 = arith.constant 0 : i32
    %dma_wait3A_778 = tpu.memref_slice %arg9[%dma_wait3A_773, %dma_wait3A_776, %dma_wait3A_777] : memref<2x125x128xf32, #tpu.memory_space<vmem>> -> memref<1x125x128xf32, #tpu.memory_space<vmem>>
    %dma_wait3A_779 = tpu.memref_squeeze %dma_wait3A_778 : memref<1x125x128xf32, #tpu.memory_space<vmem>> -> memref<125x128xf32, #tpu.memory_space<vmem>>
    %dma_wait3A_780 = arith.constant 0 : i32
    %dma_wait3A_781 = arith.constant 0 : i32
    %dma_wait3A_782 = tpu.memref_slice %arg8[%dma_wait3A_774, %dma_wait3A_780, %dma_wait3A_781] : memref<2x10x125xi32, #tpu.memory_space<vmem>> -> memref<1x10x125xi32, #tpu.memory_space<vmem>>
    %dma_wait3A_783 = tpu.memref_squeeze %dma_wait3A_782 : memref<1x10x125xi32, #tpu.memory_space<vmem>> -> memref<10x125xi32, #tpu.memory_space<vmem>>
    %dma_wait3A_784 = arith.constant 0 : i32
    %dma_wait3A_785 = tpu.memref_slice %dma_wait3A_783[%dma_wait3A_775, %dma_wait3A_784] : memref<10x125xi32, #tpu.memory_space<vmem>> -> memref<1x125xi32, #tpu.memory_space<vmem>>
    %dma_wait3A_786 = tpu.memref_squeeze %dma_wait3A_785 : memref<1x125xi32, #tpu.memory_space<vmem>> -> memref<125xi32, #tpu.memory_space<vmem>>
    %dma_wait3A_787 = arith.constant 0 : i32
    %dma_wait3A_788 = arith.constant 0 : i32
    %dma_wait3A_789 = tpu.memref_slice %arg10[%dma_wait3A_787, %dma_wait3A_788] : memref<10240x128xf32, #tpu.memory_space<vmem_shared>> -> memref<10240x128xf32, #tpu.memory_space<vmem_shared>>
    tpu.wait_indirect_dma semaphore(%arg12 : memref<!tpu.dma_semaphore, #tpu.memory_space<semaphore_mem>>) src(%dma_wait3A_779 : memref<125x128xf32, #tpu.memory_space<vmem>>) dst(%dma_wait3A_789 : memref<10240x128xf32, #tpu.memory_space<vmem_shared>>)
    %dma_start3A_790 = arith.constant 0 : i32
    %dma_start3A_791 = arith.constant 0 : i32
    %dma_start3A_792 = arith.constant 0 : i32
    %dma_start3A_793 = arith.constant 0 : i32
    %dma_start3A_794 = arith.constant 0 : i32
    %dma_start3A_795 = tpu.memref_slice %arg9[%dma_start3A_792, %dma_start3A_793, %dma_start3A_794] : memref<2x125x128xf32, #tpu.memory_space<vmem>> -> memref<1x125x128xf32, #tpu.memory_space<vmem>>
    %dma_start3A_796 = tpu.memref_squeeze %dma_start3A_795 : memref<1x125x128xf32, #tpu.memory_space<vmem>> -> memref<125x128xf32, #tpu.memory_space<vmem>>
    %dma_start3A_797 = arith.constant 0 : i32
    %dma_start3A_798 = arith.constant 0 : i32
    %dma_start3A_799 = tpu.memref_slice %arg7[%dma_start3A_790, %dma_start3A_797, %dma_start3A_798] : memref<2x10x125xi32, #tpu.memory_space<vmem>> -> memref<1x10x125xi32, #tpu.memory_space<vmem>>
    %dma_start3A_800 = tpu.memref_squeeze %dma_start3A_799 : memref<1x10x125xi32, #tpu.memory_space<vmem>> -> memref<10x125xi32, #tpu.memory_space<vmem>>
    %dma_start3A_801 = arith.constant 0 : i32
    %dma_start3A_802 = tpu.memref_slice %dma_start3A_800[%dma_start3A_791, %dma_start3A_801] : memref<10x125xi32, #tpu.memory_space<vmem>> -> memref<1x125xi32, #tpu.memory_space<vmem>>
    %dma_start3A_803 = tpu.memref_squeeze %dma_start3A_802 : memref<1x125xi32, #tpu.memory_space<vmem>> -> memref<125xi32, #tpu.memory_space<vmem>>
    %dma_start3A_804 = arith.constant 0 : i32
    %dma_start3A_805 = arith.constant 0 : i32
    %dma_start3A_806 = tpu.memref_slice %arg2[%dma_start3A_804, %dma_start3A_805] : memref<10000x128xf32, #tpu.memory_space<hbm>> -> memref<10000x128xf32, #tpu.memory_space<hbm>>
    tpu.enqueue_indirect_dma source(%dma_start3A_806 : memref<10000x128xf32, #tpu.memory_space<hbm>>) target(%dma_start3A_796 : memref<125x128xf32, #tpu.memory_space<vmem>>) offsets(%dma_start3A_803 : memref<125xi32, #tpu.memory_space<vmem>>) semaphore(%arg11 : memref<!tpu.dma_semaphore, #tpu.memory_space<semaphore_mem>>)
    %dma_wait3A_807 = arith.constant 1 : i32
    %dma_wait3A_808 = arith.constant 0 : i32
    %dma_wait3A_809 = arith.constant 0 : i32
    %dma_wait3A_810 = arith.constant 0 : i32
    %dma_wait3A_811 = arith.constant 0 : i32
    %dma_wait3A_812 = tpu.memref_slice %arg9[%dma_wait3A_807, %dma_wait3A_810, %dma_wait3A_811] : memref<2x125x128xf32, #tpu.memory_space<vmem>> -> memref<1x125x128xf32, #tpu.memory_space<vmem>>
    %dma_wait3A_813 = tpu.memref_squeeze %dma_wait3A_812 : memref<1x125x128xf32, #tpu.memory_space<vmem>> -> memref<125x128xf32, #tpu.memory_space<vmem>>
    %dma_wait3A_814 = arith.constant 0 : i32
    %dma_wait3A_815 = arith.constant 0 : i32
    %dma_wait3A_816 = tpu.memref_slice %arg8[%dma_wait3A_808, %dma_wait3A_814, %dma_wait3A_815] : memref<2x10x125xi32, #tpu.memory_space<vmem>> -> memref<1x10x125xi32, #tpu.memory_space<vmem>>
    %dma_wait3A_817 = tpu.memref_squeeze %dma_wait3A_816 : memref<1x10x125xi32, #tpu.memory_space<vmem>> -> memref<10x125xi32, #tpu.memory_space<vmem>>
    %dma_wait3A_818 = arith.constant 0 : i32
    %dma_wait3A_819 = tpu.memref_slice %dma_wait3A_817[%dma_wait3A_809, %dma_wait3A_818] : memref<10x125xi32, #tpu.memory_space<vmem>> -> memref<1x125xi32, #tpu.memory_space<vmem>>
    %dma_wait3A_820 = tpu.memref_squeeze %dma_wait3A_819 : memref<1x125xi32, #tpu.memory_space<vmem>> -> memref<125xi32, #tpu.memory_space<vmem>>
    %dma_wait3A_821 = arith.constant 0 : i32
    %dma_wait3A_822 = arith.constant 0 : i32
    %dma_wait3A_823 = tpu.memref_slice %arg10[%dma_wait3A_821, %dma_wait3A_822] : memref<10240x128xf32, #tpu.memory_space<vmem_shared>> -> memref<10240x128xf32, #tpu.memory_space<vmem_shared>>
    tpu.wait_indirect_dma semaphore(%arg13 : memref<!tpu.dma_semaphore, #tpu.memory_space<semaphore_mem>>) src(%dma_wait3A_813 : memref<125x128xf32, #tpu.memory_space<vmem>>) dst(%dma_wait3A_823 : memref<10240x128xf32, #tpu.memory_space<vmem_shared>>)
    %dma_start3A_824 = arith.constant 7 : i32
    %dma_start3A_825 = arith.constant 1 : i32
    %dma_start3A_826 = arith.constant 0 : i32
    %dma_start3A_827 = arith.constant 0 : i32
    %dma_start3A_828 = tpu.memref_slice %arg7[%dma_start3A_825, %dma_start3A_826, %dma_start3A_827] : memref<2x10x125xi32, #tpu.memory_space<vmem>> -> memref<1x10x125xi32, #tpu.memory_space<vmem>>
    %dma_start3A_829 = tpu.memref_squeeze %dma_start3A_828 : memref<1x10x125xi32, #tpu.memory_space<vmem>> -> memref<10x125xi32, #tpu.memory_space<vmem>>
    %dma_start3A_830 = arith.constant 0 : i32
    %dma_start3A_831 = arith.constant 0 : i32
    %dma_start3A_832 = tpu.memref_slice %arg3[%add3A, %dma_start3A_824, %dma_start3A_830, %dma_start3A_831] : memref<32x8x10x125xi32, #tpu.memory_space<hbm>> -> memref<1x1x10x125xi32, #tpu.memory_space<hbm>>
    %dma_start3A_833 = tpu.memref_squeeze %dma_start3A_832 : memref<1x1x10x125xi32, #tpu.memory_space<hbm>> -> memref<10x125xi32, #tpu.memory_space<hbm>>
    %dma_start3A_834 = arith.constant 0 : i32
    %dma_start3A_835 = arith.constant 0 : i32
    %dma_start3A_836 = tpu.memref_slice %arg7[%dma_start3A_825, %dma_start3A_834, %dma_start3A_835] : memref<2x10x125xi32, #tpu.memory_space<vmem>> -> memref<1x10x125xi32, #tpu.memory_space<vmem>>
    %dma_start3A_837 = tpu.memref_squeeze %dma_start3A_836 : memref<1x10x125xi32, #tpu.memory_space<vmem>> -> memref<10x125xi32, #tpu.memory_space<vmem>>
    %dma_start3A_838 = arith.constant 0 : i32
    %dma_start3A_839 = arith.constant 0 : i32
    %dma_start3A_840 = tpu.memref_slice %arg3[%add3A, %dma_start3A_824, %dma_start3A_838, %dma_start3A_839] : memref<32x8x10x125xi32, #tpu.memory_space<hbm>> -> memref<1x1x10x125xi32, #tpu.memory_space<hbm>>
    %dma_start3A_841 = tpu.memref_squeeze %dma_start3A_840 : memref<1x1x10x125xi32, #tpu.memory_space<hbm>> -> memref<10x125xi32, #tpu.memory_space<hbm>>
    tpu.enqueue_dma source(%dma_start3A_841 : memref<10x125xi32, #tpu.memory_space<hbm>>) target(%dma_start3A_837 : memref<10x125xi32, #tpu.memory_space<vmem>>) target_semaphore(%arg14 : memref<!tpu.dma_semaphore, #tpu.memory_space<semaphore_mem>>)
    %dma_start3A_842 = arith.constant 7 : i32
    %dma_start3A_843 = arith.constant 1 : i32
    %dma_start3A_844 = arith.constant 0 : i32
    %dma_start3A_845 = arith.constant 0 : i32
    %dma_start3A_846 = tpu.memref_slice %arg8[%dma_start3A_843, %dma_start3A_844, %dma_start3A_845] : memref<2x10x125xi32, #tpu.memory_space<vmem>> -> memref<1x10x125xi32, #tpu.memory_space<vmem>>
    %dma_start3A_847 = tpu.memref_squeeze %dma_start3A_846 : memref<1x10x125xi32, #tpu.memory_space<vmem>> -> memref<10x125xi32, #tpu.memory_space<vmem>>
    %dma_start3A_848 = arith.constant 0 : i32
    %dma_start3A_849 = arith.constant 0 : i32
    %dma_start3A_850 = tpu.memref_slice %arg4[%add3A, %dma_start3A_842, %dma_start3A_848, %dma_start3A_849] : memref<32x8x10x125xi32, #tpu.memory_space<hbm>> -> memref<1x1x10x125xi32, #tpu.memory_space<hbm>>
    %dma_start3A_851 = tpu.memref_squeeze %dma_start3A_850 : memref<1x1x10x125xi32, #tpu.memory_space<hbm>> -> memref<10x125xi32, #tpu.memory_space<hbm>>
    %dma_start3A_852 = arith.constant 0 : i32
    %dma_start3A_853 = arith.constant 0 : i32
    %dma_start3A_854 = tpu.memref_slice %arg8[%dma_start3A_843, %dma_start3A_852, %dma_start3A_853] : memref<2x10x125xi32, #tpu.memory_space<vmem>> -> memref<1x10x125xi32, #tpu.memory_space<vmem>>
    %dma_start3A_855 = tpu.memref_squeeze %dma_start3A_854 : memref<1x10x125xi32, #tpu.memory_space<vmem>> -> memref<10x125xi32, #tpu.memory_space<vmem>>
    %dma_start3A_856 = arith.constant 0 : i32
    %dma_start3A_857 = arith.constant 0 : i32
    %dma_start3A_858 = tpu.memref_slice %arg4[%add3A, %dma_start3A_842, %dma_start3A_856, %dma_start3A_857] : memref<32x8x10x125xi32, #tpu.memory_space<hbm>> -> memref<1x1x10x125xi32, #tpu.memory_space<hbm>>
    %dma_start3A_859 = tpu.memref_squeeze %dma_start3A_858 : memref<1x1x10x125xi32, #tpu.memory_space<hbm>> -> memref<10x125xi32, #tpu.memory_space<hbm>>
    tpu.enqueue_dma source(%dma_start3A_859 : memref<10x125xi32, #tpu.memory_space<hbm>>) target(%dma_start3A_855 : memref<10x125xi32, #tpu.memory_space<vmem>>) target_semaphore(%arg14 : memref<!tpu.dma_semaphore, #tpu.memory_space<semaphore_mem>>)
    %scan3A_860 = arith.constant 0 : i32
    %scan3A_861 = arith.constant 0 : i32
    %scan3A_862 = arith.constant 1 : i32
    %scan3A_863 = arith.constant 0 : i32
    %scan3A_864 = arith.constant 0 : i32
    %scan3A_865 = arith.constant 0 : i32
    %scan3A_866 = arith.constant 5 : i32
    %scan3A_867 = arith.addi %scan3A_865, %scan3A_866 : i32
    %scan3A_868 = arith.constant 1 : i32
    scf.for %scan3A_1006 = %scan3A_865 to %scan3A_867 step %scan3A_868  : i32 {
      %mul3A_1007 = arith.constant 2 : i32
      %mul3A_1008 = arith.muli %mul3A_1007, %scan3A_1006 : i32
      %add3A_1009 = arith.constant 1 : i32
      %add3A_1010 = arith.addi %mul3A_1008, %add3A_1009 : i32
      %dma_wait3A_1011 = arith.constant 0 : i32
      %dma_wait3A_1012 = arith.constant 0 : i32
      %dma_wait3A_1013 = arith.constant 0 : i32
      %dma_wait3A_1014 = arith.constant 0 : i32
      %dma_wait3A_1015 = tpu.memref_slice %arg9[%scan3A_861, %dma_wait3A_1013, %dma_wait3A_1014] : memref<2x125x128xf32, #tpu.memory_space<vmem>> -> memref<1x125x128xf32, #tpu.memory_space<vmem>>
      %dma_wait3A_1016 = tpu.memref_squeeze %dma_wait3A_1015 : memref<1x125x128xf32, #tpu.memory_space<vmem>> -> memref<125x128xf32, #tpu.memory_space<vmem>>
      %dma_wait3A_1017 = arith.constant 0 : i32
      %dma_wait3A_1018 = arith.constant 0 : i32
      %dma_wait3A_1019 = tpu.memref_slice %arg7[%dma_wait3A_1011, %dma_wait3A_1017, %dma_wait3A_1018] : memref<2x10x125xi32, #tpu.memory_space<vmem>> -> memref<1x10x125xi32, #tpu.memory_space<vmem>>
      %dma_wait3A_1020 = tpu.memref_squeeze %dma_wait3A_1019 : memref<1x10x125xi32, #tpu.memory_space<vmem>> -> memref<10x125xi32, #tpu.memory_space<vmem>>
      %dma_wait3A_1021 = arith.constant 0 : i32
      %dma_wait3A_1022 = tpu.memref_slice %dma_wait3A_1020[%dma_wait3A_1012, %dma_wait3A_1021] : memref<10x125xi32, #tpu.memory_space<vmem>> -> memref<1x125xi32, #tpu.memory_space<vmem>>
      %dma_wait3A_1023 = tpu.memref_squeeze %dma_wait3A_1022 : memref<1x125xi32, #tpu.memory_space<vmem>> -> memref<125xi32, #tpu.memory_space<vmem>>
      %dma_wait3A_1024 = arith.constant 0 : i32
      %dma_wait3A_1025 = arith.constant 0 : i32
      %dma_wait3A_1026 = tpu.memref_slice %arg2[%dma_wait3A_1024, %dma_wait3A_1025] : memref<10000x128xf32, #tpu.memory_space<hbm>> -> memref<10000x128xf32, #tpu.memory_space<hbm>>
      tpu.wait_indirect_dma semaphore(%arg11 : memref<!tpu.dma_semaphore, #tpu.memory_space<semaphore_mem>>) src(%dma_wait3A_1026 : memref<10000x128xf32, #tpu.memory_space<hbm>>) dst(%dma_wait3A_1016 : memref<125x128xf32, #tpu.memory_space<vmem>>)
      %gt3A = arith.constant 0 : i32
      %gt3A_1027 = arith.cmpi sgt, %scan3A_1006, %gt3A : i32
      %convert_element_type3A = arith.extui %gt3A_1027 : i1 to i32
      %cond3A = arith.constant 0 : i32
      %cond3A_1028 = arith.cmpi ne, %convert_element_type3A, %cond3A : i32
      scf.if %cond3A_1028 {
        %dma_wait3A_1093 = arith.constant 0 : i32
        %dma_wait3A_1094 = arith.constant 0 : i32
        %dma_wait3A_1095 = arith.constant 0 : i32
        %dma_wait3A_1096 = arith.constant 0 : i32
        %dma_wait3A_1097 = tpu.memref_slice %arg9[%scan3A_862, %dma_wait3A_1095, %dma_wait3A_1096] : memref<2x125x128xf32, #tpu.memory_space<vmem>> -> memref<1x125x128xf32, #tpu.memory_space<vmem>>
        %dma_wait3A_1098 = tpu.memref_squeeze %dma_wait3A_1097 : memref<1x125x128xf32, #tpu.memory_space<vmem>> -> memref<125x128xf32, #tpu.memory_space<vmem>>
        %dma_wait3A_1099 = arith.constant 0 : i32
        %dma_wait3A_1100 = arith.constant 0 : i32
        %dma_wait3A_1101 = tpu.memref_slice %arg8[%dma_wait3A_1093, %dma_wait3A_1099, %dma_wait3A_1100] : memref<2x10x125xi32, #tpu.memory_space<vmem>> -> memref<1x10x125xi32, #tpu.memory_space<vmem>>
        %dma_wait3A_1102 = tpu.memref_squeeze %dma_wait3A_1101 : memref<1x10x125xi32, #tpu.memory_space<vmem>> -> memref<10x125xi32, #tpu.memory_space<vmem>>
        %dma_wait3A_1103 = arith.constant 0 : i32
        %dma_wait3A_1104 = tpu.memref_slice %dma_wait3A_1102[%dma_wait3A_1094, %dma_wait3A_1103] : memref<10x125xi32, #tpu.memory_space<vmem>> -> memref<1x125xi32, #tpu.memory_space<vmem>>
        %dma_wait3A_1105 = tpu.memref_squeeze %dma_wait3A_1104 : memref<1x125xi32, #tpu.memory_space<vmem>> -> memref<125xi32, #tpu.memory_space<vmem>>
        %dma_wait3A_1106 = arith.constant 0 : i32
        %dma_wait3A_1107 = arith.constant 0 : i32
        %dma_wait3A_1108 = tpu.memref_slice %arg10[%dma_wait3A_1106, %dma_wait3A_1107] : memref<10240x128xf32, #tpu.memory_space<vmem_shared>> -> memref<10240x128xf32, #tpu.memory_space<vmem_shared>>
        tpu.wait_indirect_dma semaphore(%arg13 : memref<!tpu.dma_semaphore, #tpu.memory_space<semaphore_mem>>) src(%dma_wait3A_1098 : memref<125x128xf32, #tpu.memory_space<vmem>>) dst(%dma_wait3A_1108 : memref<10240x128xf32, #tpu.memory_space<vmem_shared>>)
      } else {
      }
      %dma_start3A_1029 = arith.constant 0 : i32
      %dma_start3A_1030 = arith.constant 0 : i32
      %dma_start3A_1031 = tpu.memref_slice %arg9[%scan3A_862, %dma_start3A_1029, %dma_start3A_1030] : memref<2x125x128xf32, #tpu.memory_space<vmem>> -> memref<1x125x128xf32, #tpu.memory_space<vmem>>
      %dma_start3A_1032 = tpu.memref_squeeze %dma_start3A_1031 : memref<1x125x128xf32, #tpu.memory_space<vmem>> -> memref<125x128xf32, #tpu.memory_space<vmem>>
      %dma_start3A_1033 = arith.constant 0 : i32
      %dma_start3A_1034 = arith.constant 0 : i32
      %dma_start3A_1035 = tpu.memref_slice %arg7[%scan3A_863, %dma_start3A_1033, %dma_start3A_1034] : memref<2x10x125xi32, #tpu.memory_space<vmem>> -> memref<1x10x125xi32, #tpu.memory_space<vmem>>
      %dma_start3A_1036 = tpu.memref_squeeze %dma_start3A_1035 : memref<1x10x125xi32, #tpu.memory_space<vmem>> -> memref<10x125xi32, #tpu.memory_space<vmem>>
      %dma_start3A_1037 = arith.constant 0 : i32
      %dma_start3A_1038 = tpu.memref_slice %dma_start3A_1036[%add3A_1010, %dma_start3A_1037] : memref<10x125xi32, #tpu.memory_space<vmem>> -> memref<1x125xi32, #tpu.memory_space<vmem>>
      %dma_start3A_1039 = tpu.memref_squeeze %dma_start3A_1038 : memref<1x125xi32, #tpu.memory_space<vmem>> -> memref<125xi32, #tpu.memory_space<vmem>>
      %dma_start3A_1040 = arith.constant 0 : i32
      %dma_start3A_1041 = arith.constant 0 : i32
      %dma_start3A_1042 = tpu.memref_slice %arg2[%dma_start3A_1040, %dma_start3A_1041] : memref<10000x128xf32, #tpu.memory_space<hbm>> -> memref<10000x128xf32, #tpu.memory_space<hbm>>
      tpu.enqueue_indirect_dma source(%dma_start3A_1042 : memref<10000x128xf32, #tpu.memory_space<hbm>>) target(%dma_start3A_1032 : memref<125x128xf32, #tpu.memory_space<vmem>>) offsets(%dma_start3A_1039 : memref<125xi32, #tpu.memory_space<vmem>>) semaphore(%arg11 : memref<!tpu.dma_semaphore, #tpu.memory_space<semaphore_mem>>)
      %dma_start3A_1043 = arith.constant 0 : i32
      %dma_start3A_1044 = arith.constant 0 : i32
      %dma_start3A_1045 = tpu.memref_slice %arg9[%scan3A_861, %dma_start3A_1043, %dma_start3A_1044] : memref<2x125x128xf32, #tpu.memory_space<vmem>> -> memref<1x125x128xf32, #tpu.memory_space<vmem>>
      %dma_start3A_1046 = tpu.memref_squeeze %dma_start3A_1045 : memref<1x125x128xf32, #tpu.memory_space<vmem>> -> memref<125x128xf32, #tpu.memory_space<vmem>>
      %dma_start3A_1047 = arith.constant 0 : i32
      %dma_start3A_1048 = arith.constant 0 : i32
      %dma_start3A_1049 = tpu.memref_slice %arg8[%scan3A_864, %dma_start3A_1047, %dma_start3A_1048] : memref<2x10x125xi32, #tpu.memory_space<vmem>> -> memref<1x10x125xi32, #tpu.memory_space<vmem>>
      %dma_start3A_1050 = tpu.memref_squeeze %dma_start3A_1049 : memref<1x10x125xi32, #tpu.memory_space<vmem>> -> memref<10x125xi32, #tpu.memory_space<vmem>>
      %dma_start3A_1051 = arith.constant 0 : i32
      %dma_start3A_1052 = tpu.memref_slice %dma_start3A_1050[%mul3A_1008, %dma_start3A_1051] : memref<10x125xi32, #tpu.memory_space<vmem>> -> memref<1x125xi32, #tpu.memory_space<vmem>>
      %dma_start3A_1053 = tpu.memref_squeeze %dma_start3A_1052 : memref<1x125xi32, #tpu.memory_space<vmem>> -> memref<125xi32, #tpu.memory_space<vmem>>
      %dma_start3A_1054 = arith.constant 0 : i32
      %dma_start3A_1055 = arith.constant 0 : i32
      %dma_start3A_1056 = tpu.memref_slice %arg10[%dma_start3A_1054, %dma_start3A_1055] : memref<10240x128xf32, #tpu.memory_space<vmem_shared>> -> memref<10240x128xf32, #tpu.memory_space<vmem_shared>>
      tpu.enqueue_indirect_dma source(%dma_start3A_1046 : memref<125x128xf32, #tpu.memory_space<vmem>>) target(%dma_start3A_1056 : memref<10240x128xf32, #tpu.memory_space<vmem_shared>>) offsets(%dma_start3A_1053 : memref<125xi32, #tpu.memory_space<vmem>>) semaphore(%arg12 : memref<!tpu.dma_semaphore, #tpu.memory_space<semaphore_mem>>) {add = true}
      %dma_wait3A_1057 = arith.constant 0 : i32
      %dma_wait3A_1058 = arith.constant 0 : i32
      %dma_wait3A_1059 = arith.constant 0 : i32
      %dma_wait3A_1060 = arith.constant 0 : i32
      %dma_wait3A_1061 = tpu.memref_slice %arg9[%scan3A_862, %dma_wait3A_1059, %dma_wait3A_1060] : memref<2x125x128xf32, #tpu.memory_space<vmem>> -> memref<1x125x128xf32, #tpu.memory_space<vmem>>
      %dma_wait3A_1062 = tpu.memref_squeeze %dma_wait3A_1061 : memref<1x125x128xf32, #tpu.memory_space<vmem>> -> memref<125x128xf32, #tpu.memory_space<vmem>>
      %dma_wait3A_1063 = arith.constant 0 : i32
      %dma_wait3A_1064 = arith.constant 0 : i32
      %dma_wait3A_1065 = tpu.memref_slice %arg7[%dma_wait3A_1057, %dma_wait3A_1063, %dma_wait3A_1064] : memref<2x10x125xi32, #tpu.memory_space<vmem>> -> memref<1x10x125xi32, #tpu.memory_space<vmem>>
      %dma_wait3A_1066 = tpu.memref_squeeze %dma_wait3A_1065 : memref<1x10x125xi32, #tpu.memory_space<vmem>> -> memref<10x125xi32, #tpu.memory_space<vmem>>
      %dma_wait3A_1067 = arith.constant 0 : i32
      %dma_wait3A_1068 = tpu.memref_slice %dma_wait3A_1066[%dma_wait3A_1058, %dma_wait3A_1067] : memref<10x125xi32, #tpu.memory_space<vmem>> -> memref<1x125xi32, #tpu.memory_space<vmem>>
      %dma_wait3A_1069 = tpu.memref_squeeze %dma_wait3A_1068 : memref<1x125xi32, #tpu.memory_space<vmem>> -> memref<125xi32, #tpu.memory_space<vmem>>
      %dma_wait3A_1070 = arith.constant 0 : i32
      %dma_wait3A_1071 = arith.constant 0 : i32
      %dma_wait3A_1072 = tpu.memref_slice %arg2[%dma_wait3A_1070, %dma_wait3A_1071] : memref<10000x128xf32, #tpu.memory_space<hbm>> -> memref<10000x128xf32, #tpu.memory_space<hbm>>
      tpu.wait_indirect_dma semaphore(%arg11 : memref<!tpu.dma_semaphore, #tpu.memory_space<semaphore_mem>>) src(%dma_wait3A_1072 : memref<10000x128xf32, #tpu.memory_space<hbm>>) dst(%dma_wait3A_1062 : memref<125x128xf32, #tpu.memory_space<vmem>>)
      %add3A_1073 = arith.constant 1 : i32
      %add3A_1074 = arith.addi %scan3A_1006, %add3A_1073 : i32
      %lt3A = arith.constant 5 : i32
      %lt3A_1075 = arith.cmpi slt, %add3A_1074, %lt3A : i32
      %convert_element_type3A_1076 = arith.extui %lt3A_1075 : i1 to i32
      %cond3A_1077 = arith.constant 0 : i32
      %cond3A_1078 = arith.cmpi ne, %convert_element_type3A_1076, %cond3A_1077 : i32
      scf.if %cond3A_1078 {
        %dma_wait3A_1093 = arith.constant 0 : i32
        %dma_wait3A_1094 = arith.constant 0 : i32
        %dma_wait3A_1095 = arith.constant 0 : i32
        %dma_wait3A_1096 = arith.constant 0 : i32
        %dma_wait3A_1097 = tpu.memref_slice %arg9[%scan3A_861, %dma_wait3A_1095, %dma_wait3A_1096] : memref<2x125x128xf32, #tpu.memory_space<vmem>> -> memref<1x125x128xf32, #tpu.memory_space<vmem>>
        %dma_wait3A_1098 = tpu.memref_squeeze %dma_wait3A_1097 : memref<1x125x128xf32, #tpu.memory_space<vmem>> -> memref<125x128xf32, #tpu.memory_space<vmem>>
        %dma_wait3A_1099 = arith.constant 0 : i32
        %dma_wait3A_1100 = arith.constant 0 : i32
        %dma_wait3A_1101 = tpu.memref_slice %arg8[%dma_wait3A_1093, %dma_wait3A_1099, %dma_wait3A_1100] : memref<2x10x125xi32, #tpu.memory_space<vmem>> -> memref<1x10x125xi32, #tpu.memory_space<vmem>>
        %dma_wait3A_1102 = tpu.memref_squeeze %dma_wait3A_1101 : memref<1x10x125xi32, #tpu.memory_space<vmem>> -> memref<10x125xi32, #tpu.memory_space<vmem>>
        %dma_wait3A_1103 = arith.constant 0 : i32
        %dma_wait3A_1104 = tpu.memref_slice %dma_wait3A_1102[%dma_wait3A_1094, %dma_wait3A_1103] : memref<10x125xi32, #tpu.memory_space<vmem>> -> memref<1x125xi32, #tpu.memory_space<vmem>>
        %dma_wait3A_1105 = tpu.memref_squeeze %dma_wait3A_1104 : memref<1x125xi32, #tpu.memory_space<vmem>> -> memref<125xi32, #tpu.memory_space<vmem>>
        %dma_wait3A_1106 = arith.constant 0 : i32
        %dma_wait3A_1107 = arith.constant 0 : i32
        %dma_wait3A_1108 = tpu.memref_slice %arg10[%dma_wait3A_1106, %dma_wait3A_1107] : memref<10240x128xf32, #tpu.memory_space<vmem_shared>> -> memref<10240x128xf32, #tpu.memory_space<vmem_shared>>
        tpu.wait_indirect_dma semaphore(%arg12 : memref<!tpu.dma_semaphore, #tpu.memory_space<semaphore_mem>>) src(%dma_wait3A_1098 : memref<125x128xf32, #tpu.memory_space<vmem>>) dst(%dma_wait3A_1108 : memref<10240x128xf32, #tpu.memory_space<vmem_shared>>)
        %add3A_1109 = arith.constant 2 : i32
        %add3A_1110 = arith.addi %mul3A_1008, %add3A_1109 : i32
        %dma_start3A_1111 = arith.constant 0 : i32
        %dma_start3A_1112 = arith.constant 0 : i32
        %dma_start3A_1113 = tpu.memref_slice %arg9[%scan3A_861, %dma_start3A_1111, %dma_start3A_1112] : memref<2x125x128xf32, #tpu.memory_space<vmem>> -> memref<1x125x128xf32, #tpu.memory_space<vmem>>
        %dma_start3A_1114 = tpu.memref_squeeze %dma_start3A_1113 : memref<1x125x128xf32, #tpu.memory_space<vmem>> -> memref<125x128xf32, #tpu.memory_space<vmem>>
        %dma_start3A_1115 = arith.constant 0 : i32
        %dma_start3A_1116 = arith.constant 0 : i32
        %dma_start3A_1117 = tpu.memref_slice %arg7[%scan3A_863, %dma_start3A_1115, %dma_start3A_1116] : memref<2x10x125xi32, #tpu.memory_space<vmem>> -> memref<1x10x125xi32, #tpu.memory_space<vmem>>
        %dma_start3A_1118 = tpu.memref_squeeze %dma_start3A_1117 : memref<1x10x125xi32, #tpu.memory_space<vmem>> -> memref<10x125xi32, #tpu.memory_space<vmem>>
        %dma_start3A_1119 = arith.constant 0 : i32
        %dma_start3A_1120 = tpu.memref_slice %dma_start3A_1118[%add3A_1110, %dma_start3A_1119] : memref<10x125xi32, #tpu.memory_space<vmem>> -> memref<1x125xi32, #tpu.memory_space<vmem>>
        %dma_start3A_1121 = tpu.memref_squeeze %dma_start3A_1120 : memref<1x125xi32, #tpu.memory_space<vmem>> -> memref<125xi32, #tpu.memory_space<vmem>>
        %dma_start3A_1122 = arith.constant 0 : i32
        %dma_start3A_1123 = arith.constant 0 : i32
        %dma_start3A_1124 = tpu.memref_slice %arg2[%dma_start3A_1122, %dma_start3A_1123] : memref<10000x128xf32, #tpu.memory_space<hbm>> -> memref<10000x128xf32, #tpu.memory_space<hbm>>
        tpu.enqueue_indirect_dma source(%dma_start3A_1124 : memref<10000x128xf32, #tpu.memory_space<hbm>>) target(%dma_start3A_1114 : memref<125x128xf32, #tpu.memory_space<vmem>>) offsets(%dma_start3A_1121 : memref<125xi32, #tpu.memory_space<vmem>>) semaphore(%arg11 : memref<!tpu.dma_semaphore, #tpu.memory_space<semaphore_mem>>)
      } else {
      }
      %dma_start3A_1079 = arith.constant 0 : i32
      %dma_start3A_1080 = arith.constant 0 : i32
      %dma_start3A_1081 = tpu.memref_slice %arg9[%scan3A_862, %dma_start3A_1079, %dma_start3A_1080] : memref<2x125x128xf32, #tpu.memory_space<vmem>> -> memref<1x125x128xf32, #tpu.memory_space<vmem>>
      %dma_start3A_1082 = tpu.memref_squeeze %dma_start3A_1081 : memref<1x125x128xf32, #tpu.memory_space<vmem>> -> memref<125x128xf32, #tpu.memory_space<vmem>>
      %dma_start3A_1083 = arith.constant 0 : i32
      %dma_start3A_1084 = arith.constant 0 : i32
      %dma_start3A_1085 = tpu.memref_slice %arg8[%scan3A_864, %dma_start3A_1083, %dma_start3A_1084] : memref<2x10x125xi32, #tpu.memory_space<vmem>> -> memref<1x10x125xi32, #tpu.memory_space<vmem>>
      %dma_start3A_1086 = tpu.memref_squeeze %dma_start3A_1085 : memref<1x10x125xi32, #tpu.memory_space<vmem>> -> memref<10x125xi32, #tpu.memory_space<vmem>>
      %dma_start3A_1087 = arith.constant 0 : i32
      %dma_start3A_1088 = tpu.memref_slice %dma_start3A_1086[%add3A_1010, %dma_start3A_1087] : memref<10x125xi32, #tpu.memory_space<vmem>> -> memref<1x125xi32, #tpu.memory_space<vmem>>
      %dma_start3A_1089 = tpu.memref_squeeze %dma_start3A_1088 : memref<1x125xi32, #tpu.memory_space<vmem>> -> memref<125xi32, #tpu.memory_space<vmem>>
      %dma_start3A_1090 = arith.constant 0 : i32
      %dma_start3A_1091 = arith.constant 0 : i32
      %dma_start3A_1092 = tpu.memref_slice %arg10[%dma_start3A_1090, %dma_start3A_1091] : memref<10240x128xf32, #tpu.memory_space<vmem_shared>> -> memref<10240x128xf32, #tpu.memory_space<vmem_shared>>
      tpu.enqueue_indirect_dma source(%dma_start3A_1082 : memref<125x128xf32, #tpu.memory_space<vmem>>) target(%dma_start3A_1092 : memref<10240x128xf32, #tpu.memory_space<vmem_shared>>) offsets(%dma_start3A_1089 : memref<125xi32, #tpu.memory_space<vmem>>) semaphore(%arg13 : memref<!tpu.dma_semaphore, #tpu.memory_space<semaphore_mem>>) {add = true}
    }
    %scan3A_869 = arith.constant 5 : i32
    %dma_wait3A_870 = arith.constant 0 : i32
    %dma_wait3A_871 = arith.constant 1 : i32
    %dma_wait3A_872 = arith.constant 0 : i32
    %dma_wait3A_873 = arith.constant 0 : i32
    %dma_wait3A_874 = tpu.memref_slice %arg7[%dma_wait3A_871, %dma_wait3A_872, %dma_wait3A_873] : memref<2x10x125xi32, #tpu.memory_space<vmem>> -> memref<1x10x125xi32, #tpu.memory_space<vmem>>
    %dma_wait3A_875 = tpu.memref_squeeze %dma_wait3A_874 : memref<1x10x125xi32, #tpu.memory_space<vmem>> -> memref<10x125xi32, #tpu.memory_space<vmem>>
    %dma_wait3A_876 = arith.constant 0 : i32
    %dma_wait3A_877 = arith.constant 0 : i32
    %dma_wait3A_878 = tpu.memref_slice %arg3[%add3A, %dma_wait3A_870, %dma_wait3A_876, %dma_wait3A_877] : memref<32x8x10x125xi32, #tpu.memory_space<hbm>> -> memref<1x1x10x125xi32, #tpu.memory_space<hbm>>
    %dma_wait3A_879 = tpu.memref_squeeze %dma_wait3A_878 : memref<1x1x10x125xi32, #tpu.memory_space<hbm>> -> memref<10x125xi32, #tpu.memory_space<hbm>>
    %dma_wait3A_880 = arith.constant 0 : i32
    %dma_wait3A_881 = arith.constant 0 : i32
    %dma_wait3A_882 = tpu.memref_slice %arg7[%dma_wait3A_871, %dma_wait3A_880, %dma_wait3A_881] : memref<2x10x125xi32, #tpu.memory_space<vmem>> -> memref<1x10x125xi32, #tpu.memory_space<vmem>>
    %dma_wait3A_883 = tpu.memref_squeeze %dma_wait3A_882 : memref<1x10x125xi32, #tpu.memory_space<vmem>> -> memref<10x125xi32, #tpu.memory_space<vmem>>
    %dma_wait3A_884 = arith.constant 0 : i32
    %dma_wait3A_885 = arith.constant 0 : i32
    %dma_wait3A_886 = tpu.memref_slice %arg3[%add3A, %dma_wait3A_870, %dma_wait3A_884, %dma_wait3A_885] : memref<32x8x10x125xi32, #tpu.memory_space<hbm>> -> memref<1x1x10x125xi32, #tpu.memory_space<hbm>>
    %dma_wait3A_887 = tpu.memref_squeeze %dma_wait3A_886 : memref<1x1x10x125xi32, #tpu.memory_space<hbm>> -> memref<10x125xi32, #tpu.memory_space<hbm>>
    tpu.wait_dma2 semaphore(%arg14 : memref<!tpu.dma_semaphore, #tpu.memory_space<semaphore_mem>>) src(%dma_wait3A_887 : memref<10x125xi32, #tpu.memory_space<hbm>>) dst(%dma_wait3A_883 : memref<10x125xi32, #tpu.memory_space<vmem>>)
    %dma_wait3A_888 = arith.constant 0 : i32
    %dma_wait3A_889 = arith.constant 1 : i32
    %dma_wait3A_890 = arith.constant 0 : i32
    %dma_wait3A_891 = arith.constant 0 : i32
    %dma_wait3A_892 = tpu.memref_slice %arg8[%dma_wait3A_889, %dma_wait3A_890, %dma_wait3A_891] : memref<2x10x125xi32, #tpu.memory_space<vmem>> -> memref<1x10x125xi32, #tpu.memory_space<vmem>>
    %dma_wait3A_893 = tpu.memref_squeeze %dma_wait3A_892 : memref<1x10x125xi32, #tpu.memory_space<vmem>> -> memref<10x125xi32, #tpu.memory_space<vmem>>
    %dma_wait3A_894 = arith.constant 0 : i32
    %dma_wait3A_895 = arith.constant 0 : i32
    %dma_wait3A_896 = tpu.memref_slice %arg3[%add3A, %dma_wait3A_888, %dma_wait3A_894, %dma_wait3A_895] : memref<32x8x10x125xi32, #tpu.memory_space<hbm>> -> memref<1x1x10x125xi32, #tpu.memory_space<hbm>>
    %dma_wait3A_897 = tpu.memref_squeeze %dma_wait3A_896 : memref<1x1x10x125xi32, #tpu.memory_space<hbm>> -> memref<10x125xi32, #tpu.memory_space<hbm>>
    %dma_wait3A_898 = arith.constant 0 : i32
    %dma_wait3A_899 = arith.constant 0 : i32
    %dma_wait3A_900 = tpu.memref_slice %arg8[%dma_wait3A_889, %dma_wait3A_898, %dma_wait3A_899] : memref<2x10x125xi32, #tpu.memory_space<vmem>> -> memref<1x10x125xi32, #tpu.memory_space<vmem>>
    %dma_wait3A_901 = tpu.memref_squeeze %dma_wait3A_900 : memref<1x10x125xi32, #tpu.memory_space<vmem>> -> memref<10x125xi32, #tpu.memory_space<vmem>>
    %dma_wait3A_902 = arith.constant 0 : i32
    %dma_wait3A_903 = arith.constant 0 : i32
    %dma_wait3A_904 = tpu.memref_slice %arg3[%add3A, %dma_wait3A_888, %dma_wait3A_902, %dma_wait3A_903] : memref<32x8x10x125xi32, #tpu.memory_space<hbm>> -> memref<1x1x10x125xi32, #tpu.memory_space<hbm>>
    %dma_wait3A_905 = tpu.memref_squeeze %dma_wait3A_904 : memref<1x1x10x125xi32, #tpu.memory_space<hbm>> -> memref<10x125xi32, #tpu.memory_space<hbm>>
    tpu.wait_dma2 semaphore(%arg14 : memref<!tpu.dma_semaphore, #tpu.memory_space<semaphore_mem>>) src(%dma_wait3A_905 : memref<10x125xi32, #tpu.memory_space<hbm>>) dst(%dma_wait3A_901 : memref<10x125xi32, #tpu.memory_space<vmem>>)
    %dma_wait3A_906 = arith.constant 0 : i32
    %dma_wait3A_907 = arith.constant 0 : i32
    %dma_wait3A_908 = arith.constant 0 : i32
    %dma_wait3A_909 = arith.constant 0 : i32
    %dma_wait3A_910 = arith.constant 0 : i32
    %dma_wait3A_911 = tpu.memref_slice %arg9[%dma_wait3A_906, %dma_wait3A_909, %dma_wait3A_910] : memref<2x125x128xf32, #tpu.memory_space<vmem>> -> memref<1x125x128xf32, #tpu.memory_space<vmem>>
    %dma_wait3A_912 = tpu.memref_squeeze %dma_wait3A_911 : memref<1x125x128xf32, #tpu.memory_space<vmem>> -> memref<125x128xf32, #tpu.memory_space<vmem>>
    %dma_wait3A_913 = arith.constant 0 : i32
    %dma_wait3A_914 = arith.constant 0 : i32
    %dma_wait3A_915 = tpu.memref_slice %arg8[%dma_wait3A_907, %dma_wait3A_913, %dma_wait3A_914] : memref<2x10x125xi32, #tpu.memory_space<vmem>> -> memref<1x10x125xi32, #tpu.memory_space<vmem>>
    %dma_wait3A_916 = tpu.memref_squeeze %dma_wait3A_915 : memref<1x10x125xi32, #tpu.memory_space<vmem>> -> memref<10x125xi32, #tpu.memory_space<vmem>>
    %dma_wait3A_917 = arith.constant 0 : i32
    %dma_wait3A_918 = tpu.memref_slice %dma_wait3A_916[%dma_wait3A_908, %dma_wait3A_917] : memref<10x125xi32, #tpu.memory_space<vmem>> -> memref<1x125xi32, #tpu.memory_space<vmem>>
    %dma_wait3A_919 = tpu.memref_squeeze %dma_wait3A_918 : memref<1x125xi32, #tpu.memory_space<vmem>> -> memref<125xi32, #tpu.memory_space<vmem>>
    %dma_wait3A_920 = arith.constant 0 : i32
    %dma_wait3A_921 = arith.constant 0 : i32
    %dma_wait3A_922 = tpu.memref_slice %arg10[%dma_wait3A_920, %dma_wait3A_921] : memref<10240x128xf32, #tpu.memory_space<vmem_shared>> -> memref<10240x128xf32, #tpu.memory_space<vmem_shared>>
    tpu.wait_indirect_dma semaphore(%arg12 : memref<!tpu.dma_semaphore, #tpu.memory_space<semaphore_mem>>) src(%dma_wait3A_912 : memref<125x128xf32, #tpu.memory_space<vmem>>) dst(%dma_wait3A_922 : memref<10240x128xf32, #tpu.memory_space<vmem_shared>>)
    %dma_start3A_923 = arith.constant 1 : i32
    %dma_start3A_924 = arith.constant 0 : i32
    %dma_start3A_925 = arith.constant 0 : i32
    %dma_start3A_926 = arith.constant 0 : i32
    %dma_start3A_927 = arith.constant 0 : i32
    %dma_start3A_928 = tpu.memref_slice %arg9[%dma_start3A_925, %dma_start3A_926, %dma_start3A_927] : memref<2x125x128xf32, #tpu.memory_space<vmem>> -> memref<1x125x128xf32, #tpu.memory_space<vmem>>
    %dma_start3A_929 = tpu.memref_squeeze %dma_start3A_928 : memref<1x125x128xf32, #tpu.memory_space<vmem>> -> memref<125x128xf32, #tpu.memory_space<vmem>>
    %dma_start3A_930 = arith.constant 0 : i32
    %dma_start3A_931 = arith.constant 0 : i32
    %dma_start3A_932 = tpu.memref_slice %arg7[%dma_start3A_923, %dma_start3A_930, %dma_start3A_931] : memref<2x10x125xi32, #tpu.memory_space<vmem>> -> memref<1x10x125xi32, #tpu.memory_space<vmem>>
    %dma_start3A_933 = tpu.memref_squeeze %dma_start3A_932 : memref<1x10x125xi32, #tpu.memory_space<vmem>> -> memref<10x125xi32, #tpu.memory_space<vmem>>
    %dma_start3A_934 = arith.constant 0 : i32
    %dma_start3A_935 = tpu.memref_slice %dma_start3A_933[%dma_start3A_924, %dma_start3A_934] : memref<10x125xi32, #tpu.memory_space<vmem>> -> memref<1x125xi32, #tpu.memory_space<vmem>>
    %dma_start3A_936 = tpu.memref_squeeze %dma_start3A_935 : memref<1x125xi32, #tpu.memory_space<vmem>> -> memref<125xi32, #tpu.memory_space<vmem>>
    %dma_start3A_937 = arith.constant 0 : i32
    %dma_start3A_938 = arith.constant 0 : i32
    %dma_start3A_939 = tpu.memref_slice %arg2[%dma_start3A_937, %dma_start3A_938] : memref<10000x128xf32, #tpu.memory_space<hbm>> -> memref<10000x128xf32, #tpu.memory_space<hbm>>
    tpu.enqueue_indirect_dma source(%dma_start3A_939 : memref<10000x128xf32, #tpu.memory_space<hbm>>) target(%dma_start3A_929 : memref<125x128xf32, #tpu.memory_space<vmem>>) offsets(%dma_start3A_936 : memref<125xi32, #tpu.memory_space<vmem>>) semaphore(%arg11 : memref<!tpu.dma_semaphore, #tpu.memory_space<semaphore_mem>>)
    %dma_wait3A_940 = arith.constant 1 : i32
    %dma_wait3A_941 = arith.constant 0 : i32
    %dma_wait3A_942 = arith.constant 0 : i32
    %dma_wait3A_943 = arith.constant 0 : i32
    %dma_wait3A_944 = arith.constant 0 : i32
    %dma_wait3A_945 = tpu.memref_slice %arg9[%dma_wait3A_940, %dma_wait3A_943, %dma_wait3A_944] : memref<2x125x128xf32, #tpu.memory_space<vmem>> -> memref<1x125x128xf32, #tpu.memory_space<vmem>>
    %dma_wait3A_946 = tpu.memref_squeeze %dma_wait3A_945 : memref<1x125x128xf32, #tpu.memory_space<vmem>> -> memref<125x128xf32, #tpu.memory_space<vmem>>
    %dma_wait3A_947 = arith.constant 0 : i32
    %dma_wait3A_948 = arith.constant 0 : i32
    %dma_wait3A_949 = tpu.memref_slice %arg8[%dma_wait3A_941, %dma_wait3A_947, %dma_wait3A_948] : memref<2x10x125xi32, #tpu.memory_space<vmem>> -> memref<1x10x125xi32, #tpu.memory_space<vmem>>
    %dma_wait3A_950 = tpu.memref_squeeze %dma_wait3A_949 : memref<1x10x125xi32, #tpu.memory_space<vmem>> -> memref<10x125xi32, #tpu.memory_space<vmem>>
    %dma_wait3A_951 = arith.constant 0 : i32
    %dma_wait3A_952 = tpu.memref_slice %dma_wait3A_950[%dma_wait3A_942, %dma_wait3A_951] : memref<10x125xi32, #tpu.memory_space<vmem>> -> memref<1x125xi32, #tpu.memory_space<vmem>>
    %dma_wait3A_953 = tpu.memref_squeeze %dma_wait3A_952 : memref<1x125xi32, #tpu.memory_space<vmem>> -> memref<125xi32, #tpu.memory_space<vmem>>
    %dma_wait3A_954 = arith.constant 0 : i32
    %dma_wait3A_955 = arith.constant 0 : i32
    %dma_wait3A_956 = tpu.memref_slice %arg10[%dma_wait3A_954, %dma_wait3A_955] : memref<10240x128xf32, #tpu.memory_space<vmem_shared>> -> memref<10240x128xf32, #tpu.memory_space<vmem_shared>>
    tpu.wait_indirect_dma semaphore(%arg13 : memref<!tpu.dma_semaphore, #tpu.memory_space<semaphore_mem>>) src(%dma_wait3A_946 : memref<125x128xf32, #tpu.memory_space<vmem>>) dst(%dma_wait3A_956 : memref<10240x128xf32, #tpu.memory_space<vmem_shared>>)
    %scan3A_957 = arith.constant 0 : i32
    %scan3A_958 = arith.constant 0 : i32
    %scan3A_959 = arith.constant 1 : i32
    %scan3A_960 = arith.constant 1 : i32
    %scan3A_961 = arith.constant 1 : i32
    %scan3A_962 = arith.constant 0 : i32
    %scan3A_963 = arith.constant 5 : i32
    %scan3A_964 = arith.addi %scan3A_962, %scan3A_963 : i32
    %scan3A_965 = arith.constant 1 : i32
    scf.for %scan3A_1006 = %scan3A_962 to %scan3A_964 step %scan3A_965  : i32 {
      %mul3A_1007 = arith.constant 2 : i32
      %mul3A_1008 = arith.muli %mul3A_1007, %scan3A_1006 : i32
      %add3A_1009 = arith.constant 1 : i32
      %add3A_1010 = arith.addi %mul3A_1008, %add3A_1009 : i32
      %dma_wait3A_1011 = arith.constant 0 : i32
      %dma_wait3A_1012 = arith.constant 0 : i32
      %dma_wait3A_1013 = arith.constant 0 : i32
      %dma_wait3A_1014 = arith.constant 0 : i32
      %dma_wait3A_1015 = tpu.memref_slice %arg9[%scan3A_958, %dma_wait3A_1013, %dma_wait3A_1014] : memref<2x125x128xf32, #tpu.memory_space<vmem>> -> memref<1x125x128xf32, #tpu.memory_space<vmem>>
      %dma_wait3A_1016 = tpu.memref_squeeze %dma_wait3A_1015 : memref<1x125x128xf32, #tpu.memory_space<vmem>> -> memref<125x128xf32, #tpu.memory_space<vmem>>
      %dma_wait3A_1017 = arith.constant 0 : i32
      %dma_wait3A_1018 = arith.constant 0 : i32
      %dma_wait3A_1019 = tpu.memref_slice %arg7[%dma_wait3A_1011, %dma_wait3A_1017, %dma_wait3A_1018] : memref<2x10x125xi32, #tpu.memory_space<vmem>> -> memref<1x10x125xi32, #tpu.memory_space<vmem>>
      %dma_wait3A_1020 = tpu.memref_squeeze %dma_wait3A_1019 : memref<1x10x125xi32, #tpu.memory_space<vmem>> -> memref<10x125xi32, #tpu.memory_space<vmem>>
      %dma_wait3A_1021 = arith.constant 0 : i32
      %dma_wait3A_1022 = tpu.memref_slice %dma_wait3A_1020[%dma_wait3A_1012, %dma_wait3A_1021] : memref<10x125xi32, #tpu.memory_space<vmem>> -> memref<1x125xi32, #tpu.memory_space<vmem>>
      %dma_wait3A_1023 = tpu.memref_squeeze %dma_wait3A_1022 : memref<1x125xi32, #tpu.memory_space<vmem>> -> memref<125xi32, #tpu.memory_space<vmem>>
      %dma_wait3A_1024 = arith.constant 0 : i32
      %dma_wait3A_1025 = arith.constant 0 : i32
      %dma_wait3A_1026 = tpu.memref_slice %arg2[%dma_wait3A_1024, %dma_wait3A_1025] : memref<10000x128xf32, #tpu.memory_space<hbm>> -> memref<10000x128xf32, #tpu.memory_space<hbm>>
      tpu.wait_indirect_dma semaphore(%arg11 : memref<!tpu.dma_semaphore, #tpu.memory_space<semaphore_mem>>) src(%dma_wait3A_1026 : memref<10000x128xf32, #tpu.memory_space<hbm>>) dst(%dma_wait3A_1016 : memref<125x128xf32, #tpu.memory_space<vmem>>)
      %gt3A = arith.constant 0 : i32
      %gt3A_1027 = arith.cmpi sgt, %scan3A_1006, %gt3A : i32
      %convert_element_type3A = arith.extui %gt3A_1027 : i1 to i32
      %cond3A = arith.constant 0 : i32
      %cond3A_1028 = arith.cmpi ne, %convert_element_type3A, %cond3A : i32
      scf.if %cond3A_1028 {
        %dma_wait3A_1093 = arith.constant 0 : i32
        %dma_wait3A_1094 = arith.constant 0 : i32
        %dma_wait3A_1095 = arith.constant 0 : i32
        %dma_wait3A_1096 = arith.constant 0 : i32
        %dma_wait3A_1097 = tpu.memref_slice %arg9[%scan3A_959, %dma_wait3A_1095, %dma_wait3A_1096] : memref<2x125x128xf32, #tpu.memory_space<vmem>> -> memref<1x125x128xf32, #tpu.memory_space<vmem>>
        %dma_wait3A_1098 = tpu.memref_squeeze %dma_wait3A_1097 : memref<1x125x128xf32, #tpu.memory_space<vmem>> -> memref<125x128xf32, #tpu.memory_space<vmem>>
        %dma_wait3A_1099 = arith.constant 0 : i32
        %dma_wait3A_1100 = arith.constant 0 : i32
        %dma_wait3A_1101 = tpu.memref_slice %arg8[%dma_wait3A_1093, %dma_wait3A_1099, %dma_wait3A_1100] : memref<2x10x125xi32, #tpu.memory_space<vmem>> -> memref<1x10x125xi32, #tpu.memory_space<vmem>>
        %dma_wait3A_1102 = tpu.memref_squeeze %dma_wait3A_1101 : memref<1x10x125xi32, #tpu.memory_space<vmem>> -> memref<10x125xi32, #tpu.memory_space<vmem>>
        %dma_wait3A_1103 = arith.constant 0 : i32
        %dma_wait3A_1104 = tpu.memref_slice %dma_wait3A_1102[%dma_wait3A_1094, %dma_wait3A_1103] : memref<10x125xi32, #tpu.memory_space<vmem>> -> memref<1x125xi32, #tpu.memory_space<vmem>>
        %dma_wait3A_1105 = tpu.memref_squeeze %dma_wait3A_1104 : memref<1x125xi32, #tpu.memory_space<vmem>> -> memref<125xi32, #tpu.memory_space<vmem>>
        %dma_wait3A_1106 = arith.constant 0 : i32
        %dma_wait3A_1107 = arith.constant 0 : i32
        %dma_wait3A_1108 = tpu.memref_slice %arg10[%dma_wait3A_1106, %dma_wait3A_1107] : memref<10240x128xf32, #tpu.memory_space<vmem_shared>> -> memref<10240x128xf32, #tpu.memory_space<vmem_shared>>
        tpu.wait_indirect_dma semaphore(%arg13 : memref<!tpu.dma_semaphore, #tpu.memory_space<semaphore_mem>>) src(%dma_wait3A_1098 : memref<125x128xf32, #tpu.memory_space<vmem>>) dst(%dma_wait3A_1108 : memref<10240x128xf32, #tpu.memory_space<vmem_shared>>)
      } else {
      }
      %dma_start3A_1029 = arith.constant 0 : i32
      %dma_start3A_1030 = arith.constant 0 : i32
      %dma_start3A_1031 = tpu.memref_slice %arg9[%scan3A_959, %dma_start3A_1029, %dma_start3A_1030] : memref<2x125x128xf32, #tpu.memory_space<vmem>> -> memref<1x125x128xf32, #tpu.memory_space<vmem>>
      %dma_start3A_1032 = tpu.memref_squeeze %dma_start3A_1031 : memref<1x125x128xf32, #tpu.memory_space<vmem>> -> memref<125x128xf32, #tpu.memory_space<vmem>>
      %dma_start3A_1033 = arith.constant 0 : i32
      %dma_start3A_1034 = arith.constant 0 : i32
      %dma_start3A_1035 = tpu.memref_slice %arg7[%scan3A_960, %dma_start3A_1033, %dma_start3A_1034] : memref<2x10x125xi32, #tpu.memory_space<vmem>> -> memref<1x10x125xi32, #tpu.memory_space<vmem>>
      %dma_start3A_1036 = tpu.memref_squeeze %dma_start3A_1035 : memref<1x10x125xi32, #tpu.memory_space<vmem>> -> memref<10x125xi32, #tpu.memory_space<vmem>>
      %dma_start3A_1037 = arith.constant 0 : i32
      %dma_start3A_1038 = tpu.memref_slice %dma_start3A_1036[%add3A_1010, %dma_start3A_1037] : memref<10x125xi32, #tpu.memory_space<vmem>> -> memref<1x125xi32, #tpu.memory_space<vmem>>
      %dma_start3A_1039 = tpu.memref_squeeze %dma_start3A_1038 : memref<1x125xi32, #tpu.memory_space<vmem>> -> memref<125xi32, #tpu.memory_space<vmem>>
      %dma_start3A_1040 = arith.constant 0 : i32
      %dma_start3A_1041 = arith.constant 0 : i32
      %dma_start3A_1042 = tpu.memref_slice %arg2[%dma_start3A_1040, %dma_start3A_1041] : memref<10000x128xf32, #tpu.memory_space<hbm>> -> memref<10000x128xf32, #tpu.memory_space<hbm>>
      tpu.enqueue_indirect_dma source(%dma_start3A_1042 : memref<10000x128xf32, #tpu.memory_space<hbm>>) target(%dma_start3A_1032 : memref<125x128xf32, #tpu.memory_space<vmem>>) offsets(%dma_start3A_1039 : memref<125xi32, #tpu.memory_space<vmem>>) semaphore(%arg11 : memref<!tpu.dma_semaphore, #tpu.memory_space<semaphore_mem>>)
      %dma_start3A_1043 = arith.constant 0 : i32
      %dma_start3A_1044 = arith.constant 0 : i32
      %dma_start3A_1045 = tpu.memref_slice %arg9[%scan3A_958, %dma_start3A_1043, %dma_start3A_1044] : memref<2x125x128xf32, #tpu.memory_space<vmem>> -> memref<1x125x128xf32, #tpu.memory_space<vmem>>
      %dma_start3A_1046 = tpu.memref_squeeze %dma_start3A_1045 : memref<1x125x128xf32, #tpu.memory_space<vmem>> -> memref<125x128xf32, #tpu.memory_space<vmem>>
      %dma_start3A_1047 = arith.constant 0 : i32
      %dma_start3A_1048 = arith.constant 0 : i32
      %dma_start3A_1049 = tpu.memref_slice %arg8[%scan3A_961, %dma_start3A_1047, %dma_start3A_1048] : memref<2x10x125xi32, #tpu.memory_space<vmem>> -> memref<1x10x125xi32, #tpu.memory_space<vmem>>
      %dma_start3A_1050 = tpu.memref_squeeze %dma_start3A_1049 : memref<1x10x125xi32, #tpu.memory_space<vmem>> -> memref<10x125xi32, #tpu.memory_space<vmem>>
      %dma_start3A_1051 = arith.constant 0 : i32
      %dma_start3A_1052 = tpu.memref_slice %dma_start3A_1050[%mul3A_1008, %dma_start3A_1051] : memref<10x125xi32, #tpu.memory_space<vmem>> -> memref<1x125xi32, #tpu.memory_space<vmem>>
      %dma_start3A_1053 = tpu.memref_squeeze %dma_start3A_1052 : memref<1x125xi32, #tpu.memory_space<vmem>> -> memref<125xi32, #tpu.memory_space<vmem>>
      %dma_start3A_1054 = arith.constant 0 : i32
      %dma_start3A_1055 = arith.constant 0 : i32
      %dma_start3A_1056 = tpu.memref_slice %arg10[%dma_start3A_1054, %dma_start3A_1055] : memref<10240x128xf32, #tpu.memory_space<vmem_shared>> -> memref<10240x128xf32, #tpu.memory_space<vmem_shared>>
      tpu.enqueue_indirect_dma source(%dma_start3A_1046 : memref<125x128xf32, #tpu.memory_space<vmem>>) target(%dma_start3A_1056 : memref<10240x128xf32, #tpu.memory_space<vmem_shared>>) offsets(%dma_start3A_1053 : memref<125xi32, #tpu.memory_space<vmem>>) semaphore(%arg12 : memref<!tpu.dma_semaphore, #tpu.memory_space<semaphore_mem>>) {add = true}
      %dma_wait3A_1057 = arith.constant 0 : i32
      %dma_wait3A_1058 = arith.constant 0 : i32
      %dma_wait3A_1059 = arith.constant 0 : i32
      %dma_wait3A_1060 = arith.constant 0 : i32
      %dma_wait3A_1061 = tpu.memref_slice %arg9[%scan3A_959, %dma_wait3A_1059, %dma_wait3A_1060] : memref<2x125x128xf32, #tpu.memory_space<vmem>> -> memref<1x125x128xf32, #tpu.memory_space<vmem>>
      %dma_wait3A_1062 = tpu.memref_squeeze %dma_wait3A_1061 : memref<1x125x128xf32, #tpu.memory_space<vmem>> -> memref<125x128xf32, #tpu.memory_space<vmem>>
      %dma_wait3A_1063 = arith.constant 0 : i32
      %dma_wait3A_1064 = arith.constant 0 : i32
      %dma_wait3A_1065 = tpu.memref_slice %arg7[%dma_wait3A_1057, %dma_wait3A_1063, %dma_wait3A_1064] : memref<2x10x125xi32, #tpu.memory_space<vmem>> -> memref<1x10x125xi32, #tpu.memory_space<vmem>>
      %dma_wait3A_1066 = tpu.memref_squeeze %dma_wait3A_1065 : memref<1x10x125xi32, #tpu.memory_space<vmem>> -> memref<10x125xi32, #tpu.memory_space<vmem>>
      %dma_wait3A_1067 = arith.constant 0 : i32
      %dma_wait3A_1068 = tpu.memref_slice %dma_wait3A_1066[%dma_wait3A_1058, %dma_wait3A_1067] : memref<10x125xi32, #tpu.memory_space<vmem>> -> memref<1x125xi32, #tpu.memory_space<vmem>>
      %dma_wait3A_1069 = tpu.memref_squeeze %dma_wait3A_1068 : memref<1x125xi32, #tpu.memory_space<vmem>> -> memref<125xi32, #tpu.memory_space<vmem>>
      %dma_wait3A_1070 = arith.constant 0 : i32
      %dma_wait3A_1071 = arith.constant 0 : i32
      %dma_wait3A_1072 = tpu.memref_slice %arg2[%dma_wait3A_1070, %dma_wait3A_1071] : memref<10000x128xf32, #tpu.memory_space<hbm>> -> memref<10000x128xf32, #tpu.memory_space<hbm>>
      tpu.wait_indirect_dma semaphore(%arg11 : memref<!tpu.dma_semaphore, #tpu.memory_space<semaphore_mem>>) src(%dma_wait3A_1072 : memref<10000x128xf32, #tpu.memory_space<hbm>>) dst(%dma_wait3A_1062 : memref<125x128xf32, #tpu.memory_space<vmem>>)
      %add3A_1073 = arith.constant 1 : i32
      %add3A_1074 = arith.addi %scan3A_1006, %add3A_1073 : i32
      %lt3A = arith.constant 5 : i32
      %lt3A_1075 = arith.cmpi slt, %add3A_1074, %lt3A : i32
      %convert_element_type3A_1076 = arith.extui %lt3A_1075 : i1 to i32
      %cond3A_1077 = arith.constant 0 : i32
      %cond3A_1078 = arith.cmpi ne, %convert_element_type3A_1076, %cond3A_1077 : i32
      scf.if %cond3A_1078 {
        %dma_wait3A_1093 = arith.constant 0 : i32
        %dma_wait3A_1094 = arith.constant 0 : i32
        %dma_wait3A_1095 = arith.constant 0 : i32
        %dma_wait3A_1096 = arith.constant 0 : i32
        %dma_wait3A_1097 = tpu.memref_slice %arg9[%scan3A_958, %dma_wait3A_1095, %dma_wait3A_1096] : memref<2x125x128xf32, #tpu.memory_space<vmem>> -> memref<1x125x128xf32, #tpu.memory_space<vmem>>
        %dma_wait3A_1098 = tpu.memref_squeeze %dma_wait3A_1097 : memref<1x125x128xf32, #tpu.memory_space<vmem>> -> memref<125x128xf32, #tpu.memory_space<vmem>>
        %dma_wait3A_1099 = arith.constant 0 : i32
        %dma_wait3A_1100 = arith.constant 0 : i32
        %dma_wait3A_1101 = tpu.memref_slice %arg8[%dma_wait3A_1093, %dma_wait3A_1099, %dma_wait3A_1100] : memref<2x10x125xi32, #tpu.memory_space<vmem>> -> memref<1x10x125xi32, #tpu.memory_space<vmem>>
        %dma_wait3A_1102 = tpu.memref_squeeze %dma_wait3A_1101 : memref<1x10x125xi32, #tpu.memory_space<vmem>> -> memref<10x125xi32, #tpu.memory_space<vmem>>
        %dma_wait3A_1103 = arith.constant 0 : i32
        %dma_wait3A_1104 = tpu.memref_slice %dma_wait3A_1102[%dma_wait3A_1094, %dma_wait3A_1103] : memref<10x125xi32, #tpu.memory_space<vmem>> -> memref<1x125xi32, #tpu.memory_space<vmem>>
        %dma_wait3A_1105 = tpu.memref_squeeze %dma_wait3A_1104 : memref<1x125xi32, #tpu.memory_space<vmem>> -> memref<125xi32, #tpu.memory_space<vmem>>
        %dma_wait3A_1106 = arith.constant 0 : i32
        %dma_wait3A_1107 = arith.constant 0 : i32
        %dma_wait3A_1108 = tpu.memref_slice %arg10[%dma_wait3A_1106, %dma_wait3A_1107] : memref<10240x128xf32, #tpu.memory_space<vmem_shared>> -> memref<10240x128xf32, #tpu.memory_space<vmem_shared>>
        tpu.wait_indirect_dma semaphore(%arg12 : memref<!tpu.dma_semaphore, #tpu.memory_space<semaphore_mem>>) src(%dma_wait3A_1098 : memref<125x128xf32, #tpu.memory_space<vmem>>) dst(%dma_wait3A_1108 : memref<10240x128xf32, #tpu.memory_space<vmem_shared>>)
        %add3A_1109 = arith.constant 2 : i32
        %add3A_1110 = arith.addi %mul3A_1008, %add3A_1109 : i32
        %dma_start3A_1111 = arith.constant 0 : i32
        %dma_start3A_1112 = arith.constant 0 : i32
        %dma_start3A_1113 = tpu.memref_slice %arg9[%scan3A_958, %dma_start3A_1111, %dma_start3A_1112] : memref<2x125x128xf32, #tpu.memory_space<vmem>> -> memref<1x125x128xf32, #tpu.memory_space<vmem>>
        %dma_start3A_1114 = tpu.memref_squeeze %dma_start3A_1113 : memref<1x125x128xf32, #tpu.memory_space<vmem>> -> memref<125x128xf32, #tpu.memory_space<vmem>>
        %dma_start3A_1115 = arith.constant 0 : i32
        %dma_start3A_1116 = arith.constant 0 : i32
        %dma_start3A_1117 = tpu.memref_slice %arg7[%scan3A_960, %dma_start3A_1115, %dma_start3A_1116] : memref<2x10x125xi32, #tpu.memory_space<vmem>> -> memref<1x10x125xi32, #tpu.memory_space<vmem>>
        %dma_start3A_1118 = tpu.memref_squeeze %dma_start3A_1117 : memref<1x10x125xi32, #tpu.memory_space<vmem>> -> memref<10x125xi32, #tpu.memory_space<vmem>>
        %dma_start3A_1119 = arith.constant 0 : i32
        %dma_start3A_1120 = tpu.memref_slice %dma_start3A_1118[%add3A_1110, %dma_start3A_1119] : memref<10x125xi32, #tpu.memory_space<vmem>> -> memref<1x125xi32, #tpu.memory_space<vmem>>
        %dma_start3A_1121 = tpu.memref_squeeze %dma_start3A_1120 : memref<1x125xi32, #tpu.memory_space<vmem>> -> memref<125xi32, #tpu.memory_space<vmem>>
        %dma_start3A_1122 = arith.constant 0 : i32
        %dma_start3A_1123 = arith.constant 0 : i32
        %dma_start3A_1124 = tpu.memref_slice %arg2[%dma_start3A_1122, %dma_start3A_1123] : memref<10000x128xf32, #tpu.memory_space<hbm>> -> memref<10000x128xf32, #tpu.memory_space<hbm>>
        tpu.enqueue_indirect_dma source(%dma_start3A_1124 : memref<10000x128xf32, #tpu.memory_space<hbm>>) target(%dma_start3A_1114 : memref<125x128xf32, #tpu.memory_space<vmem>>) offsets(%dma_start3A_1121 : memref<125xi32, #tpu.memory_space<vmem>>) semaphore(%arg11 : memref<!tpu.dma_semaphore, #tpu.memory_space<semaphore_mem>>)
      } else {
      }
      %dma_start3A_1079 = arith.constant 0 : i32
      %dma_start3A_1080 = arith.constant 0 : i32
      %dma_start3A_1081 = tpu.memref_slice %arg9[%scan3A_959, %dma_start3A_1079, %dma_start3A_1080] : memref<2x125x128xf32, #tpu.memory_space<vmem>> -> memref<1x125x128xf32, #tpu.memory_space<vmem>>
      %dma_start3A_1082 = tpu.memref_squeeze %dma_start3A_1081 : memref<1x125x128xf32, #tpu.memory_space<vmem>> -> memref<125x128xf32, #tpu.memory_space<vmem>>
      %dma_start3A_1083 = arith.constant 0 : i32
      %dma_start3A_1084 = arith.constant 0 : i32
      %dma_start3A_1085 = tpu.memref_slice %arg8[%scan3A_961, %dma_start3A_1083, %dma_start3A_1084] : memref<2x10x125xi32, #tpu.memory_space<vmem>> -> memref<1x10x125xi32, #tpu.memory_space<vmem>>
      %dma_start3A_1086 = tpu.memref_squeeze %dma_start3A_1085 : memref<1x10x125xi32, #tpu.memory_space<vmem>> -> memref<10x125xi32, #tpu.memory_space<vmem>>
      %dma_start3A_1087 = arith.constant 0 : i32
      %dma_start3A_1088 = tpu.memref_slice %dma_start3A_1086[%add3A_1010, %dma_start3A_1087] : memref<10x125xi32, #tpu.memory_space<vmem>> -> memref<1x125xi32, #tpu.memory_space<vmem>>
      %dma_start3A_1089 = tpu.memref_squeeze %dma_start3A_1088 : memref<1x125xi32, #tpu.memory_space<vmem>> -> memref<125xi32, #tpu.memory_space<vmem>>
      %dma_start3A_1090 = arith.constant 0 : i32
      %dma_start3A_1091 = arith.constant 0 : i32
      %dma_start3A_1092 = tpu.memref_slice %arg10[%dma_start3A_1090, %dma_start3A_1091] : memref<10240x128xf32, #tpu.memory_space<vmem_shared>> -> memref<10240x128xf32, #tpu.memory_space<vmem_shared>>
      tpu.enqueue_indirect_dma source(%dma_start3A_1082 : memref<125x128xf32, #tpu.memory_space<vmem>>) target(%dma_start3A_1092 : memref<10240x128xf32, #tpu.memory_space<vmem_shared>>) offsets(%dma_start3A_1089 : memref<125xi32, #tpu.memory_space<vmem>>) semaphore(%arg13 : memref<!tpu.dma_semaphore, #tpu.memory_space<semaphore_mem>>) {add = true}
    }
    %scan3A_966 = arith.constant 5 : i32
    %dma_wait3A_967 = arith.constant 0 : i32
    %dma_wait3A_968 = arith.constant 0 : i32
    %dma_wait3A_969 = arith.constant 0 : i32
    %dma_wait3A_970 = arith.constant 0 : i32
    %dma_wait3A_971 = arith.constant 0 : i32
    %dma_wait3A_972 = tpu.memref_slice %arg9[%dma_wait3A_967, %dma_wait3A_970, %dma_wait3A_971] : memref<2x125x128xf32, #tpu.memory_space<vmem>> -> memref<1x125x128xf32, #tpu.memory_space<vmem>>
    %dma_wait3A_973 = tpu.memref_squeeze %dma_wait3A_972 : memref<1x125x128xf32, #tpu.memory_space<vmem>> -> memref<125x128xf32, #tpu.memory_space<vmem>>
    %dma_wait3A_974 = arith.constant 0 : i32
    %dma_wait3A_975 = arith.constant 0 : i32
    %dma_wait3A_976 = tpu.memref_slice %arg8[%dma_wait3A_968, %dma_wait3A_974, %dma_wait3A_975] : memref<2x10x125xi32, #tpu.memory_space<vmem>> -> memref<1x10x125xi32, #tpu.memory_space<vmem>>
    %dma_wait3A_977 = tpu.memref_squeeze %dma_wait3A_976 : memref<1x10x125xi32, #tpu.memory_space<vmem>> -> memref<10x125xi32, #tpu.memory_space<vmem>>
    %dma_wait3A_978 = arith.constant 0 : i32
    %dma_wait3A_979 = tpu.memref_slice %dma_wait3A_977[%dma_wait3A_969, %dma_wait3A_978] : memref<10x125xi32, #tpu.memory_space<vmem>> -> memref<1x125xi32, #tpu.memory_space<vmem>>
    %dma_wait3A_980 = tpu.memref_squeeze %dma_wait3A_979 : memref<1x125xi32, #tpu.memory_space<vmem>> -> memref<125xi32, #tpu.memory_space<vmem>>
    %dma_wait3A_981 = arith.constant 0 : i32
    %dma_wait3A_982 = arith.constant 0 : i32
    %dma_wait3A_983 = tpu.memref_slice %arg10[%dma_wait3A_981, %dma_wait3A_982] : memref<10240x128xf32, #tpu.memory_space<vmem_shared>> -> memref<10240x128xf32, #tpu.memory_space<vmem_shared>>
    tpu.wait_indirect_dma semaphore(%arg12 : memref<!tpu.dma_semaphore, #tpu.memory_space<semaphore_mem>>) src(%dma_wait3A_973 : memref<125x128xf32, #tpu.memory_space<vmem>>) dst(%dma_wait3A_983 : memref<10240x128xf32, #tpu.memory_space<vmem_shared>>)
    %dma_wait3A_984 = arith.constant 1 : i32
    %dma_wait3A_985 = arith.constant 0 : i32
    %dma_wait3A_986 = arith.constant 0 : i32
    %dma_wait3A_987 = arith.constant 0 : i32
    %dma_wait3A_988 = arith.constant 0 : i32
    %dma_wait3A_989 = tpu.memref_slice %arg9[%dma_wait3A_984, %dma_wait3A_987, %dma_wait3A_988] : memref<2x125x128xf32, #tpu.memory_space<vmem>> -> memref<1x125x128xf32, #tpu.memory_space<vmem>>
    %dma_wait3A_990 = tpu.memref_squeeze %dma_wait3A_989 : memref<1x125x128xf32, #tpu.memory_space<vmem>> -> memref<125x128xf32, #tpu.memory_space<vmem>>
    %dma_wait3A_991 = arith.constant 0 : i32
    %dma_wait3A_992 = arith.constant 0 : i32
    %dma_wait3A_993 = tpu.memref_slice %arg8[%dma_wait3A_985, %dma_wait3A_991, %dma_wait3A_992] : memref<2x10x125xi32, #tpu.memory_space<vmem>> -> memref<1x10x125xi32, #tpu.memory_space<vmem>>
    %dma_wait3A_994 = tpu.memref_squeeze %dma_wait3A_993 : memref<1x10x125xi32, #tpu.memory_space<vmem>> -> memref<10x125xi32, #tpu.memory_space<vmem>>
    %dma_wait3A_995 = arith.constant 0 : i32
    %dma_wait3A_996 = tpu.memref_slice %dma_wait3A_994[%dma_wait3A_986, %dma_wait3A_995] : memref<10x125xi32, #tpu.memory_space<vmem>> -> memref<1x125xi32, #tpu.memory_space<vmem>>
    %dma_wait3A_997 = tpu.memref_squeeze %dma_wait3A_996 : memref<1x125xi32, #tpu.memory_space<vmem>> -> memref<125xi32, #tpu.memory_space<vmem>>
    %dma_wait3A_998 = arith.constant 0 : i32
    %dma_wait3A_999 = arith.constant 0 : i32
    %dma_wait3A_1000 = tpu.memref_slice %arg10[%dma_wait3A_998, %dma_wait3A_999] : memref<10240x128xf32, #tpu.memory_space<vmem_shared>> -> memref<10240x128xf32, #tpu.memory_space<vmem_shared>>
    tpu.wait_indirect_dma semaphore(%arg13 : memref<!tpu.dma_semaphore, #tpu.memory_space<semaphore_mem>>) src(%dma_wait3A_990 : memref<125x128xf32, #tpu.memory_space<vmem>>) dst(%dma_wait3A_1000 : memref<10240x128xf32, #tpu.memory_space<vmem_shared>>)
    %barrier3A_1001 = arith.constant 0 : index
    tpu.barrier barrier_id(%barrier3A_1001)
    %mul3A_1002 = arith.constant 640 : i32
    %mul3A_1003 = arith.muli %arg1, %mul3A_1002 : i32
    %mul3A_1004 = arith.constant 640 : i32
    %mul3A_1005 = arith.muli %arg1, %mul3A_1004 : i32
    "tpu.region"() ({
      %run_scoped3A_1006 = tpu.sem_alloc : memref<!tpu.dma_semaphore, #tpu.memory_space<semaphore_mem>>
      %dma_start3A_1007 = arith.constant 0 : i32
      %dma_start3A_1008 = tpu.memref_slice %arg6[%arg0, %mul3A_1005, %dma_start3A_1007] : memref<2x10240x128xf32, #tpu.memory_space<hbm>> -> memref<1x640x128xf32, #tpu.memory_space<hbm>>
      %dma_start3A_1009 = tpu.memref_squeeze %dma_start3A_1008 : memref<1x640x128xf32, #tpu.memory_space<hbm>> -> memref<640x128xf32, #tpu.memory_space<hbm>>
      %dma_start3A_1010 = arith.constant 0 : i32
      %dma_start3A_1011 = tpu.memref_slice %arg10[%mul3A_1003, %dma_start3A_1010] : memref<10240x128xf32, #tpu.memory_space<vmem_shared>> -> memref<640x128xf32, #tpu.memory_space<vmem_shared>>
      tpu.enqueue_dma source(%dma_start3A_1011 : memref<640x128xf32, #tpu.memory_space<vmem_shared>>) target(%dma_start3A_1009 : memref<640x128xf32, #tpu.memory_space<hbm>>) target_semaphore(%run_scoped3A_1006 : memref<!tpu.dma_semaphore, #tpu.memory_space<semaphore_mem>>)
      %dma_wait3A_1012 = arith.constant 0 : i32
      %dma_wait3A_1013 = tpu.memref_slice %arg6[%arg0, %mul3A_1005, %dma_wait3A_1012] : memref<2x10240x128xf32, #tpu.memory_space<hbm>> -> memref<1x640x128xf32, #tpu.memory_space<hbm>>
      %dma_wait3A_1014 = tpu.memref_squeeze %dma_wait3A_1013 : memref<1x640x128xf32, #tpu.memory_space<hbm>> -> memref<640x128xf32, #tpu.memory_space<hbm>>
      %dma_wait3A_1015 = arith.constant 0 : i32
      %dma_wait3A_1016 = tpu.memref_slice %arg10[%mul3A_1003, %dma_wait3A_1015] : memref<10240x128xf32, #tpu.memory_space<vmem_shared>> -> memref<640x128xf32, #tpu.memory_space<vmem_shared>>
      tpu.wait_dma2 semaphore(%run_scoped3A_1006 : memref<!tpu.dma_semaphore, #tpu.memory_space<semaphore_mem>>) src(%dma_wait3A_1016 : memref<640x128xf32, #tpu.memory_space<vmem_shared>>) dst(%dma_wait3A_1014 : memref<640x128xf32, #tpu.memory_space<hbm>>)
      tpu.yield
    }) : () -> ()
    return
  }
}

module attributes {stable_mosaic.version = 14 : i64} {
  func.func @_combine_body(%arg0: i32, %arg1: memref<2x5000x128xf32, #tpu.memory_space<vmem>>, %arg2: memref<5000x128xf32, #tpu.memory_space<vmem>>) attributes {dimension_semantics = [#tpu.dimension_semantics<arbitrary>], iteration_bounds = array<i64: 2>, scalar_prefetch = 0 : i64, scratch_operands = 0 : i64, tpu.core_type = #tpu.core_type<tc>, window_params = [{transform_indices = @transform_0, window_bounds = array<i64: 2, 5000, 128>}, {transform_indices = @transform_1, window_bounds = array<i64: 5000, 128>}]} {
    %get3A = arith.constant 0 : index
    %get3A_0 = arith.constant 0 : index
    %get3A_1 = arith.constant 0 : index
    %get3A_2 = vector.load %arg1[%get3A, %get3A_0, %get3A_1] : memref<2x5000x128xf32, #tpu.memory_space<vmem>>, vector<1x5000x128xf32>
    %get3A_3 = vector.shape_cast %get3A_2 : vector<1x5000x128xf32> to vector<5000x128xf32>
    %get3A_4 = arith.constant 1 : index
    %get3A_5 = arith.constant 0 : index
    %get3A_6 = arith.constant 0 : index
    %get3A_7 = vector.load %arg1[%get3A_4, %get3A_5, %get3A_6] : memref<2x5000x128xf32, #tpu.memory_space<vmem>>, vector<1x5000x128xf32>
    %get3A_8 = vector.shape_cast %get3A_7 : vector<1x5000x128xf32> to vector<5000x128xf32>
    %add3A = arith.addf %get3A_3, %get3A_8 : vector<5000x128xf32>
    %swap3A = arith.constant 0 : index
    %swap3A_9 = arith.constant 0 : index
    %swap3A_10 = vector.load %arg2[%swap3A, %swap3A_9] : memref<5000x128xf32, #tpu.memory_space<vmem>>, vector<5000x128xf32>
    tpu.vector_store %arg2[%swap3A, %swap3A_9], %add3A {strides = array<i32>} : memref<5000x128xf32, #tpu.memory_space<vmem>>, vector<5000x128xf32>,
    return
  }
  func.func @transform_0(%arg0: i32) -> (i32, i32, i32) {
    %c0_i32 = arith.constant 0 : i32
    %c0_i32_0 = arith.constant 0 : i32
    %c0_i32_1 = arith.constant 0 : i32
    return %c0_i32, %arg0, %c0_i32_0 : i32, i32, i32
  }
  func.func @transform_1(%arg0: i32) -> (i32, i32) {
    %c0_i32 = arith.constant 0 : i32
    %c0_i32_0 = arith.constant 0 : i32
    return %arg0, %c0_i32 : i32, i32
  }
}

</mosaic_0001>

<sc_bundles>
// kernel: kernel.4.cloned.1.call-start
scs
__scs_entry_jumppad:
0x0: {  	(pc) =	sbr.rel $0x88, $3  }
0x1: {  	(tag) =	ssettag $0x0;
	lr =	simm.s32 $0x1  }
0x2: {  	[smem:$0x3F9F] =	sst lr;
	_ =	strace $0xD0000000  }
0x3: {  	_ = 	snop  }
0x4: {  	_ = 	snop  }
0x5: {  	_ = 	snop  }
0x6: {  	_ = 	snop  }
0x7: {  	_ = 	snop  }
__scs_overlays_trampoline_lowered:
0x8: {  	[smem:$0x3FAE] =	sst s0  }
0x9: {  	[smem:$0x3FAF] =	sst s1  }
0xa: {  	[smem:$0x3FB0] =	sst s2  }
0xb: {  	[smem:$0x3FB1] =	sst s3  }
0xc: {  	[smem:$0x3FB2] =	sst s4  }
0xd: {  	[smem:$0x3FB3] =	sst s5  }
0xe: {  	[smem:$0x3FB4] =	sst s6  }
0xf: {  	[smem:$0x3FB5] =	sst s7  }
0x10: {  	[smem:$0x3FB6] =	sst s8  }
0x11: {  	[smem:$0x3FB7] =	sst s9;
	s0 =	simm.s32 @!p0 $0x0  }
0x12: {  	s1 =	sld [smem:$0x3F9D];
	s0 =	simm.s32 @p0 $0x1  }
0x13: {  	[smem:$0x3FB8] =	sst s0;
	s0 =	simm.s32 @!p1 $0x0  }
0x14: {  	s2 =	sld [smem:$0x3F9C];
	s0 =	simm.s32 @p1 $0x1  }
0x15: {  	[smem:$0x3FB9] =	sst s0;
	s0 =	simm.s32 @!p2 $0x0  }
0x16: {  	s3 =	sld [smem:$0x3FDB];
	s0 =	simm.s32 @p2 $0x1  }
0x17: {  	s4 =	simm.s32 $0x1BF5;
	[smem:$0x3FBB] =	sst s0  }
0x18: {  	s0 =	sld [smem:$0x3F9E];
	_ =	swait.ge [sflag:s4], $0x0  }
0x19: {  	s7 =	sld [smem:$0x3F9F]  }
0x1a: {  	s8 =	sadd.s32 $0xFFFFE003, lr  }
0x1b: {  	s9 =	sadd.s32 $0xFFFFFEF7, lr;
	s5 =	simm.s32 $0xFFFFFFFF;
	p2 =	slt.u32 s8, $0xFFFFF086  }
0x1c: {  	p1 =	slt.u32 s9, $0xF7A;
	s5 =	simm.s32 @!p2 $0x0  }
0x1d: {  	s5 =	simm.s32 @p1 $0x1;
	p0 =	seq.s32 s7, s2  }
0x1e: {  	s7 =	smul.u32 @!p0 $0xF7A, s2;
	p2 =	seq.s32 @!p0 s5, $0x0  }
0x1f: {  	s9 =	smul.u32 $0xF7A, s1;
	s8 =	simm.s32 @!p0 $0x1BF5;
	p2 =	por !p2, p0  }
0x20: {  	[sflag:s8] =	ssyncset.s32 @!p0 $0xFFFFF086;
	s6 =	sadd.s32 @!p0 s3, s7;
	s7 =	simm.s32 @!p0 $0x108  }
0x21: {  	s3 =	sadd.s32 s3, s9;
	s6 =	sadd.s32 @!p0 $0x88, s6;
	s7 =	simm.s32 @p2 $0x1082  }
0x22: {  	[simem:s7], [sflag:s8] =	dma.local @!p0 [hbm:s6], $0xF7A  }
0x23: {  	s9 =	sor.u32 $0xD0000000, s2;
	s6 =	simm.s32 $0x108;
	_ =	swait.ge @!p0 [sflag:s8], $0x0  }
0x24: {  	s3 =	sadd.s32 $0x88, s3;
	s6 =	simm.s32 @!p1 $0x1082;
	[sflag:s4] =	ssyncset.s32 $0xFFFFF086  }
0x25: {  	[simem:s6], [sflag:s4] =	dma.local [hbm:s3], $0xF7A  }
0x26: {  	[smem:$0x3F9F] =	sst s1;
	(tag) =	ssettag s2;
	_ =	strace s9  }
0x27: {  	s1 =	sld [smem:$0x3FAF]  }
0x28: {  	s2 =	sld [smem:$0x3FB0]  }
0x29: {  	s4 =	sld [smem:$0x3FB2]  }
0x2a: {  	p0 =	seq.s32 s5, $0x0;
	s5 =	sld [smem:$0x3FB3]  }
0x2b: {  	s6 =	sld [smem:$0x3FB4]  }
0x2c: {  	s7 =	sld [smem:$0x3FB5]  }
0x2d: {  	s3 =	simm.s32 $0x108;
	s8 =	sld [smem:$0x3FB6]  }
0x2e: {  	s3 =	simm.s32 @!p0 $0x1082;
	s9 =	sld [smem:$0x3FB7]  }
0x2f: {  	lr =	sadd.s32 s0, s3;
	s0 =	sld [smem:$0x3FAE]  }
0x30: {  	s3 =	sld [smem:$0x3FB1]  }
0x31: {  	[smem:$0x3FBA] =	sst s10  }
0x32: {  	s10 =	sld [smem:$0x3FB8];
	_ =	sdelay $0x3  }
0x33: {  	p0 =	seq.s32 s10, $0x1;
	s10 =	sld [smem:$0x3FBA];
	_ =	sdelay $0x3  }
0x34: {  	[smem:$0x3FBA] =	sst s10  }
0x35: {  	s10 =	sld [smem:$0x3FB9];
	_ =	sdelay $0x3  }
0x36: {  	p1 =	seq.s32 s10, $0x1;
	s10 =	sld [smem:$0x3FBA];
	_ =	sdelay $0x3  }
0x37: {  	[smem:$0x3FBA] =	sst s10  }
0x38: {  	s10 =	sld [smem:$0x3FBB]  }
0x39: {  	_ = 	snop;
	(pc) =	sbr.ind lr, $3  }
0x3a: {  	_ = 	snop  }
0x3b: {  	_ = 	snop  }
0x3c: {  	p2 =	seq.s32 s10, $0x1;
	s10 =	sld [smem:$0x3FBA]  }
0x3d: {  	_ =	shalt  }
0x3e: {  	_ =	shalt  }
0x3f: {  	_ =	shalt  }
0x40: {  	_ =	shalt  }
0x41: {  	_ =	shalt  }
0x42: {  	_ =	shalt  }
0x43: {  	_ =	shalt  }
0x44: {  	_ =	shalt  }
0x45: {  	_ =	shalt  }
0x46: {  	_ =	shalt  }
0x47: {  	_ =	shalt  }
0x48: {  	_ =	shalt  }
0x49: {  	_ =	shalt  }
0x4a: {  	_ =	shalt  }
0x4b: {  	_ =	shalt  }
0x4c: {  	_ =	shalt  }
0x4d: {  	_ =	shalt  }
0x4e: {  	_ =	shalt  }
0x4f: {  	_ =	shalt  }
0x50: {  	_ =	shalt  }
0x51: {  	_ =	shalt  }
0x52: {  	_ =	shalt  }
0x53: {  	_ =	shalt  }
0x54: {  	_ =	shalt  }
0x55: {  	_ =	shalt  }
0x56: {  	_ =	shalt  }
0x57: {  	_ =	shalt  }
0x58: {  	_ =	shalt  }
0x59: {  	_ =	shalt  }
0x5a: {  	_ =	shalt  }
0x5b: {  	_ =	shalt  }
0x5c: {  	_ =	shalt  }
0x5d: {  	_ =	shalt  }
0x5e: {  	_ =	shalt  }
0x5f: {  	_ =	shalt  }
0x60: {  	_ =	shalt  }
0x61: {  	_ =	shalt  }
0x62: {  	_ =	shalt  }
0x63: {  	_ =	shalt  }
0x64: {  	_ =	shalt  }
0x65: {  	_ =	shalt  }
0x66: {  	_ =	shalt  }
0x67: {  	_ =	shalt  }
0x68: {  	_ =	shalt  }
0x69: {  	_ =	shalt  }
0x6a: {  	_ =	shalt  }
0x6b: {  	_ =	shalt  }
0x6c: {  	_ =	shalt  }
0x6d: {  	_ =	shalt  }
0x6e: {  	_ =	shalt  }
0x6f: {  	_ =	shalt  }
0x70: {  	_ =	shalt  }
0x71: {  	_ =	shalt  }
0x72: {  	_ =	shalt  }
0x73: {  	_ =	shalt  }
0x74: {  	_ =	shalt  }
0x75: {  	_ =	shalt  }
0x76: {  	_ =	shalt  }
0x77: {  	_ =	shalt  }
0x78: {  	_ =	shalt  }
0x79: {  	_ =	shalt  }
0x7a: {  	_ =	shalt  }
0x7b: {  	_ =	shalt  }
0x7c: {  	_ =	shalt  }
0x7d: {  	_ =	shalt  }
0x7e: {  	_ =	shalt  }
0x7f: {  	_ =	shalt  }
0x80: {  	_ =	shalt  }
0x81: {  	_ =	shalt  }
0x82: {  	_ =	shalt  }
0x83: {  	_ =	shalt  }
0x84: {  	_ =	shalt  }
0x85: {  	_ =	shalt  }
0x86: {  	_ =	shalt  }
0x87: {  	_ =	shalt  }
.Lfunc_end0:
.L_simem_size_0:
called_computation_lowered:
.L_overlay_start_0:
0x88: {  	s2 =	sld [smem:$0x3FD9]  }
0x89: {  	s3 =	sld [smem:$0x3FFE];
	_ =	sdelay $0x1  }
0x8a: {  	s1 =	srdreg.scid  }
0x8b: {  	s0 =	sand.u32 $0x1, s1  }
0x8c: {  	s17 =	sshll.u32 s0, $0xA;
	s2 =	sadd.s32 s3, s2  }
0x8d: {  	s2 =	sadd.s32 s2, s17  }
0x8e: {  	[smem:$0x3FC6] =	sst s2  }
0x8f: {  	_ = 	snop  }
0x90: {  	s2 =	sld [smem:$0x3FC9]  }
0x91: {  	s18 =	sld [smem:$0x3FD0];
	(tm) =	ssettm $0x1  }
0x92: {  	s4 =	sld [smem:$0x3FFB];
	_ =	sdelay $0x3  }
0x93: {  	_ =	strace s4  }
0x94: {  	s4 =	sld [smem:$0x3FFC];
	_ =	sdelay $0x3  }
0x95: {  	_ =	strace s4  }
0x96: {  	s4 =	sld [smem:$0x3FFD];
	_ =	sdelay $0x3  }
0x97: {  	_ =	strace s4  }
0x98: {  	_ =	strace $0x8FFFFFFF  }
0x99: {  	s19 =	sld [smem:$0x3FDB];
	_ =	sdelay $0x1  }
0x9a: {  	s5 =	simm.s32 $_scs_section_size  }
0x9b: {  	s6 =	simm.s32 $_size__tile_overlayer_lowered;
	s7 =	simm.s32 $_tile_overlayer_lowered  }
0x9c: {  	s22 =	simm.s32 $0x1BFF;
	s21 =	sshll.u32 s7, $0x1;
	s4 =	sadd.s32 s5, s19  }
0x9d: {  	s8 =	simm.s32 $0x0;
	s20 =	sshll.u32 s6, $0x1;
	s6 =	sadd.s32 s21, s4  }
0x9e: {  	[timem:s8], [sflag:s22] =	dma.local [hbm:s6], s20  }
0x9f: {  	_ =	swait.ge [sflag:s22], s20  }
0xa0: {  	s5 =	ssub.s32 $0x0, s20;
	[sflag:s22] =	ssyncset.done $0x0  }
0xa1: {  	[sflag:s22] =	ssyncadd.s32 s5;
	_ =	sdelay $0x1  }
0xa2: {  	s23 =	simm.s32 $0x1B8B  }
0xa3: {  	_ =	swait.ge [sflag:s23], $0x1  }
0xa4: {  	[sflag:s23] =	ssyncset.done $0x0  }
0xa5: {  	s25 =	simm.s32 $0x1B8E;
	s24 =	sld [smem:$0x3FFE];
	[sflag:s23] =	ssyncadd.s32 $0xFFFFFFFF  }
0xa6: {  	s26 =	simm.s32 $execute0_lowered;
	[smem:$0x3FD2] =	sst s25  }
0xa7: {  	s6 =	sshll.u32 s26, $0x1;
	_ =	strace $0x80000046;
	[dreg:$0x1] =	wrdreg $0xFFFFFFFF  }
0xa8: {  	s28 =	simm.s32 $_size_execute0_lowered;
	s4 =	sadd.s32 s4, s6;
	[dreg:$0x0] =	wrdreg $0x0  }
0xa9: {  	s6 =	sshll.u32 s28, $0x1;
	[dreg:$0x2] =	wrdreg s4  }
0xaa: {  	[dreg:$0x3] =	wrdreg s6  }
0xab: {  	[dreg:$0x4] =	wrdreg $0xC0  }
0xac: {  	_ =	task [dreg:s8], $0x5FFFF  }
0xad: {  	[dreg:$0x1] =	wrdreg $0xFFFFFFFF  }
0xae: {  	[dreg:$0x0] =	wrdreg $0x60  }
0xaf: {  	[dreg:$0x2] =	wrdreg s2  }
0xb0: {  	[dreg:$0x3] =	wrdreg s18  }
0xb1: {  	[dreg:$0x4] =	wrdreg s24  }
0xb2: {  	[dreg:$0x5] =	wrdreg $0xA0000  }
0xb3: {  	[dreg:$0x6] =	wrdreg $0x9  }
0xb4: {  	_ =	task.clear_ibuf [dreg:s8], $0x7FFFF;
	_ =	strace $0x90000046  }
0xb5: {  	s29 =	simm.s32 $0x9;
	_ =	strace $0x80000048  }
0xb6: {  	_ =	swait.ge [sflag:s29], $0x1  }
0xb7: {  	[sflag:s29] =	ssyncadd.s32 $0xFFFFFFFF  }
0xb8: {  	_ =	strace $0x90000048  }
0xb9: {  	_ =	sfence  }
0xba: {  	s30 =	sld [smem:$0x0];
	_ =	sdelay $0x2  }
0xbb: {  	s31 =	sshll.u32 s1, $0xD;
	s1 =	sshrl.u32 s1, $0x2  }
0xbc: {  	s3 =	sand.u32 $0x4000, s31;
	s1 =	sadd.s32 s1, s30  }
0xbd: {  	s0 =	sor.u32 s3, s0;
	s1 =	sshll.u32 s1, $0x11  }
0xbe: {  	s0 =	sor.u32 s1, s0  }
0xbf: {  	s0 =	sadd.s32 $0x8F2B, s0  }
0xc0: {  	[sflag:s0] =	ssyncadd.remote.s32 $0x1  }
0xc1: {  	_ =	sfence.sel $0xFFFF  }
0xc2: {  	[dreg:$0x0] =	wrdreg $0xFFFFFFFF;
	(pc) =	sbr.abs _section_cstart, $3  }
0xc3: {  	[dreg:$0x1] =	wrdreg $0xFFFFFFFF  }
0xc4: {  	_ =	task.clear_ibuf [dreg:s8], $0x2FFFF;
	_ =	strace $0x9FFFFFFF  }
0xc5: {  	(tm) =	ssettm $0x7FFFFFFF  }
tec
execute0_lowered:
.L_overlay_start_1:
0x0: {  	(tag) =	ssettag $0x1  }
0x1: {  	s4 =	rddreg [dreg:$0x0]  }
0x2: {  	s1 =	rddreg [dreg:$0x1]  }
0x3: {  	s0 =	rddreg [dreg:$0x2]  }
0x4: {  	s2 =	rddreg [dreg:$0x3];
	s30 =	simm.s32 $0x0;
	s5 =	srdreg.scid  }
0x5: {  	s10 =	stileid.u32;
	p0 =	por $0x0, $0x0;
	[smem:$0x7FF] =	sst s30  }
0x6: {  	s3 =	sadd.s32 $0x10000, s0;
	s22 =	sand.u32 $0x1, s5;
	s23 =	smul.u32 $0x14000, s10  }
0x7: {  	s13 =	sshll.u32 s10, $0x6;
	s6 =	sshll.u32 s10, $0xB;
	s10 =	smul.u32 $0x50000, s10  }
0x8: {  	_ =	strace $0x80000047;
	[dreg:$0x5] =	wrdreg s3;
	s5 =	sshll.u32 s22, $0xF  }
0x9: {  	s7 =	smul.u32 $0x140000, s22;
	s8 =	sor.u32 $0x1C02, s13;
	[dreg:$0x1a] =	wrdreg s13  }
0xa: {  	s3 =	ssub.s32 $0x2, s22;
	s5 =	sor.u32 s6, s5;
	[dreg:$0x6] =	wrdreg s8  }
0xb: {  	s19 =	sshrl.u32 s3, $0x1;
	s8 =	simm.s32 $0x7D;
	s24 =	sadd.s32 s1, s5  }
0xc: {  	s25 =	sadd.s32 s0, s5;
	s9 =	sor.u32 $0x100, s5;
	[dreg:$0x7] =	wrdreg s24  }
0xd: {  	s15 =	sor.u32 $0x400, s5;
	[dreg:$0x8] =	wrdreg s25;
	s26 =	sadd.s32 s1, s9  }
0xe: {  	s16 =	sadd.s32 s1, s15;
	s17 =	sadd.s32 s0, s15;
	s15 =	rddreg [dreg:$0x5]  }
0xf: {  	s29 =	sor.u32 $0x200, s5;
	s28 =	sadd.s32 s0, s9;
	[dreg:$0x9] =	wrdreg s26  }
0x10: {  	s6 =	sadd.s32 s23, s7;
	s31 =	sadd.s32 s1, s29;
	[dreg:$0xa] =	wrdreg s28  }
0x11: {  	s11 =	sor.u32 $0x300, s5;
	s9 =	sadd.s32 s0, s29;
	[dreg:$0xb] =	wrdreg s31  }
0x12: {  	s18 =	sor.u32 $0x500, s5;
	s12 =	sadd.s32 s1, s11;
	[dreg:$0xc] =	wrdreg s9  }
0x13: {  	s22 =	sor.u32 $0x600, s5;
	s14 =	sadd.s32 s0, s11;
	[dreg:$0xd] =	wrdreg s12  }
0x14: {  	s5 =	sor.u32 $0x700, s5;
	s3 =	ssub.s32 s3, s19;
	[dreg:$0xe] =	wrdreg s14  }
0x15: {  	s7 =	simm.s32 $0x2;
	s6 =	sshrl.u32 s6, $0x3;
	[dreg:$0xf] =	wrdreg s16  }
0x16: {  	s20 =	sadd.s32 s1, s18;
	s21 =	sadd.s32 s0, s18;
	[dreg:$0x10] =	wrdreg s17  }
0x17: {  	s23 =	sadd.s32 s1, s22;
	s24 =	sadd.s32 s0, s22;
	[dreg:$0x11] =	wrdreg s20  }
0x18: {  	s1 =	sadd.s32 s1, s5;
	s25 =	sshrl.u32 s10, $0x2;
	[dreg:$0x12] =	wrdreg s21  }
0x19: {  	s29 =	smax.u32 s3, $0x1;
	s10 =	simm.s32 $0x2000;
	[dreg:$0x13] =	wrdreg s23  }
0x1a: {  	s22 =	simm.s32 $0x1800;
	s11 =	simm.s32 $0x1;
	[dreg:$0x14] =	wrdreg s24  }
0x1b: {  	s6 =	sadd.s32 s6, s0;
	[dreg:$0x15] =	wrdreg s1;
	p1 =	sne.s32 s29, $0x1  }
.Ltmp0:
0x1c: {  	s0 =	sadd.s32 s0, s5;
	s26 =	sadd.s32 s25, s2;
	(pc) =	sbr.rel @!p1 .LBB2_1-.Ltmp0, $4  }
0x1d: {  	s5 =	simm.s32 $0x5;
	s25 =	simm.s32 $0x800;
	s12 =	simm.s32 $0x6000  }
0x1e: {  	s9 =	simm.s32 $0x3;
	[dreg:$0x16] =	wrdreg s0;
	s28 =	sadd.s32 $0x12800, s6  }
0x1f: {  	s3 =	sadd.s32 $0xFFFFFFFF, s29;
	s31 =	sshrl.u32 s26, $0x3;
	[dreg:$0x17] =	wrdreg s28  }
0x20: {  	s0 =	simm.s32 $0x1000;
	s6 =	simm.s32 $0x4;
	[dreg:$0x18] =	wrdreg s31  }
0x21: {  	s14 =	rddreg [dreg:$0x6]  }
0x22: {  	s1 =	rddreg [dreg:$0x18]  }
0x23: {  	[spmem:s1], [sflag:s14] =	dma.local [hbm:s15], $0x2800  }
0x24: {  	s14 =	rddreg [dreg:$0x7]  }
0x25: {  	[tilespmem:s30], [sflag:$0x5] =	stream.linear.gather [hbm4b:s14+s30], $0x500, $0x38;
	[tilespmem:$0x1E000] =	vst v63  }
0x26: {  	_ =	swait.ge [sflag:s5], $0x500  }
0x27: {  	[sflag:s5] =	ssyncset.done $0x0  }
0x28: {  	s20 =	rddreg [dreg:$0x8];
	[sflag:s5] =	ssyncadd.s32 $0xFFFFFB00  }
0x29: {  	[tilespmem:s0], [sflag:$0x5] =	stream.linear.gather [hbm4b:s20+s30], $0x500, $0x38;
	[tilespmem:$0x1E000] =	vst v63  }
0x2a: {  	_ =	swait.ge [sflag:s5], $0x500  }
0x2b: {  	[sflag:s5] =	ssyncset.done $0x0  }
0x2c: {  	[sflag:s5] =	ssyncadd.s32 $0xFFFFFB00  }
0x2d: {  	[tilespmem:s10], [sflag:$0x1] =	stream.indirect.gather [hbm4b:s4+s8], $0x80, s30, s8, $0xb8;
	[tilespmem:$0x1E000] =	vst v63  }
0x2e: {  	_ =	swait.ge [sflag:s7], $0x2800  }
0x2f: {  	[sflag:s7] =	ssyncset.done $0x0  }
0x30: {  	[sflag:s7] =	ssyncadd.s32 $0xFFFFD800  }
0x31: {  	[bflag:$0x0] =	sbarrier.arrive $0xFFFF  }
0x32: {  	s21 =	rddreg [dreg:$0x9]  }
0x33: {  	[tilespmem:s25], [sflag:$0x4] =	stream.linear.gather [hbm4b:s21+s30], $0x500, $0x38;
	[tilespmem:$0x1E000] =	vst v63  }
0x34: {  	s23 =	rddreg [dreg:$0xa]  }
0x35: {  	[tilespmem:s22], [sflag:$0x4] =	stream.linear.gather [hbm4b:s23+s30], $0x500, $0x38;
	[tilespmem:$0x1E000] =	vst v63  }
0x36: {  	_ =	swait.ge [sflag:s11], $0x3E80  }
0x37: {  	[sflag:s11] =	ssyncset.done $0x0  }
0x38: {  	s24 =	simm.s32 $0x80;
	[sflag:s11] =	ssyncadd.s32 $0xFFFFC180  }
0x39: {  	[tilespmem:s12], [sflag:$0x1] =	stream.indirect.gather [hbm4b:s4+s8], $0x80, s24, s8, $0xb8;
	[tilespmem:$0x1E000] =	vst v63  }
0x3a: {  	_ = 	snop  }
0x3b: {  	[spmem:s2] =	stream.indirect.scatter.add.f32 [tilespmem:s10], [sflag:$0x2], $0x80, s0, s8, $0xb8;
	[tilespmem:$0x1E000] =	vst v63  }
0x3c: {  	_ =	swait.ge [sflag:s11], $0x3E80  }
0x3d: {  	[sflag:s11] =	ssyncset.done $0x0  }
0x3e: {  	[sflag:s11] =	ssyncadd.s32 $0xFFFFC180  }
0x3f: {  	_ =	swait.ge [sflag:s7], $0x3E80  }
0x40: {  	[sflag:s7] =	ssyncset.done $0x0  }
0x41: {  	s25 =	simm.s32 $0x100;
	[sflag:s7] =	ssyncadd.s32 $0xFFFFC180  }
0x42: {  	[tilespmem:s10], [sflag:$0x1] =	stream.indirect.gather [hbm4b:s4+s8], $0x80, s25, s8, $0xb8;
	[tilespmem:$0x1E000] =	vst v63  }
0x43: {  	s26 =	simm.s32 $0x1080  }
0x44: {  	[spmem:s2] =	stream.indirect.scatter.add.f32 [tilespmem:s12], [sflag:$0x3], $0x80, s26, s8, $0xb8;
	[tilespmem:$0x1E000] =	vst v63  }
0x45: {  	_ =	swait.ge [sflag:s11], $0x3E80  }
0x46: {  	[sflag:s11] =	ssyncset.done $0x0  }
0x47: {  	[sflag:s11] =	ssyncadd.s32 $0xFFFFC180  }
0x48: {  	_ =	swait.ge [sflag:s9], $0x3E80  }
0x49: {  	[sflag:s9] =	ssyncset.done $0x0  }
0x4a: {  	s28 =	simm.s32 $0x180;
	[sflag:s9] =	ssyncadd.s32 $0xFFFFC180  }
0x4b: {  	[tilespmem:s12], [sflag:$0x1] =	stream.indirect.gather [hbm4b:s4+s8], $0x80, s28, s8, $0xb8;
	[tilespmem:$0x1E000] =	vst v63  }
0x4c: {  	s29 =	simm.s32 $0x1100  }
0x4d: {  	[spmem:s2] =	stream.indirect.scatter.add.f32 [tilespmem:s10], [sflag:$0x2], $0x80, s29, s8, $0xb8;
	[tilespmem:$0x1E000] =	vst v63  }
0x4e: {  	_ =	swait.ge [sflag:s11], $0x3E80  }
0x4f: {  	[sflag:s11] =	ssyncset.done $0x0  }
0x50: {  	[sflag:s11] =	ssyncadd.s32 $0xFFFFC180  }
0x51: {  	_ =	swait.ge [sflag:s7], $0x3E80  }
0x52: {  	[sflag:s7] =	ssyncset.done $0x0  }
0x53: {  	s31 =	simm.s32 $0x200;
	[sflag:s7] =	ssyncadd.s32 $0xFFFFC180  }
0x54: {  	[tilespmem:s10], [sflag:$0x1] =	stream.indirect.gather [hbm4b:s4+s8], $0x80, s31, s8, $0xb8;
	[tilespmem:$0x1E000] =	vst v63  }
0x55: {  	s1 =	simm.s32 $0x1180  }
0x56: {  	[spmem:s2] =	stream.indirect.scatter.add.f32 [tilespmem:s12], [sflag:$0x3], $0x80, s1, s8, $0xb8;
	[tilespmem:$0x1E000] =	vst v63  }
0x57: {  	_ =	swait.ge [sflag:s11], $0x3E80  }
0x58: {  	[sflag:s11] =	ssyncset.done $0x0  }
0x59: {  	[sflag:s11] =	ssyncadd.s32 $0xFFFFC180  }
0x5a: {  	_ =	swait.ge [sflag:s9], $0x3E80  }
0x5b: {  	[sflag:s9] =	ssyncset.done $0x0  }
0x5c: {  	s5 =	simm.s32 $0x280;
	[sflag:s9] =	ssyncadd.s32 $0xFFFFC180  }
0x5d: {  	[tilespmem:s12], [sflag:$0x1] =	stream.indirect.gather [hbm4b:s4+s8], $0x80, s5, s8, $0xb8;
	[tilespmem:$0x1E000] =	vst v63  }
0x5e: {  	s13 =	simm.s32 $0x1200  }
0x5f: {  	[spmem:s2] =	stream.indirect.scatter.add.f32 [tilespmem:s10], [sflag:$0x2], $0x80, s13, s8, $0xb8;
	[tilespmem:$0x1E000] =	vst v63  }
0x60: {  	_ =	swait.ge [sflag:s11], $0x3E80  }
0x61: {  	[sflag:s11] =	ssyncset.done $0x0  }
0x62: {  	[sflag:s11] =	ssyncadd.s32 $0xFFFFC180  }
0x63: {  	_ =	swait.ge [sflag:s7], $0x3E80  }
0x64: {  	[sflag:s7] =	ssyncset.done $0x0  }
0x65: {  	s14 =	simm.s32 $0x300;
	[sflag:s7] =	ssyncadd.s32 $0xFFFFC180  }
0x66: {  	[tilespmem:s10], [sflag:$0x1] =	stream.indirect.gather [hbm4b:s4+s8], $0x80, s14, s8, $0xb8;
	[tilespmem:$0x1E000] =	vst v63  }
0x67: {  	s15 =	simm.s32 $0x1280  }
0x68: {  	[spmem:s2] =	stream.indirect.scatter.add.f32 [tilespmem:s12], [sflag:$0x3], $0x80, s15, s8, $0xb8;
	[tilespmem:$0x1E000] =	vst v63  }
0x69: {  	_ =	swait.ge [sflag:s11], $0x3E80  }
0x6a: {  	[sflag:s11] =	ssyncset.done $0x0  }
0x6b: {  	[sflag:s11] =	ssyncadd.s32 $0xFFFFC180  }
0x6c: {  	_ =	swait.ge [sflag:s9], $0x3E80  }
0x6d: {  	[sflag:s9] =	ssyncset.done $0x0  }
0x6e: {  	s20 =	simm.s32 $0x380;
	[sflag:s9] =	ssyncadd.s32 $0xFFFFC180  }
0x6f: {  	[tilespmem:s12], [sflag:$0x1] =	stream.indirect.gather [hbm4b:s4+s8], $0x80, s20, s8, $0xb8;
	[tilespmem:$0x1E000] =	vst v63  }
0x70: {  	s22 =	simm.s32 $0x1300  }
0x71: {  	[spmem:s2] =	stream.indirect.scatter.add.f32 [tilespmem:s10], [sflag:$0x2], $0x80, s22, s8, $0xb8;
	[tilespmem:$0x1E000] =	vst v63  }
0x72: {  	_ =	swait.ge [sflag:s11], $0x3E80  }
0x73: {  	[sflag:s11] =	ssyncset.done $0x0  }
0x74: {  	[sflag:s11] =	ssyncadd.s32 $0xFFFFC180  }
0x75: {  	_ =	swait.ge [sflag:s7], $0x3E80  }
0x76: {  	[sflag:s7] =	ssyncset.done $0x0  }
0x77: {  	s25 =	simm.s32 $0x400;
	[sflag:s7] =	ssyncadd.s32 $0xFFFFC180  }
0x78: {  	[tilespmem:s10], [sflag:$0x1] =	stream.indirect.gather [hbm4b:s4+s8], $0x80, s25, s8, $0xb8;
	[tilespmem:$0x1E000] =	vst v63  }
0x79: {  	s26 =	simm.s32 $0x1380  }
0x7a: {  	[spmem:s2] =	stream.indirect.scatter.add.f32 [tilespmem:s12], [sflag:$0x3], $0x80, s26, s8, $0xb8;
	[tilespmem:$0x1E000] =	vst v63  }
0x7b: {  	_ =	swait.ge [sflag:s11], $0x3E80  }
0x7c: {  	[sflag:s11] =	ssyncset.done $0x0  }
0x7d: {  	[sflag:s11] =	ssyncadd.s32 $0xFFFFC180  }
0x7e: {  	_ =	swait.ge [sflag:s9], $0x3E80  }
0x7f: {  	[sflag:s9] =	ssyncset.done $0x0  }
0x80: {  	s28 =	simm.s32 $0x480;
	[sflag:s9] =	ssyncadd.s32 $0xFFFFC180  }
0x81: {  	[tilespmem:s12], [sflag:$0x1] =	stream.indirect.gather [hbm4b:s4+s8], $0x80, s28, s8, $0xb8;
	[tilespmem:$0x1E000] =	vst v63  }
0x82: {  	s29 =	simm.s32 $0x1400  }
0x83: {  	[spmem:s2] =	stream.indirect.scatter.add.f32 [tilespmem:s10], [sflag:$0x2], $0x80, s29, s8, $0xb8;
	[tilespmem:$0x1E000] =	vst v63  }
0x84: {  	_ =	swait.ge [sflag:s11], $0x3E80  }
0x85: {  	[sflag:s11] =	ssyncset.done $0x0  }
0x86: {  	s31 =	simm.s32 $0x1480;
	[sflag:s11] =	ssyncadd.s32 $0xFFFFC180  }
0x87: {  	[spmem:s2] =	stream.indirect.scatter.add.f32 [tilespmem:s12], [sflag:$0x3], $0x80, s31, s8, $0xb8;
	[tilespmem:$0x1E000] =	vst v63  }
0x88: {  	_ =	swait.ge [sflag:s6], $0x500  }
0x89: {  	[sflag:s6] =	ssyncset.done $0x0  }
0x8a: {  	[sflag:s6] =	ssyncadd.s32 $0xFFFFFB00  }
0x8b: {  	_ =	swait.ge [sflag:s6], $0x500  }
0x8c: {  	[sflag:s6] =	ssyncset.done $0x0  }
0x8d: {  	[sflag:s6] =	ssyncadd.s32 $0xFFFFFB00  }
0x8e: {  	_ =	swait.ge [sflag:s7], $0x3E80  }
0x8f: {  	[sflag:s7] =	ssyncset.done $0x0  }
0x90: {  	s20 =	simm.s32 $0x800;
	[sflag:s7] =	ssyncadd.s32 $0xFFFFC180  }
0x91: {  	[tilespmem:s10], [sflag:$0x1] =	stream.indirect.gather [hbm4b:s4+s8], $0x80, s20, s8, $0xb8;
	[tilespmem:$0x1E000] =	vst v63  }
0x92: {  	_ =	swait.ge [sflag:s9], $0x3E80  }
0x93: {  	[sflag:s9] =	ssyncset.done $0x0  }
0x94: {  	s0 =	rddreg [dreg:$0xb];
	[sflag:s9] =	ssyncadd.s32 $0xFFFFC180  }
0x95: {  	[tilespmem:s30], [sflag:$0x4] =	stream.linear.gather [hbm4b:s0+s30], $0x500, $0x38;
	[tilespmem:$0x1E000] =	vst v63  }
0x96: {  	s5 =	simm.s32 $0x1000;
	s1 =	rddreg [dreg:$0xc]  }
0x97: {  	[tilespmem:s5], [sflag:$0x4] =	stream.linear.gather [hbm4b:s1+s30], $0x500, $0x38;
	[tilespmem:$0x1E000] =	vst v63  }
0x98: {  	_ =	swait.ge [sflag:s11], $0x3E80  }
0x99: {  	[sflag:s11] =	ssyncset.done $0x0  }
0x9a: {  	s15 =	simm.s32 $0x880;
	[sflag:s11] =	ssyncadd.s32 $0xFFFFC180  }
0x9b: {  	[tilespmem:s12], [sflag:$0x1] =	stream.indirect.gather [hbm4b:s4+s8], $0x80, s15, s8, $0xb8;
	[tilespmem:$0x1E000] =	vst v63  }
0x9c: {  	s25 =	simm.s32 $0x1800  }
0x9d: {  	[spmem:s2] =	stream.indirect.scatter.add.f32 [tilespmem:s10], [sflag:$0x2], $0x80, s25, s8, $0xb8;
	[tilespmem:$0x1E000] =	vst v63  }
0x9e: {  	_ =	swait.ge [sflag:s11], $0x3E80  }
0x9f: {  	[sflag:s11] =	ssyncset.done $0x0  }
0xa0: {  	[sflag:s11] =	ssyncadd.s32 $0xFFFFC180  }
0xa1: {  	_ =	swait.ge [sflag:s7], $0x3E80  }
0xa2: {  	[sflag:s7] =	ssyncset.done $0x0  }
0xa3: {  	s22 =	simm.s32 $0x900;
	[sflag:s7] =	ssyncadd.s32 $0xFFFFC180  }
0xa4: {  	[tilespmem:s10], [sflag:$0x1] =	stream.indirect.gather [hbm4b:s4+s8], $0x80, s22, s8, $0xb8;
	[tilespmem:$0x1E000] =	vst v63  }
0xa5: {  	s26 =	simm.s32 $0x1880  }
0xa6: {  	[spmem:s2] =	stream.indirect.scatter.add.f32 [tilespmem:s12], [sflag:$0x3], $0x80, s26, s8, $0xb8;
	[tilespmem:$0x1E000] =	vst v63  }
0xa7: {  	_ =	swait.ge [sflag:s11], $0x3E80  }
0xa8: {  	[sflag:s11] =	ssyncset.done $0x0  }
0xa9: {  	[sflag:s11] =	ssyncadd.s32 $0xFFFFC180  }
0xaa: {  	_ =	swait.ge [sflag:s9], $0x3E80  }
0xab: {  	[sflag:s9] =	ssyncset.done $0x0  }
0xac: {  	s28 =	simm.s32 $0x980;
	[sflag:s9] =	ssyncadd.s32 $0xFFFFC180  }
0xad: {  	[tilespmem:s12], [sflag:$0x1] =	stream.indirect.gather [hbm4b:s4+s8], $0x80, s28, s8, $0xb8;
	[tilespmem:$0x1E000] =	vst v63  }
0xae: {  	s0 =	simm.s32 $0x1900  }
0xaf: {  	[spmem:s2] =	stream.indirect.scatter.add.f32 [tilespmem:s10], [sflag:$0x2], $0x80, s0, s8, $0xb8;
	[tilespmem:$0x1E000] =	vst v63  }
0xb0: {  	_ =	swait.ge [sflag:s11], $0x3E80  }
0xb1: {  	[sflag:s11] =	ssyncset.done $0x0  }
0xb2: {  	[sflag:s11] =	ssyncadd.s32 $0xFFFFC180  }
0xb3: {  	_ =	swait.ge [sflag:s7], $0x3E80  }
0xb4: {  	[sflag:s7] =	ssyncset.done $0x0  }
0xb5: {  	s14 =	simm.s32 $0xA00;
	[sflag:s7] =	ssyncadd.s32 $0xFFFFC180  }
0xb6: {  	[tilespmem:s10], [sflag:$0x1] =	stream.indirect.gather [hbm4b:s4+s8], $0x80, s14, s8, $0xb8;
	[tilespmem:$0x1E000] =	vst v63  }
0xb7: {  	s15 =	simm.s32 $0x1980;
	[dreg:$0x1b] =	wrdreg s3  }
0xb8: {  	[spmem:s2] =	stream.indirect.scatter.add.f32 [tilespmem:s12], [sflag:$0x3], $0x80, s15, s8, $0xb8;
	[tilespmem:$0x1E000] =	vst v63  }
0xb9: {  	_ =	swait.ge [sflag:s11], $0x3E80  }
0xba: {  	[sflag:s11] =	ssyncset.done $0x0  }
0xbb: {  	[sflag:s11] =	ssyncadd.s32 $0xFFFFC180  }
0xbc: {  	_ =	swait.ge [sflag:s9], $0x3E80  }
0xbd: {  	[sflag:s9] =	ssyncset.done $0x0  }
0xbe: {  	s22 =	simm.s32 $0xA80;
	[sflag:s9] =	ssyncadd.s32 $0xFFFFC180  }
0xbf: {  	[tilespmem:s12], [sflag:$0x1] =	stream.indirect.gather [hbm4b:s4+s8], $0x80, s22, s8, $0xb8;
	[tilespmem:$0x1E000] =	vst v63  }
0xc0: {  	s26 =	simm.s32 $0x1A00  }
0xc1: {  	[spmem:s2] =	stream.indirect.scatter.add.f32 [tilespmem:s10], [sflag:$0x2], $0x80, s26, s8, $0xb8;
	[tilespmem:$0x1E000] =	vst v63  }
0xc2: {  	_ =	swait.ge [sflag:s11], $0x3E80  }
0xc3: {  	[sflag:s11] =	ssyncset.done $0x0  }
0xc4: {  	[sflag:s11] =	ssyncadd.s32 $0xFFFFC180  }
0xc5: {  	_ =	swait.ge [sflag:s7], $0x3E80  }
0xc6: {  	[sflag:s7] =	ssyncset.done $0x0  }
0xc7: {  	s28 =	simm.s32 $0xB00;
	[sflag:s7] =	ssyncadd.s32 $0xFFFFC180  }
0xc8: {  	[tilespmem:s10], [sflag:$0x1] =	stream.indirect.gather [hbm4b:s4+s8], $0x80, s28, s8, $0xb8;
	[tilespmem:$0x1E000] =	vst v63  }
0xc9: {  	s0 =	simm.s32 $0x1A80  }
0xca: {  	[spmem:s2] =	stream.indirect.scatter.add.f32 [tilespmem:s12], [sflag:$0x3], $0x80, s0, s8, $0xb8;
	[tilespmem:$0x1E000] =	vst v63  }
0xcb: {  	_ =	swait.ge [sflag:s11], $0x3E80  }
0xcc: {  	[sflag:s11] =	ssyncset.done $0x0  }
0xcd: {  	[sflag:s11] =	ssyncadd.s32 $0xFFFFC180  }
0xce: {  	_ =	swait.ge [sflag:s9], $0x3E80  }
0xcf: {  	[sflag:s9] =	ssyncset.done $0x0  }
0xd0: {  	s3 =	simm.s32 $0xB80;
	[sflag:s9] =	ssyncadd.s32 $0xFFFFC180  }
0xd1: {  	[tilespmem:s12], [sflag:$0x1] =	stream.indirect.gather [hbm4b:s4+s8], $0x80, s3, s8, $0xb8;
	[tilespmem:$0x1E000] =	vst v63  }
0xd2: {  	s15 =	simm.s32 $0x1B00  }
0xd3: {  	[spmem:s2] =	stream.indirect.scatter.add.f32 [tilespmem:s10], [sflag:$0x2], $0x80, s15, s8, $0xb8;
	[tilespmem:$0x1E000] =	vst v63  }
0xd4: {  	_ =	swait.ge [sflag:s11], $0x3E80  }
0xd5: {  	[sflag:s11] =	ssyncset.done $0x0  }
0xd6: {  	[sflag:s11] =	ssyncadd.s32 $0xFFFFC180  }
0xd7: {  	_ =	swait.ge [sflag:s7], $0x3E80  }
0xd8: {  	[sflag:s7] =	ssyncset.done $0x0  }
0xd9: {  	s26 =	simm.s32 $0xC00;
	[sflag:s7] =	ssyncadd.s32 $0xFFFFC180  }
0xda: {  	[tilespmem:s10], [sflag:$0x1] =	stream.indirect.gather [hbm4b:s4+s8], $0x80, s26, s8, $0xb8;
	[tilespmem:$0x1E000] =	vst v63  }
0xdb: {  	s28 =	simm.s32 $0x1B80  }
0xdc: {  	[spmem:s2] =	stream.indirect.scatter.add.f32 [tilespmem:s12], [sflag:$0x3], $0x80, s28, s8, $0xb8;
	[tilespmem:$0x1E000] =	vst v63  }
0xdd: {  	_ =	swait.ge [sflag:s11], $0x3E80  }
0xde: {  	[sflag:s11] =	ssyncset.done $0x0  }
0xdf: {  	[sflag:s11] =	ssyncadd.s32 $0xFFFFC180  }
0xe0: {  	_ =	swait.ge [sflag:s9], $0x3E80  }
0xe1: {  	[sflag:s9] =	ssyncset.done $0x0  }
0xe2: {  	s0 =	simm.s32 $0xC80;
	[sflag:s9] =	ssyncadd.s32 $0xFFFFC180  }
0xe3: {  	[tilespmem:s12], [sflag:$0x1] =	stream.indirect.gather [hbm4b:s4+s8], $0x80, s0, s8, $0xb8;
	[tilespmem:$0x1E000] =	vst v63  }
0xe4: {  	s15 =	simm.s32 $0x1C00  }
0xe5: {  	[spmem:s2] =	stream.indirect.scatter.add.f32 [tilespmem:s10], [sflag:$0x2], $0x80, s15, s8, $0xb8;
	[tilespmem:$0x1E000] =	vst v63  }
0xe6: {  	_ =	swait.ge [sflag:s11], $0x3E80  }
0xe7: {  	[sflag:s11] =	ssyncset.done $0x0  }
0xe8: {  	s26 =	simm.s32 $0x1C80;
	[sflag:s11] =	ssyncadd.s32 $0xFFFFC180  }
0xe9: {  	[spmem:s2] =	stream.indirect.scatter.add.f32 [tilespmem:s12], [sflag:$0x3], $0x80, s26, s8, $0xb8;
	[tilespmem:$0x1E000] =	vst v63  }
0xea: {  	_ =	swait.ge [sflag:s6], $0x500  }
0xeb: {  	[sflag:s6] =	ssyncset.done $0x0  }
0xec: {  	[sflag:s6] =	ssyncadd.s32 $0xFFFFFB00  }
0xed: {  	_ =	swait.ge [sflag:s6], $0x500  }
0xee: {  	[sflag:s6] =	ssyncset.done $0x0  }
0xef: {  	[sflag:s6] =	ssyncadd.s32 $0xFFFFFB00  }
0xf0: {  	_ =	swait.ge [sflag:s7], $0x3E80  }
0xf1: {  	[sflag:s7] =	ssyncset.done $0x0  }
0xf2: {  	[sflag:s7] =	ssyncadd.s32 $0xFFFFC180  }
0xf3: {  	[tilespmem:s10], [sflag:$0x1] =	stream.indirect.gather [hbm4b:s4+s8], $0x80, s30, s8, $0xb8;
	[tilespmem:$0x1E000] =	vst v63  }
0xf4: {  	_ =	swait.ge [sflag:s9], $0x3E80  }
0xf5: {  	[sflag:s9] =	ssyncset.done $0x0  }
0xf6: {  	s28 =	rddreg [dreg:$0xd];
	[sflag:s9] =	ssyncadd.s32 $0xFFFFC180  }
0xf7: {  	[tilespmem:s20], [sflag:$0x4] =	stream.linear.gather [hbm4b:s28+s30], $0x500, $0x38;
	[tilespmem:$0x1E000] =	vst v63  }
0xf8: {  	s0 =	rddreg [dreg:$0xe]  }
0xf9: {  	[tilespmem:s25], [sflag:$0x4] =	stream.linear.gather [hbm4b:s0+s30], $0x500, $0x38;
	[tilespmem:$0x1E000] =	vst v63  }
0xfa: {  	_ =	swait.ge [sflag:s11], $0x3E80  }
0xfb: {  	[sflag:s11] =	ssyncset.done $0x0  }
0xfc: {  	s24 =	simm.s32 $0x80;
	[sflag:s11] =	ssyncadd.s32 $0xFFFFC180  }
0xfd: {  	[tilespmem:s12], [sflag:$0x1] =	stream.indirect.gather [hbm4b:s4+s8], $0x80, s24, s8, $0xb8;
	[tilespmem:$0x1E000] =	vst v63  }
0xfe: {  	_ = 	snop  }
0xff: {  	[spmem:s2] =	stream.indirect.scatter.add.f32 [tilespmem:s10], [sflag:$0x2], $0x80, s5, s8, $0xb8;
	[tilespmem:$0x1E000] =	vst v63  }
0x100: {  	_ =	swait.ge [sflag:s11], $0x3E80  }
0x101: {  	[sflag:s11] =	ssyncset.done $0x0  }
0x102: {  	[sflag:s11] =	ssyncadd.s32 $0xFFFFC180  }
0x103: {  	_ =	swait.ge [sflag:s7], $0x3E80  }
0x104: {  	[sflag:s7] =	ssyncset.done $0x0  }
0x105: {  	s23 =	simm.s32 $0x100;
	[sflag:s7] =	ssyncadd.s32 $0xFFFFC180  }
0x106: {  	[tilespmem:s10], [sflag:$0x1] =	stream.indirect.gather [hbm4b:s4+s8], $0x80, s23, s8, $0xb8;
	[tilespmem:$0x1E000] =	vst v63  }
0x107: {  	s21 =	simm.s32 $0x1080  }
0x108: {  	[spmem:s2] =	stream.indirect.scatter.add.f32 [tilespmem:s12], [sflag:$0x3], $0x80, s21, s8, $0xb8;
	[tilespmem:$0x1E000] =	vst v63  }
0x109: {  	_ =	swait.ge [sflag:s11], $0x3E80  }
0x10a: {  	[sflag:s11] =	ssyncset.done $0x0  }
0x10b: {  	[sflag:s11] =	ssyncadd.s32 $0xFFFFC180  }
0x10c: {  	_ =	swait.ge [sflag:s9], $0x3E80  }
0x10d: {  	[sflag:s9] =	ssyncset.done $0x0  }
0x10e: {  	s18 =	simm.s32 $0x180;
	[sflag:s9] =	ssyncadd.s32 $0xFFFFC180  }
0x10f: {  	[tilespmem:s12], [sflag:$0x1] =	stream.indirect.gather [hbm4b:s4+s8], $0x80, s18, s8, $0xb8;
	[tilespmem:$0x1E000] =	vst v63  }
0x110: {  	s19 =	simm.s32 $0x1100  }
0x111: {  	[spmem:s2] =	stream.indirect.scatter.add.f32 [tilespmem:s10], [sflag:$0x2], $0x80, s19, s8, $0xb8;
	[tilespmem:$0x1E000] =	vst v63  }
0x112: {  	_ =	swait.ge [sflag:s11], $0x3E80  }
0x113: {  	[sflag:s11] =	ssyncset.done $0x0  }
0x114: {  	[sflag:s11] =	ssyncadd.s32 $0xFFFFC180  }
0x115: {  	_ =	swait.ge [sflag:s7], $0x3E80  }
0x116: {  	[sflag:s7] =	ssyncset.done $0x0  }
0x117: {  	s16 =	simm.s32 $0x200;
	[sflag:s7] =	ssyncadd.s32 $0xFFFFC180  }
0x118: {  	[tilespmem:s10], [sflag:$0x1] =	stream.indirect.gather [hbm4b:s4+s8], $0x80, s16, s8, $0xb8;
	[tilespmem:$0x1E000] =	vst v63  }
0x119: {  	s18 =	simm.s32 $0x1180  }
0x11a: {  	[spmem:s2] =	stream.indirect.scatter.add.f32 [tilespmem:s12], [sflag:$0x3], $0x80, s18, s8, $0xb8;
	[tilespmem:$0x1E000] =	vst v63  }
0x11b: {  	_ =	swait.ge [sflag:s11], $0x3E80  }
0x11c: {  	[sflag:s11] =	ssyncset.done $0x0  }
0x11d: {  	[sflag:s11] =	ssyncadd.s32 $0xFFFFC180  }
0x11e: {  	_ =	swait.ge [sflag:s9], $0x3E80  }
0x11f: {  	[sflag:s9] =	ssyncset.done $0x0  }
0x120: {  	s16 =	simm.s32 $0x280;
	[sflag:s9] =	ssyncadd.s32 $0xFFFFC180  }
0x121: {  	[tilespmem:s12], [sflag:$0x1] =	stream.indirect.gather [hbm4b:s4+s8], $0x80, s16, s8, $0xb8;
	[tilespmem:$0x1E000] =	vst v63  }
0x122: {  	s19 =	simm.s32 $0x1200  }
0x123: {  	[spmem:s2] =	stream.indirect.scatter.add.f32 [tilespmem:s10], [sflag:$0x2], $0x80, s19, s8, $0xb8;
	[tilespmem:$0x1E000] =	vst v63  }
0x124: {  	_ =	swait.ge [sflag:s11], $0x3E80  }
0x125: {  	[sflag:s11] =	ssyncset.done $0x0  }
0x126: {  	[sflag:s11] =	ssyncadd.s32 $0xFFFFC180  }
0x127: {  	_ =	swait.ge [sflag:s7], $0x3E80  }
0x128: {  	[sflag:s7] =	ssyncset.done $0x0  }
0x129: {  	s17 =	simm.s32 $0x300;
	[sflag:s7] =	ssyncadd.s32 $0xFFFFC180  }
0x12a: {  	[tilespmem:s10], [sflag:$0x1] =	stream.indirect.gather [hbm4b:s4+s8], $0x80, s17, s8, $0xb8;
	[tilespmem:$0x1E000] =	vst v63  }
0x12b: {  	s21 =	simm.s32 $0x1280  }
0x12c: {  	[spmem:s2] =	stream.indirect.scatter.add.f32 [tilespmem:s12], [sflag:$0x3], $0x80, s21, s8, $0xb8;
	[tilespmem:$0x1E000] =	vst v63  }
0x12d: {  	_ =	swait.ge [sflag:s11], $0x3E80  }
0x12e: {  	[sflag:s11] =	ssyncset.done $0x0  }
0x12f: {  	[sflag:s11] =	ssyncadd.s32 $0xFFFFC180  }
0x130: {  	_ =	swait.ge [sflag:s9], $0x3E80  }
0x131: {  	[sflag:s9] =	ssyncset.done $0x0  }
0x132: {  	s17 =	simm.s32 $0x380;
	[sflag:s9] =	ssyncadd.s32 $0xFFFFC180  }
0x133: {  	[tilespmem:s12], [sflag:$0x1] =	stream.indirect.gather [hbm4b:s4+s8], $0x80, s17, s8, $0xb8;
	[tilespmem:$0x1E000] =	vst v63  }
0x134: {  	s23 =	simm.s32 $0x1300  }
0x135: {  	[spmem:s2] =	stream.indirect.scatter.add.f32 [tilespmem:s10], [sflag:$0x2], $0x80, s23, s8, $0xb8;
	[tilespmem:$0x1E000] =	vst v63  }
0x136: {  	_ =	swait.ge [sflag:s11], $0x3E80  }
0x137: {  	[sflag:s11] =	ssyncset.done $0x0  }
0x138: {  	[sflag:s11] =	ssyncadd.s32 $0xFFFFC180  }
0x139: {  	_ =	swait.ge [sflag:s7], $0x3E80  }
0x13a: {  	[sflag:s7] =	ssyncset.done $0x0  }
0x13b: {  	s13 =	simm.s32 $0x400;
	[sflag:s7] =	ssyncadd.s32 $0xFFFFC180  }
0x13c: {  	[tilespmem:s10], [sflag:$0x1] =	stream.indirect.gather [hbm4b:s4+s8], $0x80, s13, s8, $0xb8;
	[tilespmem:$0x1E000] =	vst v63  }
0x13d: {  	s24 =	simm.s32 $0x1380  }
0x13e: {  	[spmem:s2] =	stream.indirect.scatter.add.f32 [tilespmem:s12], [sflag:$0x3], $0x80, s24, s8, $0xb8;
	[tilespmem:$0x1E000] =	vst v63  }
0x13f: {  	_ =	swait.ge [sflag:s11], $0x3E80  }
0x140: {  	[sflag:s11] =	ssyncset.done $0x0  }
0x141: {  	[sflag:s11] =	ssyncadd.s32 $0xFFFFC180  }
0x142: {  	_ =	swait.ge [sflag:s9], $0x3E80  }
0x143: {  	[sflag:s9] =	ssyncset.done $0x0  }
0x144: {  	s13 =	simm.s32 $0x480;
	[sflag:s9] =	ssyncadd.s32 $0xFFFFC180  }
0x145: {  	[tilespmem:s12], [sflag:$0x1] =	stream.indirect.gather [hbm4b:s4+s8], $0x80, s13, s8, $0xb8;
	[tilespmem:$0x1E000] =	vst v63  }
0x146: {  	s26 =	simm.s32 $0x1400  }
0x147: {  	[spmem:s2] =	stream.indirect.scatter.add.f32 [tilespmem:s10], [sflag:$0x2], $0x80, s26, s8, $0xb8;
	[tilespmem:$0x1E000] =	vst v63  }
0x148: {  	_ =	swait.ge [sflag:s11], $0x3E80  }
0x149: {  	[sflag:s11] =	ssyncset.done $0x0  }
0x14a: {  	s28 =	simm.s32 $0x1480;
	[sflag:s11] =	ssyncadd.s32 $0xFFFFC180  }
0x14b: {  	[spmem:s2] =	stream.indirect.scatter.add.f32 [tilespmem:s12], [sflag:$0x3], $0x80, s28, s8, $0xb8;
	[tilespmem:$0x1E000] =	vst v63  }
0x14c: {  	_ =	swait.ge [sflag:s6], $0x500  }
0x14d: {  	[sflag:s6] =	ssyncset.done $0x0  }
0x14e: {  	[sflag:s6] =	ssyncadd.s32 $0xFFFFFB00  }
0x14f: {  	_ =	swait.ge [sflag:s6], $0x500  }
0x150: {  	[sflag:s6] =	ssyncset.done $0x0  }
0x151: {  	[sflag:s6] =	ssyncadd.s32 $0xFFFFFB00  }
0x152: {  	_ =	swait.ge [sflag:s7], $0x3E80  }
0x153: {  	[sflag:s7] =	ssyncset.done $0x0  }
0x154: {  	[sflag:s7] =	ssyncadd.s32 $0xFFFFC180  }
0x155: {  	[tilespmem:s10], [sflag:$0x1] =	stream.indirect.gather [hbm4b:s4+s8], $0x80, s20, s8, $0xb8;
	[tilespmem:$0x1E000] =	vst v63  }
0x156: {  	_ =	swait.ge [sflag:s9], $0x3E80  }
0x157: {  	[sflag:s9] =	ssyncset.done $0x0  }
0x158: {  	s15 =	rddreg [dreg:$0xf];
	[sflag:s9] =	ssyncadd.s32 $0xFFFFC180  }
0x159: {  	[tilespmem:s30], [sflag:$0x4] =	stream.linear.gather [hbm4b:s15+s30], $0x500, $0x38;
	[tilespmem:$0x1E000] =	vst v63  }
0x15a: {  	s0 =	rddreg [dreg:$0x10]  }
0x15b: {  	[tilespmem:s5], [sflag:$0x4] =	stream.linear.gather [hbm4b:s0+s30], $0x500, $0x38;
	[tilespmem:$0x1E000] =	vst v63  }
0x15c: {  	_ =	swait.ge [sflag:s11], $0x3E80  }
0x15d: {  	[sflag:s11] =	ssyncset.done $0x0  }
0x15e: {  	s29 =	simm.s32 $0x880;
	[sflag:s11] =	ssyncadd.s32 $0xFFFFC180  }
0x15f: {  	[tilespmem:s12], [sflag:$0x1] =	stream.indirect.gather [hbm4b:s4+s8], $0x80, s29, s8, $0xb8;
	[tilespmem:$0x1E000] =	vst v63  }
0x160: {  	_ = 	snop  }
0x161: {  	[spmem:s2] =	stream.indirect.scatter.add.f32 [tilespmem:s10], [sflag:$0x2], $0x80, s25, s8, $0xb8;
	[tilespmem:$0x1E000] =	vst v63  }
0x162: {  	_ =	swait.ge [sflag:s11], $0x3E80  }
0x163: {  	[sflag:s11] =	ssyncset.done $0x0  }
0x164: {  	[sflag:s11] =	ssyncadd.s32 $0xFFFFC180  }
0x165: {  	_ =	swait.ge [sflag:s7], $0x3E80  }
0x166: {  	[sflag:s7] =	ssyncset.done $0x0  }
0x167: {  	s29 =	simm.s32 $0x900;
	[sflag:s7] =	ssyncadd.s32 $0xFFFFC180  }
0x168: {  	[tilespmem:s10], [sflag:$0x1] =	stream.indirect.gather [hbm4b:s4+s8], $0x80, s29, s8, $0xb8;
	[tilespmem:$0x1E000] =	vst v63  }
0x169: {  	s31 =	simm.s32 $0x1880  }
0x16a: {  	[spmem:s2] =	stream.indirect.scatter.add.f32 [tilespmem:s12], [sflag:$0x3], $0x80, s31, s8, $0xb8;
	[tilespmem:$0x1E000] =	vst v63  }
0x16b: {  	_ =	swait.ge [sflag:s11], $0x3E80  }
0x16c: {  	[sflag:s11] =	ssyncset.done $0x0  }
0x16d: {  	[sflag:s11] =	ssyncadd.s32 $0xFFFFC180  }
0x16e: {  	_ =	swait.ge [sflag:s9], $0x3E80  }
0x16f: {  	[sflag:s9] =	ssyncset.done $0x0  }
0x170: {  	s31 =	simm.s32 $0x980;
	[sflag:s9] =	ssyncadd.s32 $0xFFFFC180  }
0x171: {  	[tilespmem:s12], [sflag:$0x1] =	stream.indirect.gather [hbm4b:s4+s8], $0x80, s31, s8, $0xb8;
	[tilespmem:$0x1E000] =	vst v63  }
0x172: {  	s0 =	simm.s32 $0x1900  }
0x173: {  	[spmem:s2] =	stream.indirect.scatter.add.f32 [tilespmem:s10], [sflag:$0x2], $0x80, s0, s8, $0xb8;
	[tilespmem:$0x1E000] =	vst v63  }
0x174: {  	_ =	swait.ge [sflag:s11], $0x3E80  }
0x175: {  	[sflag:s11] =	ssyncset.done $0x0  }
0x176: {  	[sflag:s11] =	ssyncadd.s32 $0xFFFFC180  }
0x177: {  	_ =	swait.ge [sflag:s7], $0x3E80  }
0x178: {  	[sflag:s7] =	ssyncset.done $0x0  }
0x179: {  	s15 =	simm.s32 $0xA00;
	[sflag:s7] =	ssyncadd.s32 $0xFFFFC180  }
0x17a: {  	[tilespmem:s10], [sflag:$0x1] =	stream.indirect.gather [hbm4b:s4+s8], $0x80, s15, s8, $0xb8;
	[tilespmem:$0x1E000] =	vst v63  }
0x17b: {  	s1 =	simm.s32 $0x1980  }
0x17c: {  	[spmem:s2] =	stream.indirect.scatter.add.f32 [tilespmem:s12], [sflag:$0x3], $0x80, s1, s8, $0xb8;
	[tilespmem:$0x1E000] =	vst v63  }
0x17d: {  	_ =	swait.ge [sflag:s11], $0x3E80  }
0x17e: {  	[sflag:s11] =	ssyncset.done $0x0  }
0x17f: {  	[sflag:s11] =	ssyncadd.s32 $0xFFFFC180  }
0x180: {  	_ =	swait.ge [sflag:s9], $0x3E80  }
0x181: {  	[sflag:s9] =	ssyncset.done $0x0  }
0x182: {  	s15 =	simm.s32 $0xA80;
	[sflag:s9] =	ssyncadd.s32 $0xFFFFC180  }
0x183: {  	[tilespmem:s12], [sflag:$0x1] =	stream.indirect.gather [hbm4b:s4+s8], $0x80, s15, s8, $0xb8;
	[tilespmem:$0x1E000] =	vst v63  }
0x184: {  	s22 =	simm.s32 $0x1A00  }
0x185: {  	[spmem:s2] =	stream.indirect.scatter.add.f32 [tilespmem:s10], [sflag:$0x2], $0x80, s22, s8, $0xb8;
	[tilespmem:$0x1E000] =	vst v63  }
0x186: {  	_ =	swait.ge [sflag:s11], $0x3E80  }
0x187: {  	[sflag:s11] =	ssyncset.done $0x0  }
0x188: {  	[sflag:s11] =	ssyncadd.s32 $0xFFFFC180  }
0x189: {  	_ =	swait.ge [sflag:s7], $0x3E80  }
0x18a: {  	[sflag:s7] =	ssyncset.done $0x0  }
0x18b: {  	s14 =	simm.s32 $0xB00;
	[sflag:s7] =	ssyncadd.s32 $0xFFFFC180  }
0x18c: {  	[tilespmem:s10], [sflag:$0x1] =	stream.indirect.gather [hbm4b:s4+s8], $0x80, s14, s8, $0xb8;
	[tilespmem:$0x1E000] =	vst v63  }
0x18d: {  	s15 =	simm.s32 $0x1A80  }
0x18e: {  	[spmem:s2] =	stream.indirect.scatter.add.f32 [tilespmem:s12], [sflag:$0x3], $0x80, s15, s8, $0xb8;
	[tilespmem:$0x1E000] =	vst v63  }
0x18f: {  	_ =	swait.ge [sflag:s11], $0x3E80  }
0x190: {  	[sflag:s11] =	ssyncset.done $0x0  }
0x191: {  	[sflag:s11] =	ssyncadd.s32 $0xFFFFC180  }
0x192: {  	_ =	swait.ge [sflag:s9], $0x3E80  }
0x193: {  	[sflag:s9] =	ssyncset.done $0x0  }
0x194: {  	s3 =	simm.s32 $0xB80;
	[sflag:s9] =	ssyncadd.s32 $0xFFFFC180  }
0x195: {  	[tilespmem:s12], [sflag:$0x1] =	stream.indirect.gather [hbm4b:s4+s8], $0x80, s3, s8, $0xb8;
	[tilespmem:$0x1E000] =	vst v63  }
0x196: {  	s22 =	simm.s32 $0x1B00  }
0x197: {  	[spmem:s2] =	stream.indirect.scatter.add.f32 [tilespmem:s10], [sflag:$0x2], $0x80, s22, s8, $0xb8;
	[tilespmem:$0x1E000] =	vst v63  }
0x198: {  	_ =	swait.ge [sflag:s11], $0x3E80  }
0x199: {  	[sflag:s11] =	ssyncset.done $0x0  }
0x19a: {  	[sflag:s11] =	ssyncadd.s32 $0xFFFFC180  }
0x19b: {  	_ =	swait.ge [sflag:s7], $0x3E80  }
0x19c: {  	[sflag:s7] =	ssyncset.done $0x0  }
0x19d: {  	s14 =	simm.s32 $0xC00;
	[sflag:s7] =	ssyncadd.s32 $0xFFFFC180  }
0x19e: {  	[tilespmem:s10], [sflag:$0x1] =	stream.indirect.gather [hbm4b:s4+s8], $0x80, s14, s8, $0xb8;
	[tilespmem:$0x1E000] =	vst v63  }
0x19f: {  	s15 =	simm.s32 $0x1B80  }
0x1a0: {  	[spmem:s2] =	stream.indirect.scatter.add.f32 [tilespmem:s12], [sflag:$0x3], $0x80, s15, s8, $0xb8;
	[tilespmem:$0x1E000] =	vst v63  }
0x1a1: {  	_ =	swait.ge [sflag:s11], $0x3E80  }
0x1a2: {  	[sflag:s11] =	ssyncset.done $0x0  }
0x1a3: {  	[sflag:s11] =	ssyncadd.s32 $0xFFFFC180  }
0x1a4: {  	_ =	swait.ge [sflag:s9], $0x3E80  }
0x1a5: {  	[sflag:s9] =	ssyncset.done $0x0  }
0x1a6: {  	s22 =	simm.s32 $0xC80;
	[sflag:s9] =	ssyncadd.s32 $0xFFFFC180  }
0x1a7: {  	[tilespmem:s12], [sflag:$0x1] =	stream.indirect.gather [hbm4b:s4+s8], $0x80, s22, s8, $0xb8;
	[tilespmem:$0x1E000] =	vst v63  }
0x1a8: {  	s14 =	simm.s32 $0x1C00  }
0x1a9: {  	[spmem:s2] =	stream.indirect.scatter.add.f32 [tilespmem:s10], [sflag:$0x2], $0x80, s14, s8, $0xb8;
	[tilespmem:$0x1E000] =	vst v63  }
0x1aa: {  	_ =	swait.ge [sflag:s11], $0x3E80  }
0x1ab: {  	[sflag:s11] =	ssyncset.done $0x0  }
0x1ac: {  	s15 =	simm.s32 $0x1C80;
	[sflag:s11] =	ssyncadd.s32 $0xFFFFC180  }
0x1ad: {  	[spmem:s2] =	stream.indirect.scatter.add.f32 [tilespmem:s12], [sflag:$0x3], $0x80, s15, s8, $0xb8;
	[tilespmem:$0x1E000] =	vst v63  }
0x1ae: {  	_ =	swait.ge [sflag:s6], $0x500  }
0x1af: {  	[sflag:s6] =	ssyncset.done $0x0  }
0x1b0: {  	[sflag:s6] =	ssyncadd.s32 $0xFFFFFB00  }
0x1b1: {  	_ =	swait.ge [sflag:s6], $0x500  }
0x1b2: {  	[sflag:s6] =	ssyncset.done $0x0  }
0x1b3: {  	[sflag:s6] =	ssyncadd.s32 $0xFFFFFB00  }
0x1b4: {  	_ =	swait.ge [sflag:s7], $0x3E80  }
0x1b5: {  	[sflag:s7] =	ssyncset.done $0x0  }
0x1b6: {  	[sflag:s7] =	ssyncadd.s32 $0xFFFFC180  }
0x1b7: {  	[tilespmem:s10], [sflag:$0x1] =	stream.indirect.gather [hbm4b:s4+s8], $0x80, s30, s8, $0xb8;
	[tilespmem:$0x1E000] =	vst v63  }
0x1b8: {  	_ =	swait.ge [sflag:s9], $0x3E80  }
0x1b9: {  	[sflag:s9] =	ssyncset.done $0x0  }
0x1ba: {  	s22 =	rddreg [dreg:$0x11];
	[sflag:s9] =	ssyncadd.s32 $0xFFFFC180  }
0x1bb: {  	[tilespmem:s20], [sflag:$0x4] =	stream.linear.gather [hbm4b:s22+s30], $0x500, $0x38;
	[tilespmem:$0x1E000] =	vst v63  }
0x1bc: {  	s1 =	rddreg [dreg:$0x12]  }
0x1bd: {  	[tilespmem:s25], [sflag:$0x4] =	stream.linear.gather [hbm4b:s1+s30], $0x500, $0x38;
	[tilespmem:$0x1E000] =	vst v63  }
0x1be: {  	_ =	swait.ge [sflag:s11], $0x3E80  }
0x1bf: {  	[sflag:s11] =	ssyncset.done $0x0  }
0x1c0: {  	s22 =	simm.s32 $0x80;
	[sflag:s11] =	ssyncadd.s32 $0xFFFFC180  }
0x1c1: {  	[tilespmem:s12], [sflag:$0x1] =	stream.indirect.gather [hbm4b:s4+s8], $0x80, s22, s8, $0xb8;
	[tilespmem:$0x1E000] =	vst v63  }
0x1c2: {  	_ = 	snop  }
0x1c3: {  	[spmem:s2] =	stream.indirect.scatter.add.f32 [tilespmem:s10], [sflag:$0x2], $0x80, s5, s8, $0xb8;
	[tilespmem:$0x1E000] =	vst v63  }
0x1c4: {  	_ =	swait.ge [sflag:s11], $0x3E80  }
0x1c5: {  	[sflag:s11] =	ssyncset.done $0x0  }
0x1c6: {  	[sflag:s11] =	ssyncadd.s32 $0xFFFFC180  }
0x1c7: {  	_ =	swait.ge [sflag:s7], $0x3E80  }
0x1c8: {  	[sflag:s7] =	ssyncset.done $0x0  }
0x1c9: {  	s14 =	simm.s32 $0x100;
	[sflag:s7] =	ssyncadd.s32 $0xFFFFC180  }
0x1ca: {  	[tilespmem:s10], [sflag:$0x1] =	stream.indirect.gather [hbm4b:s4+s8], $0x80, s14, s8, $0xb8;
	[tilespmem:$0x1E000] =	vst v63  }
0x1cb: {  	s15 =	simm.s32 $0x1080  }
0x1cc: {  	[spmem:s2] =	stream.indirect.scatter.add.f32 [tilespmem:s12], [sflag:$0x3], $0x80, s15, s8, $0xb8;
	[tilespmem:$0x1E000] =	vst v63  }
0x1cd: {  	_ =	swait.ge [sflag:s11], $0x3E80  }
0x1ce: {  	[sflag:s11] =	ssyncset.done $0x0  }
0x1cf: {  	[sflag:s11] =	ssyncadd.s32 $0xFFFFC180  }
0x1d0: {  	_ =	swait.ge [sflag:s9], $0x3E80  }
0x1d1: {  	[sflag:s9] =	ssyncset.done $0x0  }
0x1d2: {  	s22 =	simm.s32 $0x180;
	[sflag:s9] =	ssyncadd.s32 $0xFFFFC180  }
0x1d3: {  	[tilespmem:s12], [sflag:$0x1] =	stream.indirect.gather [hbm4b:s4+s8], $0x80, s22, s8, $0xb8;
	[tilespmem:$0x1E000] =	vst v63  }
0x1d4: {  	s14 =	simm.s32 $0x1100  }
0x1d5: {  	[spmem:s2] =	stream.indirect.scatter.add.f32 [tilespmem:s10], [sflag:$0x2], $0x80, s14, s8, $0xb8;
	[tilespmem:$0x1E000] =	vst v63  }
0x1d6: {  	_ =	swait.ge [sflag:s11], $0x3E80  }
0x1d7: {  	[sflag:s11] =	ssyncset.done $0x0  }
0x1d8: {  	[sflag:s11] =	ssyncadd.s32 $0xFFFFC180  }
0x1d9: {  	_ =	swait.ge [sflag:s7], $0x3E80  }
0x1da: {  	[sflag:s7] =	ssyncset.done $0x0  }
0x1db: {  	s15 =	simm.s32 $0x200;
	[sflag:s7] =	ssyncadd.s32 $0xFFFFC180  }
0x1dc: {  	[tilespmem:s10], [sflag:$0x1] =	stream.indirect.gather [hbm4b:s4+s8], $0x80, s15, s8, $0xb8;
	[tilespmem:$0x1E000] =	vst v63  }
0x1dd: {  	_ = 	snop  }
0x1de: {  	[spmem:s2] =	stream.indirect.scatter.add.f32 [tilespmem:s12], [sflag:$0x3], $0x80, s18, s8, $0xb8;
	[tilespmem:$0x1E000] =	vst v63  }
0x1df: {  	_ =	swait.ge [sflag:s11], $0x3E80  }
0x1e0: {  	[sflag:s11] =	ssyncset.done $0x0  }
0x1e1: {  	[sflag:s11] =	ssyncadd.s32 $0xFFFFC180  }
0x1e2: {  	_ =	swait.ge [sflag:s9], $0x3E80  }
0x1e3: {  	[sflag:s9] =	ssyncset.done $0x0  }
0x1e4: {  	[sflag:s9] =	ssyncadd.s32 $0xFFFFC180  }
0x1e5: {  	[tilespmem:s12], [sflag:$0x1] =	stream.indirect.gather [hbm4b:s4+s8], $0x80, s16, s8, $0xb8;
	[tilespmem:$0x1E000] =	vst v63  }
0x1e6: {  	_ = 	snop  }
0x1e7: {  	[spmem:s2] =	stream.indirect.scatter.add.f32 [tilespmem:s10], [sflag:$0x2], $0x80, s19, s8, $0xb8;
	[tilespmem:$0x1E000] =	vst v63  }
0x1e8: {  	_ =	swait.ge [sflag:s11], $0x3E80  }
0x1e9: {  	[sflag:s11] =	ssyncset.done $0x0  }
0x1ea: {  	[sflag:s11] =	ssyncadd.s32 $0xFFFFC180  }
0x1eb: {  	_ =	swait.ge [sflag:s7], $0x3E80  }
0x1ec: {  	[sflag:s7] =	ssyncset.done $0x0  }
0x1ed: {  	s19 =	simm.s32 $0x300;
	[sflag:s7] =	ssyncadd.s32 $0xFFFFC180  }
0x1ee: {  	[tilespmem:s10], [sflag:$0x1] =	stream.indirect.gather [hbm4b:s4+s8], $0x80, s19, s8, $0xb8;
	[tilespmem:$0x1E000] =	vst v63  }
0x1ef: {  	_ = 	snop  }
0x1f0: {  	[spmem:s2] =	stream.indirect.scatter.add.f32 [tilespmem:s12], [sflag:$0x3], $0x80, s21, s8, $0xb8;
	[tilespmem:$0x1E000] =	vst v63  }
0x1f1: {  	_ =	swait.ge [sflag:s11], $0x3E80  }
0x1f2: {  	[sflag:s11] =	ssyncset.done $0x0  }
0x1f3: {  	[sflag:s11] =	ssyncadd.s32 $0xFFFFC180  }
0x1f4: {  	_ =	swait.ge [sflag:s9], $0x3E80  }
0x1f5: {  	[sflag:s9] =	ssyncset.done $0x0  }
0x1f6: {  	[sflag:s9] =	ssyncadd.s32 $0xFFFFC180  }
0x1f7: {  	[tilespmem:s12], [sflag:$0x1] =	stream.indirect.gather [hbm4b:s4+s8], $0x80, s17, s8, $0xb8;
	[tilespmem:$0x1E000] =	vst v63  }
0x1f8: {  	_ = 	snop  }
0x1f9: {  	[spmem:s2] =	stream.indirect.scatter.add.f32 [tilespmem:s10], [sflag:$0x2], $0x80, s23, s8, $0xb8;
	[tilespmem:$0x1E000] =	vst v63  }
0x1fa: {  	_ =	swait.ge [sflag:s11], $0x3E80  }
0x1fb: {  	[sflag:s11] =	ssyncset.done $0x0  }
0x1fc: {  	[sflag:s11] =	ssyncadd.s32 $0xFFFFC180  }
0x1fd: {  	_ =	swait.ge [sflag:s7], $0x3E80  }
0x1fe: {  	[sflag:s7] =	ssyncset.done $0x0  }
0x1ff: {  	s21 =	simm.s32 $0x400;
	[sflag:s7] =	ssyncadd.s32 $0xFFFFC180  }
0x200: {  	[tilespmem:s10], [sflag:$0x1] =	stream.indirect.gather [hbm4b:s4+s8], $0x80, s21, s8, $0xb8;
	[tilespmem:$0x1E000] =	vst v63  }
0x201: {  	_ = 	snop  }
0x202: {  	[spmem:s2] =	stream.indirect.scatter.add.f32 [tilespmem:s12], [sflag:$0x3], $0x80, s24, s8, $0xb8;
	[tilespmem:$0x1E000] =	vst v63  }
0x203: {  	_ =	swait.ge [sflag:s11], $0x3E80  }
0x204: {  	[sflag:s11] =	ssyncset.done $0x0  }
0x205: {  	[sflag:s11] =	ssyncadd.s32 $0xFFFFC180  }
0x206: {  	_ =	swait.ge [sflag:s9], $0x3E80  }
0x207: {  	[sflag:s9] =	ssyncset.done $0x0  }
0x208: {  	[sflag:s9] =	ssyncadd.s32 $0xFFFFC180  }
0x209: {  	[tilespmem:s12], [sflag:$0x1] =	stream.indirect.gather [hbm4b:s4+s8], $0x80, s13, s8, $0xb8;
	[tilespmem:$0x1E000] =	vst v63  }
0x20a: {  	_ = 	snop  }
0x20b: {  	[spmem:s2] =	stream.indirect.scatter.add.f32 [tilespmem:s10], [sflag:$0x2], $0x80, s26, s8, $0xb8;
	[tilespmem:$0x1E000] =	vst v63  }
0x20c: {  	_ =	swait.ge [sflag:s11], $0x3E80  }
0x20d: {  	[sflag:s11] =	ssyncset.done $0x0  }
0x20e: {  	[sflag:s11] =	ssyncadd.s32 $0xFFFFC180  }
0x20f: {  	[spmem:s2] =	stream.indirect.scatter.add.f32 [tilespmem:s12], [sflag:$0x3], $0x80, s28, s8, $0xb8;
	[tilespmem:$0x1E000] =	vst v63  }
0x210: {  	_ =	swait.ge [sflag:s6], $0x500  }
0x211: {  	[sflag:s6] =	ssyncset.done $0x0  }
0x212: {  	[sflag:s6] =	ssyncadd.s32 $0xFFFFFB00  }
0x213: {  	_ =	swait.ge [sflag:s6], $0x500  }
0x214: {  	[sflag:s6] =	ssyncset.done $0x0  }
0x215: {  	[sflag:s6] =	ssyncadd.s32 $0xFFFFFB00  }
0x216: {  	_ =	swait.ge [sflag:s7], $0x3E80  }
0x217: {  	[sflag:s7] =	ssyncset.done $0x0  }
0x218: {  	[sflag:s7] =	ssyncadd.s32 $0xFFFFC180  }
0x219: {  	[tilespmem:s10], [sflag:$0x1] =	stream.indirect.gather [hbm4b:s4+s8], $0x80, s20, s8, $0xb8;
	[tilespmem:$0x1E000] =	vst v63  }
0x21a: {  	_ =	swait.ge [sflag:s9], $0x3E80  }
0x21b: {  	[sflag:s9] =	ssyncset.done $0x0  }
0x21c: {  	s23 =	rddreg [dreg:$0x13];
	[sflag:s9] =	ssyncadd.s32 $0xFFFFC180  }
0x21d: {  	[tilespmem:s30], [sflag:$0x4] =	stream.linear.gather [hbm4b:s23+s30], $0x500, $0x38;
	[tilespmem:$0x1E000] =	vst v63  }
0x21e: {  	s24 =	rddreg [dreg:$0x14]  }
0x21f: {  	[tilespmem:s5], [sflag:$0x4] =	stream.linear.gather [hbm4b:s24+s30], $0x500, $0x38;
	[tilespmem:$0x1E000] =	vst v63  }
0x220: {  	_ =	swait.ge [sflag:s11], $0x3E80  }
0x221: {  	[sflag:s11] =	ssyncset.done $0x0  }
0x222: {  	s26 =	simm.s32 $0x880;
	[sflag:s11] =	ssyncadd.s32 $0xFFFFC180  }
0x223: {  	[tilespmem:s12], [sflag:$0x1] =	stream.indirect.gather [hbm4b:s4+s8], $0x80, s26, s8, $0xb8;
	[tilespmem:$0x1E000] =	vst v63  }
0x224: {  	_ = 	snop  }
0x225: {  	[spmem:s2] =	stream.indirect.scatter.add.f32 [tilespmem:s10], [sflag:$0x2], $0x80, s25, s8, $0xb8;
	[tilespmem:$0x1E000] =	vst v63  }
0x226: {  	_ =	swait.ge [sflag:s11], $0x3E80  }
0x227: {  	[sflag:s11] =	ssyncset.done $0x0  }
0x228: {  	[sflag:s11] =	ssyncadd.s32 $0xFFFFC180  }
0x229: {  	_ =	swait.ge [sflag:s7], $0x3E80  }
0x22a: {  	[sflag:s7] =	ssyncset.done $0x0  }
0x22b: {  	[sflag:s7] =	ssyncadd.s32 $0xFFFFC180  }
0x22c: {  	[tilespmem:s10], [sflag:$0x1] =	stream.indirect.gather [hbm4b:s4+s8], $0x80, s29, s8, $0xb8;
	[tilespmem:$0x1E000] =	vst v63  }
0x22d: {  	s28 =	simm.s32 $0x1880  }
0x22e: {  	[spmem:s2] =	stream.indirect.scatter.add.f32 [tilespmem:s12], [sflag:$0x3], $0x80, s28, s8, $0xb8;
	[tilespmem:$0x1E000] =	vst v63  }
0x22f: {  	_ =	swait.ge [sflag:s11], $0x3E80  }
0x230: {  	[sflag:s11] =	ssyncset.done $0x0  }
0x231: {  	[sflag:s11] =	ssyncadd.s32 $0xFFFFC180  }
0x232: {  	_ =	swait.ge [sflag:s9], $0x3E80  }
0x233: {  	[sflag:s9] =	ssyncset.done $0x0  }
0x234: {  	[sflag:s9] =	ssyncadd.s32 $0xFFFFC180  }
0x235: {  	[tilespmem:s12], [sflag:$0x1] =	stream.indirect.gather [hbm4b:s4+s8], $0x80, s31, s8, $0xb8;
	[tilespmem:$0x1E000] =	vst v63  }
0x236: {  	_ = 	snop  }
0x237: {  	[spmem:s2] =	stream.indirect.scatter.add.f32 [tilespmem:s10], [sflag:$0x2], $0x80, s0, s8, $0xb8;
	[tilespmem:$0x1E000] =	vst v63  }
0x238: {  	_ =	swait.ge [sflag:s11], $0x3E80  }
0x239: {  	[sflag:s11] =	ssyncset.done $0x0  }
0x23a: {  	[sflag:s11] =	ssyncadd.s32 $0xFFFFC180  }
0x23b: {  	_ =	swait.ge [sflag:s7], $0x3E80  }
0x23c: {  	[sflag:s7] =	ssyncset.done $0x0  }
0x23d: {  	s13 =	simm.s32 $0xA00;
	[sflag:s7] =	ssyncadd.s32 $0xFFFFC180  }
0x23e: {  	[tilespmem:s10], [sflag:$0x1] =	stream.indirect.gather [hbm4b:s4+s8], $0x80, s13, s8, $0xb8;
	[tilespmem:$0x1E000] =	vst v63  }
0x23f: {  	s14 =	simm.s32 $0x1980  }
0x240: {  	[spmem:s2] =	stream.indirect.scatter.add.f32 [tilespmem:s12], [sflag:$0x3], $0x80, s14, s8, $0xb8;
	[tilespmem:$0x1E000] =	vst v63  }
0x241: {  	_ =	swait.ge [sflag:s11], $0x3E80  }
0x242: {  	[sflag:s11] =	ssyncset.done $0x0  }
0x243: {  	[sflag:s11] =	ssyncadd.s32 $0xFFFFC180  }
0x244: {  	_ =	swait.ge [sflag:s9], $0x3E80  }
0x245: {  	[sflag:s9] =	ssyncset.done $0x0  }
0x246: {  	s15 =	simm.s32 $0xA80;
	[sflag:s9] =	ssyncadd.s32 $0xFFFFC180  }
0x247: {  	[tilespmem:s12], [sflag:$0x1] =	stream.indirect.gather [hbm4b:s4+s8], $0x80, s15, s8, $0xb8;
	[tilespmem:$0x1E000] =	vst v63  }
0x248: {  	s16 =	simm.s32 $0x1A00  }
0x249: {  	[spmem:s2] =	stream.indirect.scatter.add.f32 [tilespmem:s10], [sflag:$0x2], $0x80, s16, s8, $0xb8;
	[tilespmem:$0x1E000] =	vst v63  }
0x24a: {  	_ =	swait.ge [sflag:s11], $0x3E80  }
0x24b: {  	[sflag:s11] =	ssyncset.done $0x0  }
0x24c: {  	[sflag:s11] =	ssyncadd.s32 $0xFFFFC180  }
0x24d: {  	_ =	swait.ge [sflag:s7], $0x3E80  }
0x24e: {  	[sflag:s7] =	ssyncset.done $0x0  }
0x24f: {  	s18 =	simm.s32 $0xB00;
	[sflag:s7] =	ssyncadd.s32 $0xFFFFC180  }
0x250: {  	[tilespmem:s10], [sflag:$0x1] =	stream.indirect.gather [hbm4b:s4+s8], $0x80, s18, s8, $0xb8;
	[tilespmem:$0x1E000] =	vst v63  }
0x251: {  	s28 =	simm.s32 $0x1A80  }
0x252: {  	[spmem:s2] =	stream.indirect.scatter.add.f32 [tilespmem:s12], [sflag:$0x3], $0x80, s28, s8, $0xb8;
	[tilespmem:$0x1E000] =	vst v63  }
0x253: {  	_ =	swait.ge [sflag:s11], $0x3E80  }
0x254: {  	[sflag:s11] =	ssyncset.done $0x0  }
0x255: {  	[sflag:s11] =	ssyncadd.s32 $0xFFFFC180  }
0x256: {  	_ =	swait.ge [sflag:s9], $0x3E80  }
0x257: {  	[sflag:s9] =	ssyncset.done $0x0  }
0x258: {  	s3 =	simm.s32 $0xB80;
	[sflag:s9] =	ssyncadd.s32 $0xFFFFC180  }
0x259: {  	[tilespmem:s12], [sflag:$0x1] =	stream.indirect.gather [hbm4b:s4+s8], $0x80, s3, s8, $0xb8;
	[tilespmem:$0x1E000] =	vst v63  }
0x25a: {  	s3 =	simm.s32 $0x1B00  }
0x25b: {  	[spmem:s2] =	stream.indirect.scatter.add.f32 [tilespmem:s10], [sflag:$0x2], $0x80, s3, s8, $0xb8;
	[tilespmem:$0x1E000] =	vst v63  }
0x25c: {  	_ =	swait.ge [sflag:s11], $0x3E80  }
0x25d: {  	[sflag:s11] =	ssyncset.done $0x0  }
0x25e: {  	[sflag:s11] =	ssyncadd.s32 $0xFFFFC180  }
0x25f: {  	_ =	swait.ge [sflag:s7], $0x3E80  }
0x260: {  	[sflag:s7] =	ssyncset.done $0x0  }
0x261: {  	s14 =	simm.s32 $0xC00;
	[sflag:s7] =	ssyncadd.s32 $0xFFFFC180  }
0x262: {  	[tilespmem:s10], [sflag:$0x1] =	stream.indirect.gather [hbm4b:s4+s8], $0x80, s14, s8, $0xb8;
	[tilespmem:$0x1E000] =	vst v63  }
0x263: {  	s15 =	simm.s32 $0x1B80  }
0x264: {  	[spmem:s2] =	stream.indirect.scatter.add.f32 [tilespmem:s12], [sflag:$0x3], $0x80, s15, s8, $0xb8;
	[tilespmem:$0x1E000] =	vst v63  }
0x265: {  	_ =	swait.ge [sflag:s11], $0x3E80  }
0x266: {  	[sflag:s11] =	ssyncset.done $0x0  }
0x267: {  	[sflag:s11] =	ssyncadd.s32 $0xFFFFC180  }
0x268: {  	_ =	swait.ge [sflag:s9], $0x3E80  }
0x269: {  	[sflag:s9] =	ssyncset.done $0x0  }
0x26a: {  	s18 =	simm.s32 $0xC80;
	[sflag:s9] =	ssyncadd.s32 $0xFFFFC180  }
0x26b: {  	[tilespmem:s12], [sflag:$0x1] =	stream.indirect.gather [hbm4b:s4+s8], $0x80, s18, s8, $0xb8;
	[tilespmem:$0x1E000] =	vst v63  }
0x26c: {  	s14 =	simm.s32 $0x1C00  }
0x26d: {  	[spmem:s2] =	stream.indirect.scatter.add.f32 [tilespmem:s10], [sflag:$0x2], $0x80, s14, s8, $0xb8;
	[tilespmem:$0x1E000] =	vst v63  }
0x26e: {  	_ =	swait.ge [sflag:s11], $0x3E80  }
0x26f: {  	[sflag:s11] =	ssyncset.done $0x0  }
0x270: {  	s15 =	simm.s32 $0x1C80;
	[sflag:s11] =	ssyncadd.s32 $0xFFFFC180  }
0x271: {  	[spmem:s2] =	stream.indirect.scatter.add.f32 [tilespmem:s12], [sflag:$0x3], $0x80, s15, s8, $0xb8;
	[tilespmem:$0x1E000] =	vst v63  }
0x272: {  	_ =	swait.ge [sflag:s6], $0x500  }
0x273: {  	[sflag:s6] =	ssyncset.done $0x0  }
0x274: {  	[sflag:s6] =	ssyncadd.s32 $0xFFFFFB00  }
0x275: {  	_ =	swait.ge [sflag:s6], $0x500  }
0x276: {  	[sflag:s6] =	ssyncset.done $0x0  }
0x277: {  	[sflag:s6] =	ssyncadd.s32 $0xFFFFFB00  }
0x278: {  	_ =	swait.ge [sflag:s7], $0x3E80  }
0x279: {  	[sflag:s7] =	ssyncset.done $0x0  }
0x27a: {  	[sflag:s7] =	ssyncadd.s32 $0xFFFFC180  }
0x27b: {  	[tilespmem:s10], [sflag:$0x1] =	stream.indirect.gather [hbm4b:s4+s8], $0x80, s30, s8, $0xb8;
	[tilespmem:$0x1E000] =	vst v63  }
0x27c: {  	_ =	swait.ge [sflag:s9], $0x3E80  }
0x27d: {  	[sflag:s9] =	ssyncset.done $0x0  }
0x27e: {  	s0 =	rddreg [dreg:$0x15];
	[sflag:s9] =	ssyncadd.s32 $0xFFFFC180  }
0x27f: {  	[tilespmem:s20], [sflag:$0x4] =	stream.linear.gather [hbm4b:s0+s30], $0x500, $0x38;
	[tilespmem:$0x1E000] =	vst v63  }
0x280: {  	s15 =	rddreg [dreg:$0x16]  }
0x281: {  	[tilespmem:s25], [sflag:$0x4] =	stream.linear.gather [hbm4b:s15+s30], $0x500, $0x38;
	[tilespmem:$0x1E000] =	vst v63  }
0x282: {  	_ =	swait.ge [sflag:s11], $0x3E80  }
0x283: {  	[sflag:s11] =	ssyncset.done $0x0  }
0x284: {  	s20 =	simm.s32 $0x80;
	[sflag:s11] =	ssyncadd.s32 $0xFFFFC180  }
0x285: {  	[tilespmem:s12], [sflag:$0x1] =	stream.indirect.gather [hbm4b:s4+s8], $0x80, s20, s8, $0xb8;
	[tilespmem:$0x1E000] =	vst v63  }
0x286: {  	s0 =	simm.s32 $0x1000  }
0x287: {  	[spmem:s2] =	stream.indirect.scatter.add.f32 [tilespmem:s10], [sflag:$0x2], $0x80, s0, s8, $0xb8;
	[tilespmem:$0x1E000] =	vst v63  }
0x288: {  	_ =	swait.ge [sflag:s11], $0x3E80  }
0x289: {  	[sflag:s11] =	ssyncset.done $0x0  }
0x28a: {  	[sflag:s11] =	ssyncadd.s32 $0xFFFFC180  }
0x28b: {  	_ =	swait.ge [sflag:s7], $0x3E80  }
0x28c: {  	[sflag:s7] =	ssyncset.done $0x0  }
0x28d: {  	s15 =	simm.s32 $0x100;
	[sflag:s7] =	ssyncadd.s32 $0xFFFFC180  }
0x28e: {  	[tilespmem:s10], [sflag:$0x1] =	stream.indirect.gather [hbm4b:s4+s8], $0x80, s15, s8, $0xb8;
	[tilespmem:$0x1E000] =	vst v63  }
0x28f: {  	s20 =	simm.s32 $0x1080  }
0x290: {  	[spmem:s2] =	stream.indirect.scatter.add.f32 [tilespmem:s12], [sflag:$0x3], $0x80, s20, s8, $0xb8;
	[tilespmem:$0x1E000] =	vst v63  }
0x291: {  	_ =	swait.ge [sflag:s11], $0x3E80  }
0x292: {  	[sflag:s11] =	ssyncset.done $0x0  }
0x293: {  	[sflag:s11] =	ssyncadd.s32 $0xFFFFC180  }
0x294: {  	_ =	swait.ge [sflag:s9], $0x3E80  }
0x295: {  	[sflag:s9] =	ssyncset.done $0x0  }
0x296: {  	s15 =	simm.s32 $0x180;
	[sflag:s9] =	ssyncadd.s32 $0xFFFFC180  }
0x297: {  	[tilespmem:s12], [sflag:$0x1] =	stream.indirect.gather [hbm4b:s4+s8], $0x80, s15, s8, $0xb8;
	[tilespmem:$0x1E000] =	vst v63  }
0x298: {  	s20 =	simm.s32 $0x1100  }
0x299: {  	[spmem:s2] =	stream.indirect.scatter.add.f32 [tilespmem:s10], [sflag:$0x2], $0x80, s20, s8, $0xb8;
	[tilespmem:$0x1E000] =	vst v63  }
0x29a: {  	_ =	swait.ge [sflag:s11], $0x3E80  }
0x29b: {  	[sflag:s11] =	ssyncset.done $0x0  }
0x29c: {  	[sflag:s11] =	ssyncadd.s32 $0xFFFFC180  }
0x29d: {  	_ =	swait.ge [sflag:s7], $0x3E80  }
0x29e: {  	[sflag:s7] =	ssyncset.done $0x0  }
0x29f: {  	s22 =	simm.s32 $0x200;
	[sflag:s7] =	ssyncadd.s32 $0xFFFFC180  }
0x2a0: {  	[tilespmem:s10], [sflag:$0x1] =	stream.indirect.gather [hbm4b:s4+s8], $0x80, s22, s8, $0xb8;
	[tilespmem:$0x1E000] =	vst v63  }
0x2a1: {  	s22 =	simm.s32 $0x1180  }
0x2a2: {  	[spmem:s2] =	stream.indirect.scatter.add.f32 [tilespmem:s12], [sflag:$0x3], $0x80, s22, s8, $0xb8;
	[tilespmem:$0x1E000] =	vst v63  }
0x2a3: {  	_ =	swait.ge [sflag:s11], $0x3E80  }
0x2a4: {  	[sflag:s11] =	ssyncset.done $0x0  }
0x2a5: {  	[sflag:s11] =	ssyncadd.s32 $0xFFFFC180  }
0x2a6: {  	_ =	swait.ge [sflag:s9], $0x3E80  }
0x2a7: {  	[sflag:s9] =	ssyncset.done $0x0  }
0x2a8: {  	s15 =	simm.s32 $0x280;
	[sflag:s9] =	ssyncadd.s32 $0xFFFFC180  }
0x2a9: {  	[tilespmem:s12], [sflag:$0x1] =	stream.indirect.gather [hbm4b:s4+s8], $0x80, s15, s8, $0xb8;
	[tilespmem:$0x1E000] =	vst v63  }
0x2aa: {  	s20 =	simm.s32 $0x1200  }
0x2ab: {  	[spmem:s2] =	stream.indirect.scatter.add.f32 [tilespmem:s10], [sflag:$0x2], $0x80, s20, s8, $0xb8;
	[tilespmem:$0x1E000] =	vst v63  }
0x2ac: {  	_ =	swait.ge [sflag:s11], $0x3E80  }
0x2ad: {  	[sflag:s11] =	ssyncset.done $0x0  }
0x2ae: {  	[sflag:s11] =	ssyncadd.s32 $0xFFFFC180  }
0x2af: {  	_ =	swait.ge [sflag:s7], $0x3E80  }
0x2b0: {  	[sflag:s7] =	ssyncset.done $0x0  }
0x2b1: {  	s22 =	simm.s32 $0x300;
	[sflag:s7] =	ssyncadd.s32 $0xFFFFC180  }
0x2b2: {  	[tilespmem:s10], [sflag:$0x1] =	stream.indirect.gather [hbm4b:s4+s8], $0x80, s22, s8, $0xb8;
	[tilespmem:$0x1E000] =	vst v63  }
0x2b3: {  	s15 =	simm.s32 $0x1280  }
0x2b4: {  	[spmem:s2] =	stream.indirect.scatter.add.f32 [tilespmem:s12], [sflag:$0x3], $0x80, s15, s8, $0xb8;
	[tilespmem:$0x1E000] =	vst v63  }
0x2b5: {  	_ =	swait.ge [sflag:s11], $0x3E80  }
0x2b6: {  	[sflag:s11] =	ssyncset.done $0x0  }
0x2b7: {  	[sflag:s11] =	ssyncadd.s32 $0xFFFFC180  }
0x2b8: {  	_ =	swait.ge [sflag:s9], $0x3E80  }
0x2b9: {  	[sflag:s9] =	ssyncset.done $0x0  }
0x2ba: {  	s20 =	simm.s32 $0x380;
	[sflag:s9] =	ssyncadd.s32 $0xFFFFC180  }
0x2bb: {  	[tilespmem:s12], [sflag:$0x1] =	stream.indirect.gather [hbm4b:s4+s8], $0x80, s20, s8, $0xb8;
	[tilespmem:$0x1E000] =	vst v63  }
0x2bc: {  	s22 =	simm.s32 $0x1300  }
0x2bd: {  	[spmem:s2] =	stream.indirect.scatter.add.f32 [tilespmem:s10], [sflag:$0x2], $0x80, s22, s8, $0xb8;
	[tilespmem:$0x1E000] =	vst v63  }
0x2be: {  	_ =	swait.ge [sflag:s11], $0x3E80  }
0x2bf: {  	[sflag:s11] =	ssyncset.done $0x0  }
0x2c0: {  	[sflag:s11] =	ssyncadd.s32 $0xFFFFC180  }
0x2c1: {  	_ =	swait.ge [sflag:s7], $0x3E80  }
0x2c2: {  	[sflag:s7] =	ssyncset.done $0x0  }
0x2c3: {  	s15 =	simm.s32 $0x400;
	[sflag:s7] =	ssyncadd.s32 $0xFFFFC180  }
0x2c4: {  	[tilespmem:s10], [sflag:$0x1] =	stream.indirect.gather [hbm4b:s4+s8], $0x80, s15, s8, $0xb8;
	[tilespmem:$0x1E000] =	vst v63  }
0x2c5: {  	s20 =	simm.s32 $0x1380  }
0x2c6: {  	[spmem:s2] =	stream.indirect.scatter.add.f32 [tilespmem:s12], [sflag:$0x3], $0x80, s20, s8, $0xb8;
	[tilespmem:$0x1E000] =	vst v63  }
0x2c7: {  	_ =	swait.ge [sflag:s11], $0x3E80  }
0x2c8: {  	[sflag:s11] =	ssyncset.done $0x0  }
0x2c9: {  	[sflag:s11] =	ssyncadd.s32 $0xFFFFC180  }
0x2ca: {  	_ =	swait.ge [sflag:s9], $0x3E80  }
0x2cb: {  	[sflag:s9] =	ssyncset.done $0x0  }
0x2cc: {  	s22 =	simm.s32 $0x480;
	[sflag:s9] =	ssyncadd.s32 $0xFFFFC180  }
0x2cd: {  	[tilespmem:s12], [sflag:$0x1] =	stream.indirect.gather [hbm4b:s4+s8], $0x80, s22, s8, $0xb8;
	[tilespmem:$0x1E000] =	vst v63  }
0x2ce: {  	s15 =	simm.s32 $0x1400  }
0x2cf: {  	[spmem:s2] =	stream.indirect.scatter.add.f32 [tilespmem:s10], [sflag:$0x2], $0x80, s15, s8, $0xb8;
	[tilespmem:$0x1E000] =	vst v63  }
0x2d0: {  	_ =	swait.ge [sflag:s11], $0x3E80  }
0x2d1: {  	[sflag:s11] =	ssyncset.done $0x0  }
0x2d2: {  	s20 =	simm.s32 $0x1480;
	[sflag:s11] =	ssyncadd.s32 $0xFFFFC180  }
0x2d3: {  	[spmem:s2] =	stream.indirect.scatter.add.f32 [tilespmem:s12], [sflag:$0x3], $0x80, s20, s8, $0xb8;
	[tilespmem:$0x1E000] =	vst v63  }
0x2d4: {  	_ =	swait.ge [sflag:s6], $0x500  }
0x2d5: {  	[sflag:s6] =	ssyncset.done $0x0  }
0x2d6: {  	[sflag:s6] =	ssyncadd.s32 $0xFFFFFB00  }
0x2d7: {  	_ =	swait.ge [sflag:s6], $0x500  }
0x2d8: {  	[sflag:s6] =	ssyncset.done $0x0  }
0x2d9: {  	[sflag:s6] =	ssyncadd.s32 $0xFFFFFB00  }
0x2da: {  	_ =	swait.ge [sflag:s7], $0x3E80  }
0x2db: {  	[sflag:s7] =	ssyncset.done $0x0  }
0x2dc: {  	s25 =	simm.s32 $0x800;
	[sflag:s7] =	ssyncadd.s32 $0xFFFFC180  }
0x2dd: {  	[tilespmem:s10], [sflag:$0x1] =	stream.indirect.gather [hbm4b:s4+s8], $0x80, s25, s8, $0xb8;
	[tilespmem:$0x1E000] =	vst v63  }
0x2de: {  	_ =	swait.ge [sflag:s9], $0x3E80  }
0x2df: {  	[sflag:s9] =	ssyncset.done $0x0  }
0x2e0: {  	[sflag:s9] =	ssyncadd.s32 $0xFFFFC180  }
0x2e1: {  	_ =	swait.ge [sflag:s11], $0x3E80  }
0x2e2: {  	[sflag:s11] =	ssyncset.done $0x0  }
0x2e3: {  	s21 =	simm.s32 $0x880;
	[sflag:s11] =	ssyncadd.s32 $0xFFFFC180  }
0x2e4: {  	[tilespmem:s12], [sflag:$0x1] =	stream.indirect.gather [hbm4b:s4+s8], $0x80, s21, s8, $0xb8;
	[tilespmem:$0x1E000] =	vst v63  }
0x2e5: {  	s22 =	simm.s32 $0x1800  }
0x2e6: {  	[spmem:s2] =	stream.indirect.scatter.add.f32 [tilespmem:s10], [sflag:$0x2], $0x80, s22, s8, $0xb8;
	[tilespmem:$0x1E000] =	vst v63  }
0x2e7: {  	_ =	swait.ge [sflag:s11], $0x3E80  }
0x2e8: {  	[sflag:s11] =	ssyncset.done $0x0  }
0x2e9: {  	[sflag:s11] =	ssyncadd.s32 $0xFFFFC180  }
0x2ea: {  	_ =	swait.ge [sflag:s7], $0x3E80  }
0x2eb: {  	[sflag:s7] =	ssyncset.done $0x0  }
0x2ec: {  	s29 =	simm.s32 $0x900;
	[sflag:s7] =	ssyncadd.s32 $0xFFFFC180  }
0x2ed: {  	[tilespmem:s10], [sflag:$0x1] =	stream.indirect.gather [hbm4b:s4+s8], $0x80, s29, s8, $0xb8;
	[tilespmem:$0x1E000] =	vst v63  }
0x2ee: {  	s23 =	simm.s32 $0x1880  }
0x2ef: {  	[spmem:s2] =	stream.indirect.scatter.add.f32 [tilespmem:s12], [sflag:$0x3], $0x80, s23, s8, $0xb8;
	[tilespmem:$0x1E000] =	vst v63  }
0x2f0: {  	_ =	swait.ge [sflag:s11], $0x3E80  }
0x2f1: {  	[sflag:s11] =	ssyncset.done $0x0  }
0x2f2: {  	[sflag:s11] =	ssyncadd.s32 $0xFFFFC180  }
0x2f3: {  	_ =	swait.ge [sflag:s9], $0x3E80  }
0x2f4: {  	[sflag:s9] =	ssyncset.done $0x0  }
0x2f5: {  	s31 =	simm.s32 $0x980;
	[sflag:s9] =	ssyncadd.s32 $0xFFFFC180  }
0x2f6: {  	[tilespmem:s12], [sflag:$0x1] =	stream.indirect.gather [hbm4b:s4+s8], $0x80, s31, s8, $0xb8;
	[tilespmem:$0x1E000] =	vst v63  }
0x2f7: {  	s1 =	simm.s32 $0x1900  }
0x2f8: {  	[spmem:s2] =	stream.indirect.scatter.add.f32 [tilespmem:s10], [sflag:$0x2], $0x80, s1, s8, $0xb8;
	[tilespmem:$0x1E000] =	vst v63  }
0x2f9: {  	_ =	swait.ge [sflag:s11], $0x3E80  }
0x2fa: {  	[sflag:s11] =	ssyncset.done $0x0  }
0x2fb: {  	[sflag:s11] =	ssyncadd.s32 $0xFFFFC180  }
0x2fc: {  	_ =	swait.ge [sflag:s7], $0x3E80  }
0x2fd: {  	[sflag:s7] =	ssyncset.done $0x0  }
0x2fe: {  	s19 =	simm.s32 $0xA00;
	[sflag:s7] =	ssyncadd.s32 $0xFFFFC180  }
0x2ff: {  	[tilespmem:s10], [sflag:$0x1] =	stream.indirect.gather [hbm4b:s4+s8], $0x80, s19, s8, $0xb8;
	[tilespmem:$0x1E000] =	vst v63  }
0x300: {  	s24 =	simm.s32 $0x1980  }
0x301: {  	[spmem:s2] =	stream.indirect.scatter.add.f32 [tilespmem:s12], [sflag:$0x3], $0x80, s24, s8, $0xb8;
	[tilespmem:$0x1E000] =	vst v63  }
0x302: {  	_ =	swait.ge [sflag:s11], $0x3E80  }
0x303: {  	[sflag:s11] =	ssyncset.done $0x0  }
0x304: {  	[sflag:s11] =	ssyncadd.s32 $0xFFFFC180  }
0x305: {  	_ =	swait.ge [sflag:s9], $0x3E80  }
0x306: {  	[sflag:s9] =	ssyncset.done $0x0  }
0x307: {  	s17 =	simm.s32 $0xA80;
	[sflag:s9] =	ssyncadd.s32 $0xFFFFC180  }
0x308: {  	[tilespmem:s12], [sflag:$0x1] =	stream.indirect.gather [hbm4b:s4+s8], $0x80, s17, s8, $0xb8;
	[tilespmem:$0x1E000] =	vst v63  }
0x309: {  	s26 =	simm.s32 $0x1A00  }
0x30a: {  	[spmem:s2] =	stream.indirect.scatter.add.f32 [tilespmem:s10], [sflag:$0x2], $0x80, s26, s8, $0xb8;
	[tilespmem:$0x1E000] =	vst v63  }
0x30b: {  	_ =	swait.ge [sflag:s11], $0x3E80  }
0x30c: {  	[sflag:s11] =	ssyncset.done $0x0  }
0x30d: {  	[sflag:s11] =	ssyncadd.s32 $0xFFFFC180  }
0x30e: {  	_ =	swait.ge [sflag:s7], $0x3E80  }
0x30f: {  	[sflag:s7] =	ssyncset.done $0x0  }
0x310: {  	s16 =	simm.s32 $0xB00;
	[sflag:s7] =	ssyncadd.s32 $0xFFFFC180  }
0x311: {  	[tilespmem:s10], [sflag:$0x1] =	stream.indirect.gather [hbm4b:s4+s8], $0x80, s16, s8, $0xb8;
	[tilespmem:$0x1E000] =	vst v63  }
0x312: {  	s28 =	simm.s32 $0x1A80  }
0x313: {  	[spmem:s2] =	stream.indirect.scatter.add.f32 [tilespmem:s12], [sflag:$0x3], $0x80, s28, s8, $0xb8;
	[tilespmem:$0x1E000] =	vst v63  }
0x314: {  	_ =	swait.ge [sflag:s11], $0x3E80  }
0x315: {  	[sflag:s11] =	ssyncset.done $0x0  }
0x316: {  	[sflag:s11] =	ssyncadd.s32 $0xFFFFC180  }
0x317: {  	_ =	swait.ge [sflag:s9], $0x3E80  }
0x318: {  	[sflag:s9] =	ssyncset.done $0x0  }
0x319: {  	s13 =	simm.s32 $0xB80;
	[sflag:s9] =	ssyncadd.s32 $0xFFFFC180  }
0x31a: {  	[tilespmem:s12], [sflag:$0x1] =	stream.indirect.gather [hbm4b:s4+s8], $0x80, s13, s8, $0xb8;
	[tilespmem:$0x1E000] =	vst v63  }
0x31b: {  	s21 =	simm.s32 $0x1B00  }
0x31c: {  	[spmem:s2] =	stream.indirect.scatter.add.f32 [tilespmem:s10], [sflag:$0x2], $0x80, s21, s8, $0xb8;
	[tilespmem:$0x1E000] =	vst v63  }
0x31d: {  	_ =	swait.ge [sflag:s11], $0x3E80  }
0x31e: {  	[sflag:s11] =	ssyncset.done $0x0  }
0x31f: {  	[sflag:s11] =	ssyncadd.s32 $0xFFFFC180  }
0x320: {  	_ =	swait.ge [sflag:s7], $0x3E80  }
0x321: {  	[sflag:s7] =	ssyncset.done $0x0  }
0x322: {  	s3 =	simm.s32 $0xC00;
	[sflag:s7] =	ssyncadd.s32 $0xFFFFC180  }
0x323: {  	[tilespmem:s10], [sflag:$0x1] =	stream.indirect.gather [hbm4b:s4+s8], $0x80, s3, s8, $0xb8;
	[tilespmem:$0x1E000] =	vst v63  }
0x324: {  	s23 =	simm.s32 $0x1B80  }
0x325: {  	[spmem:s2] =	stream.indirect.scatter.add.f32 [tilespmem:s12], [sflag:$0x3], $0x80, s23, s8, $0xb8;
	[tilespmem:$0x1E000] =	vst v63  }
0x326: {  	_ =	swait.ge [sflag:s11], $0x3E80  }
0x327: {  	[sflag:s11] =	ssyncset.done $0x0  }
0x328: {  	[sflag:s11] =	ssyncadd.s32 $0xFFFFC180  }
0x329: {  	_ =	swait.ge [sflag:s9], $0x3E80  }
0x32a: {  	[sflag:s9] =	ssyncset.done $0x0  }
0x32b: {  	s18 =	simm.s32 $0xC80;
	[sflag:s9] =	ssyncadd.s32 $0xFFFFC180  }
0x32c: {  	[tilespmem:s12], [sflag:$0x1] =	stream.indirect.gather [hbm4b:s4+s8], $0x80, s18, s8, $0xb8;
	[tilespmem:$0x1E000] =	vst v63  }
0x32d: {  	s24 =	simm.s32 $0x1C00  }
0x32e: {  	[spmem:s2] =	stream.indirect.scatter.add.f32 [tilespmem:s10], [sflag:$0x2], $0x80, s24, s8, $0xb8;
	[tilespmem:$0x1E000] =	vst v63  }
0x32f: {  	_ =	swait.ge [sflag:s11], $0x3E80  }
0x330: {  	[sflag:s11] =	ssyncset.done $0x0  }
0x331: {  	s26 =	simm.s32 $0x1C80;
	[sflag:s11] =	ssyncadd.s32 $0xFFFFC180  }
0x332: {  	[spmem:s2] =	stream.indirect.scatter.add.f32 [tilespmem:s12], [sflag:$0x3], $0x80, s26, s8, $0xb8;
	[tilespmem:$0x1E000] =	vst v63  }
0x333: {  	_ =	swait.ge [sflag:s7], $0x3E80  }
0x334: {  	[sflag:s7] =	ssyncset.done $0x0  }
0x335: {  	[sflag:s7] =	ssyncadd.s32 $0xFFFFC180  }
0x336: {  	_ =	swait.ge [sflag:s9], $0x3E80  }
0x337: {  	[sflag:s9] =	ssyncset.done $0x0  }
0x338: {  	[sflag:s9] =	ssyncadd.s32 $0xFFFFC180  }
0x339: {  	[bflag:$0x0] =	sbarrier.arrive $0xFFFF  }
0x33a: {  	s28 =	rddreg [dreg:$0x17]  }
0x33b: {  	s29 =	rddreg [dreg:$0x1a]  }
0x33c: {  	s31 =	rddreg [dreg:$0x18];
	s1 =	sor.u32 $0x1C05, s29  }
0x33d: {  	[dreg:$0x19] =	wrdreg s1  }
0x33e: {  	[hbm:s28], [sflag:s1] =	dma.local [spmem:s31], $0x2800  }
0x33f: {  	s1 =	rddreg [dreg:$0x1b]  }
0x340: {  	p1 =	sne.s32 s1, $0x1  }
.Ltmp1:
0x341: {  	_ = 	snop;
	(pc) =	sbr.rel @!p1 .LBB2_3-.Ltmp1, $4  }
0x342: {  	_ = 	snop  }
0x343: {  	s5 =	simm.s32 $0x5  }
0x344: {  	p0 =	por $0x1, $0x1;
	_ =	swait.ge [sflag:s5], $0x2800  }
0x345: {  	s14 =	sadd.s32 $0xFFFFFFFF, s1;
	s15 =	rddreg [dreg:$0x5];
	[sflag:s5] =	ssyncset.done $0x0  }
.LBB2_4:
0x346: {  	s16 =	rddreg [dreg:$0x6]  }
0x347: {  	[sflag:s5] =	ssyncadd.s32 $0xFFFFD800;
	s1 =	rddreg [dreg:$0x18]  }
0x348: {  	[spmem:s1], [sflag:s16] =	dma.local [hbm:s15], $0x2800  }
0x349: {  	s15 =	rddreg [dreg:$0x7]  }
0x34a: {  	[tilespmem:s30], [sflag:$0x5] =	stream.linear.gather [hbm4b:s15+s30], $0x500, $0x38;
	[tilespmem:$0x1E000] =	vst v63  }
0x34b: {  	_ =	swait.ge [sflag:s5], $0x500  }
0x34c: {  	[sflag:s5] =	ssyncset.done $0x0  }
0x34d: {  	s16 =	rddreg [dreg:$0x8];
	[sflag:s5] =	ssyncadd.s32 $0xFFFFFB00  }
0x34e: {  	[tilespmem:s0], [sflag:$0x5] =	stream.linear.gather [hbm4b:s16+s30], $0x500, $0x38;
	[tilespmem:$0x1E000] =	vst v63  }
0x34f: {  	_ =	swait.ge [sflag:s5], $0x500  }
0x350: {  	[sflag:s5] =	ssyncset.done $0x0  }
0x351: {  	[sflag:s5] =	ssyncadd.s32 $0xFFFFFB00  }
0x352: {  	[tilespmem:s10], [sflag:$0x1] =	stream.indirect.gather [hbm4b:s4+s8], $0x80, s30, s8, $0xb8;
	[tilespmem:$0x1E000] =	vst v63  }
0x353: {  	_ =	swait.ge [sflag:s7], $0x2800  }
0x354: {  	[sflag:s7] =	ssyncset.done $0x0  }
0x355: {  	[sflag:s7] =	ssyncadd.s32 $0xFFFFD800  }
0x356: {  	[bflag:$0x0] =	sbarrier.arrive $0xFFFF  }
0x357: {  	s17 =	rddreg [dreg:$0x9]  }
0x358: {  	[tilespmem:s25], [sflag:$0x4] =	stream.linear.gather [hbm4b:s17+s30], $0x500, $0x38;
	[tilespmem:$0x1E000] =	vst v63  }
0x359: {  	s18 =	rddreg [dreg:$0xa]  }
0x35a: {  	[tilespmem:s22], [sflag:$0x4] =	stream.linear.gather [hbm4b:s18+s30], $0x500, $0x38;
	[tilespmem:$0x1E000] =	vst v63  }
0x35b: {  	_ =	swait.ge [sflag:s11], $0x3E80  }
0x35c: {  	[sflag:s11] =	ssyncset.done $0x0  }
0x35d: {  	s19 =	simm.s32 $0x80;
	[sflag:s11] =	ssyncadd.s32 $0xFFFFC180  }
0x35e: {  	[tilespmem:s12], [sflag:$0x1] =	stream.indirect.gather [hbm4b:s4+s8], $0x80, s19, s8, $0xb8;
	[tilespmem:$0x1E000] =	vst v63  }
0x35f: {  	_ = 	snop  }
0x360: {  	[spmem:s2] =	stream.indirect.scatter.add.f32 [tilespmem:s10], [sflag:$0x2], $0x80, s0, s8, $0xb8;
	[tilespmem:$0x1E000] =	vst v63  }
0x361: {  	_ =	swait.ge [sflag:s11], $0x3E80  }
0x362: {  	[sflag:s11] =	ssyncset.done $0x0  }
0x363: {  	[sflag:s11] =	ssyncadd.s32 $0xFFFFC180  }
0x364: {  	_ =	swait.ge [sflag:s7], $0x3E80  }
0x365: {  	[sflag:s7] =	ssyncset.done $0x0  }
0x366: {  	s20 =	simm.s32 $0x100;
	[sflag:s7] =	ssyncadd.s32 $0xFFFFC180  }
0x367: {  	[tilespmem:s10], [sflag:$0x1] =	stream.indirect.gather [hbm4b:s4+s8], $0x80, s20, s8, $0xb8;
	[tilespmem:$0x1E000] =	vst v63  }
0x368: {  	s21 =	simm.s32 $0x1080  }
0x369: {  	[spmem:s2] =	stream.indirect.scatter.add.f32 [tilespmem:s12], [sflag:$0x3], $0x80, s21, s8, $0xb8;
	[tilespmem:$0x1E000] =	vst v63  }
0x36a: {  	_ =	swait.ge [sflag:s11], $0x3E80  }
0x36b: {  	[sflag:s11] =	ssyncset.done $0x0  }
0x36c: {  	[sflag:s11] =	ssyncadd.s32 $0xFFFFC180  }
0x36d: {  	_ =	swait.ge [sflag:s9], $0x3E80  }
0x36e: {  	[sflag:s9] =	ssyncset.done $0x0  }
0x36f: {  	s22 =	simm.s32 $0x180;
	[sflag:s9] =	ssyncadd.s32 $0xFFFFC180  }
0x370: {  	[tilespmem:s12], [sflag:$0x1] =	stream.indirect.gather [hbm4b:s4+s8], $0x80, s22, s8, $0xb8;
	[tilespmem:$0x1E000] =	vst v63  }
0x371: {  	s23 =	simm.s32 $0x1100  }
0x372: {  	[spmem:s2] =	stream.indirect.scatter.add.f32 [tilespmem:s10], [sflag:$0x2], $0x80, s23, s8, $0xb8;
	[tilespmem:$0x1E000] =	vst v63  }
0x373: {  	_ =	swait.ge [sflag:s11], $0x3E80  }
0x374: {  	[sflag:s11] =	ssyncset.done $0x0  }
0x375: {  	[sflag:s11] =	ssyncadd.s32 $0xFFFFC180  }
0x376: {  	_ =	swait.ge [sflag:s7], $0x3E80  }
0x377: {  	[sflag:s7] =	ssyncset.done $0x0  }
0x378: {  	s24 =	simm.s32 $0x200;
	[sflag:s7] =	ssyncadd.s32 $0xFFFFC180  }
0x379: {  	[tilespmem:s10], [sflag:$0x1] =	stream.indirect.gather [hbm4b:s4+s8], $0x80, s24, s8, $0xb8;
	[tilespmem:$0x1E000] =	vst v63  }
0x37a: {  	s25 =	simm.s32 $0x1180  }
0x37b: {  	[spmem:s2] =	stream.indirect.scatter.add.f32 [tilespmem:s12], [sflag:$0x3], $0x80, s25, s8, $0xb8;
	[tilespmem:$0x1E000] =	vst v63  }
0x37c: {  	_ =	swait.ge [sflag:s11], $0x3E80  }
0x37d: {  	[sflag:s11] =	ssyncset.done $0x0  }
0x37e: {  	[sflag:s11] =	ssyncadd.s32 $0xFFFFC180  }
0x37f: {  	_ =	swait.ge [sflag:s9], $0x3E80  }
0x380: {  	[sflag:s9] =	ssyncset.done $0x0  }
0x381: {  	s26 =	simm.s32 $0x280;
	[sflag:s9] =	ssyncadd.s32 $0xFFFFC180  }
0x382: {  	[tilespmem:s12], [sflag:$0x1] =	stream.indirect.gather [hbm4b:s4+s8], $0x80, s26, s8, $0xb8;
	[tilespmem:$0x1E000] =	vst v63  }
0x383: {  	s28 =	simm.s32 $0x1200  }
0x384: {  	[spmem:s2] =	stream.indirect.scatter.add.f32 [tilespmem:s10], [sflag:$0x2], $0x80, s28, s8, $0xb8;
	[tilespmem:$0x1E000] =	vst v63  }
0x385: {  	_ =	swait.ge [sflag:s11], $0x3E80  }
0x386: {  	[sflag:s11] =	ssyncset.done $0x0  }
0x387: {  	[sflag:s11] =	ssyncadd.s32 $0xFFFFC180  }
0x388: {  	_ =	swait.ge [sflag:s7], $0x3E80  }
0x389: {  	[sflag:s7] =	ssyncset.done $0x0  }
0x38a: {  	s29 =	simm.s32 $0x300;
	[sflag:s7] =	ssyncadd.s32 $0xFFFFC180  }
0x38b: {  	[tilespmem:s10], [sflag:$0x1] =	stream.indirect.gather [hbm4b:s4+s8], $0x80, s29, s8, $0xb8;
	[tilespmem:$0x1E000] =	vst v63  }
0x38c: {  	s1 =	simm.s32 $0x1280  }
0x38d: {  	[spmem:s2] =	stream.indirect.scatter.add.f32 [tilespmem:s12], [sflag:$0x3], $0x80, s1, s8, $0xb8;
	[tilespmem:$0x1E000] =	vst v63  }
0x38e: {  	_ =	swait.ge [sflag:s11], $0x3E80  }
0x38f: {  	[sflag:s11] =	ssyncset.done $0x0  }
0x390: {  	[sflag:s11] =	ssyncadd.s32 $0xFFFFC180  }
0x391: {  	_ =	swait.ge [sflag:s9], $0x3E80  }
0x392: {  	[sflag:s9] =	ssyncset.done $0x0  }
0x393: {  	s3 =	simm.s32 $0x380;
	[sflag:s9] =	ssyncadd.s32 $0xFFFFC180  }
0x394: {  	[tilespmem:s12], [sflag:$0x1] =	stream.indirect.gather [hbm4b:s4+s8], $0x80, s3, s8, $0xb8;
	[tilespmem:$0x1E000] =	vst v63  }
0x395: {  	s5 =	simm.s32 $0x1300  }
0x396: {  	[spmem:s2] =	stream.indirect.scatter.add.f32 [tilespmem:s10], [sflag:$0x2], $0x80, s5, s8, $0xb8;
	[tilespmem:$0x1E000] =	vst v63  }
0x397: {  	_ =	swait.ge [sflag:s11], $0x3E80  }
0x398: {  	[sflag:s11] =	ssyncset.done $0x0  }
0x399: {  	[sflag:s11] =	ssyncadd.s32 $0xFFFFC180  }
0x39a: {  	_ =	swait.ge [sflag:s7], $0x3E80  }
0x39b: {  	[sflag:s7] =	ssyncset.done $0x0  }
0x39c: {  	s15 =	simm.s32 $0x400;
	[sflag:s7] =	ssyncadd.s32 $0xFFFFC180  }
0x39d: {  	[tilespmem:s10], [sflag:$0x1] =	stream.indirect.gather [hbm4b:s4+s8], $0x80, s15, s8, $0xb8;
	[tilespmem:$0x1E000] =	vst v63  }
0x39e: {  	s16 =	simm.s32 $0x1380  }
0x39f: {  	[spmem:s2] =	stream.indirect.scatter.add.f32 [tilespmem:s12], [sflag:$0x3], $0x80, s16, s8, $0xb8;
	[tilespmem:$0x1E000] =	vst v63  }
0x3a0: {  	_ =	swait.ge [sflag:s11], $0x3E80  }
0x3a1: {  	[sflag:s11] =	ssyncset.done $0x0  }
0x3a2: {  	[sflag:s11] =	ssyncadd.s32 $0xFFFFC180  }
0x3a3: {  	_ =	swait.ge [sflag:s9], $0x3E80  }
0x3a4: {  	[sflag:s9] =	ssyncset.done $0x0  }
0x3a5: {  	s21 =	simm.s32 $0x480;
	[sflag:s9] =	ssyncadd.s32 $0xFFFFC180  }
0x3a6: {  	[tilespmem:s12], [sflag:$0x1] =	stream.indirect.gather [hbm4b:s4+s8], $0x80, s21, s8, $0xb8;
	[tilespmem:$0x1E000] =	vst v63  }
0x3a7: {  	s22 =	simm.s32 $0x1400  }
0x3a8: {  	[spmem:s2] =	stream.indirect.scatter.add.f32 [tilespmem:s10], [sflag:$0x2], $0x80, s22, s8, $0xb8;
	[tilespmem:$0x1E000] =	vst v63  }
0x3a9: {  	_ =	swait.ge [sflag:s11], $0x3E80  }
0x3aa: {  	[sflag:s11] =	ssyncset.done $0x0  }
0x3ab: {  	s3 =	simm.s32 $0x1480;
	[sflag:s11] =	ssyncadd.s32 $0xFFFFC180  }
0x3ac: {  	[spmem:s2] =	stream.indirect.scatter.add.f32 [tilespmem:s12], [sflag:$0x3], $0x80, s3, s8, $0xb8;
	[tilespmem:$0x1E000] =	vst v63  }
0x3ad: {  	_ =	swait.ge [sflag:s6], $0x500  }
0x3ae: {  	[sflag:s6] =	ssyncset.done $0x0  }
0x3af: {  	[sflag:s6] =	ssyncadd.s32 $0xFFFFFB00  }
0x3b0: {  	_ =	swait.ge [sflag:s6], $0x500  }
0x3b1: {  	[sflag:s6] =	ssyncset.done $0x0  }
0x3b2: {  	[sflag:s6] =	ssyncadd.s32 $0xFFFFFB00  }
0x3b3: {  	_ =	swait.ge [sflag:s7], $0x3E80  }
0x3b4: {  	[sflag:s7] =	ssyncset.done $0x0  }
0x3b5: {  	s22 =	simm.s32 $0x800;
	[sflag:s7] =	ssyncadd.s32 $0xFFFFC180  }
0x3b6: {  	[tilespmem:s10], [sflag:$0x1] =	stream.indirect.gather [hbm4b:s4+s8], $0x80, s22, s8, $0xb8;
	[tilespmem:$0x1E000] =	vst v63  }
0x3b7: {  	_ =	swait.ge [sflag:s9], $0x3E80  }
0x3b8: {  	[sflag:s9] =	ssyncset.done $0x0  }
0x3b9: {  	s23 =	rddreg [dreg:$0xb];
	[sflag:s9] =	ssyncadd.s32 $0xFFFFC180  }
0x3ba: {  	[tilespmem:s30], [sflag:$0x4] =	stream.linear.gather [hbm4b:s23+s30], $0x500, $0x38;
	[tilespmem:$0x1E000] =	vst v63  }
0x3bb: {  	s5 =	simm.s32 $0x1000;
	s24 =	rddreg [dreg:$0xc]  }
0x3bc: {  	[tilespmem:s5], [sflag:$0x4] =	stream.linear.gather [hbm4b:s24+s30], $0x500, $0x38;
	[tilespmem:$0x1E000] =	vst v63  }
0x3bd: {  	_ =	swait.ge [sflag:s11], $0x3E80  }
0x3be: {  	[sflag:s11] =	ssyncset.done $0x0  }
0x3bf: {  	s26 =	simm.s32 $0x880;
	[sflag:s11] =	ssyncadd.s32 $0xFFFFC180  }
0x3c0: {  	[tilespmem:s12], [sflag:$0x1] =	stream.indirect.gather [hbm4b:s4+s8], $0x80, s26, s8, $0xb8;
	[tilespmem:$0x1E000] =	vst v63  }
0x3c1: {  	s25 =	simm.s32 $0x1800  }
0x3c2: {  	[spmem:s2] =	stream.indirect.scatter.add.f32 [tilespmem:s10], [sflag:$0x2], $0x80, s25, s8, $0xb8;
	[tilespmem:$0x1E000] =	vst v63  }
0x3c3: {  	_ =	swait.ge [sflag:s11], $0x3E80  }
0x3c4: {  	[sflag:s11] =	ssyncset.done $0x0  }
0x3c5: {  	[sflag:s11] =	ssyncadd.s32 $0xFFFFC180  }
0x3c6: {  	_ =	swait.ge [sflag:s7], $0x3E80  }
0x3c7: {  	[sflag:s7] =	ssyncset.done $0x0  }
0x3c8: {  	s28 =	simm.s32 $0x900;
	[sflag:s7] =	ssyncadd.s32 $0xFFFFC180  }
0x3c9: {  	[tilespmem:s10], [sflag:$0x1] =	stream.indirect.gather [hbm4b:s4+s8], $0x80, s28, s8, $0xb8;
	[tilespmem:$0x1E000] =	vst v63  }
0x3ca: {  	s29 =	simm.s32 $0x1880  }
0x3cb: {  	[spmem:s2] =	stream.indirect.scatter.add.f32 [tilespmem:s12], [sflag:$0x3], $0x80, s29, s8, $0xb8;
	[tilespmem:$0x1E000] =	vst v63  }
0x3cc: {  	_ =	swait.ge [sflag:s11], $0x3E80  }
0x3cd: {  	[sflag:s11] =	ssyncset.done $0x0  }
0x3ce: {  	[sflag:s11] =	ssyncadd.s32 $0xFFFFC180  }
0x3cf: {  	_ =	swait.ge [sflag:s9], $0x3E80  }
0x3d0: {  	[sflag:s9] =	ssyncset.done $0x0  }
0x3d1: {  	s1 =	simm.s32 $0x980;
	[sflag:s9] =	ssyncadd.s32 $0xFFFFC180  }
0x3d2: {  	[tilespmem:s12], [sflag:$0x1] =	stream.indirect.gather [hbm4b:s4+s8], $0x80, s1, s8, $0xb8;
	[tilespmem:$0x1E000] =	vst v63  }
0x3d3: {  	s3 =	simm.s32 $0x1900  }
0x3d4: {  	[spmem:s2] =	stream.indirect.scatter.add.f32 [tilespmem:s10], [sflag:$0x2], $0x80, s3, s8, $0xb8;
	[tilespmem:$0x1E000] =	vst v63  }
0x3d5: {  	_ =	swait.ge [sflag:s11], $0x3E80  }
0x3d6: {  	[sflag:s11] =	ssyncset.done $0x0  }
0x3d7: {  	[sflag:s11] =	ssyncadd.s32 $0xFFFFC180  }
0x3d8: {  	_ =	swait.ge [sflag:s7], $0x3E80  }
0x3d9: {  	[sflag:s7] =	ssyncset.done $0x0  }
0x3da: {  	s16 =	simm.s32 $0xA00;
	[sflag:s7] =	ssyncadd.s32 $0xFFFFC180  }
0x3db: {  	[tilespmem:s10], [sflag:$0x1] =	stream.indirect.gather [hbm4b:s4+s8], $0x80, s16, s8, $0xb8;
	[tilespmem:$0x1E000] =	vst v63  }
0x3dc: {  	s21 =	simm.s32 $0x1980  }
0x3dd: {  	[spmem:s2] =	stream.indirect.scatter.add.f32 [tilespmem:s12], [sflag:$0x3], $0x80, s21, s8, $0xb8;
	[tilespmem:$0x1E000] =	vst v63  }
0x3de: {  	_ =	swait.ge [sflag:s11], $0x3E80  }
0x3df: {  	[sflag:s11] =	ssyncset.done $0x0  }
0x3e0: {  	[sflag:s11] =	ssyncadd.s32 $0xFFFFC180  }
0x3e1: {  	_ =	swait.ge [sflag:s9], $0x3E80  }
0x3e2: {  	[sflag:s9] =	ssyncset.done $0x0  }
0x3e3: {  	s23 =	simm.s32 $0xA80;
	[sflag:s9] =	ssyncadd.s32 $0xFFFFC180  }
0x3e4: {  	[tilespmem:s12], [sflag:$0x1] =	stream.indirect.gather [hbm4b:s4+s8], $0x80, s23, s8, $0xb8;
	[tilespmem:$0x1E000] =	vst v63  }
0x3e5: {  	s24 =	simm.s32 $0x1A00  }
0x3e6: {  	[spmem:s2] =	stream.indirect.scatter.add.f32 [tilespmem:s10], [sflag:$0x2], $0x80, s24, s8, $0xb8;
	[tilespmem:$0x1E000] =	vst v63  }
0x3e7: {  	_ =	swait.ge [sflag:s11], $0x3E80  }
0x3e8: {  	[sflag:s11] =	ssyncset.done $0x0  }
0x3e9: {  	[sflag:s11] =	ssyncadd.s32 $0xFFFFC180  }
0x3ea: {  	_ =	swait.ge [sflag:s7], $0x3E80  }
0x3eb: {  	[sflag:s7] =	ssyncset.done $0x0  }
0x3ec: {  	s26 =	simm.s32 $0xB00;
	[sflag:s7] =	ssyncadd.s32 $0xFFFFC180  }
0x3ed: {  	[tilespmem:s10], [sflag:$0x1] =	stream.indirect.gather [hbm4b:s4+s8], $0x80, s26, s8, $0xb8;
	[tilespmem:$0x1E000] =	vst v63  }
0x3ee: {  	s28 =	simm.s32 $0x1A80  }
0x3ef: {  	[spmem:s2] =	stream.indirect.scatter.add.f32 [tilespmem:s12], [sflag:$0x3], $0x80, s28, s8, $0xb8;
	[tilespmem:$0x1E000] =	vst v63  }
0x3f0: {  	_ =	swait.ge [sflag:s11], $0x3E80  }
0x3f1: {  	[sflag:s11] =	ssyncset.done $0x0  }
0x3f2: {  	[sflag:s11] =	ssyncadd.s32 $0xFFFFC180  }
0x3f3: {  	_ =	swait.ge [sflag:s9], $0x3E80  }
0x3f4: {  	[sflag:s9] =	ssyncset.done $0x0  }
0x3f5: {  	s29 =	simm.s32 $0xB80;
	[sflag:s9] =	ssyncadd.s32 $0xFFFFC180  }
0x3f6: {  	[tilespmem:s12], [sflag:$0x1] =	stream.indirect.gather [hbm4b:s4+s8], $0x80, s29, s8, $0xb8;
	[tilespmem:$0x1E000] =	vst v63  }
0x3f7: {  	s1 =	simm.s32 $0x1B00  }
0x3f8: {  	[spmem:s2] =	stream.indirect.scatter.add.f32 [tilespmem:s10], [sflag:$0x2], $0x80, s1, s8, $0xb8;
	[tilespmem:$0x1E000] =	vst v63  }
0x3f9: {  	_ =	swait.ge [sflag:s11], $0x3E80  }
0x3fa: {  	[sflag:s11] =	ssyncset.done $0x0  }
0x3fb: {  	[sflag:s11] =	ssyncadd.s32 $0xFFFFC180  }
0x3fc: {  	_ =	swait.ge [sflag:s7], $0x3E80  }
0x3fd: {  	[sflag:s7] =	ssyncset.done $0x0  }
0x3fe: {  	s16 =	simm.s32 $0xC00;
	[sflag:s7] =	ssyncadd.s32 $0xFFFFC180  }
0x3ff: {  	[tilespmem:s10], [sflag:$0x1] =	stream.indirect.gather [hbm4b:s4+s8], $0x80, s16, s8, $0xb8;
	[tilespmem:$0x1E000] =	vst v63  }
0x400: {  	s21 =	simm.s32 $0x1B80  }
0x401: {  	[spmem:s2] =	stream.indirect.scatter.add.f32 [tilespmem:s12], [sflag:$0x3], $0x80, s21, s8, $0xb8;
	[tilespmem:$0x1E000] =	vst v63  }
0x402: {  	_ =	swait.ge [sflag:s11], $0x3E80  }
0x403: {  	[sflag:s11] =	ssyncset.done $0x0  }
0x404: {  	[sflag:s11] =	ssyncadd.s32 $0xFFFFC180  }
0x405: {  	_ =	swait.ge [sflag:s9], $0x3E80  }
0x406: {  	[sflag:s9] =	ssyncset.done $0x0  }
0x407: {  	s23 =	simm.s32 $0xC80;
	[sflag:s9] =	ssyncadd.s32 $0xFFFFC180  }
0x408: {  	[tilespmem:s12], [sflag:$0x1] =	stream.indirect.gather [hbm4b:s4+s8], $0x80, s23, s8, $0xb8;
	[tilespmem:$0x1E000] =	vst v63  }
0x409: {  	s24 =	simm.s32 $0x1C00  }
0x40a: {  	[spmem:s2] =	stream.indirect.scatter.add.f32 [tilespmem:s10], [sflag:$0x2], $0x80, s24, s8, $0xb8;
	[tilespmem:$0x1E000] =	vst v63  }
0x40b: {  	_ =	swait.ge [sflag:s11], $0x3E80  }
0x40c: {  	[sflag:s11] =	ssyncset.done $0x0  }
0x40d: {  	s26 =	simm.s32 $0x1C80;
	[sflag:s11] =	ssyncadd.s32 $0xFFFFC180  }
0x40e: {  	[spmem:s2] =	stream.indirect.scatter.add.f32 [tilespmem:s12], [sflag:$0x3], $0x80, s26, s8, $0xb8;
	[tilespmem:$0x1E000] =	vst v63  }
0x40f: {  	_ =	swait.ge [sflag:s6], $0x500  }
0x410: {  	[sflag:s6] =	ssyncset.done $0x0  }
0x411: {  	[sflag:s6] =	ssyncadd.s32 $0xFFFFFB00  }
0x412: {  	_ =	swait.ge [sflag:s6], $0x500  }
0x413: {  	[sflag:s6] =	ssyncset.done $0x0  }
0x414: {  	[sflag:s6] =	ssyncadd.s32 $0xFFFFFB00  }
0x415: {  	_ =	swait.ge [sflag:s7], $0x3E80  }
0x416: {  	[sflag:s7] =	ssyncset.done $0x0  }
0x417: {  	[sflag:s7] =	ssyncadd.s32 $0xFFFFC180  }
0x418: {  	[tilespmem:s10], [sflag:$0x1] =	stream.indirect.gather [hbm4b:s4+s8], $0x80, s30, s8, $0xb8;
	[tilespmem:$0x1E000] =	vst v63  }
0x419: {  	_ =	swait.ge [sflag:s9], $0x3E80  }
0x41a: {  	[sflag:s9] =	ssyncset.done $0x0  }
0x41b: {  	s28 =	rddreg [dreg:$0xd];
	[sflag:s9] =	ssyncadd.s32 $0xFFFFC180  }
0x41c: {  	[tilespmem:s22], [sflag:$0x4] =	stream.linear.gather [hbm4b:s28+s30], $0x500, $0x38;
	[tilespmem:$0x1E000] =	vst v63  }
0x41d: {  	s29 =	rddreg [dreg:$0xe]  }
0x41e: {  	[tilespmem:s25], [sflag:$0x4] =	stream.linear.gather [hbm4b:s29+s30], $0x500, $0x38;
	[tilespmem:$0x1E000] =	vst v63  }
0x41f: {  	_ =	swait.ge [sflag:s11], $0x3E80  }
0x420: {  	[sflag:s11] =	ssyncset.done $0x0  }
0x421: {  	s31 =	simm.s32 $0x80;
	[sflag:s11] =	ssyncadd.s32 $0xFFFFC180  }
0x422: {  	[tilespmem:s12], [sflag:$0x1] =	stream.indirect.gather [hbm4b:s4+s8], $0x80, s31, s8, $0xb8;
	[tilespmem:$0x1E000] =	vst v63  }
0x423: {  	_ = 	snop  }
0x424: {  	[spmem:s2] =	stream.indirect.scatter.add.f32 [tilespmem:s10], [sflag:$0x2], $0x80, s5, s8, $0xb8;
	[tilespmem:$0x1E000] =	vst v63  }
0x425: {  	_ =	swait.ge [sflag:s11], $0x3E80  }
0x426: {  	[sflag:s11] =	ssyncset.done $0x0  }
0x427: {  	[sflag:s11] =	ssyncadd.s32 $0xFFFFC180  }
0x428: {  	_ =	swait.ge [sflag:s7], $0x3E80  }
0x429: {  	[sflag:s7] =	ssyncset.done $0x0  }
0x42a: {  	s31 =	simm.s32 $0x100;
	[sflag:s7] =	ssyncadd.s32 $0xFFFFC180  }
0x42b: {  	[tilespmem:s10], [sflag:$0x1] =	stream.indirect.gather [hbm4b:s4+s8], $0x80, s31, s8, $0xb8;
	[tilespmem:$0x1E000] =	vst v63  }
0x42c: {  	s17 =	simm.s32 $0x1080  }
0x42d: {  	[spmem:s2] =	stream.indirect.scatter.add.f32 [tilespmem:s12], [sflag:$0x3], $0x80, s17, s8, $0xb8;
	[tilespmem:$0x1E000] =	vst v63  }
0x42e: {  	_ =	swait.ge [sflag:s11], $0x3E80  }
0x42f: {  	[sflag:s11] =	ssyncset.done $0x0  }
0x430: {  	[sflag:s11] =	ssyncadd.s32 $0xFFFFC180  }
0x431: {  	_ =	swait.ge [sflag:s9], $0x3E80  }
0x432: {  	[sflag:s9] =	ssyncset.done $0x0  }
0x433: {  	s17 =	simm.s32 $0x180;
	[sflag:s9] =	ssyncadd.s32 $0xFFFFC180  }
0x434: {  	[tilespmem:s12], [sflag:$0x1] =	stream.indirect.gather [hbm4b:s4+s8], $0x80, s17, s8, $0xb8;
	[tilespmem:$0x1E000] =	vst v63  }
0x435: {  	s18 =	simm.s32 $0x1100  }
0x436: {  	[spmem:s2] =	stream.indirect.scatter.add.f32 [tilespmem:s10], [sflag:$0x2], $0x80, s18, s8, $0xb8;
	[tilespmem:$0x1E000] =	vst v63  }
0x437: {  	_ =	swait.ge [sflag:s11], $0x3E80  }
0x438: {  	[sflag:s11] =	ssyncset.done $0x0  }
0x439: {  	[sflag:s11] =	ssyncadd.s32 $0xFFFFC180  }
0x43a: {  	_ =	swait.ge [sflag:s7], $0x3E80  }
0x43b: {  	[sflag:s7] =	ssyncset.done $0x0  }
0x43c: {  	s13 =	simm.s32 $0x200;
	[sflag:s7] =	ssyncadd.s32 $0xFFFFC180  }
0x43d: {  	[tilespmem:s10], [sflag:$0x1] =	stream.indirect.gather [hbm4b:s4+s8], $0x80, s13, s8, $0xb8;
	[tilespmem:$0x1E000] =	vst v63  }
0x43e: {  	s18 =	simm.s32 $0x1180  }
0x43f: {  	[spmem:s2] =	stream.indirect.scatter.add.f32 [tilespmem:s12], [sflag:$0x3], $0x80, s18, s8, $0xb8;
	[tilespmem:$0x1E000] =	vst v63  }
0x440: {  	_ =	swait.ge [sflag:s11], $0x3E80  }
0x441: {  	[sflag:s11] =	ssyncset.done $0x0  }
0x442: {  	[sflag:s11] =	ssyncadd.s32 $0xFFFFC180  }
0x443: {  	_ =	swait.ge [sflag:s9], $0x3E80  }
0x444: {  	[sflag:s9] =	ssyncset.done $0x0  }
0x445: {  	s13 =	simm.s32 $0x280;
	[sflag:s9] =	ssyncadd.s32 $0xFFFFC180  }
0x446: {  	[tilespmem:s12], [sflag:$0x1] =	stream.indirect.gather [hbm4b:s4+s8], $0x80, s13, s8, $0xb8;
	[tilespmem:$0x1E000] =	vst v63  }
0x447: {  	s21 =	simm.s32 $0x1200  }
0x448: {  	[spmem:s2] =	stream.indirect.scatter.add.f32 [tilespmem:s10], [sflag:$0x2], $0x80, s21, s8, $0xb8;
	[tilespmem:$0x1E000] =	vst v63  }
0x449: {  	_ =	swait.ge [sflag:s11], $0x3E80  }
0x44a: {  	[sflag:s11] =	ssyncset.done $0x0  }
0x44b: {  	[sflag:s11] =	ssyncadd.s32 $0xFFFFC180  }
0x44c: {  	_ =	swait.ge [sflag:s7], $0x3E80  }
0x44d: {  	[sflag:s7] =	ssyncset.done $0x0  }
0x44e: {  	s20 =	simm.s32 $0x300;
	[sflag:s7] =	ssyncadd.s32 $0xFFFFC180  }
0x44f: {  	[tilespmem:s10], [sflag:$0x1] =	stream.indirect.gather [hbm4b:s4+s8], $0x80, s20, s8, $0xb8;
	[tilespmem:$0x1E000] =	vst v63  }
0x450: {  	s23 =	simm.s32 $0x1280  }
0x451: {  	[spmem:s2] =	stream.indirect.scatter.add.f32 [tilespmem:s12], [sflag:$0x3], $0x80, s23, s8, $0xb8;
	[tilespmem:$0x1E000] =	vst v63  }
0x452: {  	_ =	swait.ge [sflag:s11], $0x3E80  }
0x453: {  	[sflag:s11] =	ssyncset.done $0x0  }
0x454: {  	[sflag:s11] =	ssyncadd.s32 $0xFFFFC180  }
0x455: {  	_ =	swait.ge [sflag:s9], $0x3E80  }
0x456: {  	[sflag:s9] =	ssyncset.done $0x0  }
0x457: {  	s20 =	simm.s32 $0x380;
	[sflag:s9] =	ssyncadd.s32 $0xFFFFC180  }
0x458: {  	[tilespmem:s12], [sflag:$0x1] =	stream.indirect.gather [hbm4b:s4+s8], $0x80, s20, s8, $0xb8;
	[tilespmem:$0x1E000] =	vst v63  }
0x459: {  	s24 =	simm.s32 $0x1300  }
0x45a: {  	[spmem:s2] =	stream.indirect.scatter.add.f32 [tilespmem:s10], [sflag:$0x2], $0x80, s24, s8, $0xb8;
	[tilespmem:$0x1E000] =	vst v63  }
0x45b: {  	_ =	swait.ge [sflag:s11], $0x3E80  }
0x45c: {  	[sflag:s11] =	ssyncset.done $0x0  }
0x45d: {  	[sflag:s11] =	ssyncadd.s32 $0xFFFFC180  }
0x45e: {  	_ =	swait.ge [sflag:s7], $0x3E80  }
0x45f: {  	[sflag:s7] =	ssyncset.done $0x0  }
0x460: {  	s19 =	simm.s32 $0x400;
	[sflag:s7] =	ssyncadd.s32 $0xFFFFC180  }
0x461: {  	[tilespmem:s10], [sflag:$0x1] =	stream.indirect.gather [hbm4b:s4+s8], $0x80, s19, s8, $0xb8;
	[tilespmem:$0x1E000] =	vst v63  }
0x462: {  	s26 =	simm.s32 $0x1380  }
0x463: {  	[spmem:s2] =	stream.indirect.scatter.add.f32 [tilespmem:s12], [sflag:$0x3], $0x80, s26, s8, $0xb8;
	[tilespmem:$0x1E000] =	vst v63  }
0x464: {  	_ =	swait.ge [sflag:s11], $0x3E80  }
0x465: {  	[sflag:s11] =	ssyncset.done $0x0  }
0x466: {  	[sflag:s11] =	ssyncadd.s32 $0xFFFFC180  }
0x467: {  	_ =	swait.ge [sflag:s9], $0x3E80  }
0x468: {  	[sflag:s9] =	ssyncset.done $0x0  }
0x469: {  	s19 =	simm.s32 $0x480;
	[sflag:s9] =	ssyncadd.s32 $0xFFFFC180  }
0x46a: {  	[tilespmem:s12], [sflag:$0x1] =	stream.indirect.gather [hbm4b:s4+s8], $0x80, s19, s8, $0xb8;
	[tilespmem:$0x1E000] =	vst v63  }
0x46b: {  	s0 =	simm.s32 $0x1400  }
0x46c: {  	[spmem:s2] =	stream.indirect.scatter.add.f32 [tilespmem:s10], [sflag:$0x2], $0x80, s0, s8, $0xb8;
	[tilespmem:$0x1E000] =	vst v63  }
0x46d: {  	_ =	swait.ge [sflag:s11], $0x3E80  }
0x46e: {  	[sflag:s11] =	ssyncset.done $0x0  }
0x46f: {  	s28 =	simm.s32 $0x1480;
	[sflag:s11] =	ssyncadd.s32 $0xFFFFC180  }
0x470: {  	[spmem:s2] =	stream.indirect.scatter.add.f32 [tilespmem:s12], [sflag:$0x3], $0x80, s28, s8, $0xb8;
	[tilespmem:$0x1E000] =	vst v63  }
0x471: {  	_ =	swait.ge [sflag:s6], $0x500  }
0x472: {  	[sflag:s6] =	ssyncset.done $0x0  }
0x473: {  	[sflag:s6] =	ssyncadd.s32 $0xFFFFFB00  }
0x474: {  	_ =	swait.ge [sflag:s6], $0x500  }
0x475: {  	[sflag:s6] =	ssyncset.done $0x0  }
0x476: {  	[sflag:s6] =	ssyncadd.s32 $0xFFFFFB00  }
0x477: {  	_ =	swait.ge [sflag:s7], $0x3E80  }
0x478: {  	[sflag:s7] =	ssyncset.done $0x0  }
0x479: {  	[sflag:s7] =	ssyncadd.s32 $0xFFFFC180  }
0x47a: {  	[tilespmem:s10], [sflag:$0x1] =	stream.indirect.gather [hbm4b:s4+s8], $0x80, s22, s8, $0xb8;
	[tilespmem:$0x1E000] =	vst v63  }
0x47b: {  	_ =	swait.ge [sflag:s9], $0x3E80  }
0x47c: {  	[sflag:s9] =	ssyncset.done $0x0  }
0x47d: {  	s0 =	rddreg [dreg:$0xf];
	[sflag:s9] =	ssyncadd.s32 $0xFFFFC180  }
0x47e: {  	[tilespmem:s30], [sflag:$0x4] =	stream.linear.gather [hbm4b:s0+s30], $0x500, $0x38;
	[tilespmem:$0x1E000] =	vst v63  }
0x47f: {  	s1 =	rddreg [dreg:$0x10]  }
0x480: {  	[tilespmem:s5], [sflag:$0x4] =	stream.linear.gather [hbm4b:s1+s30], $0x500, $0x38;
	[tilespmem:$0x1E000] =	vst v63  }
0x481: {  	_ =	swait.ge [sflag:s11], $0x3E80  }
0x482: {  	[sflag:s11] =	ssyncset.done $0x0  }
0x483: {  	s29 =	simm.s32 $0x880;
	[sflag:s11] =	ssyncadd.s32 $0xFFFFC180  }
0x484: {  	[tilespmem:s12], [sflag:$0x1] =	stream.indirect.gather [hbm4b:s4+s8], $0x80, s29, s8, $0xb8;
	[tilespmem:$0x1E000] =	vst v63  }
0x485: {  	_ = 	snop  }
0x486: {  	[spmem:s2] =	stream.indirect.scatter.add.f32 [tilespmem:s10], [sflag:$0x2], $0x80, s25, s8, $0xb8;
	[tilespmem:$0x1E000] =	vst v63  }
0x487: {  	_ =	swait.ge [sflag:s11], $0x3E80  }
0x488: {  	[sflag:s11] =	ssyncset.done $0x0  }
0x489: {  	[sflag:s11] =	ssyncadd.s32 $0xFFFFC180  }
0x48a: {  	_ =	swait.ge [sflag:s7], $0x3E80  }
0x48b: {  	[sflag:s7] =	ssyncset.done $0x0  }
0x48c: {  	s1 =	simm.s32 $0x900;
	[sflag:s7] =	ssyncadd.s32 $0xFFFFC180  }
0x48d: {  	[tilespmem:s10], [sflag:$0x1] =	stream.indirect.gather [hbm4b:s4+s8], $0x80, s1, s8, $0xb8;
	[tilespmem:$0x1E000] =	vst v63  }
0x48e: {  	s30 =	simm.s32 $0x1880  }
0x48f: {  	[spmem:s2] =	stream.indirect.scatter.add.f32 [tilespmem:s12], [sflag:$0x3], $0x80, s30, s8, $0xb8;
	[tilespmem:$0x1E000] =	vst v63  }
0x490: {  	_ =	swait.ge [sflag:s11], $0x3E80  }
0x491: {  	[sflag:s11] =	ssyncset.done $0x0  }
0x492: {  	[sflag:s11] =	ssyncadd.s32 $0xFFFFC180  }
0x493: {  	_ =	swait.ge [sflag:s9], $0x3E80  }
0x494: {  	[sflag:s9] =	ssyncset.done $0x0  }
0x495: {  	s16 =	simm.s32 $0x980;
	[sflag:s9] =	ssyncadd.s32 $0xFFFFC180  }
0x496: {  	[tilespmem:s12], [sflag:$0x1] =	stream.indirect.gather [hbm4b:s4+s8], $0x80, s16, s8, $0xb8;
	[tilespmem:$0x1E000] =	vst v63  }
0x497: {  	s16 =	simm.s32 $0x1900  }
0x498: {  	[spmem:s2] =	stream.indirect.scatter.add.f32 [tilespmem:s10], [sflag:$0x2], $0x80, s16, s8, $0xb8;
	[tilespmem:$0x1E000] =	vst v63  }
0x499: {  	_ =	swait.ge [sflag:s11], $0x3E80  }
0x49a: {  	[sflag:s11] =	ssyncset.done $0x0  }
0x49b: {  	[sflag:s11] =	ssyncadd.s32 $0xFFFFC180  }
0x49c: {  	_ =	swait.ge [sflag:s7], $0x3E80  }
0x49d: {  	[sflag:s7] =	ssyncset.done $0x0  }
0x49e: {  	s3 =	simm.s32 $0xA00;
	[sflag:s7] =	ssyncadd.s32 $0xFFFFC180  }
0x49f: {  	[tilespmem:s10], [sflag:$0x1] =	stream.indirect.gather [hbm4b:s4+s8], $0x80, s3, s8, $0xb8;
	[tilespmem:$0x1E000] =	vst v63  }
0x4a0: {  	s16 =	simm.s32 $0x1980  }
0x4a1: {  	[spmem:s2] =	stream.indirect.scatter.add.f32 [tilespmem:s12], [sflag:$0x3], $0x80, s16, s8, $0xb8;
	[tilespmem:$0x1E000] =	vst v63  }
0x4a2: {  	_ =	swait.ge [sflag:s11], $0x3E80  }
0x4a3: {  	[sflag:s11] =	ssyncset.done $0x0  }
0x4a4: {  	[sflag:s11] =	ssyncadd.s32 $0xFFFFC180  }
0x4a5: {  	_ =	swait.ge [sflag:s9], $0x3E80  }
0x4a6: {  	[sflag:s9] =	ssyncset.done $0x0  }
0x4a7: {  	s15 =	simm.s32 $0xA80;
	[sflag:s9] =	ssyncadd.s32 $0xFFFFC180  }
0x4a8: {  	[tilespmem:s12], [sflag:$0x1] =	stream.indirect.gather [hbm4b:s4+s8], $0x80, s15, s8, $0xb8;
	[tilespmem:$0x1E000] =	vst v63  }
0x4a9: {  	s16 =	simm.s32 $0x1A00  }
0x4aa: {  	[spmem:s2] =	stream.indirect.scatter.add.f32 [tilespmem:s10], [sflag:$0x2], $0x80, s16, s8, $0xb8;
	[tilespmem:$0x1E000] =	vst v63  }
0x4ab: {  	_ =	swait.ge [sflag:s11], $0x3E80  }
0x4ac: {  	[sflag:s11] =	ssyncset.done $0x0  }
0x4ad: {  	[sflag:s11] =	ssyncadd.s32 $0xFFFFC180  }
0x4ae: {  	_ =	swait.ge [sflag:s7], $0x3E80  }
0x4af: {  	[sflag:s7] =	ssyncset.done $0x0  }
0x4b0: {  	s15 =	simm.s32 $0xB00;
	[sflag:s7] =	ssyncadd.s32 $0xFFFFC180  }
0x4b1: {  	[tilespmem:s10], [sflag:$0x1] =	stream.indirect.gather [hbm4b:s4+s8], $0x80, s15, s8, $0xb8;
	[tilespmem:$0x1E000] =	vst v63  }
0x4b2: {  	s16 =	simm.s32 $0x1A80  }
0x4b3: {  	[spmem:s2] =	stream.indirect.scatter.add.f32 [tilespmem:s12], [sflag:$0x3], $0x80, s16, s8, $0xb8;
	[tilespmem:$0x1E000] =	vst v63  }
0x4b4: {  	_ =	swait.ge [sflag:s11], $0x3E80  }
0x4b5: {  	[sflag:s11] =	ssyncset.done $0x0  }
0x4b6: {  	[sflag:s11] =	ssyncadd.s32 $0xFFFFC180  }
0x4b7: {  	_ =	swait.ge [sflag:s9], $0x3E80  }
0x4b8: {  	[sflag:s9] =	ssyncset.done $0x0  }
0x4b9: {  	s15 =	simm.s32 $0xB80;
	[sflag:s9] =	ssyncadd.s32 $0xFFFFC180  }
0x4ba: {  	[tilespmem:s12], [sflag:$0x1] =	stream.indirect.gather [hbm4b:s4+s8], $0x80, s15, s8, $0xb8;
	[tilespmem:$0x1E000] =	vst v63  }
0x4bb: {  	s16 =	simm.s32 $0x1B00  }
0x4bc: {  	[spmem:s2] =	stream.indirect.scatter.add.f32 [tilespmem:s10], [sflag:$0x2], $0x80, s16, s8, $0xb8;
	[tilespmem:$0x1E000] =	vst v63  }
0x4bd: {  	_ =	swait.ge [sflag:s11], $0x3E80  }
0x4be: {  	[sflag:s11] =	ssyncset.done $0x0  }
0x4bf: {  	[sflag:s11] =	ssyncadd.s32 $0xFFFFC180  }
0x4c0: {  	_ =	swait.ge [sflag:s7], $0x3E80  }
0x4c1: {  	[sflag:s7] =	ssyncset.done $0x0  }
0x4c2: {  	s15 =	simm.s32 $0xC00;
	[sflag:s7] =	ssyncadd.s32 $0xFFFFC180  }
0x4c3: {  	[tilespmem:s10], [sflag:$0x1] =	stream.indirect.gather [hbm4b:s4+s8], $0x80, s15, s8, $0xb8;
	[tilespmem:$0x1E000] =	vst v63  }
0x4c4: {  	s16 =	simm.s32 $0x1B80  }
0x4c5: {  	[spmem:s2] =	stream.indirect.scatter.add.f32 [tilespmem:s12], [sflag:$0x3], $0x80, s16, s8, $0xb8;
	[tilespmem:$0x1E000] =	vst v63  }
0x4c6: {  	_ =	swait.ge [sflag:s11], $0x3E80  }
0x4c7: {  	[sflag:s11] =	ssyncset.done $0x0  }
0x4c8: {  	[sflag:s11] =	ssyncadd.s32 $0xFFFFC180  }
0x4c9: {  	_ =	swait.ge [sflag:s9], $0x3E80  }
0x4ca: {  	[sflag:s9] =	ssyncset.done $0x0  }
0x4cb: {  	s15 =	simm.s32 $0xC80;
	[sflag:s9] =	ssyncadd.s32 $0xFFFFC180  }
0x4cc: {  	[tilespmem:s12], [sflag:$0x1] =	stream.indirect.gather [hbm4b:s4+s8], $0x80, s15, s8, $0xb8;
	[tilespmem:$0x1E000] =	vst v63  }
0x4cd: {  	s16 =	simm.s32 $0x1C00  }
0x4ce: {  	[spmem:s2] =	stream.indirect.scatter.add.f32 [tilespmem:s10], [sflag:$0x2], $0x80, s16, s8, $0xb8;
	[tilespmem:$0x1E000] =	vst v63  }
0x4cf: {  	_ =	swait.ge [sflag:s11], $0x3E80  }
0x4d0: {  	[sflag:s11] =	ssyncset.done $0x0  }
0x4d1: {  	s15 =	simm.s32 $0x1C80;
	[sflag:s11] =	ssyncadd.s32 $0xFFFFC180  }
0x4d2: {  	[spmem:s2] =	stream.indirect.scatter.add.f32 [tilespmem:s12], [sflag:$0x3], $0x80, s15, s8, $0xb8;
	[tilespmem:$0x1E000] =	vst v63  }
0x4d3: {  	_ =	swait.ge [sflag:s6], $0x500  }
0x4d4: {  	[sflag:s6] =	ssyncset.done $0x0  }
0x4d5: {  	[sflag:s6] =	ssyncadd.s32 $0xFFFFFB00  }
0x4d6: {  	_ =	swait.ge [sflag:s6], $0x500  }
0x4d7: {  	[sflag:s6] =	ssyncset.done $0x0  }
0x4d8: {  	[sflag:s6] =	ssyncadd.s32 $0xFFFFFB00  }
0x4d9: {  	_ =	swait.ge [sflag:s7], $0x3E80  }
0x4da: {  	[sflag:s7] =	ssyncset.done $0x0  }
0x4db: {  	s0 =	simm.s32 $0x0;
	[sflag:s7] =	ssyncadd.s32 $0xFFFFC180  }
0x4dc: {  	[tilespmem:s10], [sflag:$0x1] =	stream.indirect.gather [hbm4b:s4+s8], $0x80, s0, s8, $0xb8;
	[tilespmem:$0x1E000] =	vst v63  }
0x4dd: {  	_ =	swait.ge [sflag:s9], $0x3E80  }
0x4de: {  	[sflag:s9] =	ssyncset.done $0x0  }
0x4df: {  	s16 =	rddreg [dreg:$0x11];
	[sflag:s9] =	ssyncadd.s32 $0xFFFFC180  }
0x4e0: {  	[tilespmem:s22], [sflag:$0x4] =	stream.linear.gather [hbm4b:s16+s0], $0x500, $0x38;
	[tilespmem:$0x1E000] =	vst v63  }
0x4e1: {  	s3 =	rddreg [dreg:$0x12]  }
0x4e2: {  	[tilespmem:s25], [sflag:$0x4] =	stream.linear.gather [hbm4b:s3+s0], $0x500, $0x38;
	[tilespmem:$0x1E000] =	vst v63  }
0x4e3: {  	_ =	swait.ge [sflag:s11], $0x3E80  }
0x4e4: {  	[sflag:s11] =	ssyncset.done $0x0  }
0x4e5: {  	s16 =	simm.s32 $0x80;
	[sflag:s11] =	ssyncadd.s32 $0xFFFFC180  }
0x4e6: {  	[tilespmem:s12], [sflag:$0x1] =	stream.indirect.gather [hbm4b:s4+s8], $0x80, s16, s8, $0xb8;
	[tilespmem:$0x1E000] =	vst v63  }
0x4e7: {  	_ = 	snop  }
0x4e8: {  	[spmem:s2] =	stream.indirect.scatter.add.f32 [tilespmem:s10], [sflag:$0x2], $0x80, s5, s8, $0xb8;
	[tilespmem:$0x1E000] =	vst v63  }
0x4e9: {  	_ =	swait.ge [sflag:s11], $0x3E80  }
0x4ea: {  	[sflag:s11] =	ssyncset.done $0x0  }
0x4eb: {  	[sflag:s11] =	ssyncadd.s32 $0xFFFFC180  }
0x4ec: {  	_ =	swait.ge [sflag:s7], $0x3E80  }
0x4ed: {  	[sflag:s7] =	ssyncset.done $0x0  }
0x4ee: {  	[sflag:s7] =	ssyncadd.s32 $0xFFFFC180  }
0x4ef: {  	[tilespmem:s10], [sflag:$0x1] =	stream.indirect.gather [hbm4b:s4+s8], $0x80, s31, s8, $0xb8;
	[tilespmem:$0x1E000] =	vst v63  }
0x4f0: {  	s15 =	simm.s32 $0x1080  }
0x4f1: {  	[spmem:s2] =	stream.indirect.scatter.add.f32 [tilespmem:s12], [sflag:$0x3], $0x80, s15, s8, $0xb8;
	[tilespmem:$0x1E000] =	vst v63  }
0x4f2: {  	_ =	swait.ge [sflag:s11], $0x3E80  }
0x4f3: {  	[sflag:s11] =	ssyncset.done $0x0  }
0x4f4: {  	[sflag:s11] =	ssyncadd.s32 $0xFFFFC180  }
0x4f5: {  	_ =	swait.ge [sflag:s9], $0x3E80  }
0x4f6: {  	[sflag:s9] =	ssyncset.done $0x0  }
0x4f7: {  	[sflag:s9] =	ssyncadd.s32 $0xFFFFC180  }
0x4f8: {  	[tilespmem:s12], [sflag:$0x1] =	stream.indirect.gather [hbm4b:s4+s8], $0x80, s17, s8, $0xb8;
	[tilespmem:$0x1E000] =	vst v63  }
0x4f9: {  	s16 =	simm.s32 $0x1100  }
0x4fa: {  	[spmem:s2] =	stream.indirect.scatter.add.f32 [tilespmem:s10], [sflag:$0x2], $0x80, s16, s8, $0xb8;
	[tilespmem:$0x1E000] =	vst v63  }
0x4fb: {  	_ =	swait.ge [sflag:s11], $0x3E80  }
0x4fc: {  	[sflag:s11] =	ssyncset.done $0x0  }
0x4fd: {  	[sflag:s11] =	ssyncadd.s32 $0xFFFFC180  }
0x4fe: {  	_ =	swait.ge [sflag:s7], $0x3E80  }
0x4ff: {  	[sflag:s7] =	ssyncset.done $0x0  }
0x500: {  	s3 =	simm.s32 $0x200;
	[sflag:s7] =	ssyncadd.s32 $0xFFFFC180  }
0x501: {  	[tilespmem:s10], [sflag:$0x1] =	stream.indirect.gather [hbm4b:s4+s8], $0x80, s3, s8, $0xb8;
	[tilespmem:$0x1E000] =	vst v63  }
0x502: {  	_ = 	snop  }
0x503: {  	[spmem:s2] =	stream.indirect.scatter.add.f32 [tilespmem:s12], [sflag:$0x3], $0x80, s18, s8, $0xb8;
	[tilespmem:$0x1E000] =	vst v63  }
0x504: {  	_ =	swait.ge [sflag:s11], $0x3E80  }
0x505: {  	[sflag:s11] =	ssyncset.done $0x0  }
0x506: {  	[sflag:s11] =	ssyncadd.s32 $0xFFFFC180  }
0x507: {  	_ =	swait.ge [sflag:s9], $0x3E80  }
0x508: {  	[sflag:s9] =	ssyncset.done $0x0  }
0x509: {  	[sflag:s9] =	ssyncadd.s32 $0xFFFFC180  }
0x50a: {  	[tilespmem:s12], [sflag:$0x1] =	stream.indirect.gather [hbm4b:s4+s8], $0x80, s13, s8, $0xb8;
	[tilespmem:$0x1E000] =	vst v63  }
0x50b: {  	_ = 	snop  }
0x50c: {  	[spmem:s2] =	stream.indirect.scatter.add.f32 [tilespmem:s10], [sflag:$0x2], $0x80, s21, s8, $0xb8;
	[tilespmem:$0x1E000] =	vst v63  }
0x50d: {  	_ =	swait.ge [sflag:s11], $0x3E80  }
0x50e: {  	[sflag:s11] =	ssyncset.done $0x0  }
0x50f: {  	[sflag:s11] =	ssyncadd.s32 $0xFFFFC180  }
0x510: {  	_ =	swait.ge [sflag:s7], $0x3E80  }
0x511: {  	[sflag:s7] =	ssyncset.done $0x0  }
0x512: {  	s17 =	simm.s32 $0x300;
	[sflag:s7] =	ssyncadd.s32 $0xFFFFC180  }
0x513: {  	[tilespmem:s10], [sflag:$0x1] =	stream.indirect.gather [hbm4b:s4+s8], $0x80, s17, s8, $0xb8;
	[tilespmem:$0x1E000] =	vst v63  }
0x514: {  	_ = 	snop  }
0x515: {  	[spmem:s2] =	stream.indirect.scatter.add.f32 [tilespmem:s12], [sflag:$0x3], $0x80, s23, s8, $0xb8;
	[tilespmem:$0x1E000] =	vst v63  }
0x516: {  	_ =	swait.ge [sflag:s11], $0x3E80  }
0x517: {  	[sflag:s11] =	ssyncset.done $0x0  }
0x518: {  	[sflag:s11] =	ssyncadd.s32 $0xFFFFC180  }
0x519: {  	_ =	swait.ge [sflag:s9], $0x3E80  }
0x51a: {  	[sflag:s9] =	ssyncset.done $0x0  }
0x51b: {  	[sflag:s9] =	ssyncadd.s32 $0xFFFFC180  }
0x51c: {  	[tilespmem:s12], [sflag:$0x1] =	stream.indirect.gather [hbm4b:s4+s8], $0x80, s20, s8, $0xb8;
	[tilespmem:$0x1E000] =	vst v63  }
0x51d: {  	_ = 	snop  }
0x51e: {  	[spmem:s2] =	stream.indirect.scatter.add.f32 [tilespmem:s10], [sflag:$0x2], $0x80, s24, s8, $0xb8;
	[tilespmem:$0x1E000] =	vst v63  }
0x51f: {  	_ =	swait.ge [sflag:s11], $0x3E80  }
0x520: {  	[sflag:s11] =	ssyncset.done $0x0  }
0x521: {  	[sflag:s11] =	ssyncadd.s32 $0xFFFFC180  }
0x522: {  	_ =	swait.ge [sflag:s7], $0x3E80  }
0x523: {  	[sflag:s7] =	ssyncset.done $0x0  }
0x524: {  	s18 =	simm.s32 $0x400;
	[sflag:s7] =	ssyncadd.s32 $0xFFFFC180  }
0x525: {  	[tilespmem:s10], [sflag:$0x1] =	stream.indirect.gather [hbm4b:s4+s8], $0x80, s18, s8, $0xb8;
	[tilespmem:$0x1E000] =	vst v63  }
0x526: {  	_ = 	snop  }
0x527: {  	[spmem:s2] =	stream.indirect.scatter.add.f32 [tilespmem:s12], [sflag:$0x3], $0x80, s26, s8, $0xb8;
	[tilespmem:$0x1E000] =	vst v63  }
0x528: {  	_ =	swait.ge [sflag:s11], $0x3E80  }
0x529: {  	[sflag:s11] =	ssyncset.done $0x0  }
0x52a: {  	[sflag:s11] =	ssyncadd.s32 $0xFFFFC180  }
0x52b: {  	_ =	swait.ge [sflag:s9], $0x3E80  }
0x52c: {  	[sflag:s9] =	ssyncset.done $0x0  }
0x52d: {  	[sflag:s9] =	ssyncadd.s32 $0xFFFFC180  }
0x52e: {  	[tilespmem:s12], [sflag:$0x1] =	stream.indirect.gather [hbm4b:s4+s8], $0x80, s19, s8, $0xb8;
	[tilespmem:$0x1E000] =	vst v63  }
0x52f: {  	s19 =	simm.s32 $0x1400  }
0x530: {  	[spmem:s2] =	stream.indirect.scatter.add.f32 [tilespmem:s10], [sflag:$0x2], $0x80, s19, s8, $0xb8;
	[tilespmem:$0x1E000] =	vst v63  }
0x531: {  	_ =	swait.ge [sflag:s11], $0x3E80  }
0x532: {  	[sflag:s11] =	ssyncset.done $0x0  }
0x533: {  	[sflag:s11] =	ssyncadd.s32 $0xFFFFC180  }
0x534: {  	[spmem:s2] =	stream.indirect.scatter.add.f32 [tilespmem:s12], [sflag:$0x3], $0x80, s28, s8, $0xb8;
	[tilespmem:$0x1E000] =	vst v63  }
0x535: {  	_ =	swait.ge [sflag:s6], $0x500  }
0x536: {  	[sflag:s6] =	ssyncset.done $0x0  }
0x537: {  	[sflag:s6] =	ssyncadd.s32 $0xFFFFFB00  }
0x538: {  	_ =	swait.ge [sflag:s6], $0x500  }
0x539: {  	[sflag:s6] =	ssyncset.done $0x0  }
0x53a: {  	[sflag:s6] =	ssyncadd.s32 $0xFFFFFB00  }
0x53b: {  	_ =	swait.ge [sflag:s7], $0x3E80  }
0x53c: {  	[sflag:s7] =	ssyncset.done $0x0  }
0x53d: {  	[sflag:s7] =	ssyncadd.s32 $0xFFFFC180  }
0x53e: {  	[tilespmem:s10], [sflag:$0x1] =	stream.indirect.gather [hbm4b:s4+s8], $0x80, s22, s8, $0xb8;
	[tilespmem:$0x1E000] =	vst v63  }
0x53f: {  	_ =	swait.ge [sflag:s9], $0x3E80  }
0x540: {  	[sflag:s9] =	ssyncset.done $0x0  }
0x541: {  	s20 =	rddreg [dreg:$0x13];
	[sflag:s9] =	ssyncadd.s32 $0xFFFFC180  }
0x542: {  	[tilespmem:s0], [sflag:$0x4] =	stream.linear.gather [hbm4b:s20+s0], $0x500, $0x38;
	[tilespmem:$0x1E000] =	vst v63  }
0x543: {  	s21 =	rddreg [dreg:$0x14]  }
0x544: {  	[tilespmem:s5], [sflag:$0x4] =	stream.linear.gather [hbm4b:s21+s0], $0x500, $0x38;
	[tilespmem:$0x1E000] =	vst v63  }
0x545: {  	_ =	swait.ge [sflag:s11], $0x3E80  }
0x546: {  	[sflag:s11] =	ssyncset.done $0x0  }
0x547: {  	[sflag:s11] =	ssyncadd.s32 $0xFFFFC180  }
0x548: {  	[tilespmem:s12], [sflag:$0x1] =	stream.indirect.gather [hbm4b:s4+s8], $0x80, s29, s8, $0xb8;
	[tilespmem:$0x1E000] =	vst v63  }
0x549: {  	_ = 	snop  }
0x54a: {  	[spmem:s2] =	stream.indirect.scatter.add.f32 [tilespmem:s10], [sflag:$0x2], $0x80, s25, s8, $0xb8;
	[tilespmem:$0x1E000] =	vst v63  }
0x54b: {  	_ =	swait.ge [sflag:s11], $0x3E80  }
0x54c: {  	[sflag:s11] =	ssyncset.done $0x0  }
0x54d: {  	[sflag:s11] =	ssyncadd.s32 $0xFFFFC180  }
0x54e: {  	_ =	swait.ge [sflag:s7], $0x3E80  }
0x54f: {  	[sflag:s7] =	ssyncset.done $0x0  }
0x550: {  	[sflag:s7] =	ssyncadd.s32 $0xFFFFC180  }
0x551: {  	[tilespmem:s10], [sflag:$0x1] =	stream.indirect.gather [hbm4b:s4+s8], $0x80, s1, s8, $0xb8;
	[tilespmem:$0x1E000] =	vst v63  }
0x552: {  	_ = 	snop  }
0x553: {  	[spmem:s2] =	stream.indirect.scatter.add.f32 [tilespmem:s12], [sflag:$0x3], $0x80, s30, s8, $0xb8;
	[tilespmem:$0x1E000] =	vst v63  }
0x554: {  	_ =	swait.ge [sflag:s11], $0x3E80  }
0x555: {  	[sflag:s11] =	ssyncset.done $0x0  }
0x556: {  	[sflag:s11] =	ssyncadd.s32 $0xFFFFC180  }
0x557: {  	_ =	swait.ge [sflag:s9], $0x3E80  }
0x558: {  	[sflag:s9] =	ssyncset.done $0x0  }
0x559: {  	s23 =	simm.s32 $0x980;
	[sflag:s9] =	ssyncadd.s32 $0xFFFFC180  }
0x55a: {  	[tilespmem:s12], [sflag:$0x1] =	stream.indirect.gather [hbm4b:s4+s8], $0x80, s23, s8, $0xb8;
	[tilespmem:$0x1E000] =	vst v63  }
0x55b: {  	s24 =	simm.s32 $0x1900  }
0x55c: {  	[spmem:s2] =	stream.indirect.scatter.add.f32 [tilespmem:s10], [sflag:$0x2], $0x80, s24, s8, $0xb8;
	[tilespmem:$0x1E000] =	vst v63  }
0x55d: {  	_ =	swait.ge [sflag:s11], $0x3E80  }
0x55e: {  	[sflag:s11] =	ssyncset.done $0x0  }
0x55f: {  	[sflag:s11] =	ssyncadd.s32 $0xFFFFC180  }
0x560: {  	_ =	swait.ge [sflag:s7], $0x3E80  }
0x561: {  	[sflag:s7] =	ssyncset.done $0x0  }
0x562: {  	s26 =	simm.s32 $0xA00;
	[sflag:s7] =	ssyncadd.s32 $0xFFFFC180  }
0x563: {  	[tilespmem:s10], [sflag:$0x1] =	stream.indirect.gather [hbm4b:s4+s8], $0x80, s26, s8, $0xb8;
	[tilespmem:$0x1E000] =	vst v63  }
0x564: {  	s31 =	simm.s32 $0x1980  }
0x565: {  	[spmem:s2] =	stream.indirect.scatter.add.f32 [tilespmem:s12], [sflag:$0x3], $0x80, s31, s8, $0xb8;
	[tilespmem:$0x1E000] =	vst v63  }
0x566: {  	_ =	swait.ge [sflag:s11], $0x3E80  }
0x567: {  	[sflag:s11] =	ssyncset.done $0x0  }
0x568: {  	[sflag:s11] =	ssyncadd.s32 $0xFFFFC180  }
0x569: {  	_ =	swait.ge [sflag:s9], $0x3E80  }
0x56a: {  	[sflag:s9] =	ssyncset.done $0x0  }
0x56b: {  	s15 =	simm.s32 $0xA80;
	[sflag:s9] =	ssyncadd.s32 $0xFFFFC180  }
0x56c: {  	[tilespmem:s12], [sflag:$0x1] =	stream.indirect.gather [hbm4b:s4+s8], $0x80, s15, s8, $0xb8;
	[tilespmem:$0x1E000] =	vst v63  }
0x56d: {  	s16 =	simm.s32 $0x1A00  }
0x56e: {  	[spmem:s2] =	stream.indirect.scatter.add.f32 [tilespmem:s10], [sflag:$0x2], $0x80, s16, s8, $0xb8;
	[tilespmem:$0x1E000] =	vst v63  }
0x56f: {  	_ =	swait.ge [sflag:s11], $0x3E80  }
0x570: {  	[sflag:s11] =	ssyncset.done $0x0  }
0x571: {  	[sflag:s11] =	ssyncadd.s32 $0xFFFFC180  }
0x572: {  	_ =	swait.ge [sflag:s7], $0x3E80  }
0x573: {  	[sflag:s7] =	ssyncset.done $0x0  }
0x574: {  	s17 =	simm.s32 $0xB00;
	[sflag:s7] =	ssyncadd.s32 $0xFFFFC180  }
0x575: {  	[tilespmem:s10], [sflag:$0x1] =	stream.indirect.gather [hbm4b:s4+s8], $0x80, s17, s8, $0xb8;
	[tilespmem:$0x1E000] =	vst v63  }
0x576: {  	s18 =	simm.s32 $0x1A80  }
0x577: {  	[spmem:s2] =	stream.indirect.scatter.add.f32 [tilespmem:s12], [sflag:$0x3], $0x80, s18, s8, $0xb8;
	[tilespmem:$0x1E000] =	vst v63  }
0x578: {  	_ =	swait.ge [sflag:s11], $0x3E80  }
0x579: {  	[sflag:s11] =	ssyncset.done $0x0  }
0x57a: {  	[sflag:s11] =	ssyncadd.s32 $0xFFFFC180  }
0x57b: {  	_ =	swait.ge [sflag:s9], $0x3E80  }
0x57c: {  	[sflag:s9] =	ssyncset.done $0x0  }
0x57d: {  	s19 =	simm.s32 $0xB80;
	[sflag:s9] =	ssyncadd.s32 $0xFFFFC180  }
0x57e: {  	[tilespmem:s12], [sflag:$0x1] =	stream.indirect.gather [hbm4b:s4+s8], $0x80, s19, s8, $0xb8;
	[tilespmem:$0x1E000] =	vst v63  }
0x57f: {  	s31 =	simm.s32 $0x1B00  }
0x580: {  	[spmem:s2] =	stream.indirect.scatter.add.f32 [tilespmem:s10], [sflag:$0x2], $0x80, s31, s8, $0xb8;
	[tilespmem:$0x1E000] =	vst v63  }
0x581: {  	_ =	swait.ge [sflag:s11], $0x3E80  }
0x582: {  	[sflag:s11] =	ssyncset.done $0x0  }
0x583: {  	[sflag:s11] =	ssyncadd.s32 $0xFFFFC180  }
0x584: {  	_ =	swait.ge [sflag:s7], $0x3E80  }
0x585: {  	[sflag:s7] =	ssyncset.done $0x0  }
0x586: {  	s15 =	simm.s32 $0xC00;
	[sflag:s7] =	ssyncadd.s32 $0xFFFFC180  }
0x587: {  	[tilespmem:s10], [sflag:$0x1] =	stream.indirect.gather [hbm4b:s4+s8], $0x80, s15, s8, $0xb8;
	[tilespmem:$0x1E000] =	vst v63  }
0x588: {  	s16 =	simm.s32 $0x1B80  }
0x589: {  	[spmem:s2] =	stream.indirect.scatter.add.f32 [tilespmem:s12], [sflag:$0x3], $0x80, s16, s8, $0xb8;
	[tilespmem:$0x1E000] =	vst v63  }
0x58a: {  	_ =	swait.ge [sflag:s11], $0x3E80  }
0x58b: {  	[sflag:s11] =	ssyncset.done $0x0  }
0x58c: {  	[sflag:s11] =	ssyncadd.s32 $0xFFFFC180  }
0x58d: {  	_ =	swait.ge [sflag:s9], $0x3E80  }
0x58e: {  	[sflag:s9] =	ssyncset.done $0x0  }
0x58f: {  	s17 =	simm.s32 $0xC80;
	[sflag:s9] =	ssyncadd.s32 $0xFFFFC180  }
0x590: {  	[tilespmem:s12], [sflag:$0x1] =	stream.indirect.gather [hbm4b:s4+s8], $0x80, s17, s8, $0xb8;
	[tilespmem:$0x1E000] =	vst v63  }
0x591: {  	s15 =	simm.s32 $0x1C00  }
0x592: {  	[spmem:s2] =	stream.indirect.scatter.add.f32 [tilespmem:s10], [sflag:$0x2], $0x80, s15, s8, $0xb8;
	[tilespmem:$0x1E000] =	vst v63  }
0x593: {  	_ =	swait.ge [sflag:s11], $0x3E80  }
0x594: {  	[sflag:s11] =	ssyncset.done $0x0  }
0x595: {  	s16 =	simm.s32 $0x1C80;
	[sflag:s11] =	ssyncadd.s32 $0xFFFFC180  }
0x596: {  	[spmem:s2] =	stream.indirect.scatter.add.f32 [tilespmem:s12], [sflag:$0x3], $0x80, s16, s8, $0xb8;
	[tilespmem:$0x1E000] =	vst v63  }
0x597: {  	_ =	swait.ge [sflag:s6], $0x500  }
0x598: {  	[sflag:s6] =	ssyncset.done $0x0  }
0x599: {  	[sflag:s6] =	ssyncadd.s32 $0xFFFFFB00  }
0x59a: {  	_ =	swait.ge [sflag:s6], $0x500  }
0x59b: {  	[sflag:s6] =	ssyncset.done $0x0  }
0x59c: {  	[sflag:s6] =	ssyncadd.s32 $0xFFFFFB00  }
0x59d: {  	_ =	swait.ge [sflag:s7], $0x3E80  }
0x59e: {  	[sflag:s7] =	ssyncset.done $0x0  }
0x59f: {  	s30 =	simm.s32 $0x0;
	[sflag:s7] =	ssyncadd.s32 $0xFFFFC180  }
0x5a0: {  	[tilespmem:s10], [sflag:$0x1] =	stream.indirect.gather [hbm4b:s4+s8], $0x80, s30, s8, $0xb8;
	[tilespmem:$0x1E000] =	vst v63  }
0x5a1: {  	_ =	swait.ge [sflag:s9], $0x3E80  }
0x5a2: {  	[sflag:s9] =	ssyncset.done $0x0  }
0x5a3: {  	s0 =	rddreg [dreg:$0x15];
	[sflag:s9] =	ssyncadd.s32 $0xFFFFC180  }
0x5a4: {  	[tilespmem:s22], [sflag:$0x4] =	stream.linear.gather [hbm4b:s0+s30], $0x500, $0x38;
	[tilespmem:$0x1E000] =	vst v63  }
0x5a5: {  	s16 =	rddreg [dreg:$0x16]  }
0x5a6: {  	[tilespmem:s25], [sflag:$0x4] =	stream.linear.gather [hbm4b:s16+s30], $0x500, $0x38;
	[tilespmem:$0x1E000] =	vst v63  }
0x5a7: {  	_ =	swait.ge [sflag:s11], $0x3E80  }
0x5a8: {  	[sflag:s11] =	ssyncset.done $0x0  }
0x5a9: {  	s22 =	simm.s32 $0x80;
	[sflag:s11] =	ssyncadd.s32 $0xFFFFC180  }
0x5aa: {  	[tilespmem:s12], [sflag:$0x1] =	stream.indirect.gather [hbm4b:s4+s8], $0x80, s22, s8, $0xb8;
	[tilespmem:$0x1E000] =	vst v63  }
0x5ab: {  	s0 =	simm.s32 $0x1000  }
0x5ac: {  	[spmem:s2] =	stream.indirect.scatter.add.f32 [tilespmem:s10], [sflag:$0x2], $0x80, s0, s8, $0xb8;
	[tilespmem:$0x1E000] =	vst v63  }
0x5ad: {  	_ =	swait.ge [sflag:s11], $0x3E80  }
0x5ae: {  	[sflag:s11] =	ssyncset.done $0x0  }
0x5af: {  	[sflag:s11] =	ssyncadd.s32 $0xFFFFC180  }
0x5b0: {  	_ =	swait.ge [sflag:s7], $0x3E80  }
0x5b1: {  	[sflag:s7] =	ssyncset.done $0x0  }
0x5b2: {  	s16 =	simm.s32 $0x100;
	[sflag:s7] =	ssyncadd.s32 $0xFFFFC180  }
0x5b3: {  	[tilespmem:s10], [sflag:$0x1] =	stream.indirect.gather [hbm4b:s4+s8], $0x80, s16, s8, $0xb8;
	[tilespmem:$0x1E000] =	vst v63  }
0x5b4: {  	s22 =	simm.s32 $0x1080  }
0x5b5: {  	[spmem:s2] =	stream.indirect.scatter.add.f32 [tilespmem:s12], [sflag:$0x3], $0x80, s22, s8, $0xb8;
	[tilespmem:$0x1E000] =	vst v63  }
0x5b6: {  	_ =	swait.ge [sflag:s11], $0x3E80  }
0x5b7: {  	[sflag:s11] =	ssyncset.done $0x0  }
0x5b8: {  	[sflag:s11] =	ssyncadd.s32 $0xFFFFC180  }
0x5b9: {  	_ =	swait.ge [sflag:s9], $0x3E80  }
0x5ba: {  	[sflag:s9] =	ssyncset.done $0x0  }
0x5bb: {  	s16 =	simm.s32 $0x180;
	[sflag:s9] =	ssyncadd.s32 $0xFFFFC180  }
0x5bc: {  	[tilespmem:s12], [sflag:$0x1] =	stream.indirect.gather [hbm4b:s4+s8], $0x80, s16, s8, $0xb8;
	[tilespmem:$0x1E000] =	vst v63  }
0x5bd: {  	s22 =	simm.s32 $0x1100  }
0x5be: {  	[spmem:s2] =	stream.indirect.scatter.add.f32 [tilespmem:s10], [sflag:$0x2], $0x80, s22, s8, $0xb8;
	[tilespmem:$0x1E000] =	vst v63  }
0x5bf: {  	_ =	swait.ge [sflag:s11], $0x3E80  }
0x5c0: {  	[sflag:s11] =	ssyncset.done $0x0  }
0x5c1: {  	[sflag:s11] =	ssyncadd.s32 $0xFFFFC180  }
0x5c2: {  	_ =	swait.ge [sflag:s7], $0x3E80  }
0x5c3: {  	[sflag:s7] =	ssyncset.done $0x0  }
0x5c4: {  	[sflag:s7] =	ssyncadd.s32 $0xFFFFC180  }
0x5c5: {  	[tilespmem:s10], [sflag:$0x1] =	stream.indirect.gather [hbm4b:s4+s8], $0x80, s3, s8, $0xb8;
	[tilespmem:$0x1E000] =	vst v63  }
0x5c6: {  	s16 =	simm.s32 $0x1180  }
0x5c7: {  	[spmem:s2] =	stream.indirect.scatter.add.f32 [tilespmem:s12], [sflag:$0x3], $0x80, s16, s8, $0xb8;
	[tilespmem:$0x1E000] =	vst v63  }
0x5c8: {  	_ =	swait.ge [sflag:s11], $0x3E80  }
0x5c9: {  	[sflag:s11] =	ssyncset.done $0x0  }
0x5ca: {  	[sflag:s11] =	ssyncadd.s32 $0xFFFFC180  }
0x5cb: {  	_ =	swait.ge [sflag:s9], $0x3E80  }
0x5cc: {  	[sflag:s9] =	ssyncset.done $0x0  }
0x5cd: {  	s22 =	simm.s32 $0x280;
	[sflag:s9] =	ssyncadd.s32 $0xFFFFC180  }
0x5ce: {  	[tilespmem:s12], [sflag:$0x1] =	stream.indirect.gather [hbm4b:s4+s8], $0x80, s22, s8, $0xb8;
	[tilespmem:$0x1E000] =	vst v63  }
0x5cf: {  	s15 =	simm.s32 $0x1200  }
0x5d0: {  	[spmem:s2] =	stream.indirect.scatter.add.f32 [tilespmem:s10], [sflag:$0x2], $0x80, s15, s8, $0xb8;
	[tilespmem:$0x1E000] =	vst v63  }
0x5d1: {  	_ =	swait.ge [sflag:s11], $0x3E80  }
0x5d2: {  	[sflag:s11] =	ssyncset.done $0x0  }
0x5d3: {  	[sflag:s11] =	ssyncadd.s32 $0xFFFFC180  }
0x5d4: {  	_ =	swait.ge [sflag:s7], $0x3E80  }
0x5d5: {  	[sflag:s7] =	ssyncset.done $0x0  }
0x5d6: {  	s16 =	simm.s32 $0x300;
	[sflag:s7] =	ssyncadd.s32 $0xFFFFC180  }
0x5d7: {  	[tilespmem:s10], [sflag:$0x1] =	stream.indirect.gather [hbm4b:s4+s8], $0x80, s16, s8, $0xb8;
	[tilespmem:$0x1E000] =	vst v63  }
0x5d8: {  	s22 =	simm.s32 $0x1280  }
0x5d9: {  	[spmem:s2] =	stream.indirect.scatter.add.f32 [tilespmem:s12], [sflag:$0x3], $0x80, s22, s8, $0xb8;
	[tilespmem:$0x1E000] =	vst v63  }
0x5da: {  	_ =	swait.ge [sflag:s11], $0x3E80  }
0x5db: {  	[sflag:s11] =	ssyncset.done $0x0  }
0x5dc: {  	[sflag:s11] =	ssyncadd.s32 $0xFFFFC180  }
0x5dd: {  	_ =	swait.ge [sflag:s9], $0x3E80  }
0x5de: {  	[sflag:s9] =	ssyncset.done $0x0  }
0x5df: {  	s15 =	simm.s32 $0x380;
	[sflag:s9] =	ssyncadd.s32 $0xFFFFC180  }
0x5e0: {  	[tilespmem:s12], [sflag:$0x1] =	stream.indirect.gather [hbm4b:s4+s8], $0x80, s15, s8, $0xb8;
	[tilespmem:$0x1E000] =	vst v63  }
0x5e1: {  	s16 =	simm.s32 $0x1300  }
0x5e2: {  	[spmem:s2] =	stream.indirect.scatter.add.f32 [tilespmem:s10], [sflag:$0x2], $0x80, s16, s8, $0xb8;
	[tilespmem:$0x1E000] =	vst v63  }
0x5e3: {  	_ =	swait.ge [sflag:s11], $0x3E80  }
0x5e4: {  	[sflag:s11] =	ssyncset.done $0x0  }
0x5e5: {  	[sflag:s11] =	ssyncadd.s32 $0xFFFFC180  }
0x5e6: {  	_ =	swait.ge [sflag:s7], $0x3E80  }
0x5e7: {  	[sflag:s7] =	ssyncset.done $0x0  }
0x5e8: {  	s22 =	simm.s32 $0x400;
	[sflag:s7] =	ssyncadd.s32 $0xFFFFC180  }
0x5e9: {  	[tilespmem:s10], [sflag:$0x1] =	stream.indirect.gather [hbm4b:s4+s8], $0x80, s22, s8, $0xb8;
	[tilespmem:$0x1E000] =	vst v63  }
0x5ea: {  	s15 =	simm.s32 $0x1380  }
0x5eb: {  	[spmem:s2] =	stream.indirect.scatter.add.f32 [tilespmem:s12], [sflag:$0x3], $0x80, s15, s8, $0xb8;
	[tilespmem:$0x1E000] =	vst v63  }
0x5ec: {  	_ =	swait.ge [sflag:s11], $0x3E80  }
0x5ed: {  	[sflag:s11] =	ssyncset.done $0x0  }
0x5ee: {  	[sflag:s11] =	ssyncadd.s32 $0xFFFFC180  }
0x5ef: {  	_ =	swait.ge [sflag:s9], $0x3E80  }
0x5f0: {  	[sflag:s9] =	ssyncset.done $0x0  }
0x5f1: {  	s16 =	simm.s32 $0x480;
	[sflag:s9] =	ssyncadd.s32 $0xFFFFC180  }
0x5f2: {  	[tilespmem:s12], [sflag:$0x1] =	stream.indirect.gather [hbm4b:s4+s8], $0x80, s16, s8, $0xb8;
	[tilespmem:$0x1E000] =	vst v63  }
0x5f3: {  	s22 =	simm.s32 $0x1400  }
0x5f4: {  	[spmem:s2] =	stream.indirect.scatter.add.f32 [tilespmem:s10], [sflag:$0x2], $0x80, s22, s8, $0xb8;
	[tilespmem:$0x1E000] =	vst v63  }
0x5f5: {  	_ =	swait.ge [sflag:s11], $0x3E80  }
0x5f6: {  	[sflag:s11] =	ssyncset.done $0x0  }
0x5f7: {  	s15 =	simm.s32 $0x1480;
	[sflag:s11] =	ssyncadd.s32 $0xFFFFC180  }
0x5f8: {  	[spmem:s2] =	stream.indirect.scatter.add.f32 [tilespmem:s12], [sflag:$0x3], $0x80, s15, s8, $0xb8;
	[tilespmem:$0x1E000] =	vst v63  }
0x5f9: {  	_ =	swait.ge [sflag:s6], $0x500  }
0x5fa: {  	[sflag:s6] =	ssyncset.done $0x0  }
0x5fb: {  	[sflag:s6] =	ssyncadd.s32 $0xFFFFFB00  }
0x5fc: {  	_ =	swait.ge [sflag:s6], $0x500  }
0x5fd: {  	[sflag:s6] =	ssyncset.done $0x0  }
0x5fe: {  	[sflag:s6] =	ssyncadd.s32 $0xFFFFFB00  }
0x5ff: {  	_ =	swait.ge [sflag:s7], $0x3E80  }
0x600: {  	[sflag:s7] =	ssyncset.done $0x0  }
0x601: {  	s25 =	simm.s32 $0x800;
	[sflag:s7] =	ssyncadd.s32 $0xFFFFC180  }
0x602: {  	[tilespmem:s10], [sflag:$0x1] =	stream.indirect.gather [hbm4b:s4+s8], $0x80, s25, s8, $0xb8;
	[tilespmem:$0x1E000] =	vst v63  }
0x603: {  	_ =	swait.ge [sflag:s9], $0x3E80  }
0x604: {  	[sflag:s9] =	ssyncset.done $0x0  }
0x605: {  	[sflag:s9] =	ssyncadd.s32 $0xFFFFC180  }
0x606: {  	_ =	swait.ge [sflag:s11], $0x3E80  }
0x607: {  	[sflag:s11] =	ssyncset.done $0x0  }
0x608: {  	s28 =	simm.s32 $0x880;
	[sflag:s11] =	ssyncadd.s32 $0xFFFFC180  }
0x609: {  	[tilespmem:s12], [sflag:$0x1] =	stream.indirect.gather [hbm4b:s4+s8], $0x80, s28, s8, $0xb8;
	[tilespmem:$0x1E000] =	vst v63  }
0x60a: {  	s22 =	simm.s32 $0x1800  }
0x60b: {  	[spmem:s2] =	stream.indirect.scatter.add.f32 [tilespmem:s10], [sflag:$0x2], $0x80, s22, s8, $0xb8;
	[tilespmem:$0x1E000] =	vst v63  }
0x60c: {  	_ =	swait.ge [sflag:s11], $0x3E80  }
0x60d: {  	[sflag:s11] =	ssyncset.done $0x0  }
0x60e: {  	[sflag:s11] =	ssyncadd.s32 $0xFFFFC180  }
0x60f: {  	_ =	swait.ge [sflag:s7], $0x3E80  }
0x610: {  	[sflag:s7] =	ssyncset.done $0x0  }
0x611: {  	s1 =	simm.s32 $0x900;
	[sflag:s7] =	ssyncadd.s32 $0xFFFFC180  }
0x612: {  	[tilespmem:s10], [sflag:$0x1] =	stream.indirect.gather [hbm4b:s4+s8], $0x80, s1, s8, $0xb8;
	[tilespmem:$0x1E000] =	vst v63  }
0x613: {  	s29 =	simm.s32 $0x1880  }
0x614: {  	[spmem:s2] =	stream.indirect.scatter.add.f32 [tilespmem:s12], [sflag:$0x3], $0x80, s29, s8, $0xb8;
	[tilespmem:$0x1E000] =	vst v63  }
0x615: {  	_ =	swait.ge [sflag:s11], $0x3E80  }
0x616: {  	[sflag:s11] =	ssyncset.done $0x0  }
0x617: {  	[sflag:s11] =	ssyncadd.s32 $0xFFFFC180  }
0x618: {  	_ =	swait.ge [sflag:s9], $0x3E80  }
0x619: {  	[sflag:s9] =	ssyncset.done $0x0  }
0x61a: {  	s16 =	simm.s32 $0x980;
	[sflag:s9] =	ssyncadd.s32 $0xFFFFC180  }
0x61b: {  	[tilespmem:s12], [sflag:$0x1] =	stream.indirect.gather [hbm4b:s4+s8], $0x80, s16, s8, $0xb8;
	[tilespmem:$0x1E000] =	vst v63  }
0x61c: {  	s23 =	simm.s32 $0x1900  }
0x61d: {  	[spmem:s2] =	stream.indirect.scatter.add.f32 [tilespmem:s10], [sflag:$0x2], $0x80, s23, s8, $0xb8;
	[tilespmem:$0x1E000] =	vst v63  }
0x61e: {  	_ =	swait.ge [sflag:s11], $0x3E80  }
0x61f: {  	[sflag:s11] =	ssyncset.done $0x0  }
0x620: {  	[sflag:s11] =	ssyncadd.s32 $0xFFFFC180  }
0x621: {  	_ =	swait.ge [sflag:s7], $0x3E80  }
0x622: {  	[sflag:s7] =	ssyncset.done $0x0  }
0x623: {  	s13 =	simm.s32 $0xA00;
	[sflag:s7] =	ssyncadd.s32 $0xFFFFC180  }
0x624: {  	[tilespmem:s10], [sflag:$0x1] =	stream.indirect.gather [hbm4b:s4+s8], $0x80, s13, s8, $0xb8;
	[tilespmem:$0x1E000] =	vst v63  }
0x625: {  	s24 =	simm.s32 $0x1980  }
0x626: {  	[spmem:s2] =	stream.indirect.scatter.add.f32 [tilespmem:s12], [sflag:$0x3], $0x80, s24, s8, $0xb8;
	[tilespmem:$0x1E000] =	vst v63  }
0x627: {  	_ =	swait.ge [sflag:s11], $0x3E80  }
0x628: {  	[sflag:s11] =	ssyncset.done $0x0  }
0x629: {  	[sflag:s11] =	ssyncadd.s32 $0xFFFFC180  }
0x62a: {  	_ =	swait.ge [sflag:s9], $0x3E80  }
0x62b: {  	[sflag:s9] =	ssyncset.done $0x0  }
0x62c: {  	s21 =	simm.s32 $0xA80;
	[sflag:s9] =	ssyncadd.s32 $0xFFFFC180  }
0x62d: {  	[tilespmem:s12], [sflag:$0x1] =	stream.indirect.gather [hbm4b:s4+s8], $0x80, s21, s8, $0xb8;
	[tilespmem:$0x1E000] =	vst v63  }
0x62e: {  	s26 =	simm.s32 $0x1A00  }
0x62f: {  	[spmem:s2] =	stream.indirect.scatter.add.f32 [tilespmem:s10], [sflag:$0x2], $0x80, s26, s8, $0xb8;
	[tilespmem:$0x1E000] =	vst v63  }
0x630: {  	_ =	swait.ge [sflag:s11], $0x3E80  }
0x631: {  	[sflag:s11] =	ssyncset.done $0x0  }
0x632: {  	[sflag:s11] =	ssyncadd.s32 $0xFFFFC180  }
0x633: {  	_ =	swait.ge [sflag:s7], $0x3E80  }
0x634: {  	[sflag:s7] =	ssyncset.done $0x0  }
0x635: {  	s20 =	simm.s32 $0xB00;
	[sflag:s7] =	ssyncadd.s32 $0xFFFFC180  }
0x636: {  	[tilespmem:s10], [sflag:$0x1] =	stream.indirect.gather [hbm4b:s4+s8], $0x80, s20, s8, $0xb8;
	[tilespmem:$0x1E000] =	vst v63  }
0x637: {  	s21 =	simm.s32 $0x1A80  }
0x638: {  	[spmem:s2] =	stream.indirect.scatter.add.f32 [tilespmem:s12], [sflag:$0x3], $0x80, s21, s8, $0xb8;
	[tilespmem:$0x1E000] =	vst v63  }
0x639: {  	_ =	swait.ge [sflag:s11], $0x3E80  }
0x63a: {  	[sflag:s11] =	ssyncset.done $0x0  }
0x63b: {  	[sflag:s11] =	ssyncadd.s32 $0xFFFFC180  }
0x63c: {  	_ =	swait.ge [sflag:s9], $0x3E80  }
0x63d: {  	[sflag:s9] =	ssyncset.done $0x0  }
0x63e: {  	s19 =	simm.s32 $0xB80;
	[sflag:s9] =	ssyncadd.s32 $0xFFFFC180  }
0x63f: {  	[tilespmem:s12], [sflag:$0x1] =	stream.indirect.gather [hbm4b:s4+s8], $0x80, s19, s8, $0xb8;
	[tilespmem:$0x1E000] =	vst v63  }
0x640: {  	s31 =	simm.s32 $0x1B00  }
0x641: {  	[spmem:s2] =	stream.indirect.scatter.add.f32 [tilespmem:s10], [sflag:$0x2], $0x80, s31, s8, $0xb8;
	[tilespmem:$0x1E000] =	vst v63  }
0x642: {  	_ =	swait.ge [sflag:s11], $0x3E80  }
0x643: {  	[sflag:s11] =	ssyncset.done $0x0  }
0x644: {  	[sflag:s11] =	ssyncadd.s32 $0xFFFFC180  }
0x645: {  	_ =	swait.ge [sflag:s7], $0x3E80  }
0x646: {  	[sflag:s7] =	ssyncset.done $0x0  }
0x647: {  	s18 =	simm.s32 $0xC00;
	[sflag:s7] =	ssyncadd.s32 $0xFFFFC180  }
0x648: {  	[tilespmem:s10], [sflag:$0x1] =	stream.indirect.gather [hbm4b:s4+s8], $0x80, s18, s8, $0xb8;
	[tilespmem:$0x1E000] =	vst v63  }
0x649: {  	s23 =	simm.s32 $0x1B80  }
0x64a: {  	[spmem:s2] =	stream.indirect.scatter.add.f32 [tilespmem:s12], [sflag:$0x3], $0x80, s23, s8, $0xb8;
	[tilespmem:$0x1E000] =	vst v63  }
0x64b: {  	_ =	swait.ge [sflag:s11], $0x3E80  }
0x64c: {  	[sflag:s11] =	ssyncset.done $0x0  }
0x64d: {  	[sflag:s11] =	ssyncadd.s32 $0xFFFFC180  }
0x64e: {  	_ =	swait.ge [sflag:s9], $0x3E80  }
0x64f: {  	[sflag:s9] =	ssyncset.done $0x0  }
0x650: {  	s17 =	simm.s32 $0xC80;
	[sflag:s9] =	ssyncadd.s32 $0xFFFFC180  }
0x651: {  	[tilespmem:s12], [sflag:$0x1] =	stream.indirect.gather [hbm4b:s4+s8], $0x80, s17, s8, $0xb8;
	[tilespmem:$0x1E000] =	vst v63  }
0x652: {  	s24 =	simm.s32 $0x1C00  }
0x653: {  	[spmem:s2] =	stream.indirect.scatter.add.f32 [tilespmem:s10], [sflag:$0x2], $0x80, s24, s8, $0xb8;
	[tilespmem:$0x1E000] =	vst v63  }
0x654: {  	_ =	swait.ge [sflag:s11], $0x3E80  }
0x655: {  	[sflag:s11] =	ssyncset.done $0x0  }
0x656: {  	s26 =	simm.s32 $0x1C80;
	[sflag:s11] =	ssyncadd.s32 $0xFFFFC180  }
0x657: {  	[spmem:s2] =	stream.indirect.scatter.add.f32 [tilespmem:s12], [sflag:$0x3], $0x80, s26, s8, $0xb8;
	[tilespmem:$0x1E000] =	vst v63  }
0x658: {  	_ =	swait.ge [sflag:s7], $0x3E80  }
0x659: {  	[sflag:s7] =	ssyncset.done $0x0  }
0x65a: {  	[sflag:s7] =	ssyncadd.s32 $0xFFFFC180  }
0x65b: {  	_ =	swait.ge [sflag:s9], $0x3E80  }
0x65c: {  	[sflag:s9] =	ssyncset.done $0x0  }
0x65d: {  	[sflag:s9] =	ssyncadd.s32 $0xFFFFC180  }
0x65e: {  	[bflag:$0x0] =	sbarrier.arrive $0xFFFF  }
0x65f: {  	p1 =	sne.s32 s14, $0x1;
	s28 =	rddreg [dreg:$0x17]  }
.Ltmp2:
0x660: {  	s29 =	rddreg [dreg:$0x19];
	(pc) =	sbr.rel @p1 .LBB2_4-.Ltmp2, $4  }
0x661: {  	s5 =	simm.s32 $0x5;
	s31 =	rddreg [dreg:$0x18]  }
0x662: {  	[hbm:s28], [sflag:s29] =	dma.local [spmem:s31], $0x2800  }
0x663: {  	_ =	swait.ge [sflag:s5], $0x2800  }
0x664: {  	s14 =	sadd.s32 $0xFFFFFFFF, s14;
	s15 =	rddreg [dreg:$0x5];
	[sflag:s5] =	ssyncset.done $0x0  }
0x665: {  	s1 =	rddreg [dreg:$0x18]  }
.LBB2_6:
0x666: {  	s14 =	rddreg [dreg:$0x6];
	[sflag:s5] =	ssyncadd.s32 @p0 $0xFFFFD800  }
0x667: {  	[spmem:s1], [sflag:s14] =	dma.local [hbm:s15], $0x2800  }
0x668: {  	s14 =	rddreg [dreg:$0x7]  }
0x669: {  	[tilespmem:s30], [sflag:$0x5] =	stream.linear.gather [hbm4b:s14+s30], $0x500, $0x38;
	[tilespmem:$0x1E000] =	vst v63  }
0x66a: {  	_ =	swait.ge [sflag:s5], $0x500  }
0x66b: {  	[sflag:s5] =	ssyncset.done $0x0  }
0x66c: {  	s17 =	rddreg [dreg:$0x8];
	[sflag:s5] =	ssyncadd.s32 $0xFFFFFB00  }
0x66d: {  	[tilespmem:s0], [sflag:$0x5] =	stream.linear.gather [hbm4b:s17+s30], $0x500, $0x38;
	[tilespmem:$0x1E000] =	vst v63  }
0x66e: {  	_ =	swait.ge [sflag:s5], $0x500  }
0x66f: {  	[sflag:s5] =	ssyncset.done $0x0  }
0x670: {  	[sflag:s5] =	ssyncadd.s32 $0xFFFFFB00  }
0x671: {  	[tilespmem:s10], [sflag:$0x1] =	stream.indirect.gather [hbm4b:s4+s8], $0x80, s30, s8, $0xb8;
	[tilespmem:$0x1E000] =	vst v63  }
0x672: {  	_ =	swait.ge [sflag:s7], $0x2800  }
0x673: {  	[sflag:s7] =	ssyncset.done $0x0  }
0x674: {  	[sflag:s7] =	ssyncadd.s32 $0xFFFFD800  }
0x675: {  	[bflag:$0x0] =	sbarrier.arrive $0xFFFF  }
0x676: {  	s18 =	rddreg [dreg:$0x9]  }
0x677: {  	[tilespmem:s25], [sflag:$0x4] =	stream.linear.gather [hbm4b:s18+s30], $0x500, $0x38;
	[tilespmem:$0x1E000] =	vst v63  }
0x678: {  	s19 =	rddreg [dreg:$0xa]  }
0x679: {  	[tilespmem:s22], [sflag:$0x4] =	stream.linear.gather [hbm4b:s19+s30], $0x500, $0x38;
	[tilespmem:$0x1E000] =	vst v63  }
0x67a: {  	_ =	swait.ge [sflag:s11], $0x3E80  }
0x67b: {  	[sflag:s11] =	ssyncset.done $0x0  }
0x67c: {  	s20 =	simm.s32 $0x80;
	[sflag:s11] =	ssyncadd.s32 $0xFFFFC180  }
0x67d: {  	[tilespmem:s12], [sflag:$0x1] =	stream.indirect.gather [hbm4b:s4+s8], $0x80, s20, s8, $0xb8;
	[tilespmem:$0x1E000] =	vst v63  }
0x67e: {  	_ = 	snop  }
0x67f: {  	[spmem:s2] =	stream.indirect.scatter.add.f32 [tilespmem:s10], [sflag:$0x2], $0x80, s0, s8, $0xb8;
	[tilespmem:$0x1E000] =	vst v63  }
0x680: {  	_ =	swait.ge [sflag:s11], $0x3E80  }
0x681: {  	[sflag:s11] =	ssyncset.done $0x0  }
0x682: {  	[sflag:s11] =	ssyncadd.s32 $0xFFFFC180  }
0x683: {  	_ =	swait.ge [sflag:s7], $0x3E80  }
0x684: {  	[sflag:s7] =	ssyncset.done $0x0  }
0x685: {  	s21 =	simm.s32 $0x100;
	[sflag:s7] =	ssyncadd.s32 $0xFFFFC180  }
0x686: {  	[tilespmem:s10], [sflag:$0x1] =	stream.indirect.gather [hbm4b:s4+s8], $0x80, s21, s8, $0xb8;
	[tilespmem:$0x1E000] =	vst v63  }
0x687: {  	s23 =	simm.s32 $0x1080  }
0x688: {  	[spmem:s2] =	stream.indirect.scatter.add.f32 [tilespmem:s12], [sflag:$0x3], $0x80, s23, s8, $0xb8;
	[tilespmem:$0x1E000] =	vst v63  }
0x689: {  	_ =	swait.ge [sflag:s11], $0x3E80  }
0x68a: {  	[sflag:s11] =	ssyncset.done $0x0  }
0x68b: {  	[sflag:s11] =	ssyncadd.s32 $0xFFFFC180  }
0x68c: {  	_ =	swait.ge [sflag:s9], $0x3E80  }
0x68d: {  	[sflag:s9] =	ssyncset.done $0x0  }
0x68e: {  	s3 =	simm.s32 $0x180;
	[sflag:s9] =	ssyncadd.s32 $0xFFFFC180  }
0x68f: {  	[tilespmem:s12], [sflag:$0x1] =	stream.indirect.gather [hbm4b:s4+s8], $0x80, s3, s8, $0xb8;
	[tilespmem:$0x1E000] =	vst v63  }
0x690: {  	s24 =	simm.s32 $0x1100  }
0x691: {  	[spmem:s2] =	stream.indirect.scatter.add.f32 [tilespmem:s10], [sflag:$0x2], $0x80, s24, s8, $0xb8;
	[tilespmem:$0x1E000] =	vst v63  }
0x692: {  	_ =	swait.ge [sflag:s11], $0x3E80  }
0x693: {  	[sflag:s11] =	ssyncset.done $0x0  }
0x694: {  	[sflag:s11] =	ssyncadd.s32 $0xFFFFC180  }
0x695: {  	_ =	swait.ge [sflag:s7], $0x3E80  }
0x696: {  	[sflag:s7] =	ssyncset.done $0x0  }
0x697: {  	s26 =	simm.s32 $0x200;
	[sflag:s7] =	ssyncadd.s32 $0xFFFFC180  }
0x698: {  	[tilespmem:s10], [sflag:$0x1] =	stream.indirect.gather [hbm4b:s4+s8], $0x80, s26, s8, $0xb8;
	[tilespmem:$0x1E000] =	vst v63  }
0x699: {  	s28 =	simm.s32 $0x1180  }
0x69a: {  	[spmem:s2] =	stream.indirect.scatter.add.f32 [tilespmem:s12], [sflag:$0x3], $0x80, s28, s8, $0xb8;
	[tilespmem:$0x1E000] =	vst v63  }
0x69b: {  	_ =	swait.ge [sflag:s11], $0x3E80  }
0x69c: {  	[sflag:s11] =	ssyncset.done $0x0  }
0x69d: {  	[sflag:s11] =	ssyncadd.s32 $0xFFFFC180  }
0x69e: {  	_ =	swait.ge [sflag:s9], $0x3E80  }
0x69f: {  	[sflag:s9] =	ssyncset.done $0x0  }
0x6a0: {  	s29 =	simm.s32 $0x280;
	[sflag:s9] =	ssyncadd.s32 $0xFFFFC180  }
0x6a1: {  	[tilespmem:s12], [sflag:$0x1] =	stream.indirect.gather [hbm4b:s4+s8], $0x80, s29, s8, $0xb8;
	[tilespmem:$0x1E000] =	vst v63  }
0x6a2: {  	s1 =	simm.s32 $0x1200  }
0x6a3: {  	[spmem:s2] =	stream.indirect.scatter.add.f32 [tilespmem:s10], [sflag:$0x2], $0x80, s1, s8, $0xb8;
	[tilespmem:$0x1E000] =	vst v63  }
0x6a4: {  	_ =	swait.ge [sflag:s11], $0x3E80  }
0x6a5: {  	[sflag:s11] =	ssyncset.done $0x0  }
0x6a6: {  	[sflag:s11] =	ssyncadd.s32 $0xFFFFC180  }
0x6a7: {  	_ =	swait.ge [sflag:s7], $0x3E80  }
0x6a8: {  	[sflag:s7] =	ssyncset.done $0x0  }
0x6a9: {  	s14 =	simm.s32 $0x300;
	[sflag:s7] =	ssyncadd.s32 $0xFFFFC180  }
0x6aa: {  	[tilespmem:s10], [sflag:$0x1] =	stream.indirect.gather [hbm4b:s4+s8], $0x80, s14, s8, $0xb8;
	[tilespmem:$0x1E000] =	vst v63  }
0x6ab: {  	s15 =	simm.s32 $0x1280  }
0x6ac: {  	[spmem:s2] =	stream.indirect.scatter.add.f32 [tilespmem:s12], [sflag:$0x3], $0x80, s15, s8, $0xb8;
	[tilespmem:$0x1E000] =	vst v63  }
0x6ad: {  	_ =	swait.ge [sflag:s11], $0x3E80  }
0x6ae: {  	[sflag:s11] =	ssyncset.done $0x0  }
0x6af: {  	[sflag:s11] =	ssyncadd.s32 $0xFFFFC180  }
0x6b0: {  	_ =	swait.ge [sflag:s9], $0x3E80  }
0x6b1: {  	[sflag:s9] =	ssyncset.done $0x0  }
0x6b2: {  	s17 =	simm.s32 $0x380;
	[sflag:s9] =	ssyncadd.s32 $0xFFFFC180  }
0x6b3: {  	[tilespmem:s12], [sflag:$0x1] =	stream.indirect.gather [hbm4b:s4+s8], $0x80, s17, s8, $0xb8;
	[tilespmem:$0x1E000] =	vst v63  }
0x6b4: {  	s23 =	simm.s32 $0x1300  }
0x6b5: {  	[spmem:s2] =	stream.indirect.scatter.add.f32 [tilespmem:s10], [sflag:$0x2], $0x80, s23, s8, $0xb8;
	[tilespmem:$0x1E000] =	vst v63  }
0x6b6: {  	_ =	swait.ge [sflag:s11], $0x3E80  }
0x6b7: {  	[sflag:s11] =	ssyncset.done $0x0  }
0x6b8: {  	[sflag:s11] =	ssyncadd.s32 $0xFFFFC180  }
0x6b9: {  	_ =	swait.ge [sflag:s7], $0x3E80  }
0x6ba: {  	[sflag:s7] =	ssyncset.done $0x0  }
0x6bb: {  	s24 =	simm.s32 $0x400;
	[sflag:s7] =	ssyncadd.s32 $0xFFFFC180  }
0x6bc: {  	[tilespmem:s10], [sflag:$0x1] =	stream.indirect.gather [hbm4b:s4+s8], $0x80, s24, s8, $0xb8;
	[tilespmem:$0x1E000] =	vst v63  }
0x6bd: {  	s26 =	simm.s32 $0x1380  }
0x6be: {  	[spmem:s2] =	stream.indirect.scatter.add.f32 [tilespmem:s12], [sflag:$0x3], $0x80, s26, s8, $0xb8;
	[tilespmem:$0x1E000] =	vst v63  }
0x6bf: {  	_ =	swait.ge [sflag:s11], $0x3E80  }
0x6c0: {  	[sflag:s11] =	ssyncset.done $0x0  }
0x6c1: {  	[sflag:s11] =	ssyncadd.s32 $0xFFFFC180  }
0x6c2: {  	_ =	swait.ge [sflag:s9], $0x3E80  }
0x6c3: {  	[sflag:s9] =	ssyncset.done $0x0  }
0x6c4: {  	s28 =	simm.s32 $0x480;
	[sflag:s9] =	ssyncadd.s32 $0xFFFFC180  }
0x6c5: {  	[tilespmem:s12], [sflag:$0x1] =	stream.indirect.gather [hbm4b:s4+s8], $0x80, s28, s8, $0xb8;
	[tilespmem:$0x1E000] =	vst v63  }
0x6c6: {  	s29 =	simm.s32 $0x1400  }
0x6c7: {  	[spmem:s2] =	stream.indirect.scatter.add.f32 [tilespmem:s10], [sflag:$0x2], $0x80, s29, s8, $0xb8;
	[tilespmem:$0x1E000] =	vst v63  }
0x6c8: {  	_ =	swait.ge [sflag:s11], $0x3E80  }
0x6c9: {  	[sflag:s11] =	ssyncset.done $0x0  }
0x6ca: {  	s14 =	simm.s32 $0x1480;
	[sflag:s11] =	ssyncadd.s32 $0xFFFFC180  }
0x6cb: {  	[spmem:s2] =	stream.indirect.scatter.add.f32 [tilespmem:s12], [sflag:$0x3], $0x80, s14, s8, $0xb8;
	[tilespmem:$0x1E000] =	vst v63  }
0x6cc: {  	_ =	swait.ge [sflag:s6], $0x500  }
0x6cd: {  	[sflag:s6] =	ssyncset.done $0x0  }
0x6ce: {  	[sflag:s6] =	ssyncadd.s32 $0xFFFFFB00  }
0x6cf: {  	_ =	swait.ge [sflag:s6], $0x500  }
0x6d0: {  	[sflag:s6] =	ssyncset.done $0x0  }
0x6d1: {  	[sflag:s6] =	ssyncadd.s32 $0xFFFFFB00  }
0x6d2: {  	_ =	swait.ge [sflag:s7], $0x3E80  }
0x6d3: {  	[sflag:s7] =	ssyncset.done $0x0  }
0x6d4: {  	[sflag:s7] =	ssyncadd.s32 $0xFFFFC180  }
0x6d5: {  	[tilespmem:s10], [sflag:$0x1] =	stream.indirect.gather [hbm4b:s4+s8], $0x80, s25, s8, $0xb8;
	[tilespmem:$0x1E000] =	vst v63  }
0x6d6: {  	_ =	swait.ge [sflag:s9], $0x3E80  }
0x6d7: {  	[sflag:s9] =	ssyncset.done $0x0  }
0x6d8: {  	s15 =	rddreg [dreg:$0xb];
	[sflag:s9] =	ssyncadd.s32 $0xFFFFC180  }
0x6d9: {  	[tilespmem:s30], [sflag:$0x4] =	stream.linear.gather [hbm4b:s15+s30], $0x500, $0x38;
	[tilespmem:$0x1E000] =	vst v63  }
0x6da: {  	s24 =	rddreg [dreg:$0xc]  }
0x6db: {  	[tilespmem:s0], [sflag:$0x4] =	stream.linear.gather [hbm4b:s24+s30], $0x500, $0x38;
	[tilespmem:$0x1E000] =	vst v63  }
0x6dc: {  	_ =	swait.ge [sflag:s11], $0x3E80  }
0x6dd: {  	[sflag:s11] =	ssyncset.done $0x0  }
0x6de: {  	s26 =	simm.s32 $0x880;
	[sflag:s11] =	ssyncadd.s32 $0xFFFFC180  }
0x6df: {  	[tilespmem:s12], [sflag:$0x1] =	stream.indirect.gather [hbm4b:s4+s8], $0x80, s26, s8, $0xb8;
	[tilespmem:$0x1E000] =	vst v63  }
0x6e0: {  	_ = 	snop  }
0x6e1: {  	[spmem:s2] =	stream.indirect.scatter.add.f32 [tilespmem:s10], [sflag:$0x2], $0x80, s22, s8, $0xb8;
	[tilespmem:$0x1E000] =	vst v63  }
0x6e2: {  	_ =	swait.ge [sflag:s11], $0x3E80  }
0x6e3: {  	[sflag:s11] =	ssyncset.done $0x0  }
0x6e4: {  	[sflag:s11] =	ssyncadd.s32 $0xFFFFC180  }
0x6e5: {  	_ =	swait.ge [sflag:s7], $0x3E80  }
0x6e6: {  	[sflag:s7] =	ssyncset.done $0x0  }
0x6e7: {  	s28 =	simm.s32 $0x900;
	[sflag:s7] =	ssyncadd.s32 $0xFFFFC180  }
0x6e8: {  	[tilespmem:s10], [sflag:$0x1] =	stream.indirect.gather [hbm4b:s4+s8], $0x80, s28, s8, $0xb8;
	[tilespmem:$0x1E000] =	vst v63  }
0x6e9: {  	s29 =	simm.s32 $0x1880  }
0x6ea: {  	[spmem:s2] =	stream.indirect.scatter.add.f32 [tilespmem:s12], [sflag:$0x3], $0x80, s29, s8, $0xb8;
	[tilespmem:$0x1E000] =	vst v63  }
0x6eb: {  	_ =	swait.ge [sflag:s11], $0x3E80  }
0x6ec: {  	[sflag:s11] =	ssyncset.done $0x0  }
0x6ed: {  	[sflag:s11] =	ssyncadd.s32 $0xFFFFC180  }
0x6ee: {  	_ =	swait.ge [sflag:s9], $0x3E80  }
0x6ef: {  	[sflag:s9] =	ssyncset.done $0x0  }
0x6f0: {  	s14 =	simm.s32 $0x980;
	[sflag:s9] =	ssyncadd.s32 $0xFFFFC180  }
0x6f1: {  	[tilespmem:s12], [sflag:$0x1] =	stream.indirect.gather [hbm4b:s4+s8], $0x80, s14, s8, $0xb8;
	[tilespmem:$0x1E000] =	vst v63  }
0x6f2: {  	s15 =	simm.s32 $0x1900  }
0x6f3: {  	[spmem:s2] =	stream.indirect.scatter.add.f32 [tilespmem:s10], [sflag:$0x2], $0x80, s15, s8, $0xb8;
	[tilespmem:$0x1E000] =	vst v63  }
0x6f4: {  	_ =	swait.ge [sflag:s11], $0x3E80  }
0x6f5: {  	[sflag:s11] =	ssyncset.done $0x0  }
0x6f6: {  	[sflag:s11] =	ssyncadd.s32 $0xFFFFC180  }
0x6f7: {  	_ =	swait.ge [sflag:s7], $0x3E80  }
0x6f8: {  	[sflag:s7] =	ssyncset.done $0x0  }
0x6f9: {  	s26 =	simm.s32 $0xA00;
	[sflag:s7] =	ssyncadd.s32 $0xFFFFC180  }
0x6fa: {  	[tilespmem:s10], [sflag:$0x1] =	stream.indirect.gather [hbm4b:s4+s8], $0x80, s26, s8, $0xb8;
	[tilespmem:$0x1E000] =	vst v63  }
0x6fb: {  	s29 =	simm.s32 $0x1980  }
0x6fc: {  	[spmem:s2] =	stream.indirect.scatter.add.f32 [tilespmem:s12], [sflag:$0x3], $0x80, s29, s8, $0xb8;
	[tilespmem:$0x1E000] =	vst v63  }
0x6fd: {  	_ =	swait.ge [sflag:s11], $0x3E80  }
0x6fe: {  	[sflag:s11] =	ssyncset.done $0x0  }
0x6ff: {  	[sflag:s11] =	ssyncadd.s32 $0xFFFFC180  }
0x700: {  	_ =	swait.ge [sflag:s9], $0x3E80  }
0x701: {  	[sflag:s9] =	ssyncset.done $0x0  }
0x702: {  	s14 =	simm.s32 $0xA80;
	[sflag:s9] =	ssyncadd.s32 $0xFFFFC180  }
0x703: {  	[tilespmem:s12], [sflag:$0x1] =	stream.indirect.gather [hbm4b:s4+s8], $0x80, s14, s8, $0xb8;
	[tilespmem:$0x1E000] =	vst v63  }
0x704: {  	s15 =	simm.s32 $0x1A00  }
0x705: {  	[spmem:s2] =	stream.indirect.scatter.add.f32 [tilespmem:s10], [sflag:$0x2], $0x80, s15, s8, $0xb8;
	[tilespmem:$0x1E000] =	vst v63  }
0x706: {  	_ =	swait.ge [sflag:s11], $0x3E80  }
0x707: {  	[sflag:s11] =	ssyncset.done $0x0  }
0x708: {  	[sflag:s11] =	ssyncadd.s32 $0xFFFFC180  }
0x709: {  	_ =	swait.ge [sflag:s7], $0x3E80  }
0x70a: {  	[sflag:s7] =	ssyncset.done $0x0  }
0x70b: {  	s29 =	simm.s32 $0xB00;
	[sflag:s7] =	ssyncadd.s32 $0xFFFFC180  }
0x70c: {  	[tilespmem:s10], [sflag:$0x1] =	stream.indirect.gather [hbm4b:s4+s8], $0x80, s29, s8, $0xb8;
	[tilespmem:$0x1E000] =	vst v63  }
0x70d: {  	s14 =	simm.s32 $0x1A80  }
0x70e: {  	[spmem:s2] =	stream.indirect.scatter.add.f32 [tilespmem:s12], [sflag:$0x3], $0x80, s14, s8, $0xb8;
	[tilespmem:$0x1E000] =	vst v63  }
0x70f: {  	_ =	swait.ge [sflag:s11], $0x3E80  }
0x710: {  	[sflag:s11] =	ssyncset.done $0x0  }
0x711: {  	[sflag:s11] =	ssyncadd.s32 $0xFFFFC180  }
0x712: {  	_ =	swait.ge [sflag:s9], $0x3E80  }
0x713: {  	[sflag:s9] =	ssyncset.done $0x0  }
0x714: {  	s15 =	simm.s32 $0xB80;
	[sflag:s9] =	ssyncadd.s32 $0xFFFFC180  }
0x715: {  	[tilespmem:s12], [sflag:$0x1] =	stream.indirect.gather [hbm4b:s4+s8], $0x80, s15, s8, $0xb8;
	[tilespmem:$0x1E000] =	vst v63  }
0x716: {  	s29 =	simm.s32 $0x1B00  }
0x717: {  	[spmem:s2] =	stream.indirect.scatter.add.f32 [tilespmem:s10], [sflag:$0x2], $0x80, s29, s8, $0xb8;
	[tilespmem:$0x1E000] =	vst v63  }
0x718: {  	_ =	swait.ge [sflag:s11], $0x3E80  }
0x719: {  	[sflag:s11] =	ssyncset.done $0x0  }
0x71a: {  	[sflag:s11] =	ssyncadd.s32 $0xFFFFC180  }
0x71b: {  	_ =	swait.ge [sflag:s7], $0x3E80  }
0x71c: {  	[sflag:s7] =	ssyncset.done $0x0  }
0x71d: {  	s14 =	simm.s32 $0xC00;
	[sflag:s7] =	ssyncadd.s32 $0xFFFFC180  }
0x71e: {  	[tilespmem:s10], [sflag:$0x1] =	stream.indirect.gather [hbm4b:s4+s8], $0x80, s14, s8, $0xb8;
	[tilespmem:$0x1E000] =	vst v63  }
0x71f: {  	s15 =	simm.s32 $0x1B80  }
0x720: {  	[spmem:s2] =	stream.indirect.scatter.add.f32 [tilespmem:s12], [sflag:$0x3], $0x80, s15, s8, $0xb8;
	[tilespmem:$0x1E000] =	vst v63  }
0x721: {  	_ =	swait.ge [sflag:s11], $0x3E80  }
0x722: {  	[sflag:s11] =	ssyncset.done $0x0  }
0x723: {  	[sflag:s11] =	ssyncadd.s32 $0xFFFFC180  }
0x724: {  	_ =	swait.ge [sflag:s9], $0x3E80  }
0x725: {  	[sflag:s9] =	ssyncset.done $0x0  }
0x726: {  	s14 =	simm.s32 $0xC80;
	[sflag:s9] =	ssyncadd.s32 $0xFFFFC180  }
0x727: {  	[tilespmem:s12], [sflag:$0x1] =	stream.indirect.gather [hbm4b:s4+s8], $0x80, s14, s8, $0xb8;
	[tilespmem:$0x1E000] =	vst v63  }
0x728: {  	s15 =	simm.s32 $0x1C00  }
0x729: {  	[spmem:s2] =	stream.indirect.scatter.add.f32 [tilespmem:s10], [sflag:$0x2], $0x80, s15, s8, $0xb8;
	[tilespmem:$0x1E000] =	vst v63  }
0x72a: {  	_ =	swait.ge [sflag:s11], $0x3E80  }
0x72b: {  	[sflag:s11] =	ssyncset.done $0x0  }
0x72c: {  	s14 =	simm.s32 $0x1C80;
	[sflag:s11] =	ssyncadd.s32 $0xFFFFC180  }
0x72d: {  	[spmem:s2] =	stream.indirect.scatter.add.f32 [tilespmem:s12], [sflag:$0x3], $0x80, s14, s8, $0xb8;
	[tilespmem:$0x1E000] =	vst v63  }
0x72e: {  	_ =	swait.ge [sflag:s6], $0x500  }
0x72f: {  	[sflag:s6] =	ssyncset.done $0x0  }
0x730: {  	[sflag:s6] =	ssyncadd.s32 $0xFFFFFB00  }
0x731: {  	_ =	swait.ge [sflag:s6], $0x500  }
0x732: {  	[sflag:s6] =	ssyncset.done $0x0  }
0x733: {  	[sflag:s6] =	ssyncadd.s32 $0xFFFFFB00  }
0x734: {  	_ =	swait.ge [sflag:s7], $0x3E80  }
0x735: {  	[sflag:s7] =	ssyncset.done $0x0  }
0x736: {  	[sflag:s7] =	ssyncadd.s32 $0xFFFFC180  }
0x737: {  	[tilespmem:s10], [sflag:$0x1] =	stream.indirect.gather [hbm4b:s4+s8], $0x80, s30, s8, $0xb8;
	[tilespmem:$0x1E000] =	vst v63  }
0x738: {  	_ =	swait.ge [sflag:s9], $0x3E80  }
0x739: {  	[sflag:s9] =	ssyncset.done $0x0  }
0x73a: {  	s15 =	rddreg [dreg:$0xd];
	[sflag:s9] =	ssyncadd.s32 $0xFFFFC180  }
0x73b: {  	[tilespmem:s25], [sflag:$0x4] =	stream.linear.gather [hbm4b:s15+s30], $0x500, $0x38;
	[tilespmem:$0x1E000] =	vst v63  }
0x73c: {  	s3 =	rddreg [dreg:$0xe]  }
0x73d: {  	[tilespmem:s22], [sflag:$0x4] =	stream.linear.gather [hbm4b:s3+s30], $0x500, $0x38;
	[tilespmem:$0x1E000] =	vst v63  }
0x73e: {  	_ =	swait.ge [sflag:s11], $0x3E80  }
0x73f: {  	[sflag:s11] =	ssyncset.done $0x0  }
0x740: {  	s31 =	simm.s32 $0x80;
	[sflag:s11] =	ssyncadd.s32 $0xFFFFC180  }
0x741: {  	[tilespmem:s12], [sflag:$0x1] =	stream.indirect.gather [hbm4b:s4+s8], $0x80, s31, s8, $0xb8;
	[tilespmem:$0x1E000] =	vst v63  }
0x742: {  	_ = 	snop  }
0x743: {  	[spmem:s2] =	stream.indirect.scatter.add.f32 [tilespmem:s10], [sflag:$0x2], $0x80, s0, s8, $0xb8;
	[tilespmem:$0x1E000] =	vst v63  }
0x744: {  	_ =	swait.ge [sflag:s11], $0x3E80  }
0x745: {  	[sflag:s11] =	ssyncset.done $0x0  }
0x746: {  	[sflag:s11] =	ssyncadd.s32 $0xFFFFC180  }
0x747: {  	_ =	swait.ge [sflag:s7], $0x3E80  }
0x748: {  	[sflag:s7] =	ssyncset.done $0x0  }
0x749: {  	s20 =	simm.s32 $0x100;
	[sflag:s7] =	ssyncadd.s32 $0xFFFFC180  }
0x74a: {  	[tilespmem:s10], [sflag:$0x1] =	stream.indirect.gather [hbm4b:s4+s8], $0x80, s20, s8, $0xb8;
	[tilespmem:$0x1E000] =	vst v63  }
0x74b: {  	s20 =	simm.s32 $0x1080  }
0x74c: {  	[spmem:s2] =	stream.indirect.scatter.add.f32 [tilespmem:s12], [sflag:$0x3], $0x80, s20, s8, $0xb8;
	[tilespmem:$0x1E000] =	vst v63  }
0x74d: {  	_ =	swait.ge [sflag:s11], $0x3E80  }
0x74e: {  	[sflag:s11] =	ssyncset.done $0x0  }
0x74f: {  	[sflag:s11] =	ssyncadd.s32 $0xFFFFC180  }
0x750: {  	_ =	swait.ge [sflag:s9], $0x3E80  }
0x751: {  	[sflag:s9] =	ssyncset.done $0x0  }
0x752: {  	s16 =	simm.s32 $0x180;
	[sflag:s9] =	ssyncadd.s32 $0xFFFFC180  }
0x753: {  	[tilespmem:s12], [sflag:$0x1] =	stream.indirect.gather [hbm4b:s4+s8], $0x80, s16, s8, $0xb8;
	[tilespmem:$0x1E000] =	vst v63  }
0x754: {  	s21 =	simm.s32 $0x1100  }
0x755: {  	[spmem:s2] =	stream.indirect.scatter.add.f32 [tilespmem:s10], [sflag:$0x2], $0x80, s21, s8, $0xb8;
	[tilespmem:$0x1E000] =	vst v63  }
0x756: {  	_ =	swait.ge [sflag:s11], $0x3E80  }
0x757: {  	[sflag:s11] =	ssyncset.done $0x0  }
0x758: {  	[sflag:s11] =	ssyncadd.s32 $0xFFFFC180  }
0x759: {  	_ =	swait.ge [sflag:s7], $0x3E80  }
0x75a: {  	[sflag:s7] =	ssyncset.done $0x0  }
0x75b: {  	s16 =	simm.s32 $0x200;
	[sflag:s7] =	ssyncadd.s32 $0xFFFFC180  }
0x75c: {  	[tilespmem:s10], [sflag:$0x1] =	stream.indirect.gather [hbm4b:s4+s8], $0x80, s16, s8, $0xb8;
	[tilespmem:$0x1E000] =	vst v63  }
0x75d: {  	s19 =	simm.s32 $0x1180  }
0x75e: {  	[spmem:s2] =	stream.indirect.scatter.add.f32 [tilespmem:s12], [sflag:$0x3], $0x80, s19, s8, $0xb8;
	[tilespmem:$0x1E000] =	vst v63  }
0x75f: {  	_ =	swait.ge [sflag:s11], $0x3E80  }
0x760: {  	[sflag:s11] =	ssyncset.done $0x0  }
0x761: {  	[sflag:s11] =	ssyncadd.s32 $0xFFFFC180  }
0x762: {  	_ =	swait.ge [sflag:s9], $0x3E80  }
0x763: {  	[sflag:s9] =	ssyncset.done $0x0  }
0x764: {  	s13 =	simm.s32 $0x280;
	[sflag:s9] =	ssyncadd.s32 $0xFFFFC180  }
0x765: {  	[tilespmem:s12], [sflag:$0x1] =	stream.indirect.gather [hbm4b:s4+s8], $0x80, s13, s8, $0xb8;
	[tilespmem:$0x1E000] =	vst v63  }
0x766: {  	s3 =	simm.s32 $0x1200  }
0x767: {  	[spmem:s2] =	stream.indirect.scatter.add.f32 [tilespmem:s10], [sflag:$0x2], $0x80, s3, s8, $0xb8;
	[tilespmem:$0x1E000] =	vst v63  }
0x768: {  	_ =	swait.ge [sflag:s11], $0x3E80  }
0x769: {  	[sflag:s11] =	ssyncset.done $0x0  }
0x76a: {  	[sflag:s11] =	ssyncadd.s32 $0xFFFFC180  }
0x76b: {  	_ =	swait.ge [sflag:s7], $0x3E80  }
0x76c: {  	[sflag:s7] =	ssyncset.done $0x0  }
0x76d: {  	s31 =	simm.s32 $0x300;
	[sflag:s7] =	ssyncadd.s32 $0xFFFFC180  }
0x76e: {  	[tilespmem:s10], [sflag:$0x1] =	stream.indirect.gather [hbm4b:s4+s8], $0x80, s31, s8, $0xb8;
	[tilespmem:$0x1E000] =	vst v63  }
0x76f: {  	s18 =	simm.s32 $0x1280  }
0x770: {  	[spmem:s2] =	stream.indirect.scatter.add.f32 [tilespmem:s12], [sflag:$0x3], $0x80, s18, s8, $0xb8;
	[tilespmem:$0x1E000] =	vst v63  }
0x771: {  	_ =	swait.ge [sflag:s11], $0x3E80  }
0x772: {  	[sflag:s11] =	ssyncset.done $0x0  }
0x773: {  	[sflag:s11] =	ssyncadd.s32 $0xFFFFC180  }
0x774: {  	_ =	swait.ge [sflag:s9], $0x3E80  }
0x775: {  	[sflag:s9] =	ssyncset.done $0x0  }
0x776: {  	s1 =	simm.s32 $0x380;
	[sflag:s9] =	ssyncadd.s32 $0xFFFFC180  }
0x777: {  	[tilespmem:s12], [sflag:$0x1] =	stream.indirect.gather [hbm4b:s4+s8], $0x80, s1, s8, $0xb8;
	[tilespmem:$0x1E000] =	vst v63  }
0x778: {  	s1 =	simm.s32 $0x1300  }
0x779: {  	[spmem:s2] =	stream.indirect.scatter.add.f32 [tilespmem:s10], [sflag:$0x2], $0x80, s1, s8, $0xb8;
	[tilespmem:$0x1E000] =	vst v63  }
0x77a: {  	_ =	swait.ge [sflag:s11], $0x3E80  }
0x77b: {  	[sflag:s11] =	ssyncset.done $0x0  }
0x77c: {  	[sflag:s11] =	ssyncadd.s32 $0xFFFFC180  }
0x77d: {  	_ =	swait.ge [sflag:s7], $0x3E80  }
0x77e: {  	[sflag:s7] =	ssyncset.done $0x0  }
0x77f: {  	s19 =	simm.s32 $0x400;
	[sflag:s7] =	ssyncadd.s32 $0xFFFFC180  }
0x780: {  	[tilespmem:s10], [sflag:$0x1] =	stream.indirect.gather [hbm4b:s4+s8], $0x80, s19, s8, $0xb8;
	[tilespmem:$0x1E000] =	vst v63  }
0x781: {  	s17 =	simm.s32 $0x1380  }
0x782: {  	[spmem:s2] =	stream.indirect.scatter.add.f32 [tilespmem:s12], [sflag:$0x3], $0x80, s17, s8, $0xb8;
	[tilespmem:$0x1E000] =	vst v63  }
0x783: {  	_ =	swait.ge [sflag:s11], $0x3E80  }
0x784: {  	[sflag:s11] =	ssyncset.done $0x0  }
0x785: {  	[sflag:s11] =	ssyncadd.s32 $0xFFFFC180  }
0x786: {  	_ =	swait.ge [sflag:s9], $0x3E80  }
0x787: {  	[sflag:s9] =	ssyncset.done $0x0  }
0x788: {  	s18 =	simm.s32 $0x480;
	[sflag:s9] =	ssyncadd.s32 $0xFFFFC180  }
0x789: {  	[tilespmem:s12], [sflag:$0x1] =	stream.indirect.gather [hbm4b:s4+s8], $0x80, s18, s8, $0xb8;
	[tilespmem:$0x1E000] =	vst v63  }
0x78a: {  	s21 =	simm.s32 $0x1400  }
0x78b: {  	[spmem:s2] =	stream.indirect.scatter.add.f32 [tilespmem:s10], [sflag:$0x2], $0x80, s21, s8, $0xb8;
	[tilespmem:$0x1E000] =	vst v63  }
0x78c: {  	_ =	swait.ge [sflag:s11], $0x3E80  }
0x78d: {  	[sflag:s11] =	ssyncset.done $0x0  }
0x78e: {  	s23 =	simm.s32 $0x1480;
	[sflag:s11] =	ssyncadd.s32 $0xFFFFC180  }
0x78f: {  	[spmem:s2] =	stream.indirect.scatter.add.f32 [tilespmem:s12], [sflag:$0x3], $0x80, s23, s8, $0xb8;
	[tilespmem:$0x1E000] =	vst v63  }
0x790: {  	_ =	swait.ge [sflag:s6], $0x500  }
0x791: {  	[sflag:s6] =	ssyncset.done $0x0  }
0x792: {  	[sflag:s6] =	ssyncadd.s32 $0xFFFFFB00  }
0x793: {  	_ =	swait.ge [sflag:s6], $0x500  }
0x794: {  	[sflag:s6] =	ssyncset.done $0x0  }
0x795: {  	[sflag:s6] =	ssyncadd.s32 $0xFFFFFB00  }
0x796: {  	_ =	swait.ge [sflag:s7], $0x3E80  }
0x797: {  	[sflag:s7] =	ssyncset.done $0x0  }
0x798: {  	[sflag:s7] =	ssyncadd.s32 $0xFFFFC180  }
0x799: {  	[tilespmem:s10], [sflag:$0x1] =	stream.indirect.gather [hbm4b:s4+s8], $0x80, s25, s8, $0xb8;
	[tilespmem:$0x1E000] =	vst v63  }
0x79a: {  	_ =	swait.ge [sflag:s9], $0x3E80  }
0x79b: {  	[sflag:s9] =	ssyncset.done $0x0  }
0x79c: {  	s23 =	rddreg [dreg:$0xf];
	[sflag:s9] =	ssyncadd.s32 $0xFFFFC180  }
0x79d: {  	[tilespmem:s30], [sflag:$0x4] =	stream.linear.gather [hbm4b:s23+s30], $0x500, $0x38;
	[tilespmem:$0x1E000] =	vst v63  }
0x79e: {  	s13 =	rddreg [dreg:$0x10]  }
0x79f: {  	[tilespmem:s0], [sflag:$0x4] =	stream.linear.gather [hbm4b:s13+s30], $0x500, $0x38;
	[tilespmem:$0x1E000] =	vst v63  }
0x7a0: {  	_ =	swait.ge [sflag:s11], $0x3E80  }
0x7a1: {  	[sflag:s11] =	ssyncset.done $0x0  }
0x7a2: {  	s24 =	simm.s32 $0x880;
	[sflag:s11] =	ssyncadd.s32 $0xFFFFC180  }
0x7a3: {  	[tilespmem:s12], [sflag:$0x1] =	stream.indirect.gather [hbm4b:s4+s8], $0x80, s24, s8, $0xb8;
	[tilespmem:$0x1E000] =	vst v63  }
0x7a4: {  	_ = 	snop  }
0x7a5: {  	[spmem:s2] =	stream.indirect.scatter.add.f32 [tilespmem:s10], [sflag:$0x2], $0x80, s22, s8, $0xb8;
	[tilespmem:$0x1E000] =	vst v63  }
0x7a6: {  	_ =	swait.ge [sflag:s11], $0x3E80  }
0x7a7: {  	[sflag:s11] =	ssyncset.done $0x0  }
0x7a8: {  	[sflag:s11] =	ssyncadd.s32 $0xFFFFC180  }
0x7a9: {  	_ =	swait.ge [sflag:s7], $0x3E80  }
0x7aa: {  	[sflag:s7] =	ssyncset.done $0x0  }
0x7ab: {  	s24 =	simm.s32 $0x900;
	[sflag:s7] =	ssyncadd.s32 $0xFFFFC180  }
0x7ac: {  	[tilespmem:s10], [sflag:$0x1] =	stream.indirect.gather [hbm4b:s4+s8], $0x80, s24, s8, $0xb8;
	[tilespmem:$0x1E000] =	vst v63  }
0x7ad: {  	s28 =	simm.s32 $0x1880  }
0x7ae: {  	[spmem:s2] =	stream.indirect.scatter.add.f32 [tilespmem:s12], [sflag:$0x3], $0x80, s28, s8, $0xb8;
	[tilespmem:$0x1E000] =	vst v63  }
0x7af: {  	_ =	swait.ge [sflag:s11], $0x3E80  }
0x7b0: {  	[sflag:s11] =	ssyncset.done $0x0  }
0x7b1: {  	[sflag:s11] =	ssyncadd.s32 $0xFFFFC180  }
0x7b2: {  	_ =	swait.ge [sflag:s9], $0x3E80  }
0x7b3: {  	[sflag:s9] =	ssyncset.done $0x0  }
0x7b4: {  	s28 =	simm.s32 $0x980;
	[sflag:s9] =	ssyncadd.s32 $0xFFFFC180  }
0x7b5: {  	[tilespmem:s12], [sflag:$0x1] =	stream.indirect.gather [hbm4b:s4+s8], $0x80, s28, s8, $0xb8;
	[tilespmem:$0x1E000] =	vst v63  }
0x7b6: {  	s15 =	simm.s32 $0x1900  }
0x7b7: {  	[spmem:s2] =	stream.indirect.scatter.add.f32 [tilespmem:s10], [sflag:$0x2], $0x80, s15, s8, $0xb8;
	[tilespmem:$0x1E000] =	vst v63  }
0x7b8: {  	_ =	swait.ge [sflag:s11], $0x3E80  }
0x7b9: {  	[sflag:s11] =	ssyncset.done $0x0  }
0x7ba: {  	[sflag:s11] =	ssyncadd.s32 $0xFFFFC180  }
0x7bb: {  	_ =	swait.ge [sflag:s7], $0x3E80  }
0x7bc: {  	[sflag:s7] =	ssyncset.done $0x0  }
0x7bd: {  	s26 =	simm.s32 $0xA00;
	[sflag:s7] =	ssyncadd.s32 $0xFFFFC180  }
0x7be: {  	[tilespmem:s10], [sflag:$0x1] =	stream.indirect.gather [hbm4b:s4+s8], $0x80, s26, s8, $0xb8;
	[tilespmem:$0x1E000] =	vst v63  }
0x7bf: {  	s17 =	simm.s32 $0x1980  }
0x7c0: {  	[spmem:s2] =	stream.indirect.scatter.add.f32 [tilespmem:s12], [sflag:$0x3], $0x80, s17, s8, $0xb8;
	[tilespmem:$0x1E000] =	vst v63  }
0x7c1: {  	_ =	swait.ge [sflag:s11], $0x3E80  }
0x7c2: {  	[sflag:s11] =	ssyncset.done $0x0  }
0x7c3: {  	[sflag:s11] =	ssyncadd.s32 $0xFFFFC180  }
0x7c4: {  	_ =	swait.ge [sflag:s9], $0x3E80  }
0x7c5: {  	[sflag:s9] =	ssyncset.done $0x0  }
0x7c6: {  	s16 =	simm.s32 $0xA80;
	[sflag:s9] =	ssyncadd.s32 $0xFFFFC180  }
0x7c7: {  	[tilespmem:s12], [sflag:$0x1] =	stream.indirect.gather [hbm4b:s4+s8], $0x80, s16, s8, $0xb8;
	[tilespmem:$0x1E000] =	vst v63  }
0x7c8: {  	s16 =	simm.s32 $0x1A00  }
0x7c9: {  	[spmem:s2] =	stream.indirect.scatter.add.f32 [tilespmem:s10], [sflag:$0x2], $0x80, s16, s8, $0xb8;
	[tilespmem:$0x1E000] =	vst v63  }
0x7ca: {  	_ =	swait.ge [sflag:s11], $0x3E80  }
0x7cb: {  	[sflag:s11] =	ssyncset.done $0x0  }
0x7cc: {  	[sflag:s11] =	ssyncadd.s32 $0xFFFFC180  }
0x7cd: {  	_ =	swait.ge [sflag:s7], $0x3E80  }
0x7ce: {  	[sflag:s7] =	ssyncset.done $0x0  }
0x7cf: {  	s26 =	simm.s32 $0xB00;
	[sflag:s7] =	ssyncadd.s32 $0xFFFFC180  }
0x7d0: {  	[tilespmem:s10], [sflag:$0x1] =	stream.indirect.gather [hbm4b:s4+s8], $0x80, s26, s8, $0xb8;
	[tilespmem:$0x1E000] =	vst v63  }
0x7d1: {  	s18 =	simm.s32 $0x1A80  }
0x7d2: {  	[spmem:s2] =	stream.indirect.scatter.add.f32 [tilespmem:s12], [sflag:$0x3], $0x80, s18, s8, $0xb8;
	[tilespmem:$0x1E000] =	vst v63  }
0x7d3: {  	_ =	swait.ge [sflag:s11], $0x3E80  }
0x7d4: {  	[sflag:s11] =	ssyncset.done $0x0  }
0x7d5: {  	[sflag:s11] =	ssyncadd.s32 $0xFFFFC180  }
0x7d6: {  	_ =	swait.ge [sflag:s9], $0x3E80  }
0x7d7: {  	[sflag:s9] =	ssyncset.done $0x0  }
0x7d8: {  	s23 =	simm.s32 $0xB80;
	[sflag:s9] =	ssyncadd.s32 $0xFFFFC180  }
0x7d9: {  	[tilespmem:s12], [sflag:$0x1] =	stream.indirect.gather [hbm4b:s4+s8], $0x80, s23, s8, $0xb8;
	[tilespmem:$0x1E000] =	vst v63  }
0x7da: {  	s21 =	simm.s32 $0x1B00  }
0x7db: {  	[spmem:s2] =	stream.indirect.scatter.add.f32 [tilespmem:s10], [sflag:$0x2], $0x80, s21, s8, $0xb8;
	[tilespmem:$0x1E000] =	vst v63  }
0x7dc: {  	_ =	swait.ge [sflag:s11], $0x3E80  }
0x7dd: {  	[sflag:s11] =	ssyncset.done $0x0  }
0x7de: {  	[sflag:s11] =	ssyncadd.s32 $0xFFFFC180  }
0x7df: {  	_ =	swait.ge [sflag:s7], $0x3E80  }
0x7e0: {  	[sflag:s7] =	ssyncset.done $0x0  }
0x7e1: {  	s29 =	simm.s32 $0xC00;
	[sflag:s7] =	ssyncadd.s32 $0xFFFFC180  }
0x7e2: {  	[tilespmem:s10], [sflag:$0x1] =	stream.indirect.gather [hbm4b:s4+s8], $0x80, s29, s8, $0xb8;
	[tilespmem:$0x1E000] =	vst v63  }
0x7e3: {  	s18 =	simm.s32 $0x1B80  }
0x7e4: {  	[spmem:s2] =	stream.indirect.scatter.add.f32 [tilespmem:s12], [sflag:$0x3], $0x80, s18, s8, $0xb8;
	[tilespmem:$0x1E000] =	vst v63  }
0x7e5: {  	_ =	swait.ge [sflag:s11], $0x3E80  }
0x7e6: {  	[sflag:s11] =	ssyncset.done $0x0  }
0x7e7: {  	[sflag:s11] =	ssyncadd.s32 $0xFFFFC180  }
0x7e8: {  	_ =	swait.ge [sflag:s9], $0x3E80  }
0x7e9: {  	[sflag:s9] =	ssyncset.done $0x0  }
0x7ea: {  	s21 =	simm.s32 $0xC80;
	[sflag:s9] =	ssyncadd.s32 $0xFFFFC180  }
0x7eb: {  	[tilespmem:s12], [sflag:$0x1] =	stream.indirect.gather [hbm4b:s4+s8], $0x80, s21, s8, $0xb8;
	[tilespmem:$0x1E000] =	vst v63  }
0x7ec: {  	s29 =	simm.s32 $0x1C00  }
0x7ed: {  	[spmem:s2] =	stream.indirect.scatter.add.f32 [tilespmem:s10], [sflag:$0x2], $0x80, s29, s8, $0xb8;
	[tilespmem:$0x1E000] =	vst v63  }
0x7ee: {  	_ =	swait.ge [sflag:s11], $0x3E80  }
0x7ef: {  	[sflag:s11] =	ssyncset.done $0x0  }
0x7f0: {  	s14 =	simm.s32 $0x1C80;
	[sflag:s11] =	ssyncadd.s32 $0xFFFFC180  }
0x7f1: {  	[spmem:s2] =	stream.indirect.scatter.add.f32 [tilespmem:s12], [sflag:$0x3], $0x80, s14, s8, $0xb8;
	[tilespmem:$0x1E000] =	vst v63  }
0x7f2: {  	_ =	swait.ge [sflag:s6], $0x500  }
0x7f3: {  	[sflag:s6] =	ssyncset.done $0x0  }
0x7f4: {  	[sflag:s6] =	ssyncadd.s32 $0xFFFFFB00  }
0x7f5: {  	_ =	swait.ge [sflag:s6], $0x500  }
0x7f6: {  	[sflag:s6] =	ssyncset.done $0x0  }
0x7f7: {  	[sflag:s6] =	ssyncadd.s32 $0xFFFFFB00  }
0x7f8: {  	_ =	swait.ge [sflag:s7], $0x3E80  }
0x7f9: {  	[sflag:s7] =	ssyncset.done $0x0  }
0x7fa: {  	[sflag:s7] =	ssyncadd.s32 $0xFFFFC180  }
0x7fb: {  	[tilespmem:s10], [sflag:$0x1] =	stream.indirect.gather [hbm4b:s4+s8], $0x80, s30, s8, $0xb8;
	[tilespmem:$0x1E000] =	vst v63  }
0x7fc: {  	_ =	swait.ge [sflag:s9], $0x3E80  }
0x7fd: {  	[sflag:s9] =	ssyncset.done $0x0  }
0x7fe: {  	s15 =	rddreg [dreg:$0x11];
	[sflag:s9] =	ssyncadd.s32 $0xFFFFC180  }
0x7ff: {  	[tilespmem:s25], [sflag:$0x4] =	stream.linear.gather [hbm4b:s15+s30], $0x500, $0x38;
	[tilespmem:$0x1E000] =	vst v63  }
0x800: {  	s13 =	rddreg [dreg:$0x12]  }
0x801: {  	[tilespmem:s22], [sflag:$0x4] =	stream.linear.gather [hbm4b:s13+s30], $0x500, $0x38;
	[tilespmem:$0x1E000] =	vst v63  }
0x802: {  	_ =	swait.ge [sflag:s11], $0x3E80  }
0x803: {  	[sflag:s11] =	ssyncset.done $0x0  }
0x804: {  	s15 =	simm.s32 $0x80;
	[sflag:s11] =	ssyncadd.s32 $0xFFFFC180  }
0x805: {  	[tilespmem:s12], [sflag:$0x1] =	stream.indirect.gather [hbm4b:s4+s8], $0x80, s15, s8, $0xb8;
	[tilespmem:$0x1E000] =	vst v63  }
0x806: {  	_ = 	snop  }
0x807: {  	[spmem:s2] =	stream.indirect.scatter.add.f32 [tilespmem:s10], [sflag:$0x2], $0x80, s0, s8, $0xb8;
	[tilespmem:$0x1E000] =	vst v63  }
0x808: {  	_ =	swait.ge [sflag:s11], $0x3E80  }
0x809: {  	[sflag:s11] =	ssyncset.done $0x0  }
0x80a: {  	[sflag:s11] =	ssyncadd.s32 $0xFFFFC180  }
0x80b: {  	_ =	swait.ge [sflag:s7], $0x3E80  }
0x80c: {  	[sflag:s7] =	ssyncset.done $0x0  }
0x80d: {  	s13 =	simm.s32 $0x100;
	[sflag:s7] =	ssyncadd.s32 $0xFFFFC180  }
0x80e: {  	[tilespmem:s10], [sflag:$0x1] =	stream.indirect.gather [hbm4b:s4+s8], $0x80, s13, s8, $0xb8;
	[tilespmem:$0x1E000] =	vst v63  }
0x80f: {  	_ = 	snop  }
0x810: {  	[spmem:s2] =	stream.indirect.scatter.add.f32 [tilespmem:s12], [sflag:$0x3], $0x80, s20, s8, $0xb8;
	[tilespmem:$0x1E000] =	vst v63  }
0x811: {  	_ =	swait.ge [sflag:s11], $0x3E80  }
0x812: {  	[sflag:s11] =	ssyncset.done $0x0  }
0x813: {  	[sflag:s11] =	ssyncadd.s32 $0xFFFFC180  }
0x814: {  	_ =	swait.ge [sflag:s9], $0x3E80  }
0x815: {  	[sflag:s9] =	ssyncset.done $0x0  }
0x816: {  	s15 =	simm.s32 $0x180;
	[sflag:s9] =	ssyncadd.s32 $0xFFFFC180  }
0x817: {  	[tilespmem:s12], [sflag:$0x1] =	stream.indirect.gather [hbm4b:s4+s8], $0x80, s15, s8, $0xb8;
	[tilespmem:$0x1E000] =	vst v63  }
0x818: {  	s20 =	simm.s32 $0x1100  }
0x819: {  	[spmem:s2] =	stream.indirect.scatter.add.f32 [tilespmem:s10], [sflag:$0x2], $0x80, s20, s8, $0xb8;
	[tilespmem:$0x1E000] =	vst v63  }
0x81a: {  	_ =	swait.ge [sflag:s11], $0x3E80  }
0x81b: {  	[sflag:s11] =	ssyncset.done $0x0  }
0x81c: {  	[sflag:s11] =	ssyncadd.s32 $0xFFFFC180  }
0x81d: {  	_ =	swait.ge [sflag:s7], $0x3E80  }
0x81e: {  	[sflag:s7] =	ssyncset.done $0x0  }
0x81f: {  	s13 =	simm.s32 $0x200;
	[sflag:s7] =	ssyncadd.s32 $0xFFFFC180  }
0x820: {  	[tilespmem:s10], [sflag:$0x1] =	stream.indirect.gather [hbm4b:s4+s8], $0x80, s13, s8, $0xb8;
	[tilespmem:$0x1E000] =	vst v63  }
0x821: {  	s15 =	simm.s32 $0x1180  }
0x822: {  	[spmem:s2] =	stream.indirect.scatter.add.f32 [tilespmem:s12], [sflag:$0x3], $0x80, s15, s8, $0xb8;
	[tilespmem:$0x1E000] =	vst v63  }
0x823: {  	_ =	swait.ge [sflag:s11], $0x3E80  }
0x824: {  	[sflag:s11] =	ssyncset.done $0x0  }
0x825: {  	[sflag:s11] =	ssyncadd.s32 $0xFFFFC180  }
0x826: {  	_ =	swait.ge [sflag:s9], $0x3E80  }
0x827: {  	[sflag:s9] =	ssyncset.done $0x0  }
0x828: {  	s20 =	simm.s32 $0x280;
	[sflag:s9] =	ssyncadd.s32 $0xFFFFC180  }
0x829: {  	[tilespmem:s12], [sflag:$0x1] =	stream.indirect.gather [hbm4b:s4+s8], $0x80, s20, s8, $0xb8;
	[tilespmem:$0x1E000] =	vst v63  }
0x82a: {  	_ = 	snop  }
0x82b: {  	[spmem:s2] =	stream.indirect.scatter.add.f32 [tilespmem:s10], [sflag:$0x2], $0x80, s3, s8, $0xb8;
	[tilespmem:$0x1E000] =	vst v63  }
0x82c: {  	_ =	swait.ge [sflag:s11], $0x3E80  }
0x82d: {  	[sflag:s11] =	ssyncset.done $0x0  }
0x82e: {  	[sflag:s11] =	ssyncadd.s32 $0xFFFFC180  }
0x82f: {  	_ =	swait.ge [sflag:s7], $0x3E80  }
0x830: {  	[sflag:s7] =	ssyncset.done $0x0  }
0x831: {  	[sflag:s7] =	ssyncadd.s32 $0xFFFFC180  }
0x832: {  	[tilespmem:s10], [sflag:$0x1] =	stream.indirect.gather [hbm4b:s4+s8], $0x80, s31, s8, $0xb8;
	[tilespmem:$0x1E000] =	vst v63  }
0x833: {  	s13 =	simm.s32 $0x1280  }
0x834: {  	[spmem:s2] =	stream.indirect.scatter.add.f32 [tilespmem:s12], [sflag:$0x3], $0x80, s13, s8, $0xb8;
	[tilespmem:$0x1E000] =	vst v63  }
0x835: {  	_ =	swait.ge [sflag:s11], $0x3E80  }
0x836: {  	[sflag:s11] =	ssyncset.done $0x0  }
0x837: {  	[sflag:s11] =	ssyncadd.s32 $0xFFFFC180  }
0x838: {  	_ =	swait.ge [sflag:s9], $0x3E80  }
0x839: {  	[sflag:s9] =	ssyncset.done $0x0  }
0x83a: {  	s14 =	simm.s32 $0x380;
	[sflag:s9] =	ssyncadd.s32 $0xFFFFC180  }
0x83b: {  	[tilespmem:s12], [sflag:$0x1] =	stream.indirect.gather [hbm4b:s4+s8], $0x80, s14, s8, $0xb8;
	[tilespmem:$0x1E000] =	vst v63  }
0x83c: {  	_ = 	snop  }
0x83d: {  	[spmem:s2] =	stream.indirect.scatter.add.f32 [tilespmem:s10], [sflag:$0x2], $0x80, s1, s8, $0xb8;
	[tilespmem:$0x1E000] =	vst v63  }
0x83e: {  	_ =	swait.ge [sflag:s11], $0x3E80  }
0x83f: {  	[sflag:s11] =	ssyncset.done $0x0  }
0x840: {  	[sflag:s11] =	ssyncadd.s32 $0xFFFFC180  }
0x841: {  	_ =	swait.ge [sflag:s7], $0x3E80  }
0x842: {  	[sflag:s7] =	ssyncset.done $0x0  }
0x843: {  	[sflag:s7] =	ssyncadd.s32 $0xFFFFC180  }
0x844: {  	[tilespmem:s10], [sflag:$0x1] =	stream.indirect.gather [hbm4b:s4+s8], $0x80, s19, s8, $0xb8;
	[tilespmem:$0x1E000] =	vst v63  }
0x845: {  	s15 =	simm.s32 $0x1380  }
0x846: {  	[spmem:s2] =	stream.indirect.scatter.add.f32 [tilespmem:s12], [sflag:$0x3], $0x80, s15, s8, $0xb8;
	[tilespmem:$0x1E000] =	vst v63  }
0x847: {  	_ =	swait.ge [sflag:s11], $0x3E80  }
0x848: {  	[sflag:s11] =	ssyncset.done $0x0  }
0x849: {  	[sflag:s11] =	ssyncadd.s32 $0xFFFFC180  }
0x84a: {  	_ =	swait.ge [sflag:s9], $0x3E80  }
0x84b: {  	[sflag:s9] =	ssyncset.done $0x0  }
0x84c: {  	s19 =	simm.s32 $0x480;
	[sflag:s9] =	ssyncadd.s32 $0xFFFFC180  }
0x84d: {  	[tilespmem:s12], [sflag:$0x1] =	stream.indirect.gather [hbm4b:s4+s8], $0x80, s19, s8, $0xb8;
	[tilespmem:$0x1E000] =	vst v63  }
0x84e: {  	s20 =	simm.s32 $0x1400  }
0x84f: {  	[spmem:s2] =	stream.indirect.scatter.add.f32 [tilespmem:s10], [sflag:$0x2], $0x80, s20, s8, $0xb8;
	[tilespmem:$0x1E000] =	vst v63  }
0x850: {  	_ =	swait.ge [sflag:s11], $0x3E80  }
0x851: {  	[sflag:s11] =	ssyncset.done $0x0  }
0x852: {  	s31 =	simm.s32 $0x1480;
	[sflag:s11] =	ssyncadd.s32 $0xFFFFC180  }
0x853: {  	[spmem:s2] =	stream.indirect.scatter.add.f32 [tilespmem:s12], [sflag:$0x3], $0x80, s31, s8, $0xb8;
	[tilespmem:$0x1E000] =	vst v63  }
0x854: {  	_ =	swait.ge [sflag:s6], $0x500  }
0x855: {  	[sflag:s6] =	ssyncset.done $0x0  }
0x856: {  	[sflag:s6] =	ssyncadd.s32 $0xFFFFFB00  }
0x857: {  	_ =	swait.ge [sflag:s6], $0x500  }
0x858: {  	[sflag:s6] =	ssyncset.done $0x0  }
0x859: {  	[sflag:s6] =	ssyncadd.s32 $0xFFFFFB00  }
0x85a: {  	_ =	swait.ge [sflag:s7], $0x3E80  }
0x85b: {  	[sflag:s7] =	ssyncset.done $0x0  }
0x85c: {  	[sflag:s7] =	ssyncadd.s32 $0xFFFFC180  }
0x85d: {  	[tilespmem:s10], [sflag:$0x1] =	stream.indirect.gather [hbm4b:s4+s8], $0x80, s25, s8, $0xb8;
	[tilespmem:$0x1E000] =	vst v63  }
0x85e: {  	_ =	swait.ge [sflag:s9], $0x3E80  }
0x85f: {  	[sflag:s9] =	ssyncset.done $0x0  }
0x860: {  	s1 =	rddreg [dreg:$0x13];
	[sflag:s9] =	ssyncadd.s32 $0xFFFFC180  }
0x861: {  	[tilespmem:s30], [sflag:$0x4] =	stream.linear.gather [hbm4b:s1+s30], $0x500, $0x38;
	[tilespmem:$0x1E000] =	vst v63  }
0x862: {  	s3 =	rddreg [dreg:$0x14]  }
0x863: {  	[tilespmem:s0], [sflag:$0x4] =	stream.linear.gather [hbm4b:s3+s30], $0x500, $0x38;
	[tilespmem:$0x1E000] =	vst v63  }
0x864: {  	_ =	swait.ge [sflag:s11], $0x3E80  }
0x865: {  	[sflag:s11] =	ssyncset.done $0x0  }
0x866: {  	s13 =	simm.s32 $0x880;
	[sflag:s11] =	ssyncadd.s32 $0xFFFFC180  }
0x867: {  	[tilespmem:s12], [sflag:$0x1] =	stream.indirect.gather [hbm4b:s4+s8], $0x80, s13, s8, $0xb8;
	[tilespmem:$0x1E000] =	vst v63  }
0x868: {  	_ = 	snop  }
0x869: {  	[spmem:s2] =	stream.indirect.scatter.add.f32 [tilespmem:s10], [sflag:$0x2], $0x80, s22, s8, $0xb8;
	[tilespmem:$0x1E000] =	vst v63  }
0x86a: {  	_ =	swait.ge [sflag:s11], $0x3E80  }
0x86b: {  	[sflag:s11] =	ssyncset.done $0x0  }
0x86c: {  	[sflag:s11] =	ssyncadd.s32 $0xFFFFC180  }
0x86d: {  	_ =	swait.ge [sflag:s7], $0x3E80  }
0x86e: {  	[sflag:s7] =	ssyncset.done $0x0  }
0x86f: {  	[sflag:s7] =	ssyncadd.s32 $0xFFFFC180  }
0x870: {  	[tilespmem:s10], [sflag:$0x1] =	stream.indirect.gather [hbm4b:s4+s8], $0x80, s24, s8, $0xb8;
	[tilespmem:$0x1E000] =	vst v63  }
0x871: {  	s14 =	simm.s32 $0x1880  }
0x872: {  	[spmem:s2] =	stream.indirect.scatter.add.f32 [tilespmem:s12], [sflag:$0x3], $0x80, s14, s8, $0xb8;
	[tilespmem:$0x1E000] =	vst v63  }
0x873: {  	_ =	swait.ge [sflag:s11], $0x3E80  }
0x874: {  	[sflag:s11] =	ssyncset.done $0x0  }
0x875: {  	[sflag:s11] =	ssyncadd.s32 $0xFFFFC180  }
0x876: {  	_ =	swait.ge [sflag:s9], $0x3E80  }
0x877: {  	[sflag:s9] =	ssyncset.done $0x0  }
0x878: {  	[sflag:s9] =	ssyncadd.s32 $0xFFFFC180  }
0x879: {  	[tilespmem:s12], [sflag:$0x1] =	stream.indirect.gather [hbm4b:s4+s8], $0x80, s28, s8, $0xb8;
	[tilespmem:$0x1E000] =	vst v63  }
0x87a: {  	s15 =	simm.s32 $0x1900  }
0x87b: {  	[spmem:s2] =	stream.indirect.scatter.add.f32 [tilespmem:s10], [sflag:$0x2], $0x80, s15, s8, $0xb8;
	[tilespmem:$0x1E000] =	vst v63  }
0x87c: {  	_ =	swait.ge [sflag:s11], $0x3E80  }
0x87d: {  	[sflag:s11] =	ssyncset.done $0x0  }
0x87e: {  	[sflag:s11] =	ssyncadd.s32 $0xFFFFC180  }
0x87f: {  	_ =	swait.ge [sflag:s7], $0x3E80  }
0x880: {  	[sflag:s7] =	ssyncset.done $0x0  }
0x881: {  	s13 =	simm.s32 $0xA00;
	[sflag:s7] =	ssyncadd.s32 $0xFFFFC180  }
0x882: {  	[tilespmem:s10], [sflag:$0x1] =	stream.indirect.gather [hbm4b:s4+s8], $0x80, s13, s8, $0xb8;
	[tilespmem:$0x1E000] =	vst v63  }
0x883: {  	_ = 	snop  }
0x884: {  	[spmem:s2] =	stream.indirect.scatter.add.f32 [tilespmem:s12], [sflag:$0x3], $0x80, s17, s8, $0xb8;
	[tilespmem:$0x1E000] =	vst v63  }
0x885: {  	_ =	swait.ge [sflag:s11], $0x3E80  }
0x886: {  	[sflag:s11] =	ssyncset.done $0x0  }
0x887: {  	[sflag:s11] =	ssyncadd.s32 $0xFFFFC180  }
0x888: {  	_ =	swait.ge [sflag:s9], $0x3E80  }
0x889: {  	[sflag:s9] =	ssyncset.done $0x0  }
0x88a: {  	s19 =	simm.s32 $0xA80;
	[sflag:s9] =	ssyncadd.s32 $0xFFFFC180  }
0x88b: {  	[tilespmem:s12], [sflag:$0x1] =	stream.indirect.gather [hbm4b:s4+s8], $0x80, s19, s8, $0xb8;
	[tilespmem:$0x1E000] =	vst v63  }
0x88c: {  	_ = 	snop  }
0x88d: {  	[spmem:s2] =	stream.indirect.scatter.add.f32 [tilespmem:s10], [sflag:$0x2], $0x80, s16, s8, $0xb8;
	[tilespmem:$0x1E000] =	vst v63  }
0x88e: {  	_ =	swait.ge [sflag:s11], $0x3E80  }
0x88f: {  	[sflag:s11] =	ssyncset.done $0x0  }
0x890: {  	[sflag:s11] =	ssyncadd.s32 $0xFFFFC180  }
0x891: {  	_ =	swait.ge [sflag:s7], $0x3E80  }
0x892: {  	[sflag:s7] =	ssyncset.done $0x0  }
0x893: {  	[sflag:s7] =	ssyncadd.s32 $0xFFFFC180  }
0x894: {  	[tilespmem:s10], [sflag:$0x1] =	stream.indirect.gather [hbm4b:s4+s8], $0x80, s26, s8, $0xb8;
	[tilespmem:$0x1E000] =	vst v63  }
0x895: {  	s31 =	simm.s32 $0x1A80  }
0x896: {  	[spmem:s2] =	stream.indirect.scatter.add.f32 [tilespmem:s12], [sflag:$0x3], $0x80, s31, s8, $0xb8;
	[tilespmem:$0x1E000] =	vst v63  }
0x897: {  	_ =	swait.ge [sflag:s11], $0x3E80  }
0x898: {  	[sflag:s11] =	ssyncset.done $0x0  }
0x899: {  	[sflag:s11] =	ssyncadd.s32 $0xFFFFC180  }
0x89a: {  	_ =	swait.ge [sflag:s9], $0x3E80  }
0x89b: {  	[sflag:s9] =	ssyncset.done $0x0  }
0x89c: {  	[sflag:s9] =	ssyncadd.s32 $0xFFFFC180  }
0x89d: {  	[tilespmem:s12], [sflag:$0x1] =	stream.indirect.gather [hbm4b:s4+s8], $0x80, s23, s8, $0xb8;
	[tilespmem:$0x1E000] =	vst v63  }
0x89e: {  	s1 =	simm.s32 $0x1B00  }
0x89f: {  	[spmem:s2] =	stream.indirect.scatter.add.f32 [tilespmem:s10], [sflag:$0x2], $0x80, s1, s8, $0xb8;
	[tilespmem:$0x1E000] =	vst v63  }
0x8a0: {  	_ =	swait.ge [sflag:s11], $0x3E80  }
0x8a1: {  	[sflag:s11] =	ssyncset.done $0x0  }
0x8a2: {  	[sflag:s11] =	ssyncadd.s32 $0xFFFFC180  }
0x8a3: {  	_ =	swait.ge [sflag:s7], $0x3E80  }
0x8a4: {  	[sflag:s7] =	ssyncset.done $0x0  }
0x8a5: {  	s1 =	simm.s32 $0xC00;
	[sflag:s7] =	ssyncadd.s32 $0xFFFFC180  }
0x8a6: {  	[tilespmem:s10], [sflag:$0x1] =	stream.indirect.gather [hbm4b:s4+s8], $0x80, s1, s8, $0xb8;
	[tilespmem:$0x1E000] =	vst v63  }
0x8a7: {  	_ = 	snop  }
0x8a8: {  	[spmem:s2] =	stream.indirect.scatter.add.f32 [tilespmem:s12], [sflag:$0x3], $0x80, s18, s8, $0xb8;
	[tilespmem:$0x1E000] =	vst v63  }
0x8a9: {  	_ =	swait.ge [sflag:s11], $0x3E80  }
0x8aa: {  	[sflag:s11] =	ssyncset.done $0x0  }
0x8ab: {  	[sflag:s11] =	ssyncadd.s32 $0xFFFFC180  }
0x8ac: {  	_ =	swait.ge [sflag:s9], $0x3E80  }
0x8ad: {  	[sflag:s9] =	ssyncset.done $0x0  }
0x8ae: {  	[sflag:s9] =	ssyncadd.s32 $0xFFFFC180  }
0x8af: {  	[tilespmem:s12], [sflag:$0x1] =	stream.indirect.gather [hbm4b:s4+s8], $0x80, s21, s8, $0xb8;
	[tilespmem:$0x1E000] =	vst v63  }
0x8b0: {  	_ = 	snop  }
0x8b1: {  	[spmem:s2] =	stream.indirect.scatter.add.f32 [tilespmem:s10], [sflag:$0x2], $0x80, s29, s8, $0xb8;
	[tilespmem:$0x1E000] =	vst v63  }
0x8b2: {  	_ =	swait.ge [sflag:s11], $0x3E80  }
0x8b3: {  	[sflag:s11] =	ssyncset.done $0x0  }
0x8b4: {  	s29 =	simm.s32 $0x1C80;
	[sflag:s11] =	ssyncadd.s32 $0xFFFFC180  }
0x8b5: {  	[spmem:s2] =	stream.indirect.scatter.add.f32 [tilespmem:s12], [sflag:$0x3], $0x80, s29, s8, $0xb8;
	[tilespmem:$0x1E000] =	vst v63  }
0x8b6: {  	_ =	swait.ge [sflag:s6], $0x500  }
0x8b7: {  	[sflag:s6] =	ssyncset.done $0x0  }
0x8b8: {  	[sflag:s6] =	ssyncadd.s32 $0xFFFFFB00  }
0x8b9: {  	_ =	swait.ge [sflag:s6], $0x500  }
0x8ba: {  	[sflag:s6] =	ssyncset.done $0x0  }
0x8bb: {  	[sflag:s6] =	ssyncadd.s32 $0xFFFFFB00  }
0x8bc: {  	_ =	swait.ge [sflag:s7], $0x3E80  }
0x8bd: {  	[sflag:s7] =	ssyncset.done $0x0  }
0x8be: {  	[sflag:s7] =	ssyncadd.s32 $0xFFFFC180  }
0x8bf: {  	[tilespmem:s10], [sflag:$0x1] =	stream.indirect.gather [hbm4b:s4+s8], $0x80, s30, s8, $0xb8;
	[tilespmem:$0x1E000] =	vst v63  }
0x8c0: {  	_ =	swait.ge [sflag:s9], $0x3E80  }
0x8c1: {  	[sflag:s9] =	ssyncset.done $0x0  }
0x8c2: {  	s14 =	rddreg [dreg:$0x15];
	[sflag:s9] =	ssyncadd.s32 $0xFFFFC180  }
0x8c3: {  	[tilespmem:s25], [sflag:$0x4] =	stream.linear.gather [hbm4b:s14+s30], $0x500, $0x38;
	[tilespmem:$0x1E000] =	vst v63  }
0x8c4: {  	s15 =	rddreg [dreg:$0x16]  }
0x8c5: {  	[tilespmem:s22], [sflag:$0x4] =	stream.linear.gather [hbm4b:s15+s30], $0x500, $0x38;
	[tilespmem:$0x1E000] =	vst v63  }
0x8c6: {  	_ =	swait.ge [sflag:s11], $0x3E80  }
0x8c7: {  	[sflag:s11] =	ssyncset.done $0x0  }
0x8c8: {  	s15 =	simm.s32 $0x80;
	[sflag:s11] =	ssyncadd.s32 $0xFFFFC180  }
0x8c9: {  	[tilespmem:s12], [sflag:$0x1] =	stream.indirect.gather [hbm4b:s4+s8], $0x80, s15, s8, $0xb8;
	[tilespmem:$0x1E000] =	vst v63  }
0x8ca: {  	_ = 	snop  }
0x8cb: {  	[spmem:s2] =	stream.indirect.scatter.add.f32 [tilespmem:s10], [sflag:$0x2], $0x80, s0, s8, $0xb8;
	[tilespmem:$0x1E000] =	vst v63  }
0x8cc: {  	_ =	swait.ge [sflag:s11], $0x3E80  }
0x8cd: {  	[sflag:s11] =	ssyncset.done $0x0  }
0x8ce: {  	[sflag:s11] =	ssyncadd.s32 $0xFFFFC180  }
0x8cf: {  	_ =	swait.ge [sflag:s7], $0x3E80  }
0x8d0: {  	[sflag:s7] =	ssyncset.done $0x0  }
0x8d1: {  	s30 =	simm.s32 $0x100;
	[sflag:s7] =	ssyncadd.s32 $0xFFFFC180  }
0x8d2: {  	[tilespmem:s10], [sflag:$0x1] =	stream.indirect.gather [hbm4b:s4+s8], $0x80, s30, s8, $0xb8;
	[tilespmem:$0x1E000] =	vst v63  }
0x8d3: {  	s14 =	simm.s32 $0x1080  }
0x8d4: {  	[spmem:s2] =	stream.indirect.scatter.add.f32 [tilespmem:s12], [sflag:$0x3], $0x80, s14, s8, $0xb8;
	[tilespmem:$0x1E000] =	vst v63  }
0x8d5: {  	_ =	swait.ge [sflag:s11], $0x3E80  }
0x8d6: {  	[sflag:s11] =	ssyncset.done $0x0  }
0x8d7: {  	[sflag:s11] =	ssyncadd.s32 $0xFFFFC180  }
0x8d8: {  	_ =	swait.ge [sflag:s9], $0x3E80  }
0x8d9: {  	[sflag:s9] =	ssyncset.done $0x0  }
0x8da: {  	s15 =	simm.s32 $0x180;
	[sflag:s9] =	ssyncadd.s32 $0xFFFFC180  }
0x8db: {  	[tilespmem:s12], [sflag:$0x1] =	stream.indirect.gather [hbm4b:s4+s8], $0x80, s15, s8, $0xb8;
	[tilespmem:$0x1E000] =	vst v63  }
0x8dc: {  	s30 =	simm.s32 $0x1100  }
0x8dd: {  	[spmem:s2] =	stream.indirect.scatter.add.f32 [tilespmem:s10], [sflag:$0x2], $0x80, s30, s8, $0xb8;
	[tilespmem:$0x1E000] =	vst v63  }
0x8de: {  	_ =	swait.ge [sflag:s11], $0x3E80  }
0x8df: {  	[sflag:s11] =	ssyncset.done $0x0  }
0x8e0: {  	[sflag:s11] =	ssyncadd.s32 $0xFFFFC180  }
0x8e1: {  	_ =	swait.ge [sflag:s7], $0x3E80  }
0x8e2: {  	[sflag:s7] =	ssyncset.done $0x0  }
0x8e3: {  	s14 =	simm.s32 $0x200;
	[sflag:s7] =	ssyncadd.s32 $0xFFFFC180  }
0x8e4: {  	[tilespmem:s10], [sflag:$0x1] =	stream.indirect.gather [hbm4b:s4+s8], $0x80, s14, s8, $0xb8;
	[tilespmem:$0x1E000] =	vst v63  }
0x8e5: {  	s15 =	simm.s32 $0x1180  }
0x8e6: {  	[spmem:s2] =	stream.indirect.scatter.add.f32 [tilespmem:s12], [sflag:$0x3], $0x80, s15, s8, $0xb8;
	[tilespmem:$0x1E000] =	vst v63  }
0x8e7: {  	_ =	swait.ge [sflag:s11], $0x3E80  }
0x8e8: {  	[sflag:s11] =	ssyncset.done $0x0  }
0x8e9: {  	[sflag:s11] =	ssyncadd.s32 $0xFFFFC180  }
0x8ea: {  	_ =	swait.ge [sflag:s9], $0x3E80  }
0x8eb: {  	[sflag:s9] =	ssyncset.done $0x0  }
0x8ec: {  	s30 =	simm.s32 $0x280;
	[sflag:s9] =	ssyncadd.s32 $0xFFFFC180  }
0x8ed: {  	[tilespmem:s12], [sflag:$0x1] =	stream.indirect.gather [hbm4b:s4+s8], $0x80, s30, s8, $0xb8;
	[tilespmem:$0x1E000] =	vst v63  }
0x8ee: {  	s14 =	simm.s32 $0x1200  }
0x8ef: {  	[spmem:s2] =	stream.indirect.scatter.add.f32 [tilespmem:s10], [sflag:$0x2], $0x80, s14, s8, $0xb8;
	[tilespmem:$0x1E000] =	vst v63  }
0x8f0: {  	_ =	swait.ge [sflag:s11], $0x3E80  }
0x8f1: {  	[sflag:s11] =	ssyncset.done $0x0  }
0x8f2: {  	[sflag:s11] =	ssyncadd.s32 $0xFFFFC180  }
0x8f3: {  	_ =	swait.ge [sflag:s7], $0x3E80  }
0x8f4: {  	[sflag:s7] =	ssyncset.done $0x0  }
0x8f5: {  	s15 =	simm.s32 $0x300;
	[sflag:s7] =	ssyncadd.s32 $0xFFFFC180  }
0x8f6: {  	[tilespmem:s10], [sflag:$0x1] =	stream.indirect.gather [hbm4b:s4+s8], $0x80, s15, s8, $0xb8;
	[tilespmem:$0x1E000] =	vst v63  }
0x8f7: {  	s30 =	simm.s32 $0x1280  }
0x8f8: {  	[spmem:s2] =	stream.indirect.scatter.add.f32 [tilespmem:s12], [sflag:$0x3], $0x80, s30, s8, $0xb8;
	[tilespmem:$0x1E000] =	vst v63  }
0x8f9: {  	_ =	swait.ge [sflag:s11], $0x3E80  }
0x8fa: {  	[sflag:s11] =	ssyncset.done $0x0  }
0x8fb: {  	[sflag:s11] =	ssyncadd.s32 $0xFFFFC180  }
0x8fc: {  	_ =	swait.ge [sflag:s9], $0x3E80  }
0x8fd: {  	[sflag:s9] =	ssyncset.done $0x0  }
0x8fe: {  	s14 =	simm.s32 $0x380;
	[sflag:s9] =	ssyncadd.s32 $0xFFFFC180  }
0x8ff: {  	[tilespmem:s12], [sflag:$0x1] =	stream.indirect.gather [hbm4b:s4+s8], $0x80, s14, s8, $0xb8;
	[tilespmem:$0x1E000] =	vst v63  }
0x900: {  	s15 =	simm.s32 $0x1300  }
0x901: {  	[spmem:s2] =	stream.indirect.scatter.add.f32 [tilespmem:s10], [sflag:$0x2], $0x80, s15, s8, $0xb8;
	[tilespmem:$0x1E000] =	vst v63  }
0x902: {  	_ =	swait.ge [sflag:s11], $0x3E80  }
0x903: {  	[sflag:s11] =	ssyncset.done $0x0  }
0x904: {  	[sflag:s11] =	ssyncadd.s32 $0xFFFFC180  }
0x905: {  	_ =	swait.ge [sflag:s7], $0x3E80  }
0x906: {  	[sflag:s7] =	ssyncset.done $0x0  }
0x907: {  	s30 =	simm.s32 $0x400;
	[sflag:s7] =	ssyncadd.s32 $0xFFFFC180  }
0x908: {  	[tilespmem:s10], [sflag:$0x1] =	stream.indirect.gather [hbm4b:s4+s8], $0x80, s30, s8, $0xb8;
	[tilespmem:$0x1E000] =	vst v63  }
0x909: {  	s14 =	simm.s32 $0x1380  }
0x90a: {  	[spmem:s2] =	stream.indirect.scatter.add.f32 [tilespmem:s12], [sflag:$0x3], $0x80, s14, s8, $0xb8;
	[tilespmem:$0x1E000] =	vst v63  }
0x90b: {  	_ =	swait.ge [sflag:s11], $0x3E80  }
0x90c: {  	[sflag:s11] =	ssyncset.done $0x0  }
0x90d: {  	[sflag:s11] =	ssyncadd.s32 $0xFFFFC180  }
0x90e: {  	_ =	swait.ge [sflag:s9], $0x3E80  }
0x90f: {  	[sflag:s9] =	ssyncset.done $0x0  }
0x910: {  	s15 =	simm.s32 $0x480;
	[sflag:s9] =	ssyncadd.s32 $0xFFFFC180  }
0x911: {  	[tilespmem:s12], [sflag:$0x1] =	stream.indirect.gather [hbm4b:s4+s8], $0x80, s15, s8, $0xb8;
	[tilespmem:$0x1E000] =	vst v63  }
0x912: {  	s30 =	simm.s32 $0x1400  }
0x913: {  	[spmem:s2] =	stream.indirect.scatter.add.f32 [tilespmem:s10], [sflag:$0x2], $0x80, s30, s8, $0xb8;
	[tilespmem:$0x1E000] =	vst v63  }
0x914: {  	_ =	swait.ge [sflag:s11], $0x3E80  }
0x915: {  	[sflag:s11] =	ssyncset.done $0x0  }
0x916: {  	s14 =	simm.s32 $0x1480;
	[sflag:s11] =	ssyncadd.s32 $0xFFFFC180  }
0x917: {  	[spmem:s2] =	stream.indirect.scatter.add.f32 [tilespmem:s12], [sflag:$0x3], $0x80, s14, s8, $0xb8;
	[tilespmem:$0x1E000] =	vst v63  }
0x918: {  	_ =	swait.ge [sflag:s6], $0x500  }
0x919: {  	[sflag:s6] =	ssyncset.done $0x0  }
0x91a: {  	[sflag:s6] =	ssyncadd.s32 $0xFFFFFB00  }
0x91b: {  	_ =	swait.ge [sflag:s6], $0x500  }
0x91c: {  	[sflag:s6] =	ssyncset.done $0x0  }
0x91d: {  	[sflag:s6] =	ssyncadd.s32 $0xFFFFFB00  }
0x91e: {  	_ =	swait.ge [sflag:s7], $0x3E80  }
0x91f: {  	[sflag:s7] =	ssyncset.done $0x0  }
0x920: {  	[sflag:s7] =	ssyncadd.s32 $0xFFFFC180  }
0x921: {  	[tilespmem:s10], [sflag:$0x1] =	stream.indirect.gather [hbm4b:s4+s8], $0x80, s25, s8, $0xb8;
	[tilespmem:$0x1E000] =	vst v63  }
0x922: {  	_ =	swait.ge [sflag:s9], $0x3E80  }
0x923: {  	[sflag:s9] =	ssyncset.done $0x0  }
0x924: {  	[sflag:s9] =	ssyncadd.s32 $0xFFFFC180  }
0x925: {  	_ =	swait.ge [sflag:s11], $0x3E80  }
0x926: {  	[sflag:s11] =	ssyncset.done $0x0  }
0x927: {  	s15 =	simm.s32 $0x880;
	[sflag:s11] =	ssyncadd.s32 $0xFFFFC180  }
0x928: {  	[tilespmem:s12], [sflag:$0x1] =	stream.indirect.gather [hbm4b:s4+s8], $0x80, s15, s8, $0xb8;
	[tilespmem:$0x1E000] =	vst v63  }
0x929: {  	_ = 	snop  }
0x92a: {  	[spmem:s2] =	stream.indirect.scatter.add.f32 [tilespmem:s10], [sflag:$0x2], $0x80, s22, s8, $0xb8;
	[tilespmem:$0x1E000] =	vst v63  }
0x92b: {  	_ =	swait.ge [sflag:s11], $0x3E80  }
0x92c: {  	[sflag:s11] =	ssyncset.done $0x0  }
0x92d: {  	[sflag:s11] =	ssyncadd.s32 $0xFFFFC180  }
0x92e: {  	_ =	swait.ge [sflag:s7], $0x3E80  }
0x92f: {  	[sflag:s7] =	ssyncset.done $0x0  }
0x930: {  	s24 =	simm.s32 $0x900;
	[sflag:s7] =	ssyncadd.s32 $0xFFFFC180  }
0x931: {  	[tilespmem:s10], [sflag:$0x1] =	stream.indirect.gather [hbm4b:s4+s8], $0x80, s24, s8, $0xb8;
	[tilespmem:$0x1E000] =	vst v63  }
0x932: {  	s24 =	simm.s32 $0x1880  }
0x933: {  	[spmem:s2] =	stream.indirect.scatter.add.f32 [tilespmem:s12], [sflag:$0x3], $0x80, s24, s8, $0xb8;
	[tilespmem:$0x1E000] =	vst v63  }
0x934: {  	_ =	swait.ge [sflag:s11], $0x3E80  }
0x935: {  	[sflag:s11] =	ssyncset.done $0x0  }
0x936: {  	[sflag:s11] =	ssyncadd.s32 $0xFFFFC180  }
0x937: {  	_ =	swait.ge [sflag:s9], $0x3E80  }
0x938: {  	[sflag:s9] =	ssyncset.done $0x0  }
0x939: {  	s28 =	simm.s32 $0x980;
	[sflag:s9] =	ssyncadd.s32 $0xFFFFC180  }
0x93a: {  	[tilespmem:s12], [sflag:$0x1] =	stream.indirect.gather [hbm4b:s4+s8], $0x80, s28, s8, $0xb8;
	[tilespmem:$0x1E000] =	vst v63  }
0x93b: {  	s20 =	simm.s32 $0x1900  }
0x93c: {  	[spmem:s2] =	stream.indirect.scatter.add.f32 [tilespmem:s10], [sflag:$0x2], $0x80, s20, s8, $0xb8;
	[tilespmem:$0x1E000] =	vst v63  }
0x93d: {  	_ =	swait.ge [sflag:s11], $0x3E80  }
0x93e: {  	[sflag:s11] =	ssyncset.done $0x0  }
0x93f: {  	[sflag:s11] =	ssyncadd.s32 $0xFFFFC180  }
0x940: {  	_ =	swait.ge [sflag:s7], $0x3E80  }
0x941: {  	[sflag:s7] =	ssyncset.done $0x0  }
0x942: {  	[sflag:s7] =	ssyncadd.s32 $0xFFFFC180  }
0x943: {  	[tilespmem:s10], [sflag:$0x1] =	stream.indirect.gather [hbm4b:s4+s8], $0x80, s13, s8, $0xb8;
	[tilespmem:$0x1E000] =	vst v63  }
0x944: {  	s17 =	simm.s32 $0x1980  }
0x945: {  	[spmem:s2] =	stream.indirect.scatter.add.f32 [tilespmem:s12], [sflag:$0x3], $0x80, s17, s8, $0xb8;
	[tilespmem:$0x1E000] =	vst v63  }
0x946: {  	_ =	swait.ge [sflag:s11], $0x3E80  }
0x947: {  	[sflag:s11] =	ssyncset.done $0x0  }
0x948: {  	[sflag:s11] =	ssyncadd.s32 $0xFFFFC180  }
0x949: {  	_ =	swait.ge [sflag:s9], $0x3E80  }
0x94a: {  	[sflag:s9] =	ssyncset.done $0x0  }
0x94b: {  	s25 =	simm.s32 $0xA80;
	[sflag:s9] =	ssyncadd.s32 $0xFFFFC180  }
0x94c: {  	[tilespmem:s12], [sflag:$0x1] =	stream.indirect.gather [hbm4b:s4+s8], $0x80, s25, s8, $0xb8;
	[tilespmem:$0x1E000] =	vst v63  }
0x94d: {  	s16 =	simm.s32 $0x1A00  }
0x94e: {  	[spmem:s2] =	stream.indirect.scatter.add.f32 [tilespmem:s10], [sflag:$0x2], $0x80, s16, s8, $0xb8;
	[tilespmem:$0x1E000] =	vst v63  }
0x94f: {  	_ =	swait.ge [sflag:s11], $0x3E80  }
0x950: {  	[sflag:s11] =	ssyncset.done $0x0  }
0x951: {  	[sflag:s11] =	ssyncadd.s32 $0xFFFFC180  }
0x952: {  	_ =	swait.ge [sflag:s7], $0x3E80  }
0x953: {  	[sflag:s7] =	ssyncset.done $0x0  }
0x954: {  	s26 =	simm.s32 $0xB00;
	[sflag:s7] =	ssyncadd.s32 $0xFFFFC180  }
0x955: {  	[tilespmem:s10], [sflag:$0x1] =	stream.indirect.gather [hbm4b:s4+s8], $0x80, s26, s8, $0xb8;
	[tilespmem:$0x1E000] =	vst v63  }
0x956: {  	s3 =	simm.s32 $0x1A80  }
0x957: {  	[spmem:s2] =	stream.indirect.scatter.add.f32 [tilespmem:s12], [sflag:$0x3], $0x80, s3, s8, $0xb8;
	[tilespmem:$0x1E000] =	vst v63  }
0x958: {  	_ =	swait.ge [sflag:s11], $0x3E80  }
0x959: {  	[sflag:s11] =	ssyncset.done $0x0  }
0x95a: {  	[sflag:s11] =	ssyncadd.s32 $0xFFFFC180  }
0x95b: {  	_ =	swait.ge [sflag:s9], $0x3E80  }
0x95c: {  	[sflag:s9] =	ssyncset.done $0x0  }
0x95d: {  	s19 =	simm.s32 $0xB80;
	[sflag:s9] =	ssyncadd.s32 $0xFFFFC180  }
0x95e: {  	[tilespmem:s12], [sflag:$0x1] =	stream.indirect.gather [hbm4b:s4+s8], $0x80, s19, s8, $0xb8;
	[tilespmem:$0x1E000] =	vst v63  }
0x95f: {  	s23 =	simm.s32 $0x1B00  }
0x960: {  	[spmem:s2] =	stream.indirect.scatter.add.f32 [tilespmem:s10], [sflag:$0x2], $0x80, s23, s8, $0xb8;
	[tilespmem:$0x1E000] =	vst v63  }
0x961: {  	_ =	swait.ge [sflag:s11], $0x3E80  }
0x962: {  	[sflag:s11] =	ssyncset.done $0x0  }
0x963: {  	[sflag:s11] =	ssyncadd.s32 $0xFFFFC180  }
0x964: {  	_ =	swait.ge [sflag:s7], $0x3E80  }
0x965: {  	[sflag:s7] =	ssyncset.done $0x0  }
0x966: {  	[sflag:s7] =	ssyncadd.s32 $0xFFFFC180  }
0x967: {  	[tilespmem:s10], [sflag:$0x1] =	stream.indirect.gather [hbm4b:s4+s8], $0x80, s1, s8, $0xb8;
	[tilespmem:$0x1E000] =	vst v63  }
0x968: {  	s31 =	simm.s32 $0x1B80  }
0x969: {  	[spmem:s2] =	stream.indirect.scatter.add.f32 [tilespmem:s12], [sflag:$0x3], $0x80, s31, s8, $0xb8;
	[tilespmem:$0x1E000] =	vst v63  }
0x96a: {  	_ =	swait.ge [sflag:s11], $0x3E80  }
0x96b: {  	[sflag:s11] =	ssyncset.done $0x0  }
0x96c: {  	[sflag:s11] =	ssyncadd.s32 $0xFFFFC180  }
0x96d: {  	_ =	swait.ge [sflag:s9], $0x3E80  }
0x96e: {  	[sflag:s9] =	ssyncset.done $0x0  }
0x96f: {  	s18 =	simm.s32 $0xC80;
	[sflag:s9] =	ssyncadd.s32 $0xFFFFC180  }
0x970: {  	[tilespmem:s12], [sflag:$0x1] =	stream.indirect.gather [hbm4b:s4+s8], $0x80, s18, s8, $0xb8;
	[tilespmem:$0x1E000] =	vst v63  }
0x971: {  	s21 =	simm.s32 $0x1C00  }
0x972: {  	[spmem:s2] =	stream.indirect.scatter.add.f32 [tilespmem:s10], [sflag:$0x2], $0x80, s21, s8, $0xb8;
	[tilespmem:$0x1E000] =	vst v63  }
0x973: {  	_ =	swait.ge [sflag:s11], $0x3E80  }
0x974: {  	[sflag:s11] =	ssyncset.done $0x0  }
0x975: {  	[sflag:s11] =	ssyncadd.s32 $0xFFFFC180  }
0x976: {  	[spmem:s2] =	stream.indirect.scatter.add.f32 [tilespmem:s12], [sflag:$0x3], $0x80, s29, s8, $0xb8;
	[tilespmem:$0x1E000] =	vst v63  }
0x977: {  	_ =	swait.ge [sflag:s7], $0x3E80  }
0x978: {  	[sflag:s7] =	ssyncset.done $0x0  }
0x979: {  	[sflag:s7] =	ssyncadd.s32 $0xFFFFC180  }
0x97a: {  	_ =	swait.ge [sflag:s9], $0x3E80  }
0x97b: {  	[sflag:s9] =	ssyncset.done $0x0  }
0x97c: {  	[sflag:s9] =	ssyncadd.s32 $0xFFFFC180  }
0x97d: {  	[bflag:$0x0] =	sbarrier.arrive $0xFFFF  }
0x97e: {  	s28 =	rddreg [dreg:$0x17]  }
0x97f: {  	s29 =	rddreg [dreg:$0x1a]  }
0x980: {  	s30 =	rddreg [dreg:$0x18];
	s1 =	sor.u32 $0x1C05, s29  }
0x981: {  	[hbm:s28], [sflag:s1] =	dma.local [spmem:s30], $0x2800  }
0x982: {  	_ =	swait.ge [sflag:s5], $0x2800  }
0x983: {  	[sflag:s5] =	ssyncset.done $0x0  }
0x984: {  	[sflag:s5] =	ssyncadd.s32 $0xFFFFD800  }
0x985: {  	_ =	sfence.sel $0x180000  }
0x986: {  	[bflag:$0x0] =	sbarrier.arrive $0xFFFF  }
0x987: {  	_ =	strace $0x90000047  }
0x988: {  	s31 =	stileid.u32;
	[bflag:$0x2] =	sbarrier.arrive $0xFFFF  }
0x989: {  	p0 =	sne.s32 s31, $0x0;
	s0 =	rddreg [dreg:$0x4]  }
0x98a: {  	s0 =	sadd.s32 @!p0 $0x100000, s0  }
0x98b: {  	[sflag:s0] =	ssyncadd.tile.s32 @!p0 $0x1;
	_ =	shalt  }
.LBB2_1:
.Ltmp3:
0x98c: {  	(pc) =	sbr.rel .LBB2_6-.Ltmp3, $2  }
0x98d: {  	_ =	sdelay $0x2  }
0x98e: {  	s1 =	rddreg [dreg:$0x18]  }
.LBB2_3:
.Ltmp4:
0x98f: {  	(pc) =	sbr.rel .LBB2_6-.Ltmp4, $2  }
0x990: {  	_ =	sdelay $0x2  }
0x991: {  	s1 =	rddreg [dreg:$0x18]  }
.Lfunc_end2:
_tile_overlayer_lowered:
.L_overlay_start_2:
0x992: {  	(tag) =	ssettag $0x2  }
0x993: {  	s0 =	rddreg [dreg:$0x0];
	s2 =	stileid.u32  }
0x994: {  	s1 =	rddreg [dreg:$0x1];
	p0 =	sne.s32 s2, $0x0  }
0x995: {  	s3 =	rddreg [dreg:$0x2];
	[bflag:$0x3] =	sbarrier.arrive $0xFFFF;
	s2 =	simm.s32 @!p0 $0x1C05  }
0x996: {  	[timem:s3], [sflag:s2] =	dma.local @!p0 [hbm:s0], s1  }
0x997: {  	s0 =	simm.s32 @!p0 $0x5  }
0x998: {  	_ =	swait.ge @!p0 [sflag:s0], s1  }
0x999: {  	s1 =	ssub.s32 @!p0 $0x0, s1;
	[sflag:s0] =	ssyncset.done @!p0 $0x0  }
0x99a: {  	[sflag:s0] =	ssyncadd.s32 @!p0 s1  }
0x99b: {  	[bflag:$0x3] =	sbarrier.arrive $0xFFFF  }
0x99c: {  	_ =	shalt  }

</sc_bundles>
